<compile_context>
chip_gen: v7x
topology: tpu7x:2x2x1
jax: 0.10.2.dev20260603
libtpu: 0.0.44.dev20260713+nightly
codegen_flags: <defaults>
</compile_context>

<pallas_src>
import numpy as np

import jax
import jax.numpy as jnp
from jax import lax
from jax.experimental import pallas as pl
from jax.experimental.pallas import tpu as pltpu
from jax.experimental.pallas import tpu_sc as plsc

E = 320000
N = 10000
D = 128

NC = 2
NS = 16
NW = NC * NS
LANES = 16
CHUNK = E // NW
NPAD = 10240
NSL = NPAD // NS
NROW = N // NS
W = 64
NFULL = CHUNK // W
TAIL = CHUNK - NFULL * W
NB = 3
NEG = -3.0e38
EPS = 1e-13

def _lane():
  return lax.iota(jnp.int32, LANES)

_mesh = plsc.VectorSubcoreMesh(
    core_axis_name="c", subcore_axis_name="s", num_cores=NC, num_subcores=NS)


def _take(v, idx):
  return v.at[idx].get(mode="promise_in_bounds")


def _seg_scan(vals, ix, op):
  lane = _lane()
  for sh in (1, 2, 4, 8):
    src = jnp.maximum(lane - sh, 0)
    sv = _take(vals, src)
    si = _take(ix, src)
    same = (lane >= sh) & (si == ix)
    vals = jnp.where(same, op(vals, sv), vals)
  return vals


def _last_of_run(ix):
  lane = _lane()
  nxt = _take(ix, jnp.minimum(lane + 1, LANES - 1))
  return (lane == LANES - 1) | (ix != nxt)


_BK = 4000
_GRID1 = E // _BK


def _k1_body(x_ref, wg_ref, bg_ref, wm_ref, bm_ref, gate_ref, msg_ref):
  x = x_ref[...]
  gate_ref[0] = (
      lax.dot_general(wg_ref[...], x, (((1,), (1,)), ((), ())),
                      preferred_element_type=jnp.float32)
      + bg_ref[0, 0])
  msg_ref[...] = (
      jnp.dot(x, wm_ref[...], preferred_element_type=jnp.float32)
      + bm_ref[...])


def _k1(x, WgT, bg2, Wm, bm2):
  return pl.pallas_call(
      _k1_body,
      grid=(_GRID1,),
      in_specs=[
          pl.BlockSpec((_BK, D), lambda i: (i, 0)),
          pl.BlockSpec((1, D), lambda i: (0, 0)),
          pl.BlockSpec((1, 1), lambda i: (0, 0)),
          pl.BlockSpec((D, D), lambda i: (0, 0)),
          pl.BlockSpec((1, D), lambda i: (0, 0)),
      ],
      out_specs=[
          pl.BlockSpec((1, 1, _BK), lambda i: (i, 0, 0)),
          pl.BlockSpec((_BK, D), lambda i: (i, 0)),
      ],
      out_shape=[
          jax.ShapeDtypeStruct((_GRID1, 1, _BK), jnp.float32),
          jax.ShapeDtypeStruct((E, D), jnp.float32),
      ],
  )(x, WgT, bg2, Wm, bm2)


def _k2a_body(gate_hbm, idx_hbm, mpart_hbm, g_buf, i_buf, m_tab, red, out_sl,
              shared_m):
  c = lax.axis_index("c")
  s = lax.axis_index("s")
  wid = c * NS + s
  base = wid * CHUNK
  pltpu.sync_copy(gate_hbm.at[pl.ds(base, CHUNK)], g_buf)
  pltpu.sync_copy(idx_hbm.at[pl.ds(base, CHUNK)], i_buf)

  def init(i, _):
    m_tab[pl.ds(i * LANES, LANES)] = jnp.full((LANES,), NEG, jnp.float32)
    return 0
  lax.fori_loop(0, NPAD // LANES, init, 0)

  def step(i, _):
    g = g_buf[pl.ds(i * LANES, LANES)]
    ix = i_buf[pl.ds(i * LANES, LANES)]
    g = _seg_scan(g, ix, jnp.maximum)
    last = _last_of_run(ix)
    cur = plsc.load_gather(m_tab, [ix], mask=last)
    plsc.store_scatter(m_tab, [ix], jnp.maximum(cur, g), mask=last)
    return 0
  lax.fori_loop(0, CHUNK // LANES, step, 0)

  pltpu.sync_copy(m_tab, shared_m.at[s])
  plsc.subcore_barrier()
  pltpu.sync_copy(shared_m.at[:, pl.ds(s * NSL, NSL)], red)

  def red_step(j, _):
    acc = red[0, pl.ds(j * LANES, LANES)]
    for k in range(1, NS):
      acc = jnp.maximum(acc, red[k, pl.ds(j * LANES, LANES)])
    out_sl[pl.ds(j * LANES, LANES)] = acc
    return 0
  lax.fori_loop(0, NSL // LANES, red_step, 0)
  pltpu.sync_copy(out_sl, mpart_hbm.at[pl.ds(c * NPAD + s * NSL, NSL)])


def _k2a(gate, index):
  return pl.kernel(
      _k2a_body,
      out_type=jax.ShapeDtypeStruct((NC * NPAD,), jnp.float32),
      mesh=_mesh,
      compiler_params=pltpu.CompilerParams(needs_layout_passes=False),
      scratch_types=[
          pltpu.VMEM((CHUNK,), jnp.float32),
          pltpu.VMEM((CHUNK,), jnp.int32),
          pltpu.VMEM((NPAD,), jnp.float32),
          pltpu.VMEM((NS, NSL), jnp.float32),
          pltpu.VMEM((NSL,), jnp.float32),
          pltpu.VMEM_SHARED((NS, NPAD), jnp.float32),
      ],
  )(gate, index)


def _k2c_body(gate_hbm, idx_hbm, w_hbm, mpart_hbm, t_hbm, spart_hbm,
              g_buf, i_buf, w_buf, t_buf, m_tab, s_tab, red, out_sl, shared_s):
  c = lax.axis_index("c")
  s = lax.axis_index("s")
  wid = c * NS + s
  base = wid * CHUNK
  pltpu.sync_copy(gate_hbm.at[pl.ds(base, CHUNK)], g_buf)
  pltpu.sync_copy(idx_hbm.at[pl.ds(base, CHUNK)], i_buf)
  pltpu.sync_copy(w_hbm.at[pl.ds(base, CHUNK)], w_buf)
  pltpu.sync_copy(mpart_hbm.at[pl.ds(0, NPAD)], m_tab)
  pltpu.sync_copy(mpart_hbm.at[pl.ds(NPAD, NPAD)], s_tab)

  def minit(i, _):
    sl = pl.ds(i * LANES, LANES)
    m_tab[sl] = jnp.maximum(m_tab[sl], s_tab[sl])
    s_tab[sl] = jnp.zeros((LANES,), jnp.float32)
    return 0
  lax.fori_loop(0, NPAD // LANES, minit, 0)

  def step(i, _):
    sl = pl.ds(i * LANES, LANES)
    g = g_buf[sl]
    ix = i_buf[sl]
    w = w_buf[sl]
    mx = plsc.load_gather(m_tab, [ix])
    t = w * jnp.exp(g - mx)
    t_buf[sl] = t
    t = _seg_scan(t, ix, lambda a, b: a + b)
    last = _last_of_run(ix)
    cur = plsc.load_gather(s_tab, [ix], mask=last)
    plsc.store_scatter(s_tab, [ix], cur + t, mask=last)
    return 0
  lax.fori_loop(0, CHUNK // LANES, step, 0)

  pltpu.sync_copy(t_buf, t_hbm.at[pl.ds(base, CHUNK)])

  pltpu.sync_copy(s_tab, shared_s.at[s])
  plsc.subcore_barrier()
  pltpu.sync_copy(shared_s.at[:, pl.ds(s * NSL, NSL)], red)

  def red_step(j, _):
    acc = red[0, pl.ds(j * LANES, LANES)]
    for k in range(1, NS):
      acc = acc + red[k, pl.ds(j * LANES, LANES)]
    out_sl[pl.ds(j * LANES, LANES)] = acc
    return 0
  lax.fori_loop(0, NSL // LANES, red_step, 0)
  pltpu.sync_copy(out_sl, spart_hbm.at[pl.ds(c * NPAD + s * NSL, NSL)])


def _k2c(gate, index, w_flat, m_part):
  return pl.kernel(
      _k2c_body,
      out_type=(
          jax.ShapeDtypeStruct((E,), jnp.float32),
          jax.ShapeDtypeStruct((NC * NPAD,), jnp.float32),
      ),
      mesh=_mesh,
      compiler_params=pltpu.CompilerParams(needs_layout_passes=False),
      scratch_types=[
          pltpu.VMEM((CHUNK,), jnp.float32),
          pltpu.VMEM((CHUNK,), jnp.int32),
          pltpu.VMEM((CHUNK,), jnp.float32),
          pltpu.VMEM((CHUNK,), jnp.float32),
          pltpu.VMEM((NPAD,), jnp.float32),
          pltpu.VMEM((NPAD,), jnp.float32),
          pltpu.VMEM((NS, NSL), jnp.float32),
          pltpu.VMEM((NSL,), jnp.float32),
          pltpu.VMEM_SHARED((NS, NPAD), jnp.float32),
      ],
  )(gate, index, w_flat, m_part)


def _k3_body(msg_hbm, t_hbm, idx_hbm, spart_hbm, opart_hbm,
             cf_all, ix_all, ix_w2, ix_t, rows2, out_tab, sem_in, sem_sc):
  c = lax.axis_index("c")
  s = lax.axis_index("s")
  wid = c * NS + s
  base = wid * CHUNK

  pltpu.sync_copy(t_hbm.at[pl.ds(base, CHUNK)], cf_all)
  pltpu.sync_copy(idx_hbm.at[pl.ds(base, CHUNK)], ix_all)
  pltpu.sync_copy(spart_hbm.at[pl.ds(0, W), :], rows2.at[0])
  pltpu.sync_copy(spart_hbm.at[pl.ds(W, NPAD // D - W), :],
                  rows2.at[2, pl.ds(0, NPAD // D - W), :])
  pltpu.sync_copy(spart_hbm.at[pl.ds(NPAD // D, W), :], rows2.at[1])
  pltpu.sync_copy(spart_hbm.at[pl.ds(NPAD // D + W, NPAD // D - W), :],
                  rows2.at[2, pl.ds(NPAD // D - W, NPAD // D - W), :])

  def coef_step(j, _):
    sl = pl.ds(j * LANES, LANES)
    ix = ix_all[sl]
    r, q = ix >> 7, ix & (D - 1)
    lo = r < W
    s0 = plsc.load_gather(
        rows2, [jnp.where(lo, 0, 2), jnp.where(lo, r, r - W), q])
    s1 = plsc.load_gather(
        rows2, [jnp.where(lo, 1, 2), jnp.where(lo, r, r - W + (NPAD // D - W)),
                q])
    cf_all[sl] = cf_all[sl] / (s0 + s1 + EPS)
    return 0
  lax.fori_loop(0, CHUNK // LANES, coef_step, 0)

  def zrow(i, _):
    def zcol(j, _):
      rows2[0, i, pl.ds(j * LANES, LANES)] = jnp.zeros((LANES,), jnp.float32)
      return 0
    lax.fori_loop(0, D // LANES, zcol, 0)
    return 0
  lax.fori_loop(0, W, zrow, 0)
  r0 = s * 640

  def zero_rows(start, n):
    full, rem = n // W, n % W
    for z in range(full):
      pltpu.sync_copy(rows2.at[0], out_tab.at[pl.ds(start + z * W, W), :])
    if rem:
      pltpu.sync_copy(rows2.at[0, pl.ds(0, rem), :],
                      out_tab.at[pl.ds(start + full * W, rem), :])

  zero_rows(r0, 400)

  @pl.when(s < NS - 1)
  def _():
    zero_rows(r0 + 400, 240)
  plsc.subcore_barrier()

  def issue_in(wi, b):
    e0 = base + wi * W
    pltpu.async_copy(msg_hbm.at[pl.ds(e0, W), :], rows2.at[b], sem_in.at[b])

  def wait_in(wi, b):
    e0 = base + wi * W
    pltpu.make_async_copy(msg_hbm.at[pl.ds(e0, W), :], rows2.at[b],
                          sem_in.at[b]).wait()

  def issue_sc(b):
    pltpu.async_copy(rows2.at[b], out_tab.at[ix_w2.at[b]], sem_sc.at[b],
                     add=True)

  def wait_sc(b):
    pltpu.make_async_copy(rows2.at[b], out_tab.at[ix_w2.at[b]],
                          sem_sc.at[b]).wait()

  def compute(wi, b, nw):
    def ixcp(j, _):
      ix_w2[b, pl.ds(j * LANES, LANES)] = (
          ix_all[pl.ds(wi * W + j * LANES, LANES)])
      return 0
    lax.fori_loop(0, nw // LANES, ixcp, 0)

    def scale(e4, _):
      for u in range(4):
        e = e4 * 4 + u
        cf = plsc.load_gather(
            cf_all, [jnp.broadcast_to(wi * W + e, (LANES,))])
        for k in range(D // LANES):
          sl = pl.ds(k * LANES, LANES)
          rows2[b, e, sl] = rows2[b, e, sl] * cf
      return 0
    lax.fori_loop(0, nw // 4, scale, 0)

  for b0 in range(NB):
    issue_in(b0, b0)

  def step(wi, b):
    wait_in(wi, b)
    compute(wi, b, W)
    issue_sc(b)

    @pl.when(wi >= 1)
    def _():
      wait_sc((b - 1) % NB)

      @pl.when(wi + 2 < NFULL)
      def _():
        issue_in(wi + 2, (b + 2) % NB)

  def outer(j, _):
    for b in range(NB):
      step(j * NB + b, b)
    return 0
  lax.fori_loop(0, NFULL // NB, outer, 0)

  e0 = base + NFULL * W
  pltpu.sync_copy(msg_hbm.at[pl.ds(e0, TAIL), :],
                  rows2.at[0, pl.ds(0, TAIL), :])

  def tscale(e, _):
    cf = plsc.load_gather(
        cf_all, [jnp.broadcast_to(NFULL * W + e, (LANES,))])
    for k in range(D // LANES):
      sl = pl.ds(k * LANES, LANES)
      rows2[0, e, sl] = rows2[0, e, sl] * cf
    return 0
  lax.fori_loop(0, TAIL, tscale, 0)
  for j in range(TAIL // LANES):
    ix_t[pl.ds(j * LANES, LANES)] = ix_all[pl.ds(NFULL * W + j * LANES,
                                                 LANES)]
  pltpu.sync_copy(rows2.at[0, pl.ds(0, TAIL), :], out_tab.at[ix_t], add=True)
  wait_sc((NFULL - 1) % NB)

  plsc.subcore_barrier()
  pltpu.sync_copy(out_tab.at[pl.ds(r0, 400), :],
                  opart_hbm.at[pl.ds(c * N + r0, 400), :])

  @pl.when(s < NS - 1)
  def _():
    pltpu.sync_copy(out_tab.at[pl.ds(r0 + 400, 240), :],
                    opart_hbm.at[pl.ds(c * N + r0 + 400, 240), :])


def _k3(msg, t, index, s_part2d):
  return pl.kernel(
      _k3_body,
      out_type=jax.ShapeDtypeStruct((NC * N, D), jnp.float32),
      mesh=_mesh,
      compiler_params=pltpu.CompilerParams(needs_layout_passes=False),
      scratch_types=[
          pltpu.VMEM((CHUNK,), jnp.float32),
          pltpu.VMEM((CHUNK,), jnp.int32),
          pltpu.VMEM((NB, W), jnp.int32),
          pltpu.VMEM((TAIL,), jnp.int32),
          pltpu.VMEM((NB, W, D), jnp.float32),
          pltpu.VMEM_SHARED((N, D), jnp.float32),
          pltpu.SemaphoreType.DMA((NB,)),
          pltpu.SemaphoreType.DMA((NB,)),
      ],
  )(msg, t, index, s_part2d)


_BN = 2000


def _k4_body(a_ref, b_ref, o_ref):
  o_ref[...] = a_ref[...] + b_ref[...]


def _k4(opart):
  nb = N // _BN
  return pl.pallas_call(
      _k4_body,
      grid=(nb,),
      in_specs=[
          pl.BlockSpec((_BN, D), lambda i: (i, 0)),
          pl.BlockSpec((_BN, D), lambda i: (i + nb, 0)),
      ],
      out_specs=pl.BlockSpec((_BN, D), lambda i: (i, 0)),
      out_shape=jax.ShapeDtypeStruct((N, D), jnp.float32),
  )(opart, opart)


def kernel(x, index, weights, Wg, bg, Wm, bm):
  gate2, msg = _k1(x, Wg.reshape(1, D), bg.reshape(1, 1), Wm,
                   bm.reshape(1, D))
  gate = gate2.reshape(E)
  w_flat = weights.reshape(E)
  m_part = _k2a(gate, index)
  t, s_part = _k2c(gate, index, w_flat, m_part)
  opart = _k3(msg, t, index, s_part.reshape(NC * NPAD // D, D))
  return _k4(opart)

# --- scband reference (transcript-rebuilt; emitter-appended) ---
"""Pipeline reference for scband-weighted-attention-35948876267550 (READ-ONLY COPY).

The authoritative reference and input builder live on the scoring server;
editing this copy changes nothing except your own understanding.
"""

import jax, jax.numpy as jnp
import numpy as np

N_NODES = 10000
N_EDGES = 320000
D = 128


def setup_inputs(seed: int = 0) -> dict:
    key = jax.random.key(seed)
    k1, k2, k3, k4, k5 = jax.random.split(key, 5)
    x = jax.random.normal(k1, (N_EDGES, D), dtype=jnp.float32)
    index = jnp.sort(jax.random.randint(k2, (N_EDGES,), 0, N_NODES, dtype=jnp.int32))
    weights = jax.random.uniform(k3, (N_EDGES, 1), dtype=jnp.float32)
    # gate_nn = nn.Linear(128, 1)
    Wg = jax.random.normal(k4, (D, 1), dtype=jnp.float32) * (1.0 / np.sqrt(D))
    bg = jnp.zeros((1,), dtype=jnp.float32)
    # message_nn = nn.Linear(128, 128)
    Wm = jax.random.normal(k5, (D, D), dtype=jnp.float32) * (1.0 / np.sqrt(D))
    bm = jnp.zeros((D,), dtype=jnp.float32)
    return {"x": x, "index": index, "weights": weights, "Wg": Wg, "bg": bg, "Wm": Wm, "bm": bm}


def reference(x, index, weights, Wg, bg, Wm, bm):
    # gate = self.gate_nn(x)
    gate = x @ Wg + bg  # [N_EDGES, 1]
    # gate = gate - scatter_max(gate, index, dim=0)[0][index]
    seg_max = jax.ops.segment_max(gate, index, num_segments=N_NODES)
    gate = gate - seg_max[index]
    # gate = weights * gate.exp()
    gate = weights * jnp.exp(gate)
    # gate = gate / (scatter_add(gate, index, dim=0)[index] + 1e-13)
    denom = jax.ops.segment_sum(gate, index, num_segments=N_NODES)
    gate = gate / (denom[index] + 1e-13)
    # x = self.message_nn(x)
    msg = x @ Wm + bm  # [N_EDGES, D]
    # out = scatter_add(gate * x, index, dim=0)
    out = jax.ops.segment_sum(gate * msg, index, num_segments=N_NODES)
    return out

if __name__ == "__main__":
    import jax
    _d = setup_inputs()
    print(jax.jit(kernel)(*tuple(_d.values())))

</pallas_src>

<mosaic_0001>
#map = affine_map<(d0, d1) -> (0, 0)>
#map1 = affine_map<(d0, d1) -> (0)>
module attributes {stable_mosaic.version = 14 : i64} {
  func.func @_k3_body(%arg0: i32, %arg1: i32, %arg2: memref<320000x128xf32, #tpu.memory_space<hbm>>, %arg3: memref<320000xf32, #tpu.memory_space<hbm>>, %arg4: memref<320000xi32, #tpu.memory_space<hbm>>, %arg5: memref<160x128xf32, #tpu.memory_space<hbm>>, %arg6: memref<20000x128xf32, #tpu.memory_space<hbm>>, %arg7: memref<10000xf32, #tpu.memory_space<vmem>>, %arg8: memref<10000xi32, #tpu.memory_space<vmem>>, %arg9: memref<3x64xi32, #tpu.memory_space<vmem>>, %arg10: memref<16xi32, #tpu.memory_space<vmem>>, %arg11: memref<3x64x128xf32, #tpu.memory_space<vmem>>, %arg12: memref<10000x128xf32, #tpu.memory_space<vmem_shared>>, %arg13: memref<3x!tpu.dma_semaphore, #tpu.memory_space<semaphore_mem>>, %arg14: memref<3x!tpu.dma_semaphore, #tpu.memory_space<semaphore_mem>>) attributes {dimension_semantics = [#tpu.dimension_semantics<core_parallel>, #tpu.dimension_semantics<subcore_parallel>], iteration_bounds = array<i64: 2, 16>, scalar_prefetch = 0 : i64, scratch_operands = 8 : i64, tpu.core_type = #tpu.core_type<sc_vector_subcore>, window_params = [{transform_indices = #map}, {transform_indices = #map1}, {transform_indices = #map1}, {transform_indices = #map}, {transform_indices = #map}]} {
    %mul3A = arith.constant 16 : i32
    %mul3A_0 = arith.muli %arg0, %mul3A : i32
    %add3A = arith.addi %mul3A_0, %arg1 : i32
    %mul3A_1 = arith.constant 10000 : i32
    %mul3A_2 = arith.muli %add3A, %mul3A_1 : i32
    "tpu.region"() ({
      %run_scoped3A_140 = tpu.sem_alloc : memref<!tpu.dma_semaphore, #tpu.memory_space<semaphore_mem>>
      %dma_start3A_141 = tpu.memref_slice %arg3[%mul3A_2] : memref<320000xf32, #tpu.memory_space<hbm>> -> memref<10000xf32, #tpu.memory_space<hbm>>
      %dma_start3A_142 = tpu.memref_slice %arg3[%mul3A_2] : memref<320000xf32, #tpu.memory_space<hbm>> -> memref<10000xf32, #tpu.memory_space<hbm>>
      tpu.enqueue_dma source(%dma_start3A_142 : memref<10000xf32, #tpu.memory_space<hbm>>) target(%arg7 : memref<10000xf32, #tpu.memory_space<vmem>>) target_semaphore(%run_scoped3A_140 : memref<!tpu.dma_semaphore, #tpu.memory_space<semaphore_mem>>)
      %dma_wait3A_143 = tpu.memref_slice %arg3[%mul3A_2] : memref<320000xf32, #tpu.memory_space<hbm>> -> memref<10000xf32, #tpu.memory_space<hbm>>
      %dma_wait3A_144 = tpu.memref_slice %arg3[%mul3A_2] : memref<320000xf32, #tpu.memory_space<hbm>> -> memref<10000xf32, #tpu.memory_space<hbm>>
      tpu.wait_dma2 semaphore(%run_scoped3A_140 : memref<!tpu.dma_semaphore, #tpu.memory_space<semaphore_mem>>) src(%dma_wait3A_144 : memref<10000xf32, #tpu.memory_space<hbm>>) dst(%arg7 : memref<10000xf32, #tpu.memory_space<vmem>>)
      tpu.yield
    }) : () -> ()
    "tpu.region"() ({
      %run_scoped3A_140 = tpu.sem_alloc : memref<!tpu.dma_semaphore, #tpu.memory_space<semaphore_mem>>
      %dma_start3A_141 = tpu.memref_slice %arg4[%mul3A_2] : memref<320000xi32, #tpu.memory_space<hbm>> -> memref<10000xi32, #tpu.memory_space<hbm>>
      %dma_start3A_142 = tpu.memref_slice %arg4[%mul3A_2] : memref<320000xi32, #tpu.memory_space<hbm>> -> memref<10000xi32, #tpu.memory_space<hbm>>
      tpu.enqueue_dma source(%dma_start3A_142 : memref<10000xi32, #tpu.memory_space<hbm>>) target(%arg8 : memref<10000xi32, #tpu.memory_space<vmem>>) target_semaphore(%run_scoped3A_140 : memref<!tpu.dma_semaphore, #tpu.memory_space<semaphore_mem>>)
      %dma_wait3A_143 = tpu.memref_slice %arg4[%mul3A_2] : memref<320000xi32, #tpu.memory_space<hbm>> -> memref<10000xi32, #tpu.memory_space<hbm>>
      %dma_wait3A_144 = tpu.memref_slice %arg4[%mul3A_2] : memref<320000xi32, #tpu.memory_space<hbm>> -> memref<10000xi32, #tpu.memory_space<hbm>>
      tpu.wait_dma2 semaphore(%run_scoped3A_140 : memref<!tpu.dma_semaphore, #tpu.memory_space<semaphore_mem>>) src(%dma_wait3A_144 : memref<10000xi32, #tpu.memory_space<hbm>>) dst(%arg8 : memref<10000xi32, #tpu.memory_space<vmem>>)
      tpu.yield
    }) : () -> ()
    %run_scoped3A = arith.constant 0 : i32
    "tpu.region"() ({
      %run_scoped3A_140 = tpu.sem_alloc : memref<!tpu.dma_semaphore, #tpu.memory_space<semaphore_mem>>
      %dma_start3A_141 = arith.constant 0 : i32
      %dma_start3A_142 = arith.constant 0 : i32
      %dma_start3A_143 = tpu.memref_slice %arg11[%run_scoped3A, %dma_start3A_141, %dma_start3A_142] : memref<3x64x128xf32, #tpu.memory_space<vmem>> -> memref<1x64x128xf32, #tpu.memory_space<vmem>>
      %dma_start3A_144 = tpu.memref_squeeze %dma_start3A_143 : memref<1x64x128xf32, #tpu.memory_space<vmem>> -> memref<64x128xf32, #tpu.memory_space<vmem>>
      %dma_start3A_145 = arith.constant 0 : i32
      %dma_start3A_146 = arith.constant 0 : i32
      %dma_start3A_147 = tpu.memref_slice %arg5[%dma_start3A_145, %dma_start3A_146] : memref<160x128xf32, #tpu.memory_space<hbm>> -> memref<64x128xf32, #tpu.memory_space<hbm>>
      %dma_start3A_148 = arith.constant 0 : i32
      %dma_start3A_149 = arith.constant 0 : i32
      %dma_start3A_150 = tpu.memref_slice %arg11[%run_scoped3A, %dma_start3A_148, %dma_start3A_149] : memref<3x64x128xf32, #tpu.memory_space<vmem>> -> memref<1x64x128xf32, #tpu.memory_space<vmem>>
      %dma_start3A_151 = tpu.memref_squeeze %dma_start3A_150 : memref<1x64x128xf32, #tpu.memory_space<vmem>> -> memref<64x128xf32, #tpu.memory_space<vmem>>
      %dma_start3A_152 = arith.constant 0 : i32
      %dma_start3A_153 = arith.constant 0 : i32
      %dma_start3A_154 = tpu.memref_slice %arg5[%dma_start3A_152, %dma_start3A_153] : memref<160x128xf32, #tpu.memory_space<hbm>> -> memref<64x128xf32, #tpu.memory_space<hbm>>
      tpu.enqueue_dma source(%dma_start3A_154 : memref<64x128xf32, #tpu.memory_space<hbm>>) target(%dma_start3A_151 : memref<64x128xf32, #tpu.memory_space<vmem>>) target_semaphore(%run_scoped3A_140 : memref<!tpu.dma_semaphore, #tpu.memory_space<semaphore_mem>>)
      %dma_wait3A_155 = arith.constant 0 : i32
      %dma_wait3A_156 = arith.constant 0 : i32
      %dma_wait3A_157 = tpu.memref_slice %arg11[%run_scoped3A, %dma_wait3A_155, %dma_wait3A_156] : memref<3x64x128xf32, #tpu.memory_space<vmem>> -> memref<1x64x128xf32, #tpu.memory_space<vmem>>
      %dma_wait3A_158 = tpu.memref_squeeze %dma_wait3A_157 : memref<1x64x128xf32, #tpu.memory_space<vmem>> -> memref<64x128xf32, #tpu.memory_space<vmem>>
      %dma_wait3A_159 = arith.constant 0 : i32
      %dma_wait3A_160 = arith.constant 0 : i32
      %dma_wait3A_161 = tpu.memref_slice %arg5[%dma_wait3A_159, %dma_wait3A_160] : memref<160x128xf32, #tpu.memory_space<hbm>> -> memref<64x128xf32, #tpu.memory_space<hbm>>
      %dma_wait3A_162 = arith.constant 0 : i32
      %dma_wait3A_163 = arith.constant 0 : i32
      %dma_wait3A_164 = tpu.memref_slice %arg11[%run_scoped3A, %dma_wait3A_162, %dma_wait3A_163] : memref<3x64x128xf32, #tpu.memory_space<vmem>> -> memref<1x64x128xf32, #tpu.memory_space<vmem>>
      %dma_wait3A_165 = tpu.memref_squeeze %dma_wait3A_164 : memref<1x64x128xf32, #tpu.memory_space<vmem>> -> memref<64x128xf32, #tpu.memory_space<vmem>>
      %dma_wait3A_166 = arith.constant 0 : i32
      %dma_wait3A_167 = arith.constant 0 : i32
      %dma_wait3A_168 = tpu.memref_slice %arg5[%dma_wait3A_166, %dma_wait3A_167] : memref<160x128xf32, #tpu.memory_space<hbm>> -> memref<64x128xf32, #tpu.memory_space<hbm>>
      tpu.wait_dma2 semaphore(%run_scoped3A_140 : memref<!tpu.dma_semaphore, #tpu.memory_space<semaphore_mem>>) src(%dma_wait3A_168 : memref<64x128xf32, #tpu.memory_space<hbm>>) dst(%dma_wait3A_165 : memref<64x128xf32, #tpu.memory_space<vmem>>)
      tpu.yield
    }) : () -> ()
    %run_scoped3A_3 = arith.constant 2 : i32
    "tpu.region"() ({
      %run_scoped3A_140 = tpu.sem_alloc : memref<!tpu.dma_semaphore, #tpu.memory_space<semaphore_mem>>
      %dma_start3A_141 = arith.constant 0 : i32
      %dma_start3A_142 = arith.constant 0 : i32
      %dma_start3A_143 = tpu.memref_slice %arg11[%run_scoped3A_3, %dma_start3A_141, %dma_start3A_142] : memref<3x64x128xf32, #tpu.memory_space<vmem>> -> memref<1x16x128xf32, #tpu.memory_space<vmem>>
      %dma_start3A_144 = tpu.memref_squeeze %dma_start3A_143 : memref<1x16x128xf32, #tpu.memory_space<vmem>> -> memref<16x128xf32, #tpu.memory_space<vmem>>
      %dma_start3A_145 = arith.constant 64 : i32
      %dma_start3A_146 = arith.constant 0 : i32
      %dma_start3A_147 = tpu.memref_slice %arg5[%dma_start3A_145, %dma_start3A_146] : memref<160x128xf32, #tpu.memory_space<hbm>> -> memref<16x128xf32, #tpu.memory_space<hbm>>
      %dma_start3A_148 = arith.constant 0 : i32
      %dma_start3A_149 = arith.constant 0 : i32
      %dma_start3A_150 = tpu.memref_slice %arg11[%run_scoped3A_3, %dma_start3A_148, %dma_start3A_149] : memref<3x64x128xf32, #tpu.memory_space<vmem>> -> memref<1x16x128xf32, #tpu.memory_space<vmem>>
      %dma_start3A_151 = tpu.memref_squeeze %dma_start3A_150 : memref<1x16x128xf32, #tpu.memory_space<vmem>> -> memref<16x128xf32, #tpu.memory_space<vmem>>
      %dma_start3A_152 = arith.constant 64 : i32
      %dma_start3A_153 = arith.constant 0 : i32
      %dma_start3A_154 = tpu.memref_slice %arg5[%dma_start3A_152, %dma_start3A_153] : memref<160x128xf32, #tpu.memory_space<hbm>> -> memref<16x128xf32, #tpu.memory_space<hbm>>
      tpu.enqueue_dma source(%dma_start3A_154 : memref<16x128xf32, #tpu.memory_space<hbm>>) target(%dma_start3A_151 : memref<16x128xf32, #tpu.memory_space<vmem>>) target_semaphore(%run_scoped3A_140 : memref<!tpu.dma_semaphore, #tpu.memory_space<semaphore_mem>>)
      %dma_wait3A_155 = arith.constant 0 : i32
      %dma_wait3A_156 = arith.constant 0 : i32
      %dma_wait3A_157 = tpu.memref_slice %arg11[%run_scoped3A_3, %dma_wait3A_155, %dma_wait3A_156] : memref<3x64x128xf32, #tpu.memory_space<vmem>> -> memref<1x16x128xf32, #tpu.memory_space<vmem>>
      %dma_wait3A_158 = tpu.memref_squeeze %dma_wait3A_157 : memref<1x16x128xf32, #tpu.memory_space<vmem>> -> memref<16x128xf32, #tpu.memory_space<vmem>>
      %dma_wait3A_159 = arith.constant 64 : i32
      %dma_wait3A_160 = arith.constant 0 : i32
      %dma_wait3A_161 = tpu.memref_slice %arg5[%dma_wait3A_159, %dma_wait3A_160] : memref<160x128xf32, #tpu.memory_space<hbm>> -> memref<16x128xf32, #tpu.memory_space<hbm>>
      %dma_wait3A_162 = arith.constant 0 : i32
      %dma_wait3A_163 = arith.constant 0 : i32
      %dma_wait3A_164 = tpu.memref_slice %arg11[%run_scoped3A_3, %dma_wait3A_162, %dma_wait3A_163] : memref<3x64x128xf32, #tpu.memory_space<vmem>> -> memref<1x16x128xf32, #tpu.memory_space<vmem>>
      %dma_wait3A_165 = tpu.memref_squeeze %dma_wait3A_164 : memref<1x16x128xf32, #tpu.memory_space<vmem>> -> memref<16x128xf32, #tpu.memory_space<vmem>>
      %dma_wait3A_166 = arith.constant 64 : i32
      %dma_wait3A_167 = arith.constant 0 : i32
      %dma_wait3A_168 = tpu.memref_slice %arg5[%dma_wait3A_166, %dma_wait3A_167] : memref<160x128xf32, #tpu.memory_space<hbm>> -> memref<16x128xf32, #tpu.memory_space<hbm>>
      tpu.wait_dma2 semaphore(%run_scoped3A_140 : memref<!tpu.dma_semaphore, #tpu.memory_space<semaphore_mem>>) src(%dma_wait3A_168 : memref<16x128xf32, #tpu.memory_space<hbm>>) dst(%dma_wait3A_165 : memref<16x128xf32, #tpu.memory_space<vmem>>)
      tpu.yield
    }) : () -> ()
    %run_scoped3A_4 = arith.constant 1 : i32
    "tpu.region"() ({
      %run_scoped3A_140 = tpu.sem_alloc : memref<!tpu.dma_semaphore, #tpu.memory_space<semaphore_mem>>
      %dma_start3A_141 = arith.constant 0 : i32
      %dma_start3A_142 = arith.constant 0 : i32
      %dma_start3A_143 = tpu.memref_slice %arg11[%run_scoped3A_4, %dma_start3A_141, %dma_start3A_142] : memref<3x64x128xf32, #tpu.memory_space<vmem>> -> memref<1x64x128xf32, #tpu.memory_space<vmem>>
      %dma_start3A_144 = tpu.memref_squeeze %dma_start3A_143 : memref<1x64x128xf32, #tpu.memory_space<vmem>> -> memref<64x128xf32, #tpu.memory_space<vmem>>
      %dma_start3A_145 = arith.constant 80 : i32
      %dma_start3A_146 = arith.constant 0 : i32
      %dma_start3A_147 = tpu.memref_slice %arg5[%dma_start3A_145, %dma_start3A_146] : memref<160x128xf32, #tpu.memory_space<hbm>> -> memref<64x128xf32, #tpu.memory_space<hbm>>
      %dma_start3A_148 = arith.constant 0 : i32
      %dma_start3A_149 = arith.constant 0 : i32
      %dma_start3A_150 = tpu.memref_slice %arg11[%run_scoped3A_4, %dma_start3A_148, %dma_start3A_149] : memref<3x64x128xf32, #tpu.memory_space<vmem>> -> memref<1x64x128xf32, #tpu.memory_space<vmem>>
      %dma_start3A_151 = tpu.memref_squeeze %dma_start3A_150 : memref<1x64x128xf32, #tpu.memory_space<vmem>> -> memref<64x128xf32, #tpu.memory_space<vmem>>
      %dma_start3A_152 = arith.constant 80 : i32
      %dma_start3A_153 = arith.constant 0 : i32
      %dma_start3A_154 = tpu.memref_slice %arg5[%dma_start3A_152, %dma_start3A_153] : memref<160x128xf32, #tpu.memory_space<hbm>> -> memref<64x128xf32, #tpu.memory_space<hbm>>
      tpu.enqueue_dma source(%dma_start3A_154 : memref<64x128xf32, #tpu.memory_space<hbm>>) target(%dma_start3A_151 : memref<64x128xf32, #tpu.memory_space<vmem>>) target_semaphore(%run_scoped3A_140 : memref<!tpu.dma_semaphore, #tpu.memory_space<semaphore_mem>>)
      %dma_wait3A_155 = arith.constant 0 : i32
      %dma_wait3A_156 = arith.constant 0 : i32
      %dma_wait3A_157 = tpu.memref_slice %arg11[%run_scoped3A_4, %dma_wait3A_155, %dma_wait3A_156] : memref<3x64x128xf32, #tpu.memory_space<vmem>> -> memref<1x64x128xf32, #tpu.memory_space<vmem>>
      %dma_wait3A_158 = tpu.memref_squeeze %dma_wait3A_157 : memref<1x64x128xf32, #tpu.memory_space<vmem>> -> memref<64x128xf32, #tpu.memory_space<vmem>>
      %dma_wait3A_159 = arith.constant 80 : i32
      %dma_wait3A_160 = arith.constant 0 : i32
      %dma_wait3A_161 = tpu.memref_slice %arg5[%dma_wait3A_159, %dma_wait3A_160] : memref<160x128xf32, #tpu.memory_space<hbm>> -> memref<64x128xf32, #tpu.memory_space<hbm>>
      %dma_wait3A_162 = arith.constant 0 : i32
      %dma_wait3A_163 = arith.constant 0 : i32
      %dma_wait3A_164 = tpu.memref_slice %arg11[%run_scoped3A_4, %dma_wait3A_162, %dma_wait3A_163] : memref<3x64x128xf32, #tpu.memory_space<vmem>> -> memref<1x64x128xf32, #tpu.memory_space<vmem>>
      %dma_wait3A_165 = tpu.memref_squeeze %dma_wait3A_164 : memref<1x64x128xf32, #tpu.memory_space<vmem>> -> memref<64x128xf32, #tpu.memory_space<vmem>>
      %dma_wait3A_166 = arith.constant 80 : i32
      %dma_wait3A_167 = arith.constant 0 : i32
      %dma_wait3A_168 = tpu.memref_slice %arg5[%dma_wait3A_166, %dma_wait3A_167] : memref<160x128xf32, #tpu.memory_space<hbm>> -> memref<64x128xf32, #tpu.memory_space<hbm>>
      tpu.wait_dma2 semaphore(%run_scoped3A_140 : memref<!tpu.dma_semaphore, #tpu.memory_space<semaphore_mem>>) src(%dma_wait3A_168 : memref<64x128xf32, #tpu.memory_space<hbm>>) dst(%dma_wait3A_165 : memref<64x128xf32, #tpu.memory_space<vmem>>)
      tpu.yield
    }) : () -> ()
    %run_scoped3A_5 = arith.constant 2 : i32
    "tpu.region"() ({
      %run_scoped3A_140 = tpu.sem_alloc : memref<!tpu.dma_semaphore, #tpu.memory_space<semaphore_mem>>
      %dma_start3A_141 = arith.constant 16 : i32
      %dma_start3A_142 = arith.constant 0 : i32
      %dma_start3A_143 = tpu.memref_slice %arg11[%run_scoped3A_5, %dma_start3A_141, %dma_start3A_142] : memref<3x64x128xf32, #tpu.memory_space<vmem>> -> memref<1x16x128xf32, #tpu.memory_space<vmem>>
      %dma_start3A_144 = tpu.memref_squeeze %dma_start3A_143 : memref<1x16x128xf32, #tpu.memory_space<vmem>> -> memref<16x128xf32, #tpu.memory_space<vmem>>
      %dma_start3A_145 = arith.constant 144 : i32
      %dma_start3A_146 = arith.constant 0 : i32
      %dma_start3A_147 = tpu.memref_slice %arg5[%dma_start3A_145, %dma_start3A_146] : memref<160x128xf32, #tpu.memory_space<hbm>> -> memref<16x128xf32, #tpu.memory_space<hbm>>
      %dma_start3A_148 = arith.constant 16 : i32
      %dma_start3A_149 = arith.constant 0 : i32
      %dma_start3A_150 = tpu.memref_slice %arg11[%run_scoped3A_5, %dma_start3A_148, %dma_start3A_149] : memref<3x64x128xf32, #tpu.memory_space<vmem>> -> memref<1x16x128xf32, #tpu.memory_space<vmem>>
      %dma_start3A_151 = tpu.memref_squeeze %dma_start3A_150 : memref<1x16x128xf32, #tpu.memory_space<vmem>> -> memref<16x128xf32, #tpu.memory_space<vmem>>
      %dma_start3A_152 = arith.constant 144 : i32
      %dma_start3A_153 = arith.constant 0 : i32
      %dma_start3A_154 = tpu.memref_slice %arg5[%dma_start3A_152, %dma_start3A_153] : memref<160x128xf32, #tpu.memory_space<hbm>> -> memref<16x128xf32, #tpu.memory_space<hbm>>
      tpu.enqueue_dma source(%dma_start3A_154 : memref<16x128xf32, #tpu.memory_space<hbm>>) target(%dma_start3A_151 : memref<16x128xf32, #tpu.memory_space<vmem>>) target_semaphore(%run_scoped3A_140 : memref<!tpu.dma_semaphore, #tpu.memory_space<semaphore_mem>>)
      %dma_wait3A_155 = arith.constant 16 : i32
      %dma_wait3A_156 = arith.constant 0 : i32
      %dma_wait3A_157 = tpu.memref_slice %arg11[%run_scoped3A_5, %dma_wait3A_155, %dma_wait3A_156] : memref<3x64x128xf32, #tpu.memory_space<vmem>> -> memref<1x16x128xf32, #tpu.memory_space<vmem>>
      %dma_wait3A_158 = tpu.memref_squeeze %dma_wait3A_157 : memref<1x16x128xf32, #tpu.memory_space<vmem>> -> memref<16x128xf32, #tpu.memory_space<vmem>>
      %dma_wait3A_159 = arith.constant 144 : i32
      %dma_wait3A_160 = arith.constant 0 : i32
      %dma_wait3A_161 = tpu.memref_slice %arg5[%dma_wait3A_159, %dma_wait3A_160] : memref<160x128xf32, #tpu.memory_space<hbm>> -> memref<16x128xf32, #tpu.memory_space<hbm>>
      %dma_wait3A_162 = arith.constant 16 : i32
      %dma_wait3A_163 = arith.constant 0 : i32
      %dma_wait3A_164 = tpu.memref_slice %arg11[%run_scoped3A_5, %dma_wait3A_162, %dma_wait3A_163] : memref<3x64x128xf32, #tpu.memory_space<vmem>> -> memref<1x16x128xf32, #tpu.memory_space<vmem>>
      %dma_wait3A_165 = tpu.memref_squeeze %dma_wait3A_164 : memref<1x16x128xf32, #tpu.memory_space<vmem>> -> memref<16x128xf32, #tpu.memory_space<vmem>>
      %dma_wait3A_166 = arith.constant 144 : i32
      %dma_wait3A_167 = arith.constant 0 : i32
      %dma_wait3A_168 = tpu.memref_slice %arg5[%dma_wait3A_166, %dma_wait3A_167] : memref<160x128xf32, #tpu.memory_space<hbm>> -> memref<16x128xf32, #tpu.memory_space<hbm>>
      tpu.wait_dma2 semaphore(%run_scoped3A_140 : memref<!tpu.dma_semaphore, #tpu.memory_space<semaphore_mem>>) src(%dma_wait3A_168 : memref<16x128xf32, #tpu.memory_space<hbm>>) dst(%dma_wait3A_165 : memref<16x128xf32, #tpu.memory_space<vmem>>)
      tpu.yield
    }) : () -> ()
    %scan3A = arith.constant 0 : i32
    %scan3A_6 = arith.constant 0 : i32
    %scan3A_7 = arith.constant 625 : i32
    %scan3A_8 = arith.addi %scan3A_6, %scan3A_7 : i32
    %scan3A_9 = arith.constant 1 : i32
    %scan3A_10 = scf.for %scan3A_140 = %scan3A_6 to %scan3A_8 step %scan3A_9 iter_args(%scan3A_141 = %scan3A) -> (i32)  : i32 {
      %mul3A_142 = arith.constant 16 : i32
      %mul3A_143 = arith.muli %scan3A_140, %mul3A_142 : i32
      %get3A_144 = arith.index_cast %mul3A_143 : i32 to index
      %get3A_145 = tpu.vector_load %arg8[%get3A_144] {strides = array<i32>} : memref<10000xi32, #tpu.memory_space<vmem>>, vector<16xi32>,
      %shift_right_arithmetic3A = arith.constant 7 : i32
      %shift_right_arithmetic3A_146 = vector.broadcast %shift_right_arithmetic3A : i32 to vector<16xi32>
      %shift_right_arithmetic3A_147 = arith.shrsi %get3A_145, %shift_right_arithmetic3A_146 : vector<16xi32>
      %and3A = arith.constant 127 : i32
      %and3A_148 = vector.broadcast %and3A : i32 to vector<16xi32>
      %and3A_149 = arith.andi %get3A_145, %and3A_148 : vector<16xi32>
      %lt3A_150 = arith.constant 64 : i32
      %lt3A_151 = vector.broadcast %lt3A_150 : i32 to vector<16xi32>
      %lt3A_152 = arith.cmpi slt, %shift_right_arithmetic3A_147, %lt3A_151 : vector<16xi32>
      %jit3A = arith.constant 0 : i32
      %jit3A_153 = arith.constant 2 : i32
      %broadcast_in_dim3A = vector.broadcast %jit3A : i32 to vector<16xi32>
      %broadcast_in_dim3A_154 = vector.broadcast %jit3A_153 : i32 to vector<16xi32>
      %select_n3A = arith.select %lt3A_152, %broadcast_in_dim3A, %broadcast_in_dim3A_154 : vector<16xi1>, vector<16xi32>
      %sub3A = arith.constant 64 : i32
      %sub3A_155 = vector.broadcast %sub3A : i32 to vector<16xi32>
      %sub3A_156 = arith.subi %shift_right_arithmetic3A_147, %sub3A_155 : vector<16xi32>
      %select_n3A_157 = arith.select %lt3A_152, %shift_right_arithmetic3A_147, %sub3A_156 : vector<16xi1>, vector<16xi32>
      %gather3A = tpu.vector_load_idx %arg11[%select_n3A, %select_n3A_157, %and3A_149] : memref<3x64x128xf32, #tpu.memory_space<vmem>>[vector<16xi32>, vector<16xi32>, vector<16xi32>], vector<16xf32>,
      %jit3A_158 = arith.constant 1 : i32
      %jit3A_159 = arith.constant 2 : i32
      %broadcast_in_dim3A_160 = vector.broadcast %jit3A_158 : i32 to vector<16xi32>
      %broadcast_in_dim3A_161 = vector.broadcast %jit3A_159 : i32 to vector<16xi32>
      %select_n3A_162 = arith.select %lt3A_152, %broadcast_in_dim3A_160, %broadcast_in_dim3A_161 : vector<16xi1>, vector<16xi32>
      %sub3A_163 = arith.constant 64 : i32
      %sub3A_164 = vector.broadcast %sub3A_163 : i32 to vector<16xi32>
      %sub3A_165 = arith.subi %shift_right_arithmetic3A_147, %sub3A_164 : vector<16xi32>
      %add3A_166 = arith.constant 16 : i32
      %add3A_167 = vector.broadcast %add3A_166 : i32 to vector<16xi32>
      %add3A_168 = arith.addi %sub3A_165, %add3A_167 : vector<16xi32>
      %select_n3A_169 = arith.select %lt3A_152, %shift_right_arithmetic3A_147, %add3A_168 : vector<16xi1>, vector<16xi32>
      %gather3A_170 = tpu.vector_load_idx %arg11[%select_n3A_162, %select_n3A_169, %and3A_149] : memref<3x64x128xf32, #tpu.memory_space<vmem>>[vector<16xi32>, vector<16xi32>, vector<16xi32>], vector<16xf32>,
      %get3A_171 = arith.index_cast %mul3A_143 : i32 to index
      %get3A_172 = tpu.vector_load %arg7[%get3A_171] {strides = array<i32>} : memref<10000xf32, #tpu.memory_space<vmem>>, vector<16xf32>,
      %add3A_173 = arith.addf %gather3A, %gather3A_170 : vector<16xf32>
      %add3A_174 = arith.constant 9.99999982E-14 : f32
      %add3A_175 = vector.broadcast %add3A_174 : f32 to vector<16xf32>
      %add3A_176 = arith.addf %add3A_173, %add3A_175 : vector<16xf32>
      %div3A = arith.divf %get3A_172, %add3A_176 : vector<16xf32>
      %swap3A_177 = arith.index_cast %mul3A_143 : i32 to index
      %swap3A_178 = tpu.vector_load %arg7[%swap3A_177] {strides = array<i32>} : memref<10000xf32, #tpu.memory_space<vmem>>, vector<16xf32>,
      tpu.vector_store %arg7[%swap3A_177], %div3A {strides = array<i32>} : memref<10000xf32, #tpu.memory_space<vmem>>, vector<16xf32>,
      %scan3A_179 = arith.constant 0 : i32
      scf.yield %scan3A_179 : i32
    }
    %scan3A_11 = arith.constant 625 : i32
    %scan3A_12 = arith.constant 0 : i32
    %scan3A_13 = arith.constant 0 : i32
    %scan3A_14 = arith.constant 64 : i32
    %scan3A_15 = arith.addi %scan3A_13, %scan3A_14 : i32
    %scan3A_16 = arith.constant 1 : i32
    %scan3A_17 = scf.for %scan3A_140 = %scan3A_13 to %scan3A_15 step %scan3A_16 iter_args(%scan3A_141 = %scan3A_12) -> (i32)  : i32 {
      %scan3A_142 = arith.constant 0 : i32
      %scan3A_143 = arith.constant 0 : i32
      %scan3A_144 = arith.constant 8 : i32
      %scan3A_145 = arith.addi %scan3A_143, %scan3A_144 : i32
      %scan3A_146 = arith.constant 1 : i32
      %scan3A_147 = scf.for %scan3A_150 = %scan3A_143 to %scan3A_145 step %scan3A_146 iter_args(%scan3A_151 = %scan3A_142) -> (i32)  : i32 {
        %broadcast_in_dim3A = arith.constant 0.000000e+00 : f32
        %broadcast_in_dim3A_152 = vector.broadcast %broadcast_in_dim3A : f32 to vector<16xf32>
        %mul3A_153 = arith.constant 16 : i32
        %mul3A_154 = arith.muli %scan3A_150, %mul3A_153 : i32
        %swap3A_155 = arith.constant 0 : i32
        %swap3A_156 = arith.index_cast %swap3A_155 : i32 to index
        %swap3A_157 = arith.index_cast %scan3A_140 : i32 to index
        %swap3A_158 = arith.index_cast %mul3A_154 : i32 to index
        %swap3A_159 = tpu.vector_load %arg11[%swap3A_156, %swap3A_157, %swap3A_158] {strides = array<i32>} : memref<3x64x128xf32, #tpu.memory_space<vmem>>, vector<16xf32>,
        tpu.vector_store %arg11[%swap3A_156, %swap3A_157, %swap3A_158], %broadcast_in_dim3A_152 {strides = array<i32>} : memref<3x64x128xf32, #tpu.memory_space<vmem>>, vector<16xf32>,
        %scan3A_160 = arith.constant 0 : i32
        scf.yield %scan3A_160 : i32
      }
      %scan3A_148 = arith.constant 8 : i32
      %scan3A_149 = arith.constant 0 : i32
      scf.yield %scan3A_149 : i32
    }
    %scan3A_18 = arith.constant 64 : i32
    %mul3A_19 = arith.constant 640 : i32
    %mul3A_20 = arith.muli %arg1, %mul3A_19 : i32
    %add3A_21 = arith.constant 0 : i32
    %add3A_22 = arith.addi %mul3A_20, %add3A_21 : i32
    %run_scoped3A_23 = arith.constant 0 : i32
    "tpu.region"() ({
      %run_scoped3A_140 = tpu.sem_alloc : memref<!tpu.dma_semaphore, #tpu.memory_space<semaphore_mem>>
      %dma_start3A_141 = arith.constant 0 : i32
      %dma_start3A_142 = arith.constant 0 : i32
      %dma_start3A_143 = tpu.memref_slice %arg11[%run_scoped3A_23, %dma_start3A_141, %dma_start3A_142] : memref<3x64x128xf32, #tpu.memory_space<vmem>> -> memref<1x64x128xf32, #tpu.memory_space<vmem>>
      %dma_start3A_144 = tpu.memref_squeeze %dma_start3A_143 : memref<1x64x128xf32, #tpu.memory_space<vmem>> -> memref<64x128xf32, #tpu.memory_space<vmem>>
      %dma_start3A_145 = arith.constant 0 : i32
      %dma_start3A_146 = tpu.memref_slice %arg12[%add3A_22, %dma_start3A_145] : memref<10000x128xf32, #tpu.memory_space<vmem_shared>> -> memref<64x128xf32, #tpu.memory_space<vmem_shared>>
      %dma_start3A_147 = arith.constant 0 : i32
      %dma_start3A_148 = tpu.memref_slice %arg12[%add3A_22, %dma_start3A_147] : memref<10000x128xf32, #tpu.memory_space<vmem_shared>> -> memref<64x128xf32, #tpu.memory_space<vmem_shared>>
      %dma_start3A_149 = arith.constant 0 : i32
      %dma_start3A_150 = arith.constant 0 : i32
      %dma_start3A_151 = tpu.memref_slice %arg11[%run_scoped3A_23, %dma_start3A_149, %dma_start3A_150] : memref<3x64x128xf32, #tpu.memory_space<vmem>> -> memref<1x64x128xf32, #tpu.memory_space<vmem>>
      %dma_start3A_152 = tpu.memref_squeeze %dma_start3A_151 : memref<1x64x128xf32, #tpu.memory_space<vmem>> -> memref<64x128xf32, #tpu.memory_space<vmem>>
      tpu.enqueue_dma source(%dma_start3A_152 : memref<64x128xf32, #tpu.memory_space<vmem>>) target(%dma_start3A_148 : memref<64x128xf32, #tpu.memory_space<vmem_shared>>) target_semaphore(%run_scoped3A_140 : memref<!tpu.dma_semaphore, #tpu.memory_space<semaphore_mem>>)
      %dma_wait3A_153 = arith.constant 0 : i32
      %dma_wait3A_154 = arith.constant 0 : i32
      %dma_wait3A_155 = tpu.memref_slice %arg11[%run_scoped3A_23, %dma_wait3A_153, %dma_wait3A_154] : memref<3x64x128xf32, #tpu.memory_space<vmem>> -> memref<1x64x128xf32, #tpu.memory_space<vmem>>
      %dma_wait3A_156 = tpu.memref_squeeze %dma_wait3A_155 : memref<1x64x128xf32, #tpu.memory_space<vmem>> -> memref<64x128xf32, #tpu.memory_space<vmem>>
      %dma_wait3A_157 = arith.constant 0 : i32
      %dma_wait3A_158 = tpu.memref_slice %arg12[%add3A_22, %dma_wait3A_157] : memref<10000x128xf32, #tpu.memory_space<vmem_shared>> -> memref<64x128xf32, #tpu.memory_space<vmem_shared>>
      %dma_wait3A_159 = arith.constant 0 : i32
      %dma_wait3A_160 = tpu.memref_slice %arg12[%add3A_22, %dma_wait3A_159] : memref<10000x128xf32, #tpu.memory_space<vmem_shared>> -> memref<64x128xf32, #tpu.memory_space<vmem_shared>>
      %dma_wait3A_161 = arith.constant 0 : i32
      %dma_wait3A_162 = arith.constant 0 : i32
      %dma_wait3A_163 = tpu.memref_slice %arg11[%run_scoped3A_23, %dma_wait3A_161, %dma_wait3A_162] : memref<3x64x128xf32, #tpu.memory_space<vmem>> -> memref<1x64x128xf32, #tpu.memory_space<vmem>>
      %dma_wait3A_164 = tpu.memref_squeeze %dma_wait3A_163 : memref<1x64x128xf32, #tpu.memory_space<vmem>> -> memref<64x128xf32, #tpu.memory_space<vmem>>
      tpu.wait_dma2 semaphore(%run_scoped3A_140 : memref<!tpu.dma_semaphore, #tpu.memory_space<semaphore_mem>>) src(%dma_wait3A_164 : memref<64x128xf32, #tpu.memory_space<vmem>>) dst(%dma_wait3A_160 : memref<64x128xf32, #tpu.memory_space<vmem_shared>>)
      tpu.yield
    }) : () -> ()
    %add3A_24 = arith.constant 64 : i32
    %add3A_25 = arith.addi %mul3A_20, %add3A_24 : i32
    %run_scoped3A_26 = arith.constant 0 : i32
    "tpu.region"() ({
      %run_scoped3A_140 = tpu.sem_alloc : memref<!tpu.dma_semaphore, #tpu.memory_space<semaphore_mem>>
      %dma_start3A_141 = arith.constant 0 : i32
      %dma_start3A_142 = arith.constant 0 : i32
      %dma_start3A_143 = tpu.memref_slice %arg11[%run_scoped3A_26, %dma_start3A_141, %dma_start3A_142] : memref<3x64x128xf32, #tpu.memory_space<vmem>> -> memref<1x64x128xf32, #tpu.memory_space<vmem>>
      %dma_start3A_144 = tpu.memref_squeeze %dma_start3A_143 : memref<1x64x128xf32, #tpu.memory_space<vmem>> -> memref<64x128xf32, #tpu.memory_space<vmem>>
      %dma_start3A_145 = arith.constant 0 : i32
      %dma_start3A_146 = tpu.memref_slice %arg12[%add3A_25, %dma_start3A_145] : memref<10000x128xf32, #tpu.memory_space<vmem_shared>> -> memref<64x128xf32, #tpu.memory_space<vmem_shared>>
      %dma_start3A_147 = arith.constant 0 : i32
      %dma_start3A_148 = tpu.memref_slice %arg12[%add3A_25, %dma_start3A_147] : memref<10000x128xf32, #tpu.memory_space<vmem_shared>> -> memref<64x128xf32, #tpu.memory_space<vmem_shared>>
      %dma_start3A_149 = arith.constant 0 : i32
      %dma_start3A_150 = arith.constant 0 : i32
      %dma_start3A_151 = tpu.memref_slice %arg11[%run_scoped3A_26, %dma_start3A_149, %dma_start3A_150] : memref<3x64x128xf32, #tpu.memory_space<vmem>> -> memref<1x64x128xf32, #tpu.memory_space<vmem>>
      %dma_start3A_152 = tpu.memref_squeeze %dma_start3A_151 : memref<1x64x128xf32, #tpu.memory_space<vmem>> -> memref<64x128xf32, #tpu.memory_space<vmem>>
      tpu.enqueue_dma source(%dma_start3A_152 : memref<64x128xf32, #tpu.memory_space<vmem>>) target(%dma_start3A_148 : memref<64x128xf32, #tpu.memory_space<vmem_shared>>) target_semaphore(%run_scoped3A_140 : memref<!tpu.dma_semaphore, #tpu.memory_space<semaphore_mem>>)
      %dma_wait3A_153 = arith.constant 0 : i32
      %dma_wait3A_154 = arith.constant 0 : i32
      %dma_wait3A_155 = tpu.memref_slice %arg11[%run_scoped3A_26, %dma_wait3A_153, %dma_wait3A_154] : memref<3x64x128xf32, #tpu.memory_space<vmem>> -> memref<1x64x128xf32, #tpu.memory_space<vmem>>
      %dma_wait3A_156 = tpu.memref_squeeze %dma_wait3A_155 : memref<1x64x128xf32, #tpu.memory_space<vmem>> -> memref<64x128xf32, #tpu.memory_space<vmem>>
      %dma_wait3A_157 = arith.constant 0 : i32
      %dma_wait3A_158 = tpu.memref_slice %arg12[%add3A_25, %dma_wait3A_157] : memref<10000x128xf32, #tpu.memory_space<vmem_shared>> -> memref<64x128xf32, #tpu.memory_space<vmem_shared>>
      %dma_wait3A_159 = arith.constant 0 : i32
      %dma_wait3A_160 = tpu.memref_slice %arg12[%add3A_25, %dma_wait3A_159] : memref<10000x128xf32, #tpu.memory_space<vmem_shared>> -> memref<64x128xf32, #tpu.memory_space<vmem_shared>>
      %dma_wait3A_161 = arith.constant 0 : i32
      %dma_wait3A_162 = arith.constant 0 : i32
      %dma_wait3A_163 = tpu.memref_slice %arg11[%run_scoped3A_26, %dma_wait3A_161, %dma_wait3A_162] : memref<3x64x128xf32, #tpu.memory_space<vmem>> -> memref<1x64x128xf32, #tpu.memory_space<vmem>>
      %dma_wait3A_164 = tpu.memref_squeeze %dma_wait3A_163 : memref<1x64x128xf32, #tpu.memory_space<vmem>> -> memref<64x128xf32, #tpu.memory_space<vmem>>
      tpu.wait_dma2 semaphore(%run_scoped3A_140 : memref<!tpu.dma_semaphore, #tpu.memory_space<semaphore_mem>>) src(%dma_wait3A_164 : memref<64x128xf32, #tpu.memory_space<vmem>>) dst(%dma_wait3A_160 : memref<64x128xf32, #tpu.memory_space<vmem_shared>>)
      tpu.yield
    }) : () -> ()
    %add3A_27 = arith.constant 128 : i32
    %add3A_28 = arith.addi %mul3A_20, %add3A_27 : i32
    %run_scoped3A_29 = arith.constant 0 : i32
    "tpu.region"() ({
      %run_scoped3A_140 = tpu.sem_alloc : memref<!tpu.dma_semaphore, #tpu.memory_space<semaphore_mem>>
      %dma_start3A_141 = arith.constant 0 : i32
      %dma_start3A_142 = arith.constant 0 : i32
      %dma_start3A_143 = tpu.memref_slice %arg11[%run_scoped3A_29, %dma_start3A_141, %dma_start3A_142] : memref<3x64x128xf32, #tpu.memory_space<vmem>> -> memref<1x64x128xf32, #tpu.memory_space<vmem>>
      %dma_start3A_144 = tpu.memref_squeeze %dma_start3A_143 : memref<1x64x128xf32, #tpu.memory_space<vmem>> -> memref<64x128xf32, #tpu.memory_space<vmem>>
      %dma_start3A_145 = arith.constant 0 : i32
      %dma_start3A_146 = tpu.memref_slice %arg12[%add3A_28, %dma_start3A_145] : memref<10000x128xf32, #tpu.memory_space<vmem_shared>> -> memref<64x128xf32, #tpu.memory_space<vmem_shared>>
      %dma_start3A_147 = arith.constant 0 : i32
      %dma_start3A_148 = tpu.memref_slice %arg12[%add3A_28, %dma_start3A_147] : memref<10000x128xf32, #tpu.memory_space<vmem_shared>> -> memref<64x128xf32, #tpu.memory_space<vmem_shared>>
      %dma_start3A_149 = arith.constant 0 : i32
      %dma_start3A_150 = arith.constant 0 : i32
      %dma_start3A_151 = tpu.memref_slice %arg11[%run_scoped3A_29, %dma_start3A_149, %dma_start3A_150] : memref<3x64x128xf32, #tpu.memory_space<vmem>> -> memref<1x64x128xf32, #tpu.memory_space<vmem>>
      %dma_start3A_152 = tpu.memref_squeeze %dma_start3A_151 : memref<1x64x128xf32, #tpu.memory_space<vmem>> -> memref<64x128xf32, #tpu.memory_space<vmem>>
      tpu.enqueue_dma source(%dma_start3A_152 : memref<64x128xf32, #tpu.memory_space<vmem>>) target(%dma_start3A_148 : memref<64x128xf32, #tpu.memory_space<vmem_shared>>) target_semaphore(%run_scoped3A_140 : memref<!tpu.dma_semaphore, #tpu.memory_space<semaphore_mem>>)
      %dma_wait3A_153 = arith.constant 0 : i32
      %dma_wait3A_154 = arith.constant 0 : i32
      %dma_wait3A_155 = tpu.memref_slice %arg11[%run_scoped3A_29, %dma_wait3A_153, %dma_wait3A_154] : memref<3x64x128xf32, #tpu.memory_space<vmem>> -> memref<1x64x128xf32, #tpu.memory_space<vmem>>
      %dma_wait3A_156 = tpu.memref_squeeze %dma_wait3A_155 : memref<1x64x128xf32, #tpu.memory_space<vmem>> -> memref<64x128xf32, #tpu.memory_space<vmem>>
      %dma_wait3A_157 = arith.constant 0 : i32
      %dma_wait3A_158 = tpu.memref_slice %arg12[%add3A_28, %dma_wait3A_157] : memref<10000x128xf32, #tpu.memory_space<vmem_shared>> -> memref<64x128xf32, #tpu.memory_space<vmem_shared>>
      %dma_wait3A_159 = arith.constant 0 : i32
      %dma_wait3A_160 = tpu.memref_slice %arg12[%add3A_28, %dma_wait3A_159] : memref<10000x128xf32, #tpu.memory_space<vmem_shared>> -> memref<64x128xf32, #tpu.memory_space<vmem_shared>>
      %dma_wait3A_161 = arith.constant 0 : i32
      %dma_wait3A_162 = arith.constant 0 : i32
      %dma_wait3A_163 = tpu.memref_slice %arg11[%run_scoped3A_29, %dma_wait3A_161, %dma_wait3A_162] : memref<3x64x128xf32, #tpu.memory_space<vmem>> -> memref<1x64x128xf32, #tpu.memory_space<vmem>>
      %dma_wait3A_164 = tpu.memref_squeeze %dma_wait3A_163 : memref<1x64x128xf32, #tpu.memory_space<vmem>> -> memref<64x128xf32, #tpu.memory_space<vmem>>
      tpu.wait_dma2 semaphore(%run_scoped3A_140 : memref<!tpu.dma_semaphore, #tpu.memory_space<semaphore_mem>>) src(%dma_wait3A_164 : memref<64x128xf32, #tpu.memory_space<vmem>>) dst(%dma_wait3A_160 : memref<64x128xf32, #tpu.memory_space<vmem_shared>>)
      tpu.yield
    }) : () -> ()
    %add3A_30 = arith.constant 192 : i32
    %add3A_31 = arith.addi %mul3A_20, %add3A_30 : i32
    %run_scoped3A_32 = arith.constant 0 : i32
    "tpu.region"() ({
      %run_scoped3A_140 = tpu.sem_alloc : memref<!tpu.dma_semaphore, #tpu.memory_space<semaphore_mem>>
      %dma_start3A_141 = arith.constant 0 : i32
      %dma_start3A_142 = arith.constant 0 : i32
      %dma_start3A_143 = tpu.memref_slice %arg11[%run_scoped3A_32, %dma_start3A_141, %dma_start3A_142] : memref<3x64x128xf32, #tpu.memory_space<vmem>> -> memref<1x64x128xf32, #tpu.memory_space<vmem>>
      %dma_start3A_144 = tpu.memref_squeeze %dma_start3A_143 : memref<1x64x128xf32, #tpu.memory_space<vmem>> -> memref<64x128xf32, #tpu.memory_space<vmem>>
      %dma_start3A_145 = arith.constant 0 : i32
      %dma_start3A_146 = tpu.memref_slice %arg12[%add3A_31, %dma_start3A_145] : memref<10000x128xf32, #tpu.memory_space<vmem_shared>> -> memref<64x128xf32, #tpu.memory_space<vmem_shared>>
      %dma_start3A_147 = arith.constant 0 : i32
      %dma_start3A_148 = tpu.memref_slice %arg12[%add3A_31, %dma_start3A_147] : memref<10000x128xf32, #tpu.memory_space<vmem_shared>> -> memref<64x128xf32, #tpu.memory_space<vmem_shared>>
      %dma_start3A_149 = arith.constant 0 : i32
      %dma_start3A_150 = arith.constant 0 : i32
      %dma_start3A_151 = tpu.memref_slice %arg11[%run_scoped3A_32, %dma_start3A_149, %dma_start3A_150] : memref<3x64x128xf32, #tpu.memory_space<vmem>> -> memref<1x64x128xf32, #tpu.memory_space<vmem>>
      %dma_start3A_152 = tpu.memref_squeeze %dma_start3A_151 : memref<1x64x128xf32, #tpu.memory_space<vmem>> -> memref<64x128xf32, #tpu.memory_space<vmem>>
      tpu.enqueue_dma source(%dma_start3A_152 : memref<64x128xf32, #tpu.memory_space<vmem>>) target(%dma_start3A_148 : memref<64x128xf32, #tpu.memory_space<vmem_shared>>) target_semaphore(%run_scoped3A_140 : memref<!tpu.dma_semaphore, #tpu.memory_space<semaphore_mem>>)
      %dma_wait3A_153 = arith.constant 0 : i32
      %dma_wait3A_154 = arith.constant 0 : i32
      %dma_wait3A_155 = tpu.memref_slice %arg11[%run_scoped3A_32, %dma_wait3A_153, %dma_wait3A_154] : memref<3x64x128xf32, #tpu.memory_space<vmem>> -> memref<1x64x128xf32, #tpu.memory_space<vmem>>
      %dma_wait3A_156 = tpu.memref_squeeze %dma_wait3A_155 : memref<1x64x128xf32, #tpu.memory_space<vmem>> -> memref<64x128xf32, #tpu.memory_space<vmem>>
      %dma_wait3A_157 = arith.constant 0 : i32
      %dma_wait3A_158 = tpu.memref_slice %arg12[%add3A_31, %dma_wait3A_157] : memref<10000x128xf32, #tpu.memory_space<vmem_shared>> -> memref<64x128xf32, #tpu.memory_space<vmem_shared>>
      %dma_wait3A_159 = arith.constant 0 : i32
      %dma_wait3A_160 = tpu.memref_slice %arg12[%add3A_31, %dma_wait3A_159] : memref<10000x128xf32, #tpu.memory_space<vmem_shared>> -> memref<64x128xf32, #tpu.memory_space<vmem_shared>>
      %dma_wait3A_161 = arith.constant 0 : i32
      %dma_wait3A_162 = arith.constant 0 : i32
      %dma_wait3A_163 = tpu.memref_slice %arg11[%run_scoped3A_32, %dma_wait3A_161, %dma_wait3A_162] : memref<3x64x128xf32, #tpu.memory_space<vmem>> -> memref<1x64x128xf32, #tpu.memory_space<vmem>>
      %dma_wait3A_164 = tpu.memref_squeeze %dma_wait3A_163 : memref<1x64x128xf32, #tpu.memory_space<vmem>> -> memref<64x128xf32, #tpu.memory_space<vmem>>
      tpu.wait_dma2 semaphore(%run_scoped3A_140 : memref<!tpu.dma_semaphore, #tpu.memory_space<semaphore_mem>>) src(%dma_wait3A_164 : memref<64x128xf32, #tpu.memory_space<vmem>>) dst(%dma_wait3A_160 : memref<64x128xf32, #tpu.memory_space<vmem_shared>>)
      tpu.yield
    }) : () -> ()
    %add3A_33 = arith.constant 256 : i32
    %add3A_34 = arith.addi %mul3A_20, %add3A_33 : i32
    %run_scoped3A_35 = arith.constant 0 : i32
    "tpu.region"() ({
      %run_scoped3A_140 = tpu.sem_alloc : memref<!tpu.dma_semaphore, #tpu.memory_space<semaphore_mem>>
      %dma_start3A_141 = arith.constant 0 : i32
      %dma_start3A_142 = arith.constant 0 : i32
      %dma_start3A_143 = tpu.memref_slice %arg11[%run_scoped3A_35, %dma_start3A_141, %dma_start3A_142] : memref<3x64x128xf32, #tpu.memory_space<vmem>> -> memref<1x64x128xf32, #tpu.memory_space<vmem>>
      %dma_start3A_144 = tpu.memref_squeeze %dma_start3A_143 : memref<1x64x128xf32, #tpu.memory_space<vmem>> -> memref<64x128xf32, #tpu.memory_space<vmem>>
      %dma_start3A_145 = arith.constant 0 : i32
      %dma_start3A_146 = tpu.memref_slice %arg12[%add3A_34, %dma_start3A_145] : memref<10000x128xf32, #tpu.memory_space<vmem_shared>> -> memref<64x128xf32, #tpu.memory_space<vmem_shared>>
      %dma_start3A_147 = arith.constant 0 : i32
      %dma_start3A_148 = tpu.memref_slice %arg12[%add3A_34, %dma_start3A_147] : memref<10000x128xf32, #tpu.memory_space<vmem_shared>> -> memref<64x128xf32, #tpu.memory_space<vmem_shared>>
      %dma_start3A_149 = arith.constant 0 : i32
      %dma_start3A_150 = arith.constant 0 : i32
      %dma_start3A_151 = tpu.memref_slice %arg11[%run_scoped3A_35, %dma_start3A_149, %dma_start3A_150] : memref<3x64x128xf32, #tpu.memory_space<vmem>> -> memref<1x64x128xf32, #tpu.memory_space<vmem>>
      %dma_start3A_152 = tpu.memref_squeeze %dma_start3A_151 : memref<1x64x128xf32, #tpu.memory_space<vmem>> -> memref<64x128xf32, #tpu.memory_space<vmem>>
      tpu.enqueue_dma source(%dma_start3A_152 : memref<64x128xf32, #tpu.memory_space<vmem>>) target(%dma_start3A_148 : memref<64x128xf32, #tpu.memory_space<vmem_shared>>) target_semaphore(%run_scoped3A_140 : memref<!tpu.dma_semaphore, #tpu.memory_space<semaphore_mem>>)
      %dma_wait3A_153 = arith.constant 0 : i32
      %dma_wait3A_154 = arith.constant 0 : i32
      %dma_wait3A_155 = tpu.memref_slice %arg11[%run_scoped3A_35, %dma_wait3A_153, %dma_wait3A_154] : memref<3x64x128xf32, #tpu.memory_space<vmem>> -> memref<1x64x128xf32, #tpu.memory_space<vmem>>
      %dma_wait3A_156 = tpu.memref_squeeze %dma_wait3A_155 : memref<1x64x128xf32, #tpu.memory_space<vmem>> -> memref<64x128xf32, #tpu.memory_space<vmem>>
      %dma_wait3A_157 = arith.constant 0 : i32
      %dma_wait3A_158 = tpu.memref_slice %arg12[%add3A_34, %dma_wait3A_157] : memref<10000x128xf32, #tpu.memory_space<vmem_shared>> -> memref<64x128xf32, #tpu.memory_space<vmem_shared>>
      %dma_wait3A_159 = arith.constant 0 : i32
      %dma_wait3A_160 = tpu.memref_slice %arg12[%add3A_34, %dma_wait3A_159] : memref<10000x128xf32, #tpu.memory_space<vmem_shared>> -> memref<64x128xf32, #tpu.memory_space<vmem_shared>>
      %dma_wait3A_161 = arith.constant 0 : i32
      %dma_wait3A_162 = arith.constant 0 : i32
      %dma_wait3A_163 = tpu.memref_slice %arg11[%run_scoped3A_35, %dma_wait3A_161, %dma_wait3A_162] : memref<3x64x128xf32, #tpu.memory_space<vmem>> -> memref<1x64x128xf32, #tpu.memory_space<vmem>>
      %dma_wait3A_164 = tpu.memref_squeeze %dma_wait3A_163 : memref<1x64x128xf32, #tpu.memory_space<vmem>> -> memref<64x128xf32, #tpu.memory_space<vmem>>
      tpu.wait_dma2 semaphore(%run_scoped3A_140 : memref<!tpu.dma_semaphore, #tpu.memory_space<semaphore_mem>>) src(%dma_wait3A_164 : memref<64x128xf32, #tpu.memory_space<vmem>>) dst(%dma_wait3A_160 : memref<64x128xf32, #tpu.memory_space<vmem_shared>>)
      tpu.yield
    }) : () -> ()
    %add3A_36 = arith.constant 320 : i32
    %add3A_37 = arith.addi %mul3A_20, %add3A_36 : i32
    %run_scoped3A_38 = arith.constant 0 : i32
    "tpu.region"() ({
      %run_scoped3A_140 = tpu.sem_alloc : memref<!tpu.dma_semaphore, #tpu.memory_space<semaphore_mem>>
      %dma_start3A_141 = arith.constant 0 : i32
      %dma_start3A_142 = arith.constant 0 : i32
      %dma_start3A_143 = tpu.memref_slice %arg11[%run_scoped3A_38, %dma_start3A_141, %dma_start3A_142] : memref<3x64x128xf32, #tpu.memory_space<vmem>> -> memref<1x64x128xf32, #tpu.memory_space<vmem>>
      %dma_start3A_144 = tpu.memref_squeeze %dma_start3A_143 : memref<1x64x128xf32, #tpu.memory_space<vmem>> -> memref<64x128xf32, #tpu.memory_space<vmem>>
      %dma_start3A_145 = arith.constant 0 : i32
      %dma_start3A_146 = tpu.memref_slice %arg12[%add3A_37, %dma_start3A_145] : memref<10000x128xf32, #tpu.memory_space<vmem_shared>> -> memref<64x128xf32, #tpu.memory_space<vmem_shared>>
      %dma_start3A_147 = arith.constant 0 : i32
      %dma_start3A_148 = tpu.memref_slice %arg12[%add3A_37, %dma_start3A_147] : memref<10000x128xf32, #tpu.memory_space<vmem_shared>> -> memref<64x128xf32, #tpu.memory_space<vmem_shared>>
      %dma_start3A_149 = arith.constant 0 : i32
      %dma_start3A_150 = arith.constant 0 : i32
      %dma_start3A_151 = tpu.memref_slice %arg11[%run_scoped3A_38, %dma_start3A_149, %dma_start3A_150] : memref<3x64x128xf32, #tpu.memory_space<vmem>> -> memref<1x64x128xf32, #tpu.memory_space<vmem>>
      %dma_start3A_152 = tpu.memref_squeeze %dma_start3A_151 : memref<1x64x128xf32, #tpu.memory_space<vmem>> -> memref<64x128xf32, #tpu.memory_space<vmem>>
      tpu.enqueue_dma source(%dma_start3A_152 : memref<64x128xf32, #tpu.memory_space<vmem>>) target(%dma_start3A_148 : memref<64x128xf32, #tpu.memory_space<vmem_shared>>) target_semaphore(%run_scoped3A_140 : memref<!tpu.dma_semaphore, #tpu.memory_space<semaphore_mem>>)
      %dma_wait3A_153 = arith.constant 0 : i32
      %dma_wait3A_154 = arith.constant 0 : i32
      %dma_wait3A_155 = tpu.memref_slice %arg11[%run_scoped3A_38, %dma_wait3A_153, %dma_wait3A_154] : memref<3x64x128xf32, #tpu.memory_space<vmem>> -> memref<1x64x128xf32, #tpu.memory_space<vmem>>
      %dma_wait3A_156 = tpu.memref_squeeze %dma_wait3A_155 : memref<1x64x128xf32, #tpu.memory_space<vmem>> -> memref<64x128xf32, #tpu.memory_space<vmem>>
      %dma_wait3A_157 = arith.constant 0 : i32
      %dma_wait3A_158 = tpu.memref_slice %arg12[%add3A_37, %dma_wait3A_157] : memref<10000x128xf32, #tpu.memory_space<vmem_shared>> -> memref<64x128xf32, #tpu.memory_space<vmem_shared>>
      %dma_wait3A_159 = arith.constant 0 : i32
      %dma_wait3A_160 = tpu.memref_slice %arg12[%add3A_37, %dma_wait3A_159] : memref<10000x128xf32, #tpu.memory_space<vmem_shared>> -> memref<64x128xf32, #tpu.memory_space<vmem_shared>>
      %dma_wait3A_161 = arith.constant 0 : i32
      %dma_wait3A_162 = arith.constant 0 : i32
      %dma_wait3A_163 = tpu.memref_slice %arg11[%run_scoped3A_38, %dma_wait3A_161, %dma_wait3A_162] : memref<3x64x128xf32, #tpu.memory_space<vmem>> -> memref<1x64x128xf32, #tpu.memory_space<vmem>>
      %dma_wait3A_164 = tpu.memref_squeeze %dma_wait3A_163 : memref<1x64x128xf32, #tpu.memory_space<vmem>> -> memref<64x128xf32, #tpu.memory_space<vmem>>
      tpu.wait_dma2 semaphore(%run_scoped3A_140 : memref<!tpu.dma_semaphore, #tpu.memory_space<semaphore_mem>>) src(%dma_wait3A_164 : memref<64x128xf32, #tpu.memory_space<vmem>>) dst(%dma_wait3A_160 : memref<64x128xf32, #tpu.memory_space<vmem_shared>>)
      tpu.yield
    }) : () -> ()
    %add3A_39 = arith.constant 384 : i32
    %add3A_40 = arith.addi %mul3A_20, %add3A_39 : i32
    %run_scoped3A_41 = arith.constant 0 : i32
    "tpu.region"() ({
      %run_scoped3A_140 = tpu.sem_alloc : memref<!tpu.dma_semaphore, #tpu.memory_space<semaphore_mem>>
      %dma_start3A_141 = arith.constant 0 : i32
      %dma_start3A_142 = arith.constant 0 : i32
      %dma_start3A_143 = tpu.memref_slice %arg11[%run_scoped3A_41, %dma_start3A_141, %dma_start3A_142] : memref<3x64x128xf32, #tpu.memory_space<vmem>> -> memref<1x16x128xf32, #tpu.memory_space<vmem>>
      %dma_start3A_144 = tpu.memref_squeeze %dma_start3A_143 : memref<1x16x128xf32, #tpu.memory_space<vmem>> -> memref<16x128xf32, #tpu.memory_space<vmem>>
      %dma_start3A_145 = arith.constant 0 : i32
      %dma_start3A_146 = tpu.memref_slice %arg12[%add3A_40, %dma_start3A_145] : memref<10000x128xf32, #tpu.memory_space<vmem_shared>> -> memref<16x128xf32, #tpu.memory_space<vmem_shared>>
      %dma_start3A_147 = arith.constant 0 : i32
      %dma_start3A_148 = tpu.memref_slice %arg12[%add3A_40, %dma_start3A_147] : memref<10000x128xf32, #tpu.memory_space<vmem_shared>> -> memref<16x128xf32, #tpu.memory_space<vmem_shared>>
      %dma_start3A_149 = arith.constant 0 : i32
      %dma_start3A_150 = arith.constant 0 : i32
      %dma_start3A_151 = tpu.memref_slice %arg11[%run_scoped3A_41, %dma_start3A_149, %dma_start3A_150] : memref<3x64x128xf32, #tpu.memory_space<vmem>> -> memref<1x16x128xf32, #tpu.memory_space<vmem>>
      %dma_start3A_152 = tpu.memref_squeeze %dma_start3A_151 : memref<1x16x128xf32, #tpu.memory_space<vmem>> -> memref<16x128xf32, #tpu.memory_space<vmem>>
      tpu.enqueue_dma source(%dma_start3A_152 : memref<16x128xf32, #tpu.memory_space<vmem>>) target(%dma_start3A_148 : memref<16x128xf32, #tpu.memory_space<vmem_shared>>) target_semaphore(%run_scoped3A_140 : memref<!tpu.dma_semaphore, #tpu.memory_space<semaphore_mem>>)
      %dma_wait3A_153 = arith.constant 0 : i32
      %dma_wait3A_154 = arith.constant 0 : i32
      %dma_wait3A_155 = tpu.memref_slice %arg11[%run_scoped3A_41, %dma_wait3A_153, %dma_wait3A_154] : memref<3x64x128xf32, #tpu.memory_space<vmem>> -> memref<1x16x128xf32, #tpu.memory_space<vmem>>
      %dma_wait3A_156 = tpu.memref_squeeze %dma_wait3A_155 : memref<1x16x128xf32, #tpu.memory_space<vmem>> -> memref<16x128xf32, #tpu.memory_space<vmem>>
      %dma_wait3A_157 = arith.constant 0 : i32
      %dma_wait3A_158 = tpu.memref_slice %arg12[%add3A_40, %dma_wait3A_157] : memref<10000x128xf32, #tpu.memory_space<vmem_shared>> -> memref<16x128xf32, #tpu.memory_space<vmem_shared>>
      %dma_wait3A_159 = arith.constant 0 : i32
      %dma_wait3A_160 = tpu.memref_slice %arg12[%add3A_40, %dma_wait3A_159] : memref<10000x128xf32, #tpu.memory_space<vmem_shared>> -> memref<16x128xf32, #tpu.memory_space<vmem_shared>>
      %dma_wait3A_161 = arith.constant 0 : i32
      %dma_wait3A_162 = arith.constant 0 : i32
      %dma_wait3A_163 = tpu.memref_slice %arg11[%run_scoped3A_41, %dma_wait3A_161, %dma_wait3A_162] : memref<3x64x128xf32, #tpu.memory_space<vmem>> -> memref<1x16x128xf32, #tpu.memory_space<vmem>>
      %dma_wait3A_164 = tpu.memref_squeeze %dma_wait3A_163 : memref<1x16x128xf32, #tpu.memory_space<vmem>> -> memref<16x128xf32, #tpu.memory_space<vmem>>
      tpu.wait_dma2 semaphore(%run_scoped3A_140 : memref<!tpu.dma_semaphore, #tpu.memory_space<semaphore_mem>>) src(%dma_wait3A_164 : memref<16x128xf32, #tpu.memory_space<vmem>>) dst(%dma_wait3A_160 : memref<16x128xf32, #tpu.memory_space<vmem_shared>>)
      tpu.yield
    }) : () -> ()
    %lt3A = arith.constant 15 : i32
    %lt3A_42 = arith.cmpi slt, %arg1, %lt3A : i32
    %convert_element_type3A = arith.extui %lt3A_42 : i1 to i32
    %cond3A = arith.constant 0 : i32
    %cond3A_43 = arith.cmpi ne, %convert_element_type3A, %cond3A : i32
    scf.if %cond3A_43 {
      %add3A_140 = arith.constant 400 : i32
      %add3A_141 = arith.addi %mul3A_20, %add3A_140 : i32
      %add3A_142 = arith.constant 0 : i32
      %add3A_143 = arith.addi %add3A_141, %add3A_142 : i32
      %run_scoped3A_144 = arith.constant 0 : i32
      "tpu.region"() ({
        %run_scoped3A_154 = tpu.sem_alloc : memref<!tpu.dma_semaphore, #tpu.memory_space<semaphore_mem>>
        %dma_start3A_155 = arith.constant 0 : i32
        %dma_start3A_156 = arith.constant 0 : i32
        %dma_start3A_157 = tpu.memref_slice %arg11[%run_scoped3A_144, %dma_start3A_155, %dma_start3A_156] : memref<3x64x128xf32, #tpu.memory_space<vmem>> -> memref<1x64x128xf32, #tpu.memory_space<vmem>>
        %dma_start3A_158 = tpu.memref_squeeze %dma_start3A_157 : memref<1x64x128xf32, #tpu.memory_space<vmem>> -> memref<64x128xf32, #tpu.memory_space<vmem>>
        %dma_start3A_159 = arith.constant 0 : i32
        %dma_start3A_160 = tpu.memref_slice %arg12[%add3A_143, %dma_start3A_159] : memref<10000x128xf32, #tpu.memory_space<vmem_shared>> -> memref<64x128xf32, #tpu.memory_space<vmem_shared>>
        %dma_start3A_161 = arith.constant 0 : i32
        %dma_start3A_162 = tpu.memref_slice %arg12[%add3A_143, %dma_start3A_161] : memref<10000x128xf32, #tpu.memory_space<vmem_shared>> -> memref<64x128xf32, #tpu.memory_space<vmem_shared>>
        %dma_start3A_163 = arith.constant 0 : i32
        %dma_start3A_164 = arith.constant 0 : i32
        %dma_start3A_165 = tpu.memref_slice %arg11[%run_scoped3A_144, %dma_start3A_163, %dma_start3A_164] : memref<3x64x128xf32, #tpu.memory_space<vmem>> -> memref<1x64x128xf32, #tpu.memory_space<vmem>>
        %dma_start3A_166 = tpu.memref_squeeze %dma_start3A_165 : memref<1x64x128xf32, #tpu.memory_space<vmem>> -> memref<64x128xf32, #tpu.memory_space<vmem>>
        tpu.enqueue_dma source(%dma_start3A_166 : memref<64x128xf32, #tpu.memory_space<vmem>>) target(%dma_start3A_162 : memref<64x128xf32, #tpu.memory_space<vmem_shared>>) target_semaphore(%run_scoped3A_154 : memref<!tpu.dma_semaphore, #tpu.memory_space<semaphore_mem>>)
        %dma_wait3A_167 = arith.constant 0 : i32
        %dma_wait3A_168 = arith.constant 0 : i32
        %dma_wait3A_169 = tpu.memref_slice %arg11[%run_scoped3A_144, %dma_wait3A_167, %dma_wait3A_168] : memref<3x64x128xf32, #tpu.memory_space<vmem>> -> memref<1x64x128xf32, #tpu.memory_space<vmem>>
        %dma_wait3A_170 = tpu.memref_squeeze %dma_wait3A_169 : memref<1x64x128xf32, #tpu.memory_space<vmem>> -> memref<64x128xf32, #tpu.memory_space<vmem>>
        %dma_wait3A_171 = arith.constant 0 : i32
        %dma_wait3A_172 = tpu.memref_slice %arg12[%add3A_143, %dma_wait3A_171] : memref<10000x128xf32, #tpu.memory_space<vmem_shared>> -> memref<64x128xf32, #tpu.memory_space<vmem_shared>>
        %dma_wait3A_173 = arith.constant 0 : i32
        %dma_wait3A_174 = tpu.memref_slice %arg12[%add3A_143, %dma_wait3A_173] : memref<10000x128xf32, #tpu.memory_space<vmem_shared>> -> memref<64x128xf32, #tpu.memory_space<vmem_shared>>
        %dma_wait3A_175 = arith.constant 0 : i32
        %dma_wait3A_176 = arith.constant 0 : i32
        %dma_wait3A_177 = tpu.memref_slice %arg11[%run_scoped3A_144, %dma_wait3A_175, %dma_wait3A_176] : memref<3x64x128xf32, #tpu.memory_space<vmem>> -> memref<1x64x128xf32, #tpu.memory_space<vmem>>
        %dma_wait3A_178 = tpu.memref_squeeze %dma_wait3A_177 : memref<1x64x128xf32, #tpu.memory_space<vmem>> -> memref<64x128xf32, #tpu.memory_space<vmem>>
        tpu.wait_dma2 semaphore(%run_scoped3A_154 : memref<!tpu.dma_semaphore, #tpu.memory_space<semaphore_mem>>) src(%dma_wait3A_178 : memref<64x128xf32, #tpu.memory_space<vmem>>) dst(%dma_wait3A_174 : memref<64x128xf32, #tpu.memory_space<vmem_shared>>)
        tpu.yield
      }) : () -> ()
      %add3A_145 = arith.constant 64 : i32
      %add3A_146 = arith.addi %add3A_141, %add3A_145 : i32
      %run_scoped3A_147 = arith.constant 0 : i32
      "tpu.region"() ({
        %run_scoped3A_154 = tpu.sem_alloc : memref<!tpu.dma_semaphore, #tpu.memory_space<semaphore_mem>>
        %dma_start3A_155 = arith.constant 0 : i32
        %dma_start3A_156 = arith.constant 0 : i32
        %dma_start3A_157 = tpu.memref_slice %arg11[%run_scoped3A_147, %dma_start3A_155, %dma_start3A_156] : memref<3x64x128xf32, #tpu.memory_space<vmem>> -> memref<1x64x128xf32, #tpu.memory_space<vmem>>
        %dma_start3A_158 = tpu.memref_squeeze %dma_start3A_157 : memref<1x64x128xf32, #tpu.memory_space<vmem>> -> memref<64x128xf32, #tpu.memory_space<vmem>>
        %dma_start3A_159 = arith.constant 0 : i32
        %dma_start3A_160 = tpu.memref_slice %arg12[%add3A_146, %dma_start3A_159] : memref<10000x128xf32, #tpu.memory_space<vmem_shared>> -> memref<64x128xf32, #tpu.memory_space<vmem_shared>>
        %dma_start3A_161 = arith.constant 0 : i32
        %dma_start3A_162 = tpu.memref_slice %arg12[%add3A_146, %dma_start3A_161] : memref<10000x128xf32, #tpu.memory_space<vmem_shared>> -> memref<64x128xf32, #tpu.memory_space<vmem_shared>>
        %dma_start3A_163 = arith.constant 0 : i32
        %dma_start3A_164 = arith.constant 0 : i32
        %dma_start3A_165 = tpu.memref_slice %arg11[%run_scoped3A_147, %dma_start3A_163, %dma_start3A_164] : memref<3x64x128xf32, #tpu.memory_space<vmem>> -> memref<1x64x128xf32, #tpu.memory_space<vmem>>
        %dma_start3A_166 = tpu.memref_squeeze %dma_start3A_165 : memref<1x64x128xf32, #tpu.memory_space<vmem>> -> memref<64x128xf32, #tpu.memory_space<vmem>>
        tpu.enqueue_dma source(%dma_start3A_166 : memref<64x128xf32, #tpu.memory_space<vmem>>) target(%dma_start3A_162 : memref<64x128xf32, #tpu.memory_space<vmem_shared>>) target_semaphore(%run_scoped3A_154 : memref<!tpu.dma_semaphore, #tpu.memory_space<semaphore_mem>>)
        %dma_wait3A_167 = arith.constant 0 : i32
        %dma_wait3A_168 = arith.constant 0 : i32
        %dma_wait3A_169 = tpu.memref_slice %arg11[%run_scoped3A_147, %dma_wait3A_167, %dma_wait3A_168] : memref<3x64x128xf32, #tpu.memory_space<vmem>> -> memref<1x64x128xf32, #tpu.memory_space<vmem>>
        %dma_wait3A_170 = tpu.memref_squeeze %dma_wait3A_169 : memref<1x64x128xf32, #tpu.memory_space<vmem>> -> memref<64x128xf32, #tpu.memory_space<vmem>>
        %dma_wait3A_171 = arith.constant 0 : i32
        %dma_wait3A_172 = tpu.memref_slice %arg12[%add3A_146, %dma_wait3A_171] : memref<10000x128xf32, #tpu.memory_space<vmem_shared>> -> memref<64x128xf32, #tpu.memory_space<vmem_shared>>
        %dma_wait3A_173 = arith.constant 0 : i32
        %dma_wait3A_174 = tpu.memref_slice %arg12[%add3A_146, %dma_wait3A_173] : memref<10000x128xf32, #tpu.memory_space<vmem_shared>> -> memref<64x128xf32, #tpu.memory_space<vmem_shared>>
        %dma_wait3A_175 = arith.constant 0 : i32
        %dma_wait3A_176 = arith.constant 0 : i32
        %dma_wait3A_177 = tpu.memref_slice %arg11[%run_scoped3A_147, %dma_wait3A_175, %dma_wait3A_176] : memref<3x64x128xf32, #tpu.memory_space<vmem>> -> memref<1x64x128xf32, #tpu.memory_space<vmem>>
        %dma_wait3A_178 = tpu.memref_squeeze %dma_wait3A_177 : memref<1x64x128xf32, #tpu.memory_space<vmem>> -> memref<64x128xf32, #tpu.memory_space<vmem>>
        tpu.wait_dma2 semaphore(%run_scoped3A_154 : memref<!tpu.dma_semaphore, #tpu.memory_space<semaphore_mem>>) src(%dma_wait3A_178 : memref<64x128xf32, #tpu.memory_space<vmem>>) dst(%dma_wait3A_174 : memref<64x128xf32, #tpu.memory_space<vmem_shared>>)
        tpu.yield
      }) : () -> ()
      %add3A_148 = arith.constant 128 : i32
      %add3A_149 = arith.addi %add3A_141, %add3A_148 : i32
      %run_scoped3A_150 = arith.constant 0 : i32
      "tpu.region"() ({
        %run_scoped3A_154 = tpu.sem_alloc : memref<!tpu.dma_semaphore, #tpu.memory_space<semaphore_mem>>
        %dma_start3A_155 = arith.constant 0 : i32
        %dma_start3A_156 = arith.constant 0 : i32
        %dma_start3A_157 = tpu.memref_slice %arg11[%run_scoped3A_150, %dma_start3A_155, %dma_start3A_156] : memref<3x64x128xf32, #tpu.memory_space<vmem>> -> memref<1x64x128xf32, #tpu.memory_space<vmem>>
        %dma_start3A_158 = tpu.memref_squeeze %dma_start3A_157 : memref<1x64x128xf32, #tpu.memory_space<vmem>> -> memref<64x128xf32, #tpu.memory_space<vmem>>
        %dma_start3A_159 = arith.constant 0 : i32
        %dma_start3A_160 = tpu.memref_slice %arg12[%add3A_149, %dma_start3A_159] : memref<10000x128xf32, #tpu.memory_space<vmem_shared>> -> memref<64x128xf32, #tpu.memory_space<vmem_shared>>
        %dma_start3A_161 = arith.constant 0 : i32
        %dma_start3A_162 = tpu.memref_slice %arg12[%add3A_149, %dma_start3A_161] : memref<10000x128xf32, #tpu.memory_space<vmem_shared>> -> memref<64x128xf32, #tpu.memory_space<vmem_shared>>
        %dma_start3A_163 = arith.constant 0 : i32
        %dma_start3A_164 = arith.constant 0 : i32
        %dma_start3A_165 = tpu.memref_slice %arg11[%run_scoped3A_150, %dma_start3A_163, %dma_start3A_164] : memref<3x64x128xf32, #tpu.memory_space<vmem>> -> memref<1x64x128xf32, #tpu.memory_space<vmem>>
        %dma_start3A_166 = tpu.memref_squeeze %dma_start3A_165 : memref<1x64x128xf32, #tpu.memory_space<vmem>> -> memref<64x128xf32, #tpu.memory_space<vmem>>
        tpu.enqueue_dma source(%dma_start3A_166 : memref<64x128xf32, #tpu.memory_space<vmem>>) target(%dma_start3A_162 : memref<64x128xf32, #tpu.memory_space<vmem_shared>>) target_semaphore(%run_scoped3A_154 : memref<!tpu.dma_semaphore, #tpu.memory_space<semaphore_mem>>)
        %dma_wait3A_167 = arith.constant 0 : i32
        %dma_wait3A_168 = arith.constant 0 : i32
        %dma_wait3A_169 = tpu.memref_slice %arg11[%run_scoped3A_150, %dma_wait3A_167, %dma_wait3A_168] : memref<3x64x128xf32, #tpu.memory_space<vmem>> -> memref<1x64x128xf32, #tpu.memory_space<vmem>>
        %dma_wait3A_170 = tpu.memref_squeeze %dma_wait3A_169 : memref<1x64x128xf32, #tpu.memory_space<vmem>> -> memref<64x128xf32, #tpu.memory_space<vmem>>
        %dma_wait3A_171 = arith.constant 0 : i32
        %dma_wait3A_172 = tpu.memref_slice %arg12[%add3A_149, %dma_wait3A_171] : memref<10000x128xf32, #tpu.memory_space<vmem_shared>> -> memref<64x128xf32, #tpu.memory_space<vmem_shared>>
        %dma_wait3A_173 = arith.constant 0 : i32
        %dma_wait3A_174 = tpu.memref_slice %arg12[%add3A_149, %dma_wait3A_173] : memref<10000x128xf32, #tpu.memory_space<vmem_shared>> -> memref<64x128xf32, #tpu.memory_space<vmem_shared>>
        %dma_wait3A_175 = arith.constant 0 : i32
        %dma_wait3A_176 = arith.constant 0 : i32
        %dma_wait3A_177 = tpu.memref_slice %arg11[%run_scoped3A_150, %dma_wait3A_175, %dma_wait3A_176] : memref<3x64x128xf32, #tpu.memory_space<vmem>> -> memref<1x64x128xf32, #tpu.memory_space<vmem>>
        %dma_wait3A_178 = tpu.memref_squeeze %dma_wait3A_177 : memref<1x64x128xf32, #tpu.memory_space<vmem>> -> memref<64x128xf32, #tpu.memory_space<vmem>>
        tpu.wait_dma2 semaphore(%run_scoped3A_154 : memref<!tpu.dma_semaphore, #tpu.memory_space<semaphore_mem>>) src(%dma_wait3A_178 : memref<64x128xf32, #tpu.memory_space<vmem>>) dst(%dma_wait3A_174 : memref<64x128xf32, #tpu.memory_space<vmem_shared>>)
        tpu.yield
      }) : () -> ()
      %add3A_151 = arith.constant 192 : i32
      %add3A_152 = arith.addi %add3A_141, %add3A_151 : i32
      %run_scoped3A_153 = arith.constant 0 : i32
      "tpu.region"() ({
        %run_scoped3A_154 = tpu.sem_alloc : memref<!tpu.dma_semaphore, #tpu.memory_space<semaphore_mem>>
        %dma_start3A_155 = arith.constant 0 : i32
        %dma_start3A_156 = arith.constant 0 : i32
        %dma_start3A_157 = tpu.memref_slice %arg11[%run_scoped3A_153, %dma_start3A_155, %dma_start3A_156] : memref<3x64x128xf32, #tpu.memory_space<vmem>> -> memref<1x48x128xf32, #tpu.memory_space<vmem>>
        %dma_start3A_158 = tpu.memref_squeeze %dma_start3A_157 : memref<1x48x128xf32, #tpu.memory_space<vmem>> -> memref<48x128xf32, #tpu.memory_space<vmem>>
        %dma_start3A_159 = arith.constant 0 : i32
        %dma_start3A_160 = tpu.memref_slice %arg12[%add3A_152, %dma_start3A_159] : memref<10000x128xf32, #tpu.memory_space<vmem_shared>> -> memref<48x128xf32, #tpu.memory_space<vmem_shared>>
        %dma_start3A_161 = arith.constant 0 : i32
        %dma_start3A_162 = tpu.memref_slice %arg12[%add3A_152, %dma_start3A_161] : memref<10000x128xf32, #tpu.memory_space<vmem_shared>> -> memref<48x128xf32, #tpu.memory_space<vmem_shared>>
        %dma_start3A_163 = arith.constant 0 : i32
        %dma_start3A_164 = arith.constant 0 : i32
        %dma_start3A_165 = tpu.memref_slice %arg11[%run_scoped3A_153, %dma_start3A_163, %dma_start3A_164] : memref<3x64x128xf32, #tpu.memory_space<vmem>> -> memref<1x48x128xf32, #tpu.memory_space<vmem>>
        %dma_start3A_166 = tpu.memref_squeeze %dma_start3A_165 : memref<1x48x128xf32, #tpu.memory_space<vmem>> -> memref<48x128xf32, #tpu.memory_space<vmem>>
        tpu.enqueue_dma source(%dma_start3A_166 : memref<48x128xf32, #tpu.memory_space<vmem>>) target(%dma_start3A_162 : memref<48x128xf32, #tpu.memory_space<vmem_shared>>) target_semaphore(%run_scoped3A_154 : memref<!tpu.dma_semaphore, #tpu.memory_space<semaphore_mem>>)
        %dma_wait3A_167 = arith.constant 0 : i32
        %dma_wait3A_168 = arith.constant 0 : i32
        %dma_wait3A_169 = tpu.memref_slice %arg11[%run_scoped3A_153, %dma_wait3A_167, %dma_wait3A_168] : memref<3x64x128xf32, #tpu.memory_space<vmem>> -> memref<1x48x128xf32, #tpu.memory_space<vmem>>
        %dma_wait3A_170 = tpu.memref_squeeze %dma_wait3A_169 : memref<1x48x128xf32, #tpu.memory_space<vmem>> -> memref<48x128xf32, #tpu.memory_space<vmem>>
        %dma_wait3A_171 = arith.constant 0 : i32
        %dma_wait3A_172 = tpu.memref_slice %arg12[%add3A_152, %dma_wait3A_171] : memref<10000x128xf32, #tpu.memory_space<vmem_shared>> -> memref<48x128xf32, #tpu.memory_space<vmem_shared>>
        %dma_wait3A_173 = arith.constant 0 : i32
        %dma_wait3A_174 = tpu.memref_slice %arg12[%add3A_152, %dma_wait3A_173] : memref<10000x128xf32, #tpu.memory_space<vmem_shared>> -> memref<48x128xf32, #tpu.memory_space<vmem_shared>>
        %dma_wait3A_175 = arith.constant 0 : i32
        %dma_wait3A_176 = arith.constant 0 : i32
        %dma_wait3A_177 = tpu.memref_slice %arg11[%run_scoped3A_153, %dma_wait3A_175, %dma_wait3A_176] : memref<3x64x128xf32, #tpu.memory_space<vmem>> -> memref<1x48x128xf32, #tpu.memory_space<vmem>>
        %dma_wait3A_178 = tpu.memref_squeeze %dma_wait3A_177 : memref<1x48x128xf32, #tpu.memory_space<vmem>> -> memref<48x128xf32, #tpu.memory_space<vmem>>
        tpu.wait_dma2 semaphore(%run_scoped3A_154 : memref<!tpu.dma_semaphore, #tpu.memory_space<semaphore_mem>>) src(%dma_wait3A_178 : memref<48x128xf32, #tpu.memory_space<vmem>>) dst(%dma_wait3A_174 : memref<48x128xf32, #tpu.memory_space<vmem_shared>>)
        tpu.yield
      }) : () -> ()
    } else {
    }
    %barrier3A = arith.constant 0 : index
    tpu.barrier barrier_id(%barrier3A)
    %add3A_44 = arith.constant 0 : i32
    %add3A_45 = arith.addi %mul3A_2, %add3A_44 : i32
    %dma_start3A = arith.constant 0 : i32
    %dma_start3A_46 = arith.constant 0 : i32
    %dma_start3A_47 = arith.constant 0 : i32
    %dma_start3A_48 = arith.constant 0 : i32
    %dma_start3A_49 = tpu.memref_slice %arg11[%dma_start3A, %dma_start3A_47, %dma_start3A_48] : memref<3x64x128xf32, #tpu.memory_space<vmem>> -> memref<1x64x128xf32, #tpu.memory_space<vmem>>
    %dma_start3A_50 = tpu.memref_squeeze %dma_start3A_49 : memref<1x64x128xf32, #tpu.memory_space<vmem>> -> memref<64x128xf32, #tpu.memory_space<vmem>>
    %dma_start3A_51 = arith.constant 0 : i32
    %dma_start3A_52 = tpu.memref_slice %arg2[%add3A_45, %dma_start3A_51] : memref<320000x128xf32, #tpu.memory_space<hbm>> -> memref<64x128xf32, #tpu.memory_space<hbm>>
    %dma_start3A_53 = tpu.memref_slice %arg13[%dma_start3A_46] : memref<3x!tpu.dma_semaphore, #tpu.memory_space<semaphore_mem>> -> memref<1x!tpu.dma_semaphore, #tpu.memory_space<semaphore_mem>>
    %dma_start3A_54 = tpu.memref_squeeze %dma_start3A_53 : memref<1x!tpu.dma_semaphore, #tpu.memory_space<semaphore_mem>> -> memref<!tpu.dma_semaphore, #tpu.memory_space<semaphore_mem>>
    %dma_start3A_55 = arith.constant 0 : i32
    %dma_start3A_56 = arith.constant 0 : i32
    %dma_start3A_57 = tpu.memref_slice %arg11[%dma_start3A, %dma_start3A_55, %dma_start3A_56] : memref<3x64x128xf32, #tpu.memory_space<vmem>> -> memref<1x64x128xf32, #tpu.memory_space<vmem>>
    %dma_start3A_58 = tpu.memref_squeeze %dma_start3A_57 : memref<1x64x128xf32, #tpu.memory_space<vmem>> -> memref<64x128xf32, #tpu.memory_space<vmem>>
    %dma_start3A_59 = arith.constant 0 : i32
    %dma_start3A_60 = tpu.memref_slice %arg2[%add3A_45, %dma_start3A_59] : memref<320000x128xf32, #tpu.memory_space<hbm>> -> memref<64x128xf32, #tpu.memory_space<hbm>>
    tpu.enqueue_dma source(%dma_start3A_60 : memref<64x128xf32, #tpu.memory_space<hbm>>) target(%dma_start3A_58 : memref<64x128xf32, #tpu.memory_space<vmem>>) target_semaphore(%dma_start3A_54 : memref<!tpu.dma_semaphore, #tpu.memory_space<semaphore_mem>>)
    %add3A_61 = arith.constant 64 : i32
    %add3A_62 = arith.addi %mul3A_2, %add3A_61 : i32
    %dma_start3A_63 = arith.constant 1 : i32
    %dma_start3A_64 = arith.constant 1 : i32
    %dma_start3A_65 = arith.constant 0 : i32
    %dma_start3A_66 = arith.constant 0 : i32
    %dma_start3A_67 = tpu.memref_slice %arg11[%dma_start3A_63, %dma_start3A_65, %dma_start3A_66] : memref<3x64x128xf32, #tpu.memory_space<vmem>> -> memref<1x64x128xf32, #tpu.memory_space<vmem>>
    %dma_start3A_68 = tpu.memref_squeeze %dma_start3A_67 : memref<1x64x128xf32, #tpu.memory_space<vmem>> -> memref<64x128xf32, #tpu.memory_space<vmem>>
    %dma_start3A_69 = arith.constant 0 : i32
    %dma_start3A_70 = tpu.memref_slice %arg2[%add3A_62, %dma_start3A_69] : memref<320000x128xf32, #tpu.memory_space<hbm>> -> memref<64x128xf32, #tpu.memory_space<hbm>>
    %dma_start3A_71 = tpu.memref_slice %arg13[%dma_start3A_64] : memref<3x!tpu.dma_semaphore, #tpu.memory_space<semaphore_mem>> -> memref<1x!tpu.dma_semaphore, #tpu.memory_space<semaphore_mem>>
    %dma_start3A_72 = tpu.memref_squeeze %dma_start3A_71 : memref<1x!tpu.dma_semaphore, #tpu.memory_space<semaphore_mem>> -> memref<!tpu.dma_semaphore, #tpu.memory_space<semaphore_mem>>
    %dma_start3A_73 = arith.constant 0 : i32
    %dma_start3A_74 = arith.constant 0 : i32
    %dma_start3A_75 = tpu.memref_slice %arg11[%dma_start3A_63, %dma_start3A_73, %dma_start3A_74] : memref<3x64x128xf32, #tpu.memory_space<vmem>> -> memref<1x64x128xf32, #tpu.memory_space<vmem>>
    %dma_start3A_76 = tpu.memref_squeeze %dma_start3A_75 : memref<1x64x128xf32, #tpu.memory_space<vmem>> -> memref<64x128xf32, #tpu.memory_space<vmem>>
    %dma_start3A_77 = arith.constant 0 : i32
    %dma_start3A_78 = tpu.memref_slice %arg2[%add3A_62, %dma_start3A_77] : memref<320000x128xf32, #tpu.memory_space<hbm>> -> memref<64x128xf32, #tpu.memory_space<hbm>>
    tpu.enqueue_dma source(%dma_start3A_78 : memref<64x128xf32, #tpu.memory_space<hbm>>) target(%dma_start3A_76 : memref<64x128xf32, #tpu.memory_space<vmem>>) target_semaphore(%dma_start3A_72 : memref<!tpu.dma_semaphore, #tpu.memory_space<semaphore_mem>>)
    %add3A_79 = arith.constant 128 : i32
    %add3A_80 = arith.addi %mul3A_2, %add3A_79 : i32
    %dma_start3A_81 = arith.constant 2 : i32
    %dma_start3A_82 = arith.constant 2 : i32
    %dma_start3A_83 = arith.constant 0 : i32
    %dma_start3A_84 = arith.constant 0 : i32
    %dma_start3A_85 = tpu.memref_slice %arg11[%dma_start3A_81, %dma_start3A_83, %dma_start3A_84] : memref<3x64x128xf32, #tpu.memory_space<vmem>> -> memref<1x64x128xf32, #tpu.memory_space<vmem>>
    %dma_start3A_86 = tpu.memref_squeeze %dma_start3A_85 : memref<1x64x128xf32, #tpu.memory_space<vmem>> -> memref<64x128xf32, #tpu.memory_space<vmem>>
    %dma_start3A_87 = arith.constant 0 : i32
    %dma_start3A_88 = tpu.memref_slice %arg2[%add3A_80, %dma_start3A_87] : memref<320000x128xf32, #tpu.memory_space<hbm>> -> memref<64x128xf32, #tpu.memory_space<hbm>>
    %dma_start3A_89 = tpu.memref_slice %arg13[%dma_start3A_82] : memref<3x!tpu.dma_semaphore, #tpu.memory_space<semaphore_mem>> -> memref<1x!tpu.dma_semaphore, #tpu.memory_space<semaphore_mem>>
    %dma_start3A_90 = tpu.memref_squeeze %dma_start3A_89 : memref<1x!tpu.dma_semaphore, #tpu.memory_space<semaphore_mem>> -> memref<!tpu.dma_semaphore, #tpu.memory_space<semaphore_mem>>
    %dma_start3A_91 = arith.constant 0 : i32
    %dma_start3A_92 = arith.constant 0 : i32
    %dma_start3A_93 = tpu.memref_slice %arg11[%dma_start3A_81, %dma_start3A_91, %dma_start3A_92] : memref<3x64x128xf32, #tpu.memory_space<vmem>> -> memref<1x64x128xf32, #tpu.memory_space<vmem>>
    %dma_start3A_94 = tpu.memref_squeeze %dma_start3A_93 : memref<1x64x128xf32, #tpu.memory_space<vmem>> -> memref<64x128xf32, #tpu.memory_space<vmem>>
    %dma_start3A_95 = arith.constant 0 : i32
    %dma_start3A_96 = tpu.memref_slice %arg2[%add3A_80, %dma_start3A_95] : memref<320000x128xf32, #tpu.memory_space<hbm>> -> memref<64x128xf32, #tpu.memory_space<hbm>>
    tpu.enqueue_dma source(%dma_start3A_96 : memref<64x128xf32, #tpu.memory_space<hbm>>) target(%dma_start3A_94 : memref<64x128xf32, #tpu.memory_space<vmem>>) target_semaphore(%dma_start3A_90 : memref<!tpu.dma_semaphore, #tpu.memory_space<semaphore_mem>>)
    %scan3A_97 = arith.constant 0 : i32
    %scan3A_98 = arith.constant 0 : i32
    %scan3A_99 = arith.constant 52 : i32
    %scan3A_100 = arith.addi %scan3A_98, %scan3A_99 : i32
    %scan3A_101 = arith.constant 1 : i32
    %scan3A_102 = scf.for %scan3A_140 = %scan3A_98 to %scan3A_100 step %scan3A_101 iter_args(%scan3A_141 = %scan3A_97) -> (i32)  : i32 {
      %mul3A_142 = arith.constant 3 : i32
      %mul3A_143 = arith.muli %scan3A_140, %mul3A_142 : i32
      %add3A_144 = arith.constant 0 : i32
      %add3A_145 = arith.addi %mul3A_143, %add3A_144 : i32
      %mul3A_146 = arith.constant 64 : i32
      %mul3A_147 = arith.muli %add3A_145, %mul3A_146 : i32
      %add3A_148 = arith.addi %mul3A_2, %mul3A_147 : i32
      %dma_wait3A_149 = arith.constant 0 : i32
      %dma_wait3A_150 = arith.constant 0 : i32
      %dma_wait3A_151 = arith.constant 0 : i32
      %dma_wait3A_152 = arith.constant 0 : i32
      %dma_wait3A_153 = tpu.memref_slice %arg11[%dma_wait3A_149, %dma_wait3A_151, %dma_wait3A_152] : memref<3x64x128xf32, #tpu.memory_space<vmem>> -> memref<1x64x128xf32, #tpu.memory_space<vmem>>
      %dma_wait3A_154 = tpu.memref_squeeze %dma_wait3A_153 : memref<1x64x128xf32, #tpu.memory_space<vmem>> -> memref<64x128xf32, #tpu.memory_space<vmem>>
      %dma_wait3A_155 = arith.constant 0 : i32
      %dma_wait3A_156 = tpu.memref_slice %arg2[%add3A_148, %dma_wait3A_155] : memref<320000x128xf32, #tpu.memory_space<hbm>> -> memref<64x128xf32, #tpu.memory_space<hbm>>
      %dma_wait3A_157 = tpu.memref_slice %arg13[%dma_wait3A_150] : memref<3x!tpu.dma_semaphore, #tpu.memory_space<semaphore_mem>> -> memref<1x!tpu.dma_semaphore, #tpu.memory_space<semaphore_mem>>
      %dma_wait3A_158 = tpu.memref_squeeze %dma_wait3A_157 : memref<1x!tpu.dma_semaphore, #tpu.memory_space<semaphore_mem>> -> memref<!tpu.dma_semaphore, #tpu.memory_space<semaphore_mem>>
      %dma_wait3A_159 = arith.constant 0 : i32
      %dma_wait3A_160 = arith.constant 0 : i32
      %dma_wait3A_161 = tpu.memref_slice %arg11[%dma_wait3A_149, %dma_wait3A_159, %dma_wait3A_160] : memref<3x64x128xf32, #tpu.memory_space<vmem>> -> memref<1x64x128xf32, #tpu.memory_space<vmem>>
      %dma_wait3A_162 = tpu.memref_squeeze %dma_wait3A_161 : memref<1x64x128xf32, #tpu.memory_space<vmem>> -> memref<64x128xf32, #tpu.memory_space<vmem>>
      %dma_wait3A_163 = arith.constant 0 : i32
      %dma_wait3A_164 = tpu.memref_slice %arg2[%add3A_148, %dma_wait3A_163] : memref<320000x128xf32, #tpu.memory_space<hbm>> -> memref<64x128xf32, #tpu.memory_space<hbm>>
      tpu.wait_dma2 semaphore(%dma_wait3A_158 : memref<!tpu.dma_semaphore, #tpu.memory_space<semaphore_mem>>) src(%dma_wait3A_164 : memref<64x128xf32, #tpu.memory_space<hbm>>) dst(%dma_wait3A_162 : memref<64x128xf32, #tpu.memory_space<vmem>>)
      %scan3A_165 = arith.constant 0 : i32
      %scan3A_166 = arith.constant 0 : i32
      %scan3A_167 = arith.constant 4 : i32
      %scan3A_168 = arith.addi %scan3A_166, %scan3A_167 : i32
      %scan3A_169 = arith.constant 1 : i32
      %scan3A_170 = scf.for %scan3A_313 = %scan3A_166 to %scan3A_168 step %scan3A_169 iter_args(%scan3A_314 = %scan3A_165) -> (i32)  : i32 {
        %mul3A_315 = arith.constant 64 : i32
        %mul3A_316 = arith.muli %add3A_145, %mul3A_315 : i32
        %mul3A_317 = arith.constant 16 : i32
        %mul3A_318 = arith.muli %scan3A_313, %mul3A_317 : i32
        %add3A_319 = arith.addi %mul3A_316, %mul3A_318 : i32
        %get3A_320 = arith.index_cast %add3A_319 : i32 to index
        %get3A_321 = tpu.vector_load %arg8[%get3A_320] {strides = array<i32>} : memref<10000xi32, #tpu.memory_space<vmem>>, vector<16xi32>,
        %mul3A_322 = arith.constant 16 : i32
        %mul3A_323 = arith.muli %scan3A_313, %mul3A_322 : i32
        %swap3A_324 = arith.constant 0 : i32
        %swap3A_325 = arith.index_cast %swap3A_324 : i32 to index
        %swap3A_326 = arith.index_cast %mul3A_323 : i32 to index
        %swap3A_327 = tpu.vector_load %arg9[%swap3A_325, %swap3A_326] {strides = array<i32>} : memref<3x64xi32, #tpu.memory_space<vmem>>, vector<16xi32>,
        tpu.vector_store %arg9[%swap3A_325, %swap3A_326], %get3A_321 {strides = array<i32>} : memref<3x64xi32, #tpu.memory_space<vmem>>, vector<16xi32>,
        %scan3A_328 = arith.constant 0 : i32
        scf.yield %scan3A_328 : i32
      }
      %scan3A_171 = arith.constant 4 : i32
      %scan3A_172 = arith.constant 0 : i32
      %scan3A_173 = arith.constant 0 : i32
      %scan3A_174 = arith.constant 16 : i32
      %scan3A_175 = arith.addi %scan3A_173, %scan3A_174 : i32
      %scan3A_176 = arith.constant 1 : i32
      %scan3A_177 = scf.for %scan3A_313 = %scan3A_173 to %scan3A_175 step %scan3A_176 iter_args(%scan3A_314 = %scan3A_172) -> (i32)  : i32 {
        %mul3A_315 = arith.constant 4 : i32
        %mul3A_316 = arith.muli %scan3A_313, %mul3A_315 : i32
        %add3A_317 = arith.constant 0 : i32
        %add3A_318 = arith.addi %mul3A_316, %add3A_317 : i32
        %mul3A_319 = arith.constant 64 : i32
        %mul3A_320 = arith.muli %add3A_145, %mul3A_319 : i32
        %add3A_321 = arith.addi %mul3A_320, %add3A_318 : i32
        %broadcast_in_dim3A = vector.broadcast %add3A_321 : i32 to vector<16xi32>
        %gather3A = tpu.vector_load_idx %arg7[%broadcast_in_dim3A] : memref<10000xf32, #tpu.memory_space<vmem>>[vector<16xi32>], vector<16xf32>,
        %get3A_322 = arith.constant 0 : i32
        %get3A_323 = arith.index_cast %get3A_322 : i32 to index
        %get3A_324 = arith.index_cast %add3A_318 : i32 to index
        %get3A_325 = arith.constant 0 : index
        %get3A_326 = tpu.vector_load %arg11[%get3A_323, %get3A_324, %get3A_325] {strides = array<i32>} : memref<3x64x128xf32, #tpu.memory_space<vmem>>, vector<16xf32>,
        %mul3A_327 = arith.mulf %get3A_326, %gather3A : vector<16xf32>
        %swap3A_328 = arith.constant 0 : i32
        %swap3A_329 = arith.index_cast %swap3A_328 : i32 to index
        %swap3A_330 = arith.index_cast %add3A_318 : i32 to index
        %swap3A_331 = arith.constant 0 : index
        %swap3A_332 = tpu.vector_load %arg11[%swap3A_329, %swap3A_330, %swap3A_331] {strides = array<i32>} : memref<3x64x128xf32, #tpu.memory_space<vmem>>, vector<16xf32>,
        tpu.vector_store %arg11[%swap3A_329, %swap3A_330, %swap3A_331], %mul3A_327 {strides = array<i32>} : memref<3x64x128xf32, #tpu.memory_space<vmem>>, vector<16xf32>,
        %get3A_333 = arith.constant 0 : i32
        %get3A_334 = arith.index_cast %get3A_333 : i32 to index
        %get3A_335 = arith.index_cast %add3A_318 : i32 to index
        %get3A_336 = arith.constant 16 : index
        %get3A_337 = tpu.vector_load %arg11[%get3A_334, %get3A_335, %get3A_336] {strides = array<i32>} : memref<3x64x128xf32, #tpu.memory_space<vmem>>, vector<16xf32>,
        %mul3A_338 = arith.mulf %get3A_337, %gather3A : vector<16xf32>
        %swap3A_339 = arith.constant 0 : i32
        %swap3A_340 = arith.index_cast %swap3A_339 : i32 to index
        %swap3A_341 = arith.index_cast %add3A_318 : i32 to index
        %swap3A_342 = arith.constant 16 : index
        %swap3A_343 = tpu.vector_load %arg11[%swap3A_340, %swap3A_341, %swap3A_342] {strides = array<i32>} : memref<3x64x128xf32, #tpu.memory_space<vmem>>, vector<16xf32>,
        tpu.vector_store %arg11[%swap3A_340, %swap3A_341, %swap3A_342], %mul3A_338 {strides = array<i32>} : memref<3x64x128xf32, #tpu.memory_space<vmem>>, vector<16xf32>,
        %get3A_344 = arith.constant 0 : i32
        %get3A_345 = arith.index_cast %get3A_344 : i32 to index
        %get3A_346 = arith.index_cast %add3A_318 : i32 to index
        %get3A_347 = arith.constant 32 : index
        %get3A_348 = tpu.vector_load %arg11[%get3A_345, %get3A_346, %get3A_347] {strides = array<i32>} : memref<3x64x128xf32, #tpu.memory_space<vmem>>, vector<16xf32>,
        %mul3A_349 = arith.mulf %get3A_348, %gather3A : vector<16xf32>
        %swap3A_350 = arith.constant 0 : i32
        %swap3A_351 = arith.index_cast %swap3A_350 : i32 to index
        %swap3A_352 = arith.index_cast %add3A_318 : i32 to index
        %swap3A_353 = arith.constant 32 : index
        %swap3A_354 = tpu.vector_load %arg11[%swap3A_351, %swap3A_352, %swap3A_353] {strides = array<i32>} : memref<3x64x128xf32, #tpu.memory_space<vmem>>, vector<16xf32>,
        tpu.vector_store %arg11[%swap3A_351, %swap3A_352, %swap3A_353], %mul3A_349 {strides = array<i32>} : memref<3x64x128xf32, #tpu.memory_space<vmem>>, vector<16xf32>,
        %get3A_355 = arith.constant 0 : i32
        %get3A_356 = arith.index_cast %get3A_355 : i32 to index
        %get3A_357 = arith.index_cast %add3A_318 : i32 to index
        %get3A_358 = arith.constant 48 : index
        %get3A_359 = tpu.vector_load %arg11[%get3A_356, %get3A_357, %get3A_358] {strides = array<i32>} : memref<3x64x128xf32, #tpu.memory_space<vmem>>, vector<16xf32>,
        %mul3A_360 = arith.mulf %get3A_359, %gather3A : vector<16xf32>
        %swap3A_361 = arith.constant 0 : i32
        %swap3A_362 = arith.index_cast %swap3A_361 : i32 to index
        %swap3A_363 = arith.index_cast %add3A_318 : i32 to index
        %swap3A_364 = arith.constant 48 : index
        %swap3A_365 = tpu.vector_load %arg11[%swap3A_362, %swap3A_363, %swap3A_364] {strides = array<i32>} : memref<3x64x128xf32, #tpu.memory_space<vmem>>, vector<16xf32>,
        tpu.vector_store %arg11[%swap3A_362, %swap3A_363, %swap3A_364], %mul3A_360 {strides = array<i32>} : memref<3x64x128xf32, #tpu.memory_space<vmem>>, vector<16xf32>,
        %get3A_366 = arith.constant 0 : i32
        %get3A_367 = arith.index_cast %get3A_366 : i32 to index
        %get3A_368 = arith.index_cast %add3A_318 : i32 to index
        %get3A_369 = arith.constant 64 : index
        %get3A_370 = tpu.vector_load %arg11[%get3A_367, %get3A_368, %get3A_369] {strides = array<i32>} : memref<3x64x128xf32, #tpu.memory_space<vmem>>, vector<16xf32>,
        %mul3A_371 = arith.mulf %get3A_370, %gather3A : vector<16xf32>
        %swap3A_372 = arith.constant 0 : i32
        %swap3A_373 = arith.index_cast %swap3A_372 : i32 to index
        %swap3A_374 = arith.index_cast %add3A_318 : i32 to index
        %swap3A_375 = arith.constant 64 : index
        %swap3A_376 = tpu.vector_load %arg11[%swap3A_373, %swap3A_374, %swap3A_375] {strides = array<i32>} : memref<3x64x128xf32, #tpu.memory_space<vmem>>, vector<16xf32>,
        tpu.vector_store %arg11[%swap3A_373, %swap3A_374, %swap3A_375], %mul3A_371 {strides = array<i32>} : memref<3x64x128xf32, #tpu.memory_space<vmem>>, vector<16xf32>,
        %get3A_377 = arith.constant 0 : i32
        %get3A_378 = arith.index_cast %get3A_377 : i32 to index
        %get3A_379 = arith.index_cast %add3A_318 : i32 to index
        %get3A_380 = arith.constant 80 : index
        %get3A_381 = tpu.vector_load %arg11[%get3A_378, %get3A_379, %get3A_380] {strides = array<i32>} : memref<3x64x128xf32, #tpu.memory_space<vmem>>, vector<16xf32>,
        %mul3A_382 = arith.mulf %get3A_381, %gather3A : vector<16xf32>
        %swap3A_383 = arith.constant 0 : i32
        %swap3A_384 = arith.index_cast %swap3A_383 : i32 to index
        %swap3A_385 = arith.index_cast %add3A_318 : i32 to index
        %swap3A_386 = arith.constant 80 : index
        %swap3A_387 = tpu.vector_load %arg11[%swap3A_384, %swap3A_385, %swap3A_386] {strides = array<i32>} : memref<3x64x128xf32, #tpu.memory_space<vmem>>, vector<16xf32>,
        tpu.vector_store %arg11[%swap3A_384, %swap3A_385, %swap3A_386], %mul3A_382 {strides = array<i32>} : memref<3x64x128xf32, #tpu.memory_space<vmem>>, vector<16xf32>,
        %get3A_388 = arith.constant 0 : i32
        %get3A_389 = arith.index_cast %get3A_388 : i32 to index
        %get3A_390 = arith.index_cast %add3A_318 : i32 to index
        %get3A_391 = arith.constant 96 : index
        %get3A_392 = tpu.vector_load %arg11[%get3A_389, %get3A_390, %get3A_391] {strides = array<i32>} : memref<3x64x128xf32, #tpu.memory_space<vmem>>, vector<16xf32>,
        %mul3A_393 = arith.mulf %get3A_392, %gather3A : vector<16xf32>
        %swap3A_394 = arith.constant 0 : i32
        %swap3A_395 = arith.index_cast %swap3A_394 : i32 to index
        %swap3A_396 = arith.index_cast %add3A_318 : i32 to index
        %swap3A_397 = arith.constant 96 : index
        %swap3A_398 = tpu.vector_load %arg11[%swap3A_395, %swap3A_396, %swap3A_397] {strides = array<i32>} : memref<3x64x128xf32, #tpu.memory_space<vmem>>, vector<16xf32>,
        tpu.vector_store %arg11[%swap3A_395, %swap3A_396, %swap3A_397], %mul3A_393 {strides = array<i32>} : memref<3x64x128xf32, #tpu.memory_space<vmem>>, vector<16xf32>,
        %get3A_399 = arith.constant 0 : i32
        %get3A_400 = arith.index_cast %get3A_399 : i32 to index
        %get3A_401 = arith.index_cast %add3A_318 : i32 to index
        %get3A_402 = arith.constant 112 : index
        %get3A_403 = tpu.vector_load %arg11[%get3A_400, %get3A_401, %get3A_402] {strides = array<i32>} : memref<3x64x128xf32, #tpu.memory_space<vmem>>, vector<16xf32>,
        %mul3A_404 = arith.mulf %get3A_403, %gather3A : vector<16xf32>
        %swap3A_405 = arith.constant 0 : i32
        %swap3A_406 = arith.index_cast %swap3A_405 : i32 to index
        %swap3A_407 = arith.index_cast %add3A_318 : i32 to index
        %swap3A_408 = arith.constant 112 : index
        %swap3A_409 = tpu.vector_load %arg11[%swap3A_406, %swap3A_407, %swap3A_408] {strides = array<i32>} : memref<3x64x128xf32, #tpu.memory_space<vmem>>, vector<16xf32>,
        tpu.vector_store %arg11[%swap3A_406, %swap3A_407, %swap3A_408], %mul3A_404 {strides = array<i32>} : memref<3x64x128xf32, #tpu.memory_space<vmem>>, vector<16xf32>,
        %mul3A_410 = arith.constant 4 : i32
        %mul3A_411 = arith.muli %scan3A_313, %mul3A_410 : i32
        %add3A_412 = arith.constant 1 : i32
        %add3A_413 = arith.addi %mul3A_411, %add3A_412 : i32
        %mul3A_414 = arith.constant 64 : i32
        %mul3A_415 = arith.muli %add3A_145, %mul3A_414 : i32
        %add3A_416 = arith.addi %mul3A_415, %add3A_413 : i32
        %broadcast_in_dim3A_417 = vector.broadcast %add3A_416 : i32 to vector<16xi32>
        %gather3A_418 = tpu.vector_load_idx %arg7[%broadcast_in_dim3A_417] : memref<10000xf32, #tpu.memory_space<vmem>>[vector<16xi32>], vector<16xf32>,
        %get3A_419 = arith.constant 0 : i32
        %get3A_420 = arith.index_cast %get3A_419 : i32 to index
        %get3A_421 = arith.index_cast %add3A_413 : i32 to index
        %get3A_422 = arith.constant 0 : index
        %get3A_423 = tpu.vector_load %arg11[%get3A_420, %get3A_421, %get3A_422] {strides = array<i32>} : memref<3x64x128xf32, #tpu.memory_space<vmem>>, vector<16xf32>,
        %mul3A_424 = arith.mulf %get3A_423, %gather3A_418 : vector<16xf32>
        %swap3A_425 = arith.constant 0 : i32
        %swap3A_426 = arith.index_cast %swap3A_425 : i32 to index
        %swap3A_427 = arith.index_cast %add3A_413 : i32 to index
        %swap3A_428 = arith.constant 0 : index
        %swap3A_429 = tpu.vector_load %arg11[%swap3A_426, %swap3A_427, %swap3A_428] {strides = array<i32>} : memref<3x64x128xf32, #tpu.memory_space<vmem>>, vector<16xf32>,
        tpu.vector_store %arg11[%swap3A_426, %swap3A_427, %swap3A_428], %mul3A_424 {strides = array<i32>} : memref<3x64x128xf32, #tpu.memory_space<vmem>>, vector<16xf32>,
        %get3A_430 = arith.constant 0 : i32
        %get3A_431 = arith.index_cast %get3A_430 : i32 to index
        %get3A_432 = arith.index_cast %add3A_413 : i32 to index
        %get3A_433 = arith.constant 16 : index
        %get3A_434 = tpu.vector_load %arg11[%get3A_431, %get3A_432, %get3A_433] {strides = array<i32>} : memref<3x64x128xf32, #tpu.memory_space<vmem>>, vector<16xf32>,
        %mul3A_435 = arith.mulf %get3A_434, %gather3A_418 : vector<16xf32>
        %swap3A_436 = arith.constant 0 : i32
        %swap3A_437 = arith.index_cast %swap3A_436 : i32 to index
        %swap3A_438 = arith.index_cast %add3A_413 : i32 to index
        %swap3A_439 = arith.constant 16 : index
        %swap3A_440 = tpu.vector_load %arg11[%swap3A_437, %swap3A_438, %swap3A_439] {strides = array<i32>} : memref<3x64x128xf32, #tpu.memory_space<vmem>>, vector<16xf32>,
        tpu.vector_store %arg11[%swap3A_437, %swap3A_438, %swap3A_439], %mul3A_435 {strides = array<i32>} : memref<3x64x128xf32, #tpu.memory_space<vmem>>, vector<16xf32>,
        %get3A_441 = arith.constant 0 : i32
        %get3A_442 = arith.index_cast %get3A_441 : i32 to index
        %get3A_443 = arith.index_cast %add3A_413 : i32 to index
        %get3A_444 = arith.constant 32 : index
        %get3A_445 = tpu.vector_load %arg11[%get3A_442, %get3A_443, %get3A_444] {strides = array<i32>} : memref<3x64x128xf32, #tpu.memory_space<vmem>>, vector<16xf32>,
        %mul3A_446 = arith.mulf %get3A_445, %gather3A_418 : vector<16xf32>
        %swap3A_447 = arith.constant 0 : i32
        %swap3A_448 = arith.index_cast %swap3A_447 : i32 to index
        %swap3A_449 = arith.index_cast %add3A_413 : i32 to index
        %swap3A_450 = arith.constant 32 : index
        %swap3A_451 = tpu.vector_load %arg11[%swap3A_448, %swap3A_449, %swap3A_450] {strides = array<i32>} : memref<3x64x128xf32, #tpu.memory_space<vmem>>, vector<16xf32>,
        tpu.vector_store %arg11[%swap3A_448, %swap3A_449, %swap3A_450], %mul3A_446 {strides = array<i32>} : memref<3x64x128xf32, #tpu.memory_space<vmem>>, vector<16xf32>,
        %get3A_452 = arith.constant 0 : i32
        %get3A_453 = arith.index_cast %get3A_452 : i32 to index
        %get3A_454 = arith.index_cast %add3A_413 : i32 to index
        %get3A_455 = arith.constant 48 : index
        %get3A_456 = tpu.vector_load %arg11[%get3A_453, %get3A_454, %get3A_455] {strides = array<i32>} : memref<3x64x128xf32, #tpu.memory_space<vmem>>, vector<16xf32>,
        %mul3A_457 = arith.mulf %get3A_456, %gather3A_418 : vector<16xf32>
        %swap3A_458 = arith.constant 0 : i32
        %swap3A_459 = arith.index_cast %swap3A_458 : i32 to index
        %swap3A_460 = arith.index_cast %add3A_413 : i32 to index
        %swap3A_461 = arith.constant 48 : index
        %swap3A_462 = tpu.vector_load %arg11[%swap3A_459, %swap3A_460, %swap3A_461] {strides = array<i32>} : memref<3x64x128xf32, #tpu.memory_space<vmem>>, vector<16xf32>,
        tpu.vector_store %arg11[%swap3A_459, %swap3A_460, %swap3A_461], %mul3A_457 {strides = array<i32>} : memref<3x64x128xf32, #tpu.memory_space<vmem>>, vector<16xf32>,
        %get3A_463 = arith.constant 0 : i32
        %get3A_464 = arith.index_cast %get3A_463 : i32 to index
        %get3A_465 = arith.index_cast %add3A_413 : i32 to index
        %get3A_466 = arith.constant 64 : index
        %get3A_467 = tpu.vector_load %arg11[%get3A_464, %get3A_465, %get3A_466] {strides = array<i32>} : memref<3x64x128xf32, #tpu.memory_space<vmem>>, vector<16xf32>,
        %mul3A_468 = arith.mulf %get3A_467, %gather3A_418 : vector<16xf32>
        %swap3A_469 = arith.constant 0 : i32
        %swap3A_470 = arith.index_cast %swap3A_469 : i32 to index
        %swap3A_471 = arith.index_cast %add3A_413 : i32 to index
        %swap3A_472 = arith.constant 64 : index
        %swap3A_473 = tpu.vector_load %arg11[%swap3A_470, %swap3A_471, %swap3A_472] {strides = array<i32>} : memref<3x64x128xf32, #tpu.memory_space<vmem>>, vector<16xf32>,
        tpu.vector_store %arg11[%swap3A_470, %swap3A_471, %swap3A_472], %mul3A_468 {strides = array<i32>} : memref<3x64x128xf32, #tpu.memory_space<vmem>>, vector<16xf32>,
        %get3A_474 = arith.constant 0 : i32
        %get3A_475 = arith.index_cast %get3A_474 : i32 to index
        %get3A_476 = arith.index_cast %add3A_413 : i32 to index
        %get3A_477 = arith.constant 80 : index
        %get3A_478 = tpu.vector_load %arg11[%get3A_475, %get3A_476, %get3A_477] {strides = array<i32>} : memref<3x64x128xf32, #tpu.memory_space<vmem>>, vector<16xf32>,
        %mul3A_479 = arith.mulf %get3A_478, %gather3A_418 : vector<16xf32>
        %swap3A_480 = arith.constant 0 : i32
        %swap3A_481 = arith.index_cast %swap3A_480 : i32 to index
        %swap3A_482 = arith.index_cast %add3A_413 : i32 to index
        %swap3A_483 = arith.constant 80 : index
        %swap3A_484 = tpu.vector_load %arg11[%swap3A_481, %swap3A_482, %swap3A_483] {strides = array<i32>} : memref<3x64x128xf32, #tpu.memory_space<vmem>>, vector<16xf32>,
        tpu.vector_store %arg11[%swap3A_481, %swap3A_482, %swap3A_483], %mul3A_479 {strides = array<i32>} : memref<3x64x128xf32, #tpu.memory_space<vmem>>, vector<16xf32>,
        %get3A_485 = arith.constant 0 : i32
        %get3A_486 = arith.index_cast %get3A_485 : i32 to index
        %get3A_487 = arith.index_cast %add3A_413 : i32 to index
        %get3A_488 = arith.constant 96 : index
        %get3A_489 = tpu.vector_load %arg11[%get3A_486, %get3A_487, %get3A_488] {strides = array<i32>} : memref<3x64x128xf32, #tpu.memory_space<vmem>>, vector<16xf32>,
        %mul3A_490 = arith.mulf %get3A_489, %gather3A_418 : vector<16xf32>
        %swap3A_491 = arith.constant 0 : i32
        %swap3A_492 = arith.index_cast %swap3A_491 : i32 to index
        %swap3A_493 = arith.index_cast %add3A_413 : i32 to index
        %swap3A_494 = arith.constant 96 : index
        %swap3A_495 = tpu.vector_load %arg11[%swap3A_492, %swap3A_493, %swap3A_494] {strides = array<i32>} : memref<3x64x128xf32, #tpu.memory_space<vmem>>, vector<16xf32>,
        tpu.vector_store %arg11[%swap3A_492, %swap3A_493, %swap3A_494], %mul3A_490 {strides = array<i32>} : memref<3x64x128xf32, #tpu.memory_space<vmem>>, vector<16xf32>,
        %get3A_496 = arith.constant 0 : i32
        %get3A_497 = arith.index_cast %get3A_496 : i32 to index
        %get3A_498 = arith.index_cast %add3A_413 : i32 to index
        %get3A_499 = arith.constant 112 : index
        %get3A_500 = tpu.vector_load %arg11[%get3A_497, %get3A_498, %get3A_499] {strides = array<i32>} : memref<3x64x128xf32, #tpu.memory_space<vmem>>, vector<16xf32>,
        %mul3A_501 = arith.mulf %get3A_500, %gather3A_418 : vector<16xf32>
        %swap3A_502 = arith.constant 0 : i32
        %swap3A_503 = arith.index_cast %swap3A_502 : i32 to index
        %swap3A_504 = arith.index_cast %add3A_413 : i32 to index
        %swap3A_505 = arith.constant 112 : index
        %swap3A_506 = tpu.vector_load %arg11[%swap3A_503, %swap3A_504, %swap3A_505] {strides = array<i32>} : memref<3x64x128xf32, #tpu.memory_space<vmem>>, vector<16xf32>,
        tpu.vector_store %arg11[%swap3A_503, %swap3A_504, %swap3A_505], %mul3A_501 {strides = array<i32>} : memref<3x64x128xf32, #tpu.memory_space<vmem>>, vector<16xf32>,
        %mul3A_507 = arith.constant 4 : i32
        %mul3A_508 = arith.muli %scan3A_313, %mul3A_507 : i32
        %add3A_509 = arith.constant 2 : i32
        %add3A_510 = arith.addi %mul3A_508, %add3A_509 : i32
        %mul3A_511 = arith.constant 64 : i32
        %mul3A_512 = arith.muli %add3A_145, %mul3A_511 : i32
        %add3A_513 = arith.addi %mul3A_512, %add3A_510 : i32
        %broadcast_in_dim3A_514 = vector.broadcast %add3A_513 : i32 to vector<16xi32>
        %gather3A_515 = tpu.vector_load_idx %arg7[%broadcast_in_dim3A_514] : memref<10000xf32, #tpu.memory_space<vmem>>[vector<16xi32>], vector<16xf32>,
        %get3A_516 = arith.constant 0 : i32
        %get3A_517 = arith.index_cast %get3A_516 : i32 to index
        %get3A_518 = arith.index_cast %add3A_510 : i32 to index
        %get3A_519 = arith.constant 0 : index
        %get3A_520 = tpu.vector_load %arg11[%get3A_517, %get3A_518, %get3A_519] {strides = array<i32>} : memref<3x64x128xf32, #tpu.memory_space<vmem>>, vector<16xf32>,
        %mul3A_521 = arith.mulf %get3A_520, %gather3A_515 : vector<16xf32>
        %swap3A_522 = arith.constant 0 : i32
        %swap3A_523 = arith.index_cast %swap3A_522 : i32 to index
        %swap3A_524 = arith.index_cast %add3A_510 : i32 to index
        %swap3A_525 = arith.constant 0 : index
        %swap3A_526 = tpu.vector_load %arg11[%swap3A_523, %swap3A_524, %swap3A_525] {strides = array<i32>} : memref<3x64x128xf32, #tpu.memory_space<vmem>>, vector<16xf32>,
        tpu.vector_store %arg11[%swap3A_523, %swap3A_524, %swap3A_525], %mul3A_521 {strides = array<i32>} : memref<3x64x128xf32, #tpu.memory_space<vmem>>, vector<16xf32>,
        %get3A_527 = arith.constant 0 : i32
        %get3A_528 = arith.index_cast %get3A_527 : i32 to index
        %get3A_529 = arith.index_cast %add3A_510 : i32 to index
        %get3A_530 = arith.constant 16 : index
        %get3A_531 = tpu.vector_load %arg11[%get3A_528, %get3A_529, %get3A_530] {strides = array<i32>} : memref<3x64x128xf32, #tpu.memory_space<vmem>>, vector<16xf32>,
        %mul3A_532 = arith.mulf %get3A_531, %gather3A_515 : vector<16xf32>
        %swap3A_533 = arith.constant 0 : i32
        %swap3A_534 = arith.index_cast %swap3A_533 : i32 to index
        %swap3A_535 = arith.index_cast %add3A_510 : i32 to index
        %swap3A_536 = arith.constant 16 : index
        %swap3A_537 = tpu.vector_load %arg11[%swap3A_534, %swap3A_535, %swap3A_536] {strides = array<i32>} : memref<3x64x128xf32, #tpu.memory_space<vmem>>, vector<16xf32>,
        tpu.vector_store %arg11[%swap3A_534, %swap3A_535, %swap3A_536], %mul3A_532 {strides = array<i32>} : memref<3x64x128xf32, #tpu.memory_space<vmem>>, vector<16xf32>,
        %get3A_538 = arith.constant 0 : i32
        %get3A_539 = arith.index_cast %get3A_538 : i32 to index
        %get3A_540 = arith.index_cast %add3A_510 : i32 to index
        %get3A_541 = arith.constant 32 : index
        %get3A_542 = tpu.vector_load %arg11[%get3A_539, %get3A_540, %get3A_541] {strides = array<i32>} : memref<3x64x128xf32, #tpu.memory_space<vmem>>, vector<16xf32>,
        %mul3A_543 = arith.mulf %get3A_542, %gather3A_515 : vector<16xf32>
        %swap3A_544 = arith.constant 0 : i32
        %swap3A_545 = arith.index_cast %swap3A_544 : i32 to index
        %swap3A_546 = arith.index_cast %add3A_510 : i32 to index
        %swap3A_547 = arith.constant 32 : index
        %swap3A_548 = tpu.vector_load %arg11[%swap3A_545, %swap3A_546, %swap3A_547] {strides = array<i32>} : memref<3x64x128xf32, #tpu.memory_space<vmem>>, vector<16xf32>,
        tpu.vector_store %arg11[%swap3A_545, %swap3A_546, %swap3A_547], %mul3A_543 {strides = array<i32>} : memref<3x64x128xf32, #tpu.memory_space<vmem>>, vector<16xf32>,
        %get3A_549 = arith.constant 0 : i32
        %get3A_550 = arith.index_cast %get3A_549 : i32 to index
        %get3A_551 = arith.index_cast %add3A_510 : i32 to index
        %get3A_552 = arith.constant 48 : index
        %get3A_553 = tpu.vector_load %arg11[%get3A_550, %get3A_551, %get3A_552] {strides = array<i32>} : memref<3x64x128xf32, #tpu.memory_space<vmem>>, vector<16xf32>,
        %mul3A_554 = arith.mulf %get3A_553, %gather3A_515 : vector<16xf32>
        %swap3A_555 = arith.constant 0 : i32
        %swap3A_556 = arith.index_cast %swap3A_555 : i32 to index
        %swap3A_557 = arith.index_cast %add3A_510 : i32 to index
        %swap3A_558 = arith.constant 48 : index
        %swap3A_559 = tpu.vector_load %arg11[%swap3A_556, %swap3A_557, %swap3A_558] {strides = array<i32>} : memref<3x64x128xf32, #tpu.memory_space<vmem>>, vector<16xf32>,
        tpu.vector_store %arg11[%swap3A_556, %swap3A_557, %swap3A_558], %mul3A_554 {strides = array<i32>} : memref<3x64x128xf32, #tpu.memory_space<vmem>>, vector<16xf32>,
        %get3A_560 = arith.constant 0 : i32
        %get3A_561 = arith.index_cast %get3A_560 : i32 to index
        %get3A_562 = arith.index_cast %add3A_510 : i32 to index
        %get3A_563 = arith.constant 64 : index
        %get3A_564 = tpu.vector_load %arg11[%get3A_561, %get3A_562, %get3A_563] {strides = array<i32>} : memref<3x64x128xf32, #tpu.memory_space<vmem>>, vector<16xf32>,
        %mul3A_565 = arith.mulf %get3A_564, %gather3A_515 : vector<16xf32>
        %swap3A_566 = arith.constant 0 : i32
        %swap3A_567 = arith.index_cast %swap3A_566 : i32 to index
        %swap3A_568 = arith.index_cast %add3A_510 : i32 to index
        %swap3A_569 = arith.constant 64 : index
        %swap3A_570 = tpu.vector_load %arg11[%swap3A_567, %swap3A_568, %swap3A_569] {strides = array<i32>} : memref<3x64x128xf32, #tpu.memory_space<vmem>>, vector<16xf32>,
        tpu.vector_store %arg11[%swap3A_567, %swap3A_568, %swap3A_569], %mul3A_565 {strides = array<i32>} : memref<3x64x128xf32, #tpu.memory_space<vmem>>, vector<16xf32>,
        %get3A_571 = arith.constant 0 : i32
        %get3A_572 = arith.index_cast %get3A_571 : i32 to index
        %get3A_573 = arith.index_cast %add3A_510 : i32 to index
        %get3A_574 = arith.constant 80 : index
        %get3A_575 = tpu.vector_load %arg11[%get3A_572, %get3A_573, %get3A_574] {strides = array<i32>} : memref<3x64x128xf32, #tpu.memory_space<vmem>>, vector<16xf32>,
        %mul3A_576 = arith.mulf %get3A_575, %gather3A_515 : vector<16xf32>
        %swap3A_577 = arith.constant 0 : i32
        %swap3A_578 = arith.index_cast %swap3A_577 : i32 to index
        %swap3A_579 = arith.index_cast %add3A_510 : i32 to index
        %swap3A_580 = arith.constant 80 : index
        %swap3A_581 = tpu.vector_load %arg11[%swap3A_578, %swap3A_579, %swap3A_580] {strides = array<i32>} : memref<3x64x128xf32, #tpu.memory_space<vmem>>, vector<16xf32>,
        tpu.vector_store %arg11[%swap3A_578, %swap3A_579, %swap3A_580], %mul3A_576 {strides = array<i32>} : memref<3x64x128xf32, #tpu.memory_space<vmem>>, vector<16xf32>,
        %get3A_582 = arith.constant 0 : i32
        %get3A_583 = arith.index_cast %get3A_582 : i32 to index
        %get3A_584 = arith.index_cast %add3A_510 : i32 to index
        %get3A_585 = arith.constant 96 : index
        %get3A_586 = tpu.vector_load %arg11[%get3A_583, %get3A_584, %get3A_585] {strides = array<i32>} : memref<3x64x128xf32, #tpu.memory_space<vmem>>, vector<16xf32>,
        %mul3A_587 = arith.mulf %get3A_586, %gather3A_515 : vector<16xf32>
        %swap3A_588 = arith.constant 0 : i32
        %swap3A_589 = arith.index_cast %swap3A_588 : i32 to index
        %swap3A_590 = arith.index_cast %add3A_510 : i32 to index
        %swap3A_591 = arith.constant 96 : index
        %swap3A_592 = tpu.vector_load %arg11[%swap3A_589, %swap3A_590, %swap3A_591] {strides = array<i32>} : memref<3x64x128xf32, #tpu.memory_space<vmem>>, vector<16xf32>,
        tpu.vector_store %arg11[%swap3A_589, %swap3A_590, %swap3A_591], %mul3A_587 {strides = array<i32>} : memref<3x64x128xf32, #tpu.memory_space<vmem>>, vector<16xf32>,
        %get3A_593 = arith.constant 0 : i32
        %get3A_594 = arith.index_cast %get3A_593 : i32 to index
        %get3A_595 = arith.index_cast %add3A_510 : i32 to index
        %get3A_596 = arith.constant 112 : index
        %get3A_597 = tpu.vector_load %arg11[%get3A_594, %get3A_595, %get3A_596] {strides = array<i32>} : memref<3x64x128xf32, #tpu.memory_space<vmem>>, vector<16xf32>,
        %mul3A_598 = arith.mulf %get3A_597, %gather3A_515 : vector<16xf32>
        %swap3A_599 = arith.constant 0 : i32
        %swap3A_600 = arith.index_cast %swap3A_599 : i32 to index
        %swap3A_601 = arith.index_cast %add3A_510 : i32 to index
        %swap3A_602 = arith.constant 112 : index
        %swap3A_603 = tpu.vector_load %arg11[%swap3A_600, %swap3A_601, %swap3A_602] {strides = array<i32>} : memref<3x64x128xf32, #tpu.memory_space<vmem>>, vector<16xf32>,
        tpu.vector_store %arg11[%swap3A_600, %swap3A_601, %swap3A_602], %mul3A_598 {strides = array<i32>} : memref<3x64x128xf32, #tpu.memory_space<vmem>>, vector<16xf32>,
        %mul3A_604 = arith.constant 4 : i32
        %mul3A_605 = arith.muli %scan3A_313, %mul3A_604 : i32
        %add3A_606 = arith.constant 3 : i32
        %add3A_607 = arith.addi %mul3A_605, %add3A_606 : i32
        %mul3A_608 = arith.constant 64 : i32
        %mul3A_609 = arith.muli %add3A_145, %mul3A_608 : i32
        %add3A_610 = arith.addi %mul3A_609, %add3A_607 : i32
        %broadcast_in_dim3A_611 = vector.broadcast %add3A_610 : i32 to vector<16xi32>
        %gather3A_612 = tpu.vector_load_idx %arg7[%broadcast_in_dim3A_611] : memref<10000xf32, #tpu.memory_space<vmem>>[vector<16xi32>], vector<16xf32>,
        %get3A_613 = arith.constant 0 : i32
        %get3A_614 = arith.index_cast %get3A_613 : i32 to index
        %get3A_615 = arith.index_cast %add3A_607 : i32 to index
        %get3A_616 = arith.constant 0 : index
        %get3A_617 = tpu.vector_load %arg11[%get3A_614, %get3A_615, %get3A_616] {strides = array<i32>} : memref<3x64x128xf32, #tpu.memory_space<vmem>>, vector<16xf32>,
        %mul3A_618 = arith.mulf %get3A_617, %gather3A_612 : vector<16xf32>
        %swap3A_619 = arith.constant 0 : i32
        %swap3A_620 = arith.index_cast %swap3A_619 : i32 to index
        %swap3A_621 = arith.index_cast %add3A_607 : i32 to index
        %swap3A_622 = arith.constant 0 : index
        %swap3A_623 = tpu.vector_load %arg11[%swap3A_620, %swap3A_621, %swap3A_622] {strides = array<i32>} : memref<3x64x128xf32, #tpu.memory_space<vmem>>, vector<16xf32>,
        tpu.vector_store %arg11[%swap3A_620, %swap3A_621, %swap3A_622], %mul3A_618 {strides = array<i32>} : memref<3x64x128xf32, #tpu.memory_space<vmem>>, vector<16xf32>,
        %get3A_624 = arith.constant 0 : i32
        %get3A_625 = arith.index_cast %get3A_624 : i32 to index
        %get3A_626 = arith.index_cast %add3A_607 : i32 to index
        %get3A_627 = arith.constant 16 : index
        %get3A_628 = tpu.vector_load %arg11[%get3A_625, %get3A_626, %get3A_627] {strides = array<i32>} : memref<3x64x128xf32, #tpu.memory_space<vmem>>, vector<16xf32>,
        %mul3A_629 = arith.mulf %get3A_628, %gather3A_612 : vector<16xf32>
        %swap3A_630 = arith.constant 0 : i32
        %swap3A_631 = arith.index_cast %swap3A_630 : i32 to index
        %swap3A_632 = arith.index_cast %add3A_607 : i32 to index
        %swap3A_633 = arith.constant 16 : index
        %swap3A_634 = tpu.vector_load %arg11[%swap3A_631, %swap3A_632, %swap3A_633] {strides = array<i32>} : memref<3x64x128xf32, #tpu.memory_space<vmem>>, vector<16xf32>,
        tpu.vector_store %arg11[%swap3A_631, %swap3A_632, %swap3A_633], %mul3A_629 {strides = array<i32>} : memref<3x64x128xf32, #tpu.memory_space<vmem>>, vector<16xf32>,
        %get3A_635 = arith.constant 0 : i32
        %get3A_636 = arith.index_cast %get3A_635 : i32 to index
        %get3A_637 = arith.index_cast %add3A_607 : i32 to index
        %get3A_638 = arith.constant 32 : index
        %get3A_639 = tpu.vector_load %arg11[%get3A_636, %get3A_637, %get3A_638] {strides = array<i32>} : memref<3x64x128xf32, #tpu.memory_space<vmem>>, vector<16xf32>,
        %mul3A_640 = arith.mulf %get3A_639, %gather3A_612 : vector<16xf32>
        %swap3A_641 = arith.constant 0 : i32
        %swap3A_642 = arith.index_cast %swap3A_641 : i32 to index
        %swap3A_643 = arith.index_cast %add3A_607 : i32 to index
        %swap3A_644 = arith.constant 32 : index
        %swap3A_645 = tpu.vector_load %arg11[%swap3A_642, %swap3A_643, %swap3A_644] {strides = array<i32>} : memref<3x64x128xf32, #tpu.memory_space<vmem>>, vector<16xf32>,
        tpu.vector_store %arg11[%swap3A_642, %swap3A_643, %swap3A_644], %mul3A_640 {strides = array<i32>} : memref<3x64x128xf32, #tpu.memory_space<vmem>>, vector<16xf32>,
        %get3A_646 = arith.constant 0 : i32
        %get3A_647 = arith.index_cast %get3A_646 : i32 to index
        %get3A_648 = arith.index_cast %add3A_607 : i32 to index
        %get3A_649 = arith.constant 48 : index
        %get3A_650 = tpu.vector_load %arg11[%get3A_647, %get3A_648, %get3A_649] {strides = array<i32>} : memref<3x64x128xf32, #tpu.memory_space<vmem>>, vector<16xf32>,
        %mul3A_651 = arith.mulf %get3A_650, %gather3A_612 : vector<16xf32>
        %swap3A_652 = arith.constant 0 : i32
        %swap3A_653 = arith.index_cast %swap3A_652 : i32 to index
        %swap3A_654 = arith.index_cast %add3A_607 : i32 to index
        %swap3A_655 = arith.constant 48 : index
        %swap3A_656 = tpu.vector_load %arg11[%swap3A_653, %swap3A_654, %swap3A_655] {strides = array<i32>} : memref<3x64x128xf32, #tpu.memory_space<vmem>>, vector<16xf32>,
        tpu.vector_store %arg11[%swap3A_653, %swap3A_654, %swap3A_655], %mul3A_651 {strides = array<i32>} : memref<3x64x128xf32, #tpu.memory_space<vmem>>, vector<16xf32>,
        %get3A_657 = arith.constant 0 : i32
        %get3A_658 = arith.index_cast %get3A_657 : i32 to index
        %get3A_659 = arith.index_cast %add3A_607 : i32 to index
        %get3A_660 = arith.constant 64 : index
        %get3A_661 = tpu.vector_load %arg11[%get3A_658, %get3A_659, %get3A_660] {strides = array<i32>} : memref<3x64x128xf32, #tpu.memory_space<vmem>>, vector<16xf32>,
        %mul3A_662 = arith.mulf %get3A_661, %gather3A_612 : vector<16xf32>
        %swap3A_663 = arith.constant 0 : i32
        %swap3A_664 = arith.index_cast %swap3A_663 : i32 to index
        %swap3A_665 = arith.index_cast %add3A_607 : i32 to index
        %swap3A_666 = arith.constant 64 : index
        %swap3A_667 = tpu.vector_load %arg11[%swap3A_664, %swap3A_665, %swap3A_666] {strides = array<i32>} : memref<3x64x128xf32, #tpu.memory_space<vmem>>, vector<16xf32>,
        tpu.vector_store %arg11[%swap3A_664, %swap3A_665, %swap3A_666], %mul3A_662 {strides = array<i32>} : memref<3x64x128xf32, #tpu.memory_space<vmem>>, vector<16xf32>,
        %get3A_668 = arith.constant 0 : i32
        %get3A_669 = arith.index_cast %get3A_668 : i32 to index
        %get3A_670 = arith.index_cast %add3A_607 : i32 to index
        %get3A_671 = arith.constant 80 : index
        %get3A_672 = tpu.vector_load %arg11[%get3A_669, %get3A_670, %get3A_671] {strides = array<i32>} : memref<3x64x128xf32, #tpu.memory_space<vmem>>, vector<16xf32>,
        %mul3A_673 = arith.mulf %get3A_672, %gather3A_612 : vector<16xf32>
        %swap3A_674 = arith.constant 0 : i32
        %swap3A_675 = arith.index_cast %swap3A_674 : i32 to index
        %swap3A_676 = arith.index_cast %add3A_607 : i32 to index
        %swap3A_677 = arith.constant 80 : index
        %swap3A_678 = tpu.vector_load %arg11[%swap3A_675, %swap3A_676, %swap3A_677] {strides = array<i32>} : memref<3x64x128xf32, #tpu.memory_space<vmem>>, vector<16xf32>,
        tpu.vector_store %arg11[%swap3A_675, %swap3A_676, %swap3A_677], %mul3A_673 {strides = array<i32>} : memref<3x64x128xf32, #tpu.memory_space<vmem>>, vector<16xf32>,
        %get3A_679 = arith.constant 0 : i32
        %get3A_680 = arith.index_cast %get3A_679 : i32 to index
        %get3A_681 = arith.index_cast %add3A_607 : i32 to index
        %get3A_682 = arith.constant 96 : index
        %get3A_683 = tpu.vector_load %arg11[%get3A_680, %get3A_681, %get3A_682] {strides = array<i32>} : memref<3x64x128xf32, #tpu.memory_space<vmem>>, vector<16xf32>,
        %mul3A_684 = arith.mulf %get3A_683, %gather3A_612 : vector<16xf32>
        %swap3A_685 = arith.constant 0 : i32
        %swap3A_686 = arith.index_cast %swap3A_685 : i32 to index
        %swap3A_687 = arith.index_cast %add3A_607 : i32 to index
        %swap3A_688 = arith.constant 96 : index
        %swap3A_689 = tpu.vector_load %arg11[%swap3A_686, %swap3A_687, %swap3A_688] {strides = array<i32>} : memref<3x64x128xf32, #tpu.memory_space<vmem>>, vector<16xf32>,
        tpu.vector_store %arg11[%swap3A_686, %swap3A_687, %swap3A_688], %mul3A_684 {strides = array<i32>} : memref<3x64x128xf32, #tpu.memory_space<vmem>>, vector<16xf32>,
        %get3A_690 = arith.constant 0 : i32
        %get3A_691 = arith.index_cast %get3A_690 : i32 to index
        %get3A_692 = arith.index_cast %add3A_607 : i32 to index
        %get3A_693 = arith.constant 112 : index
        %get3A_694 = tpu.vector_load %arg11[%get3A_691, %get3A_692, %get3A_693] {strides = array<i32>} : memref<3x64x128xf32, #tpu.memory_space<vmem>>, vector<16xf32>,
        %mul3A_695 = arith.mulf %get3A_694, %gather3A_612 : vector<16xf32>
        %swap3A_696 = arith.constant 0 : i32
        %swap3A_697 = arith.index_cast %swap3A_696 : i32 to index
        %swap3A_698 = arith.index_cast %add3A_607 : i32 to index
        %swap3A_699 = arith.constant 112 : index
        %swap3A_700 = tpu.vector_load %arg11[%swap3A_697, %swap3A_698, %swap3A_699] {strides = array<i32>} : memref<3x64x128xf32, #tpu.memory_space<vmem>>, vector<16xf32>,
        tpu.vector_store %arg11[%swap3A_697, %swap3A_698, %swap3A_699], %mul3A_695 {strides = array<i32>} : memref<3x64x128xf32, #tpu.memory_space<vmem>>, vector<16xf32>,
        %scan3A_701 = arith.constant 0 : i32
        scf.yield %scan3A_701 : i32
      }
      %scan3A_178 = arith.constant 16 : i32
      %dma_start3A_179 = arith.constant 0 : i32
      %dma_start3A_180 = arith.constant 0 : i32
      %dma_start3A_181 = arith.constant 0 : i32
      %dma_start3A_182 = arith.constant 0 : i32
      %dma_start3A_183 = arith.constant 0 : i32
      %dma_start3A_184 = tpu.memref_slice %arg11[%dma_start3A_179, %dma_start3A_182, %dma_start3A_183] : memref<3x64x128xf32, #tpu.memory_space<vmem>> -> memref<1x64x128xf32, #tpu.memory_space<vmem>>
      %dma_start3A_185 = tpu.memref_squeeze %dma_start3A_184 : memref<1x64x128xf32, #tpu.memory_space<vmem>> -> memref<64x128xf32, #tpu.memory_space<vmem>>
      %dma_start3A_186 = arith.constant 0 : i32
      %dma_start3A_187 = tpu.memref_slice %arg9[%dma_start3A_180, %dma_start3A_186] : memref<3x64xi32, #tpu.memory_space<vmem>> -> memref<1x64xi32, #tpu.memory_space<vmem>>
      %dma_start3A_188 = tpu.memref_squeeze %dma_start3A_187 : memref<1x64xi32, #tpu.memory_space<vmem>> -> memref<64xi32, #tpu.memory_space<vmem>>
      %dma_start3A_189 = arith.constant 0 : i32
      %dma_start3A_190 = arith.constant 0 : i32
      %dma_start3A_191 = tpu.memref_slice %arg12[%dma_start3A_189, %dma_start3A_190] : memref<10000x128xf32, #tpu.memory_space<vmem_shared>> -> memref<10000x128xf32, #tpu.memory_space<vmem_shared>>
      %dma_start3A_192 = tpu.memref_slice %arg14[%dma_start3A_181] : memref<3x!tpu.dma_semaphore, #tpu.memory_space<semaphore_mem>> -> memref<1x!tpu.dma_semaphore, #tpu.memory_space<semaphore_mem>>
      %dma_start3A_193 = tpu.memref_squeeze %dma_start3A_192 : memref<1x!tpu.dma_semaphore, #tpu.memory_space<semaphore_mem>> -> memref<!tpu.dma_semaphore, #tpu.memory_space<semaphore_mem>>
      tpu.enqueue_indirect_dma source(%dma_start3A_185 : memref<64x128xf32, #tpu.memory_space<vmem>>) target(%dma_start3A_191 : memref<10000x128xf32, #tpu.memory_space<vmem_shared>>) offsets(%dma_start3A_188 : memref<64xi32, #tpu.memory_space<vmem>>) semaphore(%dma_start3A_193 : memref<!tpu.dma_semaphore, #tpu.memory_space<semaphore_mem>>) {add = true}
      %ge3A = arith.constant 1 : i32
      %ge3A_194 = arith.cmpi sge, %add3A_145, %ge3A : i32
      %convert_element_type3A_195 = arith.extui %ge3A_194 : i1 to i32
      %cond3A_196 = arith.constant 0 : i32
      %cond3A_197 = arith.cmpi ne, %convert_element_type3A_195, %cond3A_196 : i32
      scf.if %cond3A_197 {
        %dma_wait3A_313 = arith.constant 2 : i32
        %dma_wait3A_314 = arith.constant 2 : i32
        %dma_wait3A_315 = arith.constant 2 : i32
        %dma_wait3A_316 = arith.constant 0 : i32
        %dma_wait3A_317 = arith.constant 0 : i32
        %dma_wait3A_318 = tpu.memref_slice %arg11[%dma_wait3A_313, %dma_wait3A_316, %dma_wait3A_317] : memref<3x64x128xf32, #tpu.memory_space<vmem>> -> memref<1x64x128xf32, #tpu.memory_space<vmem>>
        %dma_wait3A_319 = tpu.memref_squeeze %dma_wait3A_318 : memref<1x64x128xf32, #tpu.memory_space<vmem>> -> memref<64x128xf32, #tpu.memory_space<vmem>>
        %dma_wait3A_320 = arith.constant 0 : i32
        %dma_wait3A_321 = tpu.memref_slice %arg9[%dma_wait3A_314, %dma_wait3A_320] : memref<3x64xi32, #tpu.memory_space<vmem>> -> memref<1x64xi32, #tpu.memory_space<vmem>>
        %dma_wait3A_322 = tpu.memref_squeeze %dma_wait3A_321 : memref<1x64xi32, #tpu.memory_space<vmem>> -> memref<64xi32, #tpu.memory_space<vmem>>
        %dma_wait3A_323 = arith.constant 0 : i32
        %dma_wait3A_324 = arith.constant 0 : i32
        %dma_wait3A_325 = tpu.memref_slice %arg12[%dma_wait3A_323, %dma_wait3A_324] : memref<10000x128xf32, #tpu.memory_space<vmem_shared>> -> memref<10000x128xf32, #tpu.memory_space<vmem_shared>>
        %dma_wait3A_326 = tpu.memref_slice %arg14[%dma_wait3A_315] : memref<3x!tpu.dma_semaphore, #tpu.memory_space<semaphore_mem>> -> memref<1x!tpu.dma_semaphore, #tpu.memory_space<semaphore_mem>>
        %dma_wait3A_327 = tpu.memref_squeeze %dma_wait3A_326 : memref<1x!tpu.dma_semaphore, #tpu.memory_space<semaphore_mem>> -> memref<!tpu.dma_semaphore, #tpu.memory_space<semaphore_mem>>
        tpu.wait_indirect_dma semaphore(%dma_wait3A_327 : memref<!tpu.dma_semaphore, #tpu.memory_space<semaphore_mem>>) src(%dma_wait3A_319 : memref<64x128xf32, #tpu.memory_space<vmem>>) dst(%dma_wait3A_325 : memref<10000x128xf32, #tpu.memory_space<vmem_shared>>)
        %add3A_328 = arith.constant 2 : i32
        %add3A_329 = arith.addi %add3A_145, %add3A_328 : i32
        %lt3A_330 = arith.constant 156 : i32
        %lt3A_331 = arith.cmpi slt, %add3A_329, %lt3A_330 : i32
        %convert_element_type3A_332 = arith.extui %lt3A_331 : i1 to i32
        %cond3A_333 = arith.constant 0 : i32
        %cond3A_334 = arith.cmpi ne, %convert_element_type3A_332, %cond3A_333 : i32
        scf.if %cond3A_334 {
          %add3A_335 = arith.constant 2 : i32
          %add3A_336 = arith.addi %add3A_145, %add3A_335 : i32
          %mul3A_337 = arith.constant 64 : i32
          %mul3A_338 = arith.muli %add3A_336, %mul3A_337 : i32
          %add3A_339 = arith.addi %mul3A_2, %mul3A_338 : i32
          %dma_start3A_340 = arith.constant 2 : i32
          %dma_start3A_341 = arith.constant 2 : i32
          %dma_start3A_342 = arith.constant 0 : i32
          %dma_start3A_343 = arith.constant 0 : i32
          %dma_start3A_344 = tpu.memref_slice %arg11[%dma_start3A_340, %dma_start3A_342, %dma_start3A_343] : memref<3x64x128xf32, #tpu.memory_space<vmem>> -> memref<1x64x128xf32, #tpu.memory_space<vmem>>
          %dma_start3A_345 = tpu.memref_squeeze %dma_start3A_344 : memref<1x64x128xf32, #tpu.memory_space<vmem>> -> memref<64x128xf32, #tpu.memory_space<vmem>>
          %dma_start3A_346 = arith.constant 0 : i32
          %dma_start3A_347 = tpu.memref_slice %arg2[%add3A_339, %dma_start3A_346] : memref<320000x128xf32, #tpu.memory_space<hbm>> -> memref<64x128xf32, #tpu.memory_space<hbm>>
          %dma_start3A_348 = tpu.memref_slice %arg13[%dma_start3A_341] : memref<3x!tpu.dma_semaphore, #tpu.memory_space<semaphore_mem>> -> memref<1x!tpu.dma_semaphore, #tpu.memory_space<semaphore_mem>>
          %dma_start3A_349 = tpu.memref_squeeze %dma_start3A_348 : memref<1x!tpu.dma_semaphore, #tpu.memory_space<semaphore_mem>> -> memref<!tpu.dma_semaphore, #tpu.memory_space<semaphore_mem>>
          %dma_start3A_350 = arith.constant 0 : i32
          %dma_start3A_351 = arith.constant 0 : i32
          %dma_start3A_352 = tpu.memref_slice %arg11[%dma_start3A_340, %dma_start3A_350, %dma_start3A_351] : memref<3x64x128xf32, #tpu.memory_space<vmem>> -> memref<1x64x128xf32, #tpu.memory_space<vmem>>
          %dma_start3A_353 = tpu.memref_squeeze %dma_start3A_352 : memref<1x64x128xf32, #tpu.memory_space<vmem>> -> memref<64x128xf32, #tpu.memory_space<vmem>>
          %dma_start3A_354 = arith.constant 0 : i32
          %dma_start3A_355 = tpu.memref_slice %arg2[%add3A_339, %dma_start3A_354] : memref<320000x128xf32, #tpu.memory_space<hbm>> -> memref<64x128xf32, #tpu.memory_space<hbm>>
          tpu.enqueue_dma source(%dma_start3A_355 : memref<64x128xf32, #tpu.memory_space<hbm>>) target(%dma_start3A_353 : memref<64x128xf32, #tpu.memory_space<vmem>>) target_semaphore(%dma_start3A_349 : memref<!tpu.dma_semaphore, #tpu.memory_space<semaphore_mem>>)
        } else {
        }
      } else {
      }
      %mul3A_198 = arith.constant 3 : i32
      %mul3A_199 = arith.muli %scan3A_140, %mul3A_198 : i32
      %add3A_200 = arith.constant 1 : i32
      %add3A_201 = arith.addi %mul3A_199, %add3A_200 : i32
      %mul3A_202 = arith.constant 64 : i32
      %mul3A_203 = arith.muli %add3A_201, %mul3A_202 : i32
      %add3A_204 = arith.addi %mul3A_2, %mul3A_203 : i32
      %dma_wait3A_205 = arith.constant 1 : i32
      %dma_wait3A_206 = arith.constant 1 : i32
      %dma_wait3A_207 = arith.constant 0 : i32
      %dma_wait3A_208 = arith.constant 0 : i32
      %dma_wait3A_209 = tpu.memref_slice %arg11[%dma_wait3A_205, %dma_wait3A_207, %dma_wait3A_208] : memref<3x64x128xf32, #tpu.memory_space<vmem>> -> memref<1x64x128xf32, #tpu.memory_space<vmem>>
      %dma_wait3A_210 = tpu.memref_squeeze %dma_wait3A_209 : memref<1x64x128xf32, #tpu.memory_space<vmem>> -> memref<64x128xf32, #tpu.memory_space<vmem>>
      %dma_wait3A_211 = arith.constant 0 : i32
      %dma_wait3A_212 = tpu.memref_slice %arg2[%add3A_204, %dma_wait3A_211] : memref<320000x128xf32, #tpu.memory_space<hbm>> -> memref<64x128xf32, #tpu.memory_space<hbm>>
      %dma_wait3A_213 = tpu.memref_slice %arg13[%dma_wait3A_206] : memref<3x!tpu.dma_semaphore, #tpu.memory_space<semaphore_mem>> -> memref<1x!tpu.dma_semaphore, #tpu.memory_space<semaphore_mem>>
      %dma_wait3A_214 = tpu.memref_squeeze %dma_wait3A_213 : memref<1x!tpu.dma_semaphore, #tpu.memory_space<semaphore_mem>> -> memref<!tpu.dma_semaphore, #tpu.memory_space<semaphore_mem>>
      %dma_wait3A_215 = arith.constant 0 : i32
      %dma_wait3A_216 = arith.constant 0 : i32
      %dma_wait3A_217 = tpu.memref_slice %arg11[%dma_wait3A_205, %dma_wait3A_215, %dma_wait3A_216] : memref<3x64x128xf32, #tpu.memory_space<vmem>> -> memref<1x64x128xf32, #tpu.memory_space<vmem>>
      %dma_wait3A_218 = tpu.memref_squeeze %dma_wait3A_217 : memref<1x64x128xf32, #tpu.memory_space<vmem>> -> memref<64x128xf32, #tpu.memory_space<vmem>>
      %dma_wait3A_219 = arith.constant 0 : i32
      %dma_wait3A_220 = tpu.memref_slice %arg2[%add3A_204, %dma_wait3A_219] : memref<320000x128xf32, #tpu.memory_space<hbm>> -> memref<64x128xf32, #tpu.memory_space<hbm>>
      tpu.wait_dma2 semaphore(%dma_wait3A_214 : memref<!tpu.dma_semaphore, #tpu.memory_space<semaphore_mem>>) src(%dma_wait3A_220 : memref<64x128xf32, #tpu.memory_space<hbm>>) dst(%dma_wait3A_218 : memref<64x128xf32, #tpu.memory_space<vmem>>)
      %scan3A_221 = arith.constant 0 : i32
      %scan3A_222 = arith.constant 0 : i32
      %scan3A_223 = arith.constant 4 : i32
      %scan3A_224 = arith.addi %scan3A_222, %scan3A_223 : i32
      %scan3A_225 = arith.constant 1 : i32
      %scan3A_226 = scf.for %scan3A_313 = %scan3A_222 to %scan3A_224 step %scan3A_225 iter_args(%scan3A_314 = %scan3A_221) -> (i32)  : i32 {
        %mul3A_315 = arith.constant 64 : i32
        %mul3A_316 = arith.muli %add3A_201, %mul3A_315 : i32
        %mul3A_317 = arith.constant 16 : i32
        %mul3A_318 = arith.muli %scan3A_313, %mul3A_317 : i32
        %add3A_319 = arith.addi %mul3A_316, %mul3A_318 : i32
        %get3A_320 = arith.index_cast %add3A_319 : i32 to index
        %get3A_321 = tpu.vector_load %arg8[%get3A_320] {strides = array<i32>} : memref<10000xi32, #tpu.memory_space<vmem>>, vector<16xi32>,
        %mul3A_322 = arith.constant 16 : i32
        %mul3A_323 = arith.muli %scan3A_313, %mul3A_322 : i32
        %swap3A_324 = arith.constant 1 : i32
        %swap3A_325 = arith.index_cast %swap3A_324 : i32 to index
        %swap3A_326 = arith.index_cast %mul3A_323 : i32 to index
        %swap3A_327 = tpu.vector_load %arg9[%swap3A_325, %swap3A_326] {strides = array<i32>} : memref<3x64xi32, #tpu.memory_space<vmem>>, vector<16xi32>,
        tpu.vector_store %arg9[%swap3A_325, %swap3A_326], %get3A_321 {strides = array<i32>} : memref<3x64xi32, #tpu.memory_space<vmem>>, vector<16xi32>,
        %scan3A_328 = arith.constant 0 : i32
        scf.yield %scan3A_328 : i32
      }
      %scan3A_227 = arith.constant 4 : i32
      %scan3A_228 = arith.constant 0 : i32
      %scan3A_229 = arith.constant 0 : i32
      %scan3A_230 = arith.constant 16 : i32
      %scan3A_231 = arith.addi %scan3A_229, %scan3A_230 : i32
      %scan3A_232 = arith.constant 1 : i32
      %scan3A_233 = scf.for %scan3A_313 = %scan3A_229 to %scan3A_231 step %scan3A_232 iter_args(%scan3A_314 = %scan3A_228) -> (i32)  : i32 {
        %mul3A_315 = arith.constant 4 : i32
        %mul3A_316 = arith.muli %scan3A_313, %mul3A_315 : i32
        %add3A_317 = arith.constant 0 : i32
        %add3A_318 = arith.addi %mul3A_316, %add3A_317 : i32
        %mul3A_319 = arith.constant 64 : i32
        %mul3A_320 = arith.muli %add3A_201, %mul3A_319 : i32
        %add3A_321 = arith.addi %mul3A_320, %add3A_318 : i32
        %broadcast_in_dim3A = vector.broadcast %add3A_321 : i32 to vector<16xi32>
        %gather3A = tpu.vector_load_idx %arg7[%broadcast_in_dim3A] : memref<10000xf32, #tpu.memory_space<vmem>>[vector<16xi32>], vector<16xf32>,
        %get3A_322 = arith.constant 1 : i32
        %get3A_323 = arith.index_cast %get3A_322 : i32 to index
        %get3A_324 = arith.index_cast %add3A_318 : i32 to index
        %get3A_325 = arith.constant 0 : index
        %get3A_326 = tpu.vector_load %arg11[%get3A_323, %get3A_324, %get3A_325] {strides = array<i32>} : memref<3x64x128xf32, #tpu.memory_space<vmem>>, vector<16xf32>,
        %mul3A_327 = arith.mulf %get3A_326, %gather3A : vector<16xf32>
        %swap3A_328 = arith.constant 1 : i32
        %swap3A_329 = arith.index_cast %swap3A_328 : i32 to index
        %swap3A_330 = arith.index_cast %add3A_318 : i32 to index
        %swap3A_331 = arith.constant 0 : index
        %swap3A_332 = tpu.vector_load %arg11[%swap3A_329, %swap3A_330, %swap3A_331] {strides = array<i32>} : memref<3x64x128xf32, #tpu.memory_space<vmem>>, vector<16xf32>,
        tpu.vector_store %arg11[%swap3A_329, %swap3A_330, %swap3A_331], %mul3A_327 {strides = array<i32>} : memref<3x64x128xf32, #tpu.memory_space<vmem>>, vector<16xf32>,
        %get3A_333 = arith.constant 1 : i32
        %get3A_334 = arith.index_cast %get3A_333 : i32 to index
        %get3A_335 = arith.index_cast %add3A_318 : i32 to index
        %get3A_336 = arith.constant 16 : index
        %get3A_337 = tpu.vector_load %arg11[%get3A_334, %get3A_335, %get3A_336] {strides = array<i32>} : memref<3x64x128xf32, #tpu.memory_space<vmem>>, vector<16xf32>,
        %mul3A_338 = arith.mulf %get3A_337, %gather3A : vector<16xf32>
        %swap3A_339 = arith.constant 1 : i32
        %swap3A_340 = arith.index_cast %swap3A_339 : i32 to index
        %swap3A_341 = arith.index_cast %add3A_318 : i32 to index
        %swap3A_342 = arith.constant 16 : index
        %swap3A_343 = tpu.vector_load %arg11[%swap3A_340, %swap3A_341, %swap3A_342] {strides = array<i32>} : memref<3x64x128xf32, #tpu.memory_space<vmem>>, vector<16xf32>,
        tpu.vector_store %arg11[%swap3A_340, %swap3A_341, %swap3A_342], %mul3A_338 {strides = array<i32>} : memref<3x64x128xf32, #tpu.memory_space<vmem>>, vector<16xf32>,
        %get3A_344 = arith.constant 1 : i32
        %get3A_345 = arith.index_cast %get3A_344 : i32 to index
        %get3A_346 = arith.index_cast %add3A_318 : i32 to index
        %get3A_347 = arith.constant 32 : index
        %get3A_348 = tpu.vector_load %arg11[%get3A_345, %get3A_346, %get3A_347] {strides = array<i32>} : memref<3x64x128xf32, #tpu.memory_space<vmem>>, vector<16xf32>,
        %mul3A_349 = arith.mulf %get3A_348, %gather3A : vector<16xf32>
        %swap3A_350 = arith.constant 1 : i32
        %swap3A_351 = arith.index_cast %swap3A_350 : i32 to index
        %swap3A_352 = arith.index_cast %add3A_318 : i32 to index
        %swap3A_353 = arith.constant 32 : index
        %swap3A_354 = tpu.vector_load %arg11[%swap3A_351, %swap3A_352, %swap3A_353] {strides = array<i32>} : memref<3x64x128xf32, #tpu.memory_space<vmem>>, vector<16xf32>,
        tpu.vector_store %arg11[%swap3A_351, %swap3A_352, %swap3A_353], %mul3A_349 {strides = array<i32>} : memref<3x64x128xf32, #tpu.memory_space<vmem>>, vector<16xf32>,
        %get3A_355 = arith.constant 1 : i32
        %get3A_356 = arith.index_cast %get3A_355 : i32 to index
        %get3A_357 = arith.index_cast %add3A_318 : i32 to index
        %get3A_358 = arith.constant 48 : index
        %get3A_359 = tpu.vector_load %arg11[%get3A_356, %get3A_357, %get3A_358] {strides = array<i32>} : memref<3x64x128xf32, #tpu.memory_space<vmem>>, vector<16xf32>,
        %mul3A_360 = arith.mulf %get3A_359, %gather3A : vector<16xf32>
        %swap3A_361 = arith.constant 1 : i32
        %swap3A_362 = arith.index_cast %swap3A_361 : i32 to index
        %swap3A_363 = arith.index_cast %add3A_318 : i32 to index
        %swap3A_364 = arith.constant 48 : index
        %swap3A_365 = tpu.vector_load %arg11[%swap3A_362, %swap3A_363, %swap3A_364] {strides = array<i32>} : memref<3x64x128xf32, #tpu.memory_space<vmem>>, vector<16xf32>,
        tpu.vector_store %arg11[%swap3A_362, %swap3A_363, %swap3A_364], %mul3A_360 {strides = array<i32>} : memref<3x64x128xf32, #tpu.memory_space<vmem>>, vector<16xf32>,
        %get3A_366 = arith.constant 1 : i32
        %get3A_367 = arith.index_cast %get3A_366 : i32 to index
        %get3A_368 = arith.index_cast %add3A_318 : i32 to index
        %get3A_369 = arith.constant 64 : index
        %get3A_370 = tpu.vector_load %arg11[%get3A_367, %get3A_368, %get3A_369] {strides = array<i32>} : memref<3x64x128xf32, #tpu.memory_space<vmem>>, vector<16xf32>,
        %mul3A_371 = arith.mulf %get3A_370, %gather3A : vector<16xf32>
        %swap3A_372 = arith.constant 1 : i32
        %swap3A_373 = arith.index_cast %swap3A_372 : i32 to index
        %swap3A_374 = arith.index_cast %add3A_318 : i32 to index
        %swap3A_375 = arith.constant 64 : index
        %swap3A_376 = tpu.vector_load %arg11[%swap3A_373, %swap3A_374, %swap3A_375] {strides = array<i32>} : memref<3x64x128xf32, #tpu.memory_space<vmem>>, vector<16xf32>,
        tpu.vector_store %arg11[%swap3A_373, %swap3A_374, %swap3A_375], %mul3A_371 {strides = array<i32>} : memref<3x64x128xf32, #tpu.memory_space<vmem>>, vector<16xf32>,
        %get3A_377 = arith.constant 1 : i32
        %get3A_378 = arith.index_cast %get3A_377 : i32 to index
        %get3A_379 = arith.index_cast %add3A_318 : i32 to index
        %get3A_380 = arith.constant 80 : index
        %get3A_381 = tpu.vector_load %arg11[%get3A_378, %get3A_379, %get3A_380] {strides = array<i32>} : memref<3x64x128xf32, #tpu.memory_space<vmem>>, vector<16xf32>,
        %mul3A_382 = arith.mulf %get3A_381, %gather3A : vector<16xf32>
        %swap3A_383 = arith.constant 1 : i32
        %swap3A_384 = arith.index_cast %swap3A_383 : i32 to index
        %swap3A_385 = arith.index_cast %add3A_318 : i32 to index
        %swap3A_386 = arith.constant 80 : index
        %swap3A_387 = tpu.vector_load %arg11[%swap3A_384, %swap3A_385, %swap3A_386] {strides = array<i32>} : memref<3x64x128xf32, #tpu.memory_space<vmem>>, vector<16xf32>,
        tpu.vector_store %arg11[%swap3A_384, %swap3A_385, %swap3A_386], %mul3A_382 {strides = array<i32>} : memref<3x64x128xf32, #tpu.memory_space<vmem>>, vector<16xf32>,
        %get3A_388 = arith.constant 1 : i32
        %get3A_389 = arith.index_cast %get3A_388 : i32 to index
        %get3A_390 = arith.index_cast %add3A_318 : i32 to index
        %get3A_391 = arith.constant 96 : index
        %get3A_392 = tpu.vector_load %arg11[%get3A_389, %get3A_390, %get3A_391] {strides = array<i32>} : memref<3x64x128xf32, #tpu.memory_space<vmem>>, vector<16xf32>,
        %mul3A_393 = arith.mulf %get3A_392, %gather3A : vector<16xf32>
        %swap3A_394 = arith.constant 1 : i32
        %swap3A_395 = arith.index_cast %swap3A_394 : i32 to index
        %swap3A_396 = arith.index_cast %add3A_318 : i32 to index
        %swap3A_397 = arith.constant 96 : index
        %swap3A_398 = tpu.vector_load %arg11[%swap3A_395, %swap3A_396, %swap3A_397] {strides = array<i32>} : memref<3x64x128xf32, #tpu.memory_space<vmem>>, vector<16xf32>,
        tpu.vector_store %arg11[%swap3A_395, %swap3A_396, %swap3A_397], %mul3A_393 {strides = array<i32>} : memref<3x64x128xf32, #tpu.memory_space<vmem>>, vector<16xf32>,
        %get3A_399 = arith.constant 1 : i32
        %get3A_400 = arith.index_cast %get3A_399 : i32 to index
        %get3A_401 = arith.index_cast %add3A_318 : i32 to index
        %get3A_402 = arith.constant 112 : index
        %get3A_403 = tpu.vector_load %arg11[%get3A_400, %get3A_401, %get3A_402] {strides = array<i32>} : memref<3x64x128xf32, #tpu.memory_space<vmem>>, vector<16xf32>,
        %mul3A_404 = arith.mulf %get3A_403, %gather3A : vector<16xf32>
        %swap3A_405 = arith.constant 1 : i32
        %swap3A_406 = arith.index_cast %swap3A_405 : i32 to index
        %swap3A_407 = arith.index_cast %add3A_318 : i32 to index
        %swap3A_408 = arith.constant 112 : index
        %swap3A_409 = tpu.vector_load %arg11[%swap3A_406, %swap3A_407, %swap3A_408] {strides = array<i32>} : memref<3x64x128xf32, #tpu.memory_space<vmem>>, vector<16xf32>,
        tpu.vector_store %arg11[%swap3A_406, %swap3A_407, %swap3A_408], %mul3A_404 {strides = array<i32>} : memref<3x64x128xf32, #tpu.memory_space<vmem>>, vector<16xf32>,
        %mul3A_410 = arith.constant 4 : i32
        %mul3A_411 = arith.muli %scan3A_313, %mul3A_410 : i32
        %add3A_412 = arith.constant 1 : i32
        %add3A_413 = arith.addi %mul3A_411, %add3A_412 : i32
        %mul3A_414 = arith.constant 64 : i32
        %mul3A_415 = arith.muli %add3A_201, %mul3A_414 : i32
        %add3A_416 = arith.addi %mul3A_415, %add3A_413 : i32
        %broadcast_in_dim3A_417 = vector.broadcast %add3A_416 : i32 to vector<16xi32>
        %gather3A_418 = tpu.vector_load_idx %arg7[%broadcast_in_dim3A_417] : memref<10000xf32, #tpu.memory_space<vmem>>[vector<16xi32>], vector<16xf32>,
        %get3A_419 = arith.constant 1 : i32
        %get3A_420 = arith.index_cast %get3A_419 : i32 to index
        %get3A_421 = arith.index_cast %add3A_413 : i32 to index
        %get3A_422 = arith.constant 0 : index
        %get3A_423 = tpu.vector_load %arg11[%get3A_420, %get3A_421, %get3A_422] {strides = array<i32>} : memref<3x64x128xf32, #tpu.memory_space<vmem>>, vector<16xf32>,
        %mul3A_424 = arith.mulf %get3A_423, %gather3A_418 : vector<16xf32>
        %swap3A_425 = arith.constant 1 : i32
        %swap3A_426 = arith.index_cast %swap3A_425 : i32 to index
        %swap3A_427 = arith.index_cast %add3A_413 : i32 to index
        %swap3A_428 = arith.constant 0 : index
        %swap3A_429 = tpu.vector_load %arg11[%swap3A_426, %swap3A_427, %swap3A_428] {strides = array<i32>} : memref<3x64x128xf32, #tpu.memory_space<vmem>>, vector<16xf32>,
        tpu.vector_store %arg11[%swap3A_426, %swap3A_427, %swap3A_428], %mul3A_424 {strides = array<i32>} : memref<3x64x128xf32, #tpu.memory_space<vmem>>, vector<16xf32>,
        %get3A_430 = arith.constant 1 : i32
        %get3A_431 = arith.index_cast %get3A_430 : i32 to index
        %get3A_432 = arith.index_cast %add3A_413 : i32 to index
        %get3A_433 = arith.constant 16 : index
        %get3A_434 = tpu.vector_load %arg11[%get3A_431, %get3A_432, %get3A_433] {strides = array<i32>} : memref<3x64x128xf32, #tpu.memory_space<vmem>>, vector<16xf32>,
        %mul3A_435 = arith.mulf %get3A_434, %gather3A_418 : vector<16xf32>
        %swap3A_436 = arith.constant 1 : i32
        %swap3A_437 = arith.index_cast %swap3A_436 : i32 to index
        %swap3A_438 = arith.index_cast %add3A_413 : i32 to index
        %swap3A_439 = arith.constant 16 : index
        %swap3A_440 = tpu.vector_load %arg11[%swap3A_437, %swap3A_438, %swap3A_439] {strides = array<i32>} : memref<3x64x128xf32, #tpu.memory_space<vmem>>, vector<16xf32>,
        tpu.vector_store %arg11[%swap3A_437, %swap3A_438, %swap3A_439], %mul3A_435 {strides = array<i32>} : memref<3x64x128xf32, #tpu.memory_space<vmem>>, vector<16xf32>,
        %get3A_441 = arith.constant 1 : i32
        %get3A_442 = arith.index_cast %get3A_441 : i32 to index
        %get3A_443 = arith.index_cast %add3A_413 : i32 to index
        %get3A_444 = arith.constant 32 : index
        %get3A_445 = tpu.vector_load %arg11[%get3A_442, %get3A_443, %get3A_444] {strides = array<i32>} : memref<3x64x128xf32, #tpu.memory_space<vmem>>, vector<16xf32>,
        %mul3A_446 = arith.mulf %get3A_445, %gather3A_418 : vector<16xf32>
        %swap3A_447 = arith.constant 1 : i32
        %swap3A_448 = arith.index_cast %swap3A_447 : i32 to index
        %swap3A_449 = arith.index_cast %add3A_413 : i32 to index
        %swap3A_450 = arith.constant 32 : index
        %swap3A_451 = tpu.vector_load %arg11[%swap3A_448, %swap3A_449, %swap3A_450] {strides = array<i32>} : memref<3x64x128xf32, #tpu.memory_space<vmem>>, vector<16xf32>,
        tpu.vector_store %arg11[%swap3A_448, %swap3A_449, %swap3A_450], %mul3A_446 {strides = array<i32>} : memref<3x64x128xf32, #tpu.memory_space<vmem>>, vector<16xf32>,
        %get3A_452 = arith.constant 1 : i32
        %get3A_453 = arith.index_cast %get3A_452 : i32 to index
        %get3A_454 = arith.index_cast %add3A_413 : i32 to index
        %get3A_455 = arith.constant 48 : index
        %get3A_456 = tpu.vector_load %arg11[%get3A_453, %get3A_454, %get3A_455] {strides = array<i32>} : memref<3x64x128xf32, #tpu.memory_space<vmem>>, vector<16xf32>,
        %mul3A_457 = arith.mulf %get3A_456, %gather3A_418 : vector<16xf32>
        %swap3A_458 = arith.constant 1 : i32
        %swap3A_459 = arith.index_cast %swap3A_458 : i32 to index
        %swap3A_460 = arith.index_cast %add3A_413 : i32 to index
        %swap3A_461 = arith.constant 48 : index
        %swap3A_462 = tpu.vector_load %arg11[%swap3A_459, %swap3A_460, %swap3A_461] {strides = array<i32>} : memref<3x64x128xf32, #tpu.memory_space<vmem>>, vector<16xf32>,
        tpu.vector_store %arg11[%swap3A_459, %swap3A_460, %swap3A_461], %mul3A_457 {strides = array<i32>} : memref<3x64x128xf32, #tpu.memory_space<vmem>>, vector<16xf32>,
        %get3A_463 = arith.constant 1 : i32
        %get3A_464 = arith.index_cast %get3A_463 : i32 to index
        %get3A_465 = arith.index_cast %add3A_413 : i32 to index
        %get3A_466 = arith.constant 64 : index
        %get3A_467 = tpu.vector_load %arg11[%get3A_464, %get3A_465, %get3A_466] {strides = array<i32>} : memref<3x64x128xf32, #tpu.memory_space<vmem>>, vector<16xf32>,
        %mul3A_468 = arith.mulf %get3A_467, %gather3A_418 : vector<16xf32>
        %swap3A_469 = arith.constant 1 : i32
        %swap3A_470 = arith.index_cast %swap3A_469 : i32 to index
        %swap3A_471 = arith.index_cast %add3A_413 : i32 to index
        %swap3A_472 = arith.constant 64 : index
        %swap3A_473 = tpu.vector_load %arg11[%swap3A_470, %swap3A_471, %swap3A_472] {strides = array<i32>} : memref<3x64x128xf32, #tpu.memory_space<vmem>>, vector<16xf32>,
        tpu.vector_store %arg11[%swap3A_470, %swap3A_471, %swap3A_472], %mul3A_468 {strides = array<i32>} : memref<3x64x128xf32, #tpu.memory_space<vmem>>, vector<16xf32>,
        %get3A_474 = arith.constant 1 : i32
        %get3A_475 = arith.index_cast %get3A_474 : i32 to index
        %get3A_476 = arith.index_cast %add3A_413 : i32 to index
        %get3A_477 = arith.constant 80 : index
        %get3A_478 = tpu.vector_load %arg11[%get3A_475, %get3A_476, %get3A_477] {strides = array<i32>} : memref<3x64x128xf32, #tpu.memory_space<vmem>>, vector<16xf32>,
        %mul3A_479 = arith.mulf %get3A_478, %gather3A_418 : vector<16xf32>
        %swap3A_480 = arith.constant 1 : i32
        %swap3A_481 = arith.index_cast %swap3A_480 : i32 to index
        %swap3A_482 = arith.index_cast %add3A_413 : i32 to index
        %swap3A_483 = arith.constant 80 : index
        %swap3A_484 = tpu.vector_load %arg11[%swap3A_481, %swap3A_482, %swap3A_483] {strides = array<i32>} : memref<3x64x128xf32, #tpu.memory_space<vmem>>, vector<16xf32>,
        tpu.vector_store %arg11[%swap3A_481, %swap3A_482, %swap3A_483], %mul3A_479 {strides = array<i32>} : memref<3x64x128xf32, #tpu.memory_space<vmem>>, vector<16xf32>,
        %get3A_485 = arith.constant 1 : i32
        %get3A_486 = arith.index_cast %get3A_485 : i32 to index
        %get3A_487 = arith.index_cast %add3A_413 : i32 to index
        %get3A_488 = arith.constant 96 : index
        %get3A_489 = tpu.vector_load %arg11[%get3A_486, %get3A_487, %get3A_488] {strides = array<i32>} : memref<3x64x128xf32, #tpu.memory_space<vmem>>, vector<16xf32>,
        %mul3A_490 = arith.mulf %get3A_489, %gather3A_418 : vector<16xf32>
        %swap3A_491 = arith.constant 1 : i32
        %swap3A_492 = arith.index_cast %swap3A_491 : i32 to index
        %swap3A_493 = arith.index_cast %add3A_413 : i32 to index
        %swap3A_494 = arith.constant 96 : index
        %swap3A_495 = tpu.vector_load %arg11[%swap3A_492, %swap3A_493, %swap3A_494] {strides = array<i32>} : memref<3x64x128xf32, #tpu.memory_space<vmem>>, vector<16xf32>,
        tpu.vector_store %arg11[%swap3A_492, %swap3A_493, %swap3A_494], %mul3A_490 {strides = array<i32>} : memref<3x64x128xf32, #tpu.memory_space<vmem>>, vector<16xf32>,
        %get3A_496 = arith.constant 1 : i32
        %get3A_497 = arith.index_cast %get3A_496 : i32 to index
        %get3A_498 = arith.index_cast %add3A_413 : i32 to index
        %get3A_499 = arith.constant 112 : index
        %get3A_500 = tpu.vector_load %arg11[%get3A_497, %get3A_498, %get3A_499] {strides = array<i32>} : memref<3x64x128xf32, #tpu.memory_space<vmem>>, vector<16xf32>,
        %mul3A_501 = arith.mulf %get3A_500, %gather3A_418 : vector<16xf32>
        %swap3A_502 = arith.constant 1 : i32
        %swap3A_503 = arith.index_cast %swap3A_502 : i32 to index
        %swap3A_504 = arith.index_cast %add3A_413 : i32 to index
        %swap3A_505 = arith.constant 112 : index
        %swap3A_506 = tpu.vector_load %arg11[%swap3A_503, %swap3A_504, %swap3A_505] {strides = array<i32>} : memref<3x64x128xf32, #tpu.memory_space<vmem>>, vector<16xf32>,
        tpu.vector_store %arg11[%swap3A_503, %swap3A_504, %swap3A_505], %mul3A_501 {strides = array<i32>} : memref<3x64x128xf32, #tpu.memory_space<vmem>>, vector<16xf32>,
        %mul3A_507 = arith.constant 4 : i32
        %mul3A_508 = arith.muli %scan3A_313, %mul3A_507 : i32
        %add3A_509 = arith.constant 2 : i32
        %add3A_510 = arith.addi %mul3A_508, %add3A_509 : i32
        %mul3A_511 = arith.constant 64 : i32
        %mul3A_512 = arith.muli %add3A_201, %mul3A_511 : i32
        %add3A_513 = arith.addi %mul3A_512, %add3A_510 : i32
        %broadcast_in_dim3A_514 = vector.broadcast %add3A_513 : i32 to vector<16xi32>
        %gather3A_515 = tpu.vector_load_idx %arg7[%broadcast_in_dim3A_514] : memref<10000xf32, #tpu.memory_space<vmem>>[vector<16xi32>], vector<16xf32>,
        %get3A_516 = arith.constant 1 : i32
        %get3A_517 = arith.index_cast %get3A_516 : i32 to index
        %get3A_518 = arith.index_cast %add3A_510 : i32 to index
        %get3A_519 = arith.constant 0 : index
        %get3A_520 = tpu.vector_load %arg11[%get3A_517, %get3A_518, %get3A_519] {strides = array<i32>} : memref<3x64x128xf32, #tpu.memory_space<vmem>>, vector<16xf32>,
        %mul3A_521 = arith.mulf %get3A_520, %gather3A_515 : vector<16xf32>
        %swap3A_522 = arith.constant 1 : i32
        %swap3A_523 = arith.index_cast %swap3A_522 : i32 to index
        %swap3A_524 = arith.index_cast %add3A_510 : i32 to index
        %swap3A_525 = arith.constant 0 : index
        %swap3A_526 = tpu.vector_load %arg11[%swap3A_523, %swap3A_524, %swap3A_525] {strides = array<i32>} : memref<3x64x128xf32, #tpu.memory_space<vmem>>, vector<16xf32>,
        tpu.vector_store %arg11[%swap3A_523, %swap3A_524, %swap3A_525], %mul3A_521 {strides = array<i32>} : memref<3x64x128xf32, #tpu.memory_space<vmem>>, vector<16xf32>,
        %get3A_527 = arith.constant 1 : i32
        %get3A_528 = arith.index_cast %get3A_527 : i32 to index
        %get3A_529 = arith.index_cast %add3A_510 : i32 to index
        %get3A_530 = arith.constant 16 : index
        %get3A_531 = tpu.vector_load %arg11[%get3A_528, %get3A_529, %get3A_530] {strides = array<i32>} : memref<3x64x128xf32, #tpu.memory_space<vmem>>, vector<16xf32>,
        %mul3A_532 = arith.mulf %get3A_531, %gather3A_515 : vector<16xf32>
        %swap3A_533 = arith.constant 1 : i32
        %swap3A_534 = arith.index_cast %swap3A_533 : i32 to index
        %swap3A_535 = arith.index_cast %add3A_510 : i32 to index
        %swap3A_536 = arith.constant 16 : index
        %swap3A_537 = tpu.vector_load %arg11[%swap3A_534, %swap3A_535, %swap3A_536] {strides = array<i32>} : memref<3x64x128xf32, #tpu.memory_space<vmem>>, vector<16xf32>,
        tpu.vector_store %arg11[%swap3A_534, %swap3A_535, %swap3A_536], %mul3A_532 {strides = array<i32>} : memref<3x64x128xf32, #tpu.memory_space<vmem>>, vector<16xf32>,
        %get3A_538 = arith.constant 1 : i32
        %get3A_539 = arith.index_cast %get3A_538 : i32 to index
        %get3A_540 = arith.index_cast %add3A_510 : i32 to index
        %get3A_541 = arith.constant 32 : index
        %get3A_542 = tpu.vector_load %arg11[%get3A_539, %get3A_540, %get3A_541] {strides = array<i32>} : memref<3x64x128xf32, #tpu.memory_space<vmem>>, vector<16xf32>,
        %mul3A_543 = arith.mulf %get3A_542, %gather3A_515 : vector<16xf32>
        %swap3A_544 = arith.constant 1 : i32
        %swap3A_545 = arith.index_cast %swap3A_544 : i32 to index
        %swap3A_546 = arith.index_cast %add3A_510 : i32 to index
        %swap3A_547 = arith.constant 32 : index
        %swap3A_548 = tpu.vector_load %arg11[%swap3A_545, %swap3A_546, %swap3A_547] {strides = array<i32>} : memref<3x64x128xf32, #tpu.memory_space<vmem>>, vector<16xf32>,
        tpu.vector_store %arg11[%swap3A_545, %swap3A_546, %swap3A_547], %mul3A_543 {strides = array<i32>} : memref<3x64x128xf32, #tpu.memory_space<vmem>>, vector<16xf32>,
        %get3A_549 = arith.constant 1 : i32
        %get3A_550 = arith.index_cast %get3A_549 : i32 to index
        %get3A_551 = arith.index_cast %add3A_510 : i32 to index
        %get3A_552 = arith.constant 48 : index
        %get3A_553 = tpu.vector_load %arg11[%get3A_550, %get3A_551, %get3A_552] {strides = array<i32>} : memref<3x64x128xf32, #tpu.memory_space<vmem>>, vector<16xf32>,
        %mul3A_554 = arith.mulf %get3A_553, %gather3A_515 : vector<16xf32>
        %swap3A_555 = arith.constant 1 : i32
        %swap3A_556 = arith.index_cast %swap3A_555 : i32 to index
        %swap3A_557 = arith.index_cast %add3A_510 : i32 to index
        %swap3A_558 = arith.constant 48 : index
        %swap3A_559 = tpu.vector_load %arg11[%swap3A_556, %swap3A_557, %swap3A_558] {strides = array<i32>} : memref<3x64x128xf32, #tpu.memory_space<vmem>>, vector<16xf32>,
        tpu.vector_store %arg11[%swap3A_556, %swap3A_557, %swap3A_558], %mul3A_554 {strides = array<i32>} : memref<3x64x128xf32, #tpu.memory_space<vmem>>, vector<16xf32>,
        %get3A_560 = arith.constant 1 : i32
        %get3A_561 = arith.index_cast %get3A_560 : i32 to index
        %get3A_562 = arith.index_cast %add3A_510 : i32 to index
        %get3A_563 = arith.constant 64 : index
        %get3A_564 = tpu.vector_load %arg11[%get3A_561, %get3A_562, %get3A_563] {strides = array<i32>} : memref<3x64x128xf32, #tpu.memory_space<vmem>>, vector<16xf32>,
        %mul3A_565 = arith.mulf %get3A_564, %gather3A_515 : vector<16xf32>
        %swap3A_566 = arith.constant 1 : i32
        %swap3A_567 = arith.index_cast %swap3A_566 : i32 to index
        %swap3A_568 = arith.index_cast %add3A_510 : i32 to index
        %swap3A_569 = arith.constant 64 : index
        %swap3A_570 = tpu.vector_load %arg11[%swap3A_567, %swap3A_568, %swap3A_569] {strides = array<i32>} : memref<3x64x128xf32, #tpu.memory_space<vmem>>, vector<16xf32>,
        tpu.vector_store %arg11[%swap3A_567, %swap3A_568, %swap3A_569], %mul3A_565 {strides = array<i32>} : memref<3x64x128xf32, #tpu.memory_space<vmem>>, vector<16xf32>,
        %get3A_571 = arith.constant 1 : i32
        %get3A_572 = arith.index_cast %get3A_571 : i32 to index
        %get3A_573 = arith.index_cast %add3A_510 : i32 to index
        %get3A_574 = arith.constant 80 : index
        %get3A_575 = tpu.vector_load %arg11[%get3A_572, %get3A_573, %get3A_574] {strides = array<i32>} : memref<3x64x128xf32, #tpu.memory_space<vmem>>, vector<16xf32>,
        %mul3A_576 = arith.mulf %get3A_575, %gather3A_515 : vector<16xf32>
        %swap3A_577 = arith.constant 1 : i32
        %swap3A_578 = arith.index_cast %swap3A_577 : i32 to index
        %swap3A_579 = arith.index_cast %add3A_510 : i32 to index
        %swap3A_580 = arith.constant 80 : index
        %swap3A_581 = tpu.vector_load %arg11[%swap3A_578, %swap3A_579, %swap3A_580] {strides = array<i32>} : memref<3x64x128xf32, #tpu.memory_space<vmem>>, vector<16xf32>,
        tpu.vector_store %arg11[%swap3A_578, %swap3A_579, %swap3A_580], %mul3A_576 {strides = array<i32>} : memref<3x64x128xf32, #tpu.memory_space<vmem>>, vector<16xf32>,
        %get3A_582 = arith.constant 1 : i32
        %get3A_583 = arith.index_cast %get3A_582 : i32 to index
        %get3A_584 = arith.index_cast %add3A_510 : i32 to index
        %get3A_585 = arith.constant 96 : index
        %get3A_586 = tpu.vector_load %arg11[%get3A_583, %get3A_584, %get3A_585] {strides = array<i32>} : memref<3x64x128xf32, #tpu.memory_space<vmem>>, vector<16xf32>,
        %mul3A_587 = arith.mulf %get3A_586, %gather3A_515 : vector<16xf32>
        %swap3A_588 = arith.constant 1 : i32
        %swap3A_589 = arith.index_cast %swap3A_588 : i32 to index
        %swap3A_590 = arith.index_cast %add3A_510 : i32 to index
        %swap3A_591 = arith.constant 96 : index
        %swap3A_592 = tpu.vector_load %arg11[%swap3A_589, %swap3A_590, %swap3A_591] {strides = array<i32>} : memref<3x64x128xf32, #tpu.memory_space<vmem>>, vector<16xf32>,
        tpu.vector_store %arg11[%swap3A_589, %swap3A_590, %swap3A_591], %mul3A_587 {strides = array<i32>} : memref<3x64x128xf32, #tpu.memory_space<vmem>>, vector<16xf32>,
        %get3A_593 = arith.constant 1 : i32
        %get3A_594 = arith.index_cast %get3A_593 : i32 to index
        %get3A_595 = arith.index_cast %add3A_510 : i32 to index
        %get3A_596 = arith.constant 112 : index
        %get3A_597 = tpu.vector_load %arg11[%get3A_594, %get3A_595, %get3A_596] {strides = array<i32>} : memref<3x64x128xf32, #tpu.memory_space<vmem>>, vector<16xf32>,
        %mul3A_598 = arith.mulf %get3A_597, %gather3A_515 : vector<16xf32>
        %swap3A_599 = arith.constant 1 : i32
        %swap3A_600 = arith.index_cast %swap3A_599 : i32 to index
        %swap3A_601 = arith.index_cast %add3A_510 : i32 to index
        %swap3A_602 = arith.constant 112 : index
        %swap3A_603 = tpu.vector_load %arg11[%swap3A_600, %swap3A_601, %swap3A_602] {strides = array<i32>} : memref<3x64x128xf32, #tpu.memory_space<vmem>>, vector<16xf32>,
        tpu.vector_store %arg11[%swap3A_600, %swap3A_601, %swap3A_602], %mul3A_598 {strides = array<i32>} : memref<3x64x128xf32, #tpu.memory_space<vmem>>, vector<16xf32>,
        %mul3A_604 = arith.constant 4 : i32
        %mul3A_605 = arith.muli %scan3A_313, %mul3A_604 : i32
        %add3A_606 = arith.constant 3 : i32
        %add3A_607 = arith.addi %mul3A_605, %add3A_606 : i32
        %mul3A_608 = arith.constant 64 : i32
        %mul3A_609 = arith.muli %add3A_201, %mul3A_608 : i32
        %add3A_610 = arith.addi %mul3A_609, %add3A_607 : i32
        %broadcast_in_dim3A_611 = vector.broadcast %add3A_610 : i32 to vector<16xi32>
        %gather3A_612 = tpu.vector_load_idx %arg7[%broadcast_in_dim3A_611] : memref<10000xf32, #tpu.memory_space<vmem>>[vector<16xi32>], vector<16xf32>,
        %get3A_613 = arith.constant 1 : i32
        %get3A_614 = arith.index_cast %get3A_613 : i32 to index
        %get3A_615 = arith.index_cast %add3A_607 : i32 to index
        %get3A_616 = arith.constant 0 : index
        %get3A_617 = tpu.vector_load %arg11[%get3A_614, %get3A_615, %get3A_616] {strides = array<i32>} : memref<3x64x128xf32, #tpu.memory_space<vmem>>, vector<16xf32>,
        %mul3A_618 = arith.mulf %get3A_617, %gather3A_612 : vector<16xf32>
        %swap3A_619 = arith.constant 1 : i32
        %swap3A_620 = arith.index_cast %swap3A_619 : i32 to index
        %swap3A_621 = arith.index_cast %add3A_607 : i32 to index
        %swap3A_622 = arith.constant 0 : index
        %swap3A_623 = tpu.vector_load %arg11[%swap3A_620, %swap3A_621, %swap3A_622] {strides = array<i32>} : memref<3x64x128xf32, #tpu.memory_space<vmem>>, vector<16xf32>,
        tpu.vector_store %arg11[%swap3A_620, %swap3A_621, %swap3A_622], %mul3A_618 {strides = array<i32>} : memref<3x64x128xf32, #tpu.memory_space<vmem>>, vector<16xf32>,
        %get3A_624 = arith.constant 1 : i32
        %get3A_625 = arith.index_cast %get3A_624 : i32 to index
        %get3A_626 = arith.index_cast %add3A_607 : i32 to index
        %get3A_627 = arith.constant 16 : index
        %get3A_628 = tpu.vector_load %arg11[%get3A_625, %get3A_626, %get3A_627] {strides = array<i32>} : memref<3x64x128xf32, #tpu.memory_space<vmem>>, vector<16xf32>,
        %mul3A_629 = arith.mulf %get3A_628, %gather3A_612 : vector<16xf32>
        %swap3A_630 = arith.constant 1 : i32
        %swap3A_631 = arith.index_cast %swap3A_630 : i32 to index
        %swap3A_632 = arith.index_cast %add3A_607 : i32 to index
        %swap3A_633 = arith.constant 16 : index
        %swap3A_634 = tpu.vector_load %arg11[%swap3A_631, %swap3A_632, %swap3A_633] {strides = array<i32>} : memref<3x64x128xf32, #tpu.memory_space<vmem>>, vector<16xf32>,
        tpu.vector_store %arg11[%swap3A_631, %swap3A_632, %swap3A_633], %mul3A_629 {strides = array<i32>} : memref<3x64x128xf32, #tpu.memory_space<vmem>>, vector<16xf32>,
        %get3A_635 = arith.constant 1 : i32
        %get3A_636 = arith.index_cast %get3A_635 : i32 to index
        %get3A_637 = arith.index_cast %add3A_607 : i32 to index
        %get3A_638 = arith.constant 32 : index
        %get3A_639 = tpu.vector_load %arg11[%get3A_636, %get3A_637, %get3A_638] {strides = array<i32>} : memref<3x64x128xf32, #tpu.memory_space<vmem>>, vector<16xf32>,
        %mul3A_640 = arith.mulf %get3A_639, %gather3A_612 : vector<16xf32>
        %swap3A_641 = arith.constant 1 : i32
        %swap3A_642 = arith.index_cast %swap3A_641 : i32 to index
        %swap3A_643 = arith.index_cast %add3A_607 : i32 to index
        %swap3A_644 = arith.constant 32 : index
        %swap3A_645 = tpu.vector_load %arg11[%swap3A_642, %swap3A_643, %swap3A_644] {strides = array<i32>} : memref<3x64x128xf32, #tpu.memory_space<vmem>>, vector<16xf32>,
        tpu.vector_store %arg11[%swap3A_642, %swap3A_643, %swap3A_644], %mul3A_640 {strides = array<i32>} : memref<3x64x128xf32, #tpu.memory_space<vmem>>, vector<16xf32>,
        %get3A_646 = arith.constant 1 : i32
        %get3A_647 = arith.index_cast %get3A_646 : i32 to index
        %get3A_648 = arith.index_cast %add3A_607 : i32 to index
        %get3A_649 = arith.constant 48 : index
        %get3A_650 = tpu.vector_load %arg11[%get3A_647, %get3A_648, %get3A_649] {strides = array<i32>} : memref<3x64x128xf32, #tpu.memory_space<vmem>>, vector<16xf32>,
        %mul3A_651 = arith.mulf %get3A_650, %gather3A_612 : vector<16xf32>
        %swap3A_652 = arith.constant 1 : i32
        %swap3A_653 = arith.index_cast %swap3A_652 : i32 to index
        %swap3A_654 = arith.index_cast %add3A_607 : i32 to index
        %swap3A_655 = arith.constant 48 : index
        %swap3A_656 = tpu.vector_load %arg11[%swap3A_653, %swap3A_654, %swap3A_655] {strides = array<i32>} : memref<3x64x128xf32, #tpu.memory_space<vmem>>, vector<16xf32>,
        tpu.vector_store %arg11[%swap3A_653, %swap3A_654, %swap3A_655], %mul3A_651 {strides = array<i32>} : memref<3x64x128xf32, #tpu.memory_space<vmem>>, vector<16xf32>,
        %get3A_657 = arith.constant 1 : i32
        %get3A_658 = arith.index_cast %get3A_657 : i32 to index
        %get3A_659 = arith.index_cast %add3A_607 : i32 to index
        %get3A_660 = arith.constant 64 : index
        %get3A_661 = tpu.vector_load %arg11[%get3A_658, %get3A_659, %get3A_660] {strides = array<i32>} : memref<3x64x128xf32, #tpu.memory_space<vmem>>, vector<16xf32>,
        %mul3A_662 = arith.mulf %get3A_661, %gather3A_612 : vector<16xf32>
        %swap3A_663 = arith.constant 1 : i32
        %swap3A_664 = arith.index_cast %swap3A_663 : i32 to index
        %swap3A_665 = arith.index_cast %add3A_607 : i32 to index
        %swap3A_666 = arith.constant 64 : index
        %swap3A_667 = tpu.vector_load %arg11[%swap3A_664, %swap3A_665, %swap3A_666] {strides = array<i32>} : memref<3x64x128xf32, #tpu.memory_space<vmem>>, vector<16xf32>,
        tpu.vector_store %arg11[%swap3A_664, %swap3A_665, %swap3A_666], %mul3A_662 {strides = array<i32>} : memref<3x64x128xf32, #tpu.memory_space<vmem>>, vector<16xf32>,
        %get3A_668 = arith.constant 1 : i32
        %get3A_669 = arith.index_cast %get3A_668 : i32 to index
        %get3A_670 = arith.index_cast %add3A_607 : i32 to index
        %get3A_671 = arith.constant 80 : index
        %get3A_672 = tpu.vector_load %arg11[%get3A_669, %get3A_670, %get3A_671] {strides = array<i32>} : memref<3x64x128xf32, #tpu.memory_space<vmem>>, vector<16xf32>,
        %mul3A_673 = arith.mulf %get3A_672, %gather3A_612 : vector<16xf32>
        %swap3A_674 = arith.constant 1 : i32
        %swap3A_675 = arith.index_cast %swap3A_674 : i32 to index
        %swap3A_676 = arith.index_cast %add3A_607 : i32 to index
        %swap3A_677 = arith.constant 80 : index
        %swap3A_678 = tpu.vector_load %arg11[%swap3A_675, %swap3A_676, %swap3A_677] {strides = array<i32>} : memref<3x64x128xf32, #tpu.memory_space<vmem>>, vector<16xf32>,
        tpu.vector_store %arg11[%swap3A_675, %swap3A_676, %swap3A_677], %mul3A_673 {strides = array<i32>} : memref<3x64x128xf32, #tpu.memory_space<vmem>>, vector<16xf32>,
        %get3A_679 = arith.constant 1 : i32
        %get3A_680 = arith.index_cast %get3A_679 : i32 to index
        %get3A_681 = arith.index_cast %add3A_607 : i32 to index
        %get3A_682 = arith.constant 96 : index
        %get3A_683 = tpu.vector_load %arg11[%get3A_680, %get3A_681, %get3A_682] {strides = array<i32>} : memref<3x64x128xf32, #tpu.memory_space<vmem>>, vector<16xf32>,
        %mul3A_684 = arith.mulf %get3A_683, %gather3A_612 : vector<16xf32>
        %swap3A_685 = arith.constant 1 : i32
        %swap3A_686 = arith.index_cast %swap3A_685 : i32 to index
        %swap3A_687 = arith.index_cast %add3A_607 : i32 to index
        %swap3A_688 = arith.constant 96 : index
        %swap3A_689 = tpu.vector_load %arg11[%swap3A_686, %swap3A_687, %swap3A_688] {strides = array<i32>} : memref<3x64x128xf32, #tpu.memory_space<vmem>>, vector<16xf32>,
        tpu.vector_store %arg11[%swap3A_686, %swap3A_687, %swap3A_688], %mul3A_684 {strides = array<i32>} : memref<3x64x128xf32, #tpu.memory_space<vmem>>, vector<16xf32>,
        %get3A_690 = arith.constant 1 : i32
        %get3A_691 = arith.index_cast %get3A_690 : i32 to index
        %get3A_692 = arith.index_cast %add3A_607 : i32 to index
        %get3A_693 = arith.constant 112 : index
        %get3A_694 = tpu.vector_load %arg11[%get3A_691, %get3A_692, %get3A_693] {strides = array<i32>} : memref<3x64x128xf32, #tpu.memory_space<vmem>>, vector<16xf32>,
        %mul3A_695 = arith.mulf %get3A_694, %gather3A_612 : vector<16xf32>
        %swap3A_696 = arith.constant 1 : i32
        %swap3A_697 = arith.index_cast %swap3A_696 : i32 to index
        %swap3A_698 = arith.index_cast %add3A_607 : i32 to index
        %swap3A_699 = arith.constant 112 : index
        %swap3A_700 = tpu.vector_load %arg11[%swap3A_697, %swap3A_698, %swap3A_699] {strides = array<i32>} : memref<3x64x128xf32, #tpu.memory_space<vmem>>, vector<16xf32>,
        tpu.vector_store %arg11[%swap3A_697, %swap3A_698, %swap3A_699], %mul3A_695 {strides = array<i32>} : memref<3x64x128xf32, #tpu.memory_space<vmem>>, vector<16xf32>,
        %scan3A_701 = arith.constant 0 : i32
        scf.yield %scan3A_701 : i32
      }
      %scan3A_234 = arith.constant 16 : i32
      %dma_start3A_235 = arith.constant 1 : i32
      %dma_start3A_236 = arith.constant 1 : i32
      %dma_start3A_237 = arith.constant 1 : i32
      %dma_start3A_238 = arith.constant 0 : i32
      %dma_start3A_239 = arith.constant 0 : i32
      %dma_start3A_240 = tpu.memref_slice %arg11[%dma_start3A_235, %dma_start3A_238, %dma_start3A_239] : memref<3x64x128xf32, #tpu.memory_space<vmem>> -> memref<1x64x128xf32, #tpu.memory_space<vmem>>
      %dma_start3A_241 = tpu.memref_squeeze %dma_start3A_240 : memref<1x64x128xf32, #tpu.memory_space<vmem>> -> memref<64x128xf32, #tpu.memory_space<vmem>>
      %dma_start3A_242 = arith.constant 0 : i32
      %dma_start3A_243 = tpu.memref_slice %arg9[%dma_start3A_236, %dma_start3A_242] : memref<3x64xi32, #tpu.memory_space<vmem>> -> memref<1x64xi32, #tpu.memory_space<vmem>>
      %dma_start3A_244 = tpu.memref_squeeze %dma_start3A_243 : memref<1x64xi32, #tpu.memory_space<vmem>> -> memref<64xi32, #tpu.memory_space<vmem>>
      %dma_start3A_245 = arith.constant 0 : i32
      %dma_start3A_246 = arith.constant 0 : i32
      %dma_start3A_247 = tpu.memref_slice %arg12[%dma_start3A_245, %dma_start3A_246] : memref<10000x128xf32, #tpu.memory_space<vmem_shared>> -> memref<10000x128xf32, #tpu.memory_space<vmem_shared>>
      %dma_start3A_248 = tpu.memref_slice %arg14[%dma_start3A_237] : memref<3x!tpu.dma_semaphore, #tpu.memory_space<semaphore_mem>> -> memref<1x!tpu.dma_semaphore, #tpu.memory_space<semaphore_mem>>
      %dma_start3A_249 = tpu.memref_squeeze %dma_start3A_248 : memref<1x!tpu.dma_semaphore, #tpu.memory_space<semaphore_mem>> -> memref<!tpu.dma_semaphore, #tpu.memory_space<semaphore_mem>>
      tpu.enqueue_indirect_dma source(%dma_start3A_241 : memref<64x128xf32, #tpu.memory_space<vmem>>) target(%dma_start3A_247 : memref<10000x128xf32, #tpu.memory_space<vmem_shared>>) offsets(%dma_start3A_244 : memref<64xi32, #tpu.memory_space<vmem>>) semaphore(%dma_start3A_249 : memref<!tpu.dma_semaphore, #tpu.memory_space<semaphore_mem>>) {add = true}
      %ge3A_250 = arith.constant 1 : i32
      %ge3A_251 = arith.cmpi sge, %add3A_201, %ge3A_250 : i32
      %convert_element_type3A_252 = arith.extui %ge3A_251 : i1 to i32
      %cond3A_253 = arith.constant 0 : i32
      %cond3A_254 = arith.cmpi ne, %convert_element_type3A_252, %cond3A_253 : i32
      scf.if %cond3A_254 {
        %dma_wait3A_313 = arith.constant 0 : i32
        %dma_wait3A_314 = arith.constant 0 : i32
        %dma_wait3A_315 = arith.constant 0 : i32
        %dma_wait3A_316 = arith.constant 0 : i32
        %dma_wait3A_317 = arith.constant 0 : i32
        %dma_wait3A_318 = tpu.memref_slice %arg11[%dma_wait3A_313, %dma_wait3A_316, %dma_wait3A_317] : memref<3x64x128xf32, #tpu.memory_space<vmem>> -> memref<1x64x128xf32, #tpu.memory_space<vmem>>
        %dma_wait3A_319 = tpu.memref_squeeze %dma_wait3A_318 : memref<1x64x128xf32, #tpu.memory_space<vmem>> -> memref<64x128xf32, #tpu.memory_space<vmem>>
        %dma_wait3A_320 = arith.constant 0 : i32
        %dma_wait3A_321 = tpu.memref_slice %arg9[%dma_wait3A_314, %dma_wait3A_320] : memref<3x64xi32, #tpu.memory_space<vmem>> -> memref<1x64xi32, #tpu.memory_space<vmem>>
        %dma_wait3A_322 = tpu.memref_squeeze %dma_wait3A_321 : memref<1x64xi32, #tpu.memory_space<vmem>> -> memref<64xi32, #tpu.memory_space<vmem>>
        %dma_wait3A_323 = arith.constant 0 : i32
        %dma_wait3A_324 = arith.constant 0 : i32
        %dma_wait3A_325 = tpu.memref_slice %arg12[%dma_wait3A_323, %dma_wait3A_324] : memref<10000x128xf32, #tpu.memory_space<vmem_shared>> -> memref<10000x128xf32, #tpu.memory_space<vmem_shared>>
        %dma_wait3A_326 = tpu.memref_slice %arg14[%dma_wait3A_315] : memref<3x!tpu.dma_semaphore, #tpu.memory_space<semaphore_mem>> -> memref<1x!tpu.dma_semaphore, #tpu.memory_space<semaphore_mem>>
        %dma_wait3A_327 = tpu.memref_squeeze %dma_wait3A_326 : memref<1x!tpu.dma_semaphore, #tpu.memory_space<semaphore_mem>> -> memref<!tpu.dma_semaphore, #tpu.memory_space<semaphore_mem>>
        tpu.wait_indirect_dma semaphore(%dma_wait3A_327 : memref<!tpu.dma_semaphore, #tpu.memory_space<semaphore_mem>>) src(%dma_wait3A_319 : memref<64x128xf32, #tpu.memory_space<vmem>>) dst(%dma_wait3A_325 : memref<10000x128xf32, #tpu.memory_space<vmem_shared>>)
        %add3A_328 = arith.constant 2 : i32
        %add3A_329 = arith.addi %add3A_201, %add3A_328 : i32
        %lt3A_330 = arith.constant 156 : i32
        %lt3A_331 = arith.cmpi slt, %add3A_329, %lt3A_330 : i32
        %convert_element_type3A_332 = arith.extui %lt3A_331 : i1 to i32
        %cond3A_333 = arith.constant 0 : i32
        %cond3A_334 = arith.cmpi ne, %convert_element_type3A_332, %cond3A_333 : i32
        scf.if %cond3A_334 {
          %add3A_335 = arith.constant 2 : i32
          %add3A_336 = arith.addi %add3A_201, %add3A_335 : i32
          %mul3A_337 = arith.constant 64 : i32
          %mul3A_338 = arith.muli %add3A_336, %mul3A_337 : i32
          %add3A_339 = arith.addi %mul3A_2, %mul3A_338 : i32
          %dma_start3A_340 = arith.constant 0 : i32
          %dma_start3A_341 = arith.constant 0 : i32
          %dma_start3A_342 = arith.constant 0 : i32
          %dma_start3A_343 = arith.constant 0 : i32
          %dma_start3A_344 = tpu.memref_slice %arg11[%dma_start3A_340, %dma_start3A_342, %dma_start3A_343] : memref<3x64x128xf32, #tpu.memory_space<vmem>> -> memref<1x64x128xf32, #tpu.memory_space<vmem>>
          %dma_start3A_345 = tpu.memref_squeeze %dma_start3A_344 : memref<1x64x128xf32, #tpu.memory_space<vmem>> -> memref<64x128xf32, #tpu.memory_space<vmem>>
          %dma_start3A_346 = arith.constant 0 : i32
          %dma_start3A_347 = tpu.memref_slice %arg2[%add3A_339, %dma_start3A_346] : memref<320000x128xf32, #tpu.memory_space<hbm>> -> memref<64x128xf32, #tpu.memory_space<hbm>>
          %dma_start3A_348 = tpu.memref_slice %arg13[%dma_start3A_341] : memref<3x!tpu.dma_semaphore, #tpu.memory_space<semaphore_mem>> -> memref<1x!tpu.dma_semaphore, #tpu.memory_space<semaphore_mem>>
          %dma_start3A_349 = tpu.memref_squeeze %dma_start3A_348 : memref<1x!tpu.dma_semaphore, #tpu.memory_space<semaphore_mem>> -> memref<!tpu.dma_semaphore, #tpu.memory_space<semaphore_mem>>
          %dma_start3A_350 = arith.constant 0 : i32
          %dma_start3A_351 = arith.constant 0 : i32
          %dma_start3A_352 = tpu.memref_slice %arg11[%dma_start3A_340, %dma_start3A_350, %dma_start3A_351] : memref<3x64x128xf32, #tpu.memory_space<vmem>> -> memref<1x64x128xf32, #tpu.memory_space<vmem>>
          %dma_start3A_353 = tpu.memref_squeeze %dma_start3A_352 : memref<1x64x128xf32, #tpu.memory_space<vmem>> -> memref<64x128xf32, #tpu.memory_space<vmem>>
          %dma_start3A_354 = arith.constant 0 : i32
          %dma_start3A_355 = tpu.memref_slice %arg2[%add3A_339, %dma_start3A_354] : memref<320000x128xf32, #tpu.memory_space<hbm>> -> memref<64x128xf32, #tpu.memory_space<hbm>>
          tpu.enqueue_dma source(%dma_start3A_355 : memref<64x128xf32, #tpu.memory_space<hbm>>) target(%dma_start3A_353 : memref<64x128xf32, #tpu.memory_space<vmem>>) target_semaphore(%dma_start3A_349 : memref<!tpu.dma_semaphore, #tpu.memory_space<semaphore_mem>>)
        } else {
        }
      } else {
      }
      %mul3A_255 = arith.constant 3 : i32
      %mul3A_256 = arith.muli %scan3A_140, %mul3A_255 : i32
      %add3A_257 = arith.constant 2 : i32
      %add3A_258 = arith.addi %mul3A_256, %add3A_257 : i32
      %mul3A_259 = arith.constant 64 : i32
      %mul3A_260 = arith.muli %add3A_258, %mul3A_259 : i32
      %add3A_261 = arith.addi %mul3A_2, %mul3A_260 : i32
      %dma_wait3A_262 = arith.constant 2 : i32
      %dma_wait3A_263 = arith.constant 2 : i32
      %dma_wait3A_264 = arith.constant 0 : i32
      %dma_wait3A_265 = arith.constant 0 : i32
      %dma_wait3A_266 = tpu.memref_slice %arg11[%dma_wait3A_262, %dma_wait3A_264, %dma_wait3A_265] : memref<3x64x128xf32, #tpu.memory_space<vmem>> -> memref<1x64x128xf32, #tpu.memory_space<vmem>>
      %dma_wait3A_267 = tpu.memref_squeeze %dma_wait3A_266 : memref<1x64x128xf32, #tpu.memory_space<vmem>> -> memref<64x128xf32, #tpu.memory_space<vmem>>
      %dma_wait3A_268 = arith.constant 0 : i32
      %dma_wait3A_269 = tpu.memref_slice %arg2[%add3A_261, %dma_wait3A_268] : memref<320000x128xf32, #tpu.memory_space<hbm>> -> memref<64x128xf32, #tpu.memory_space<hbm>>
      %dma_wait3A_270 = tpu.memref_slice %arg13[%dma_wait3A_263] : memref<3x!tpu.dma_semaphore, #tpu.memory_space<semaphore_mem>> -> memref<1x!tpu.dma_semaphore, #tpu.memory_space<semaphore_mem>>
      %dma_wait3A_271 = tpu.memref_squeeze %dma_wait3A_270 : memref<1x!tpu.dma_semaphore, #tpu.memory_space<semaphore_mem>> -> memref<!tpu.dma_semaphore, #tpu.memory_space<semaphore_mem>>
      %dma_wait3A_272 = arith.constant 0 : i32
      %dma_wait3A_273 = arith.constant 0 : i32
      %dma_wait3A_274 = tpu.memref_slice %arg11[%dma_wait3A_262, %dma_wait3A_272, %dma_wait3A_273] : memref<3x64x128xf32, #tpu.memory_space<vmem>> -> memref<1x64x128xf32, #tpu.memory_space<vmem>>
      %dma_wait3A_275 = tpu.memref_squeeze %dma_wait3A_274 : memref<1x64x128xf32, #tpu.memory_space<vmem>> -> memref<64x128xf32, #tpu.memory_space<vmem>>
      %dma_wait3A_276 = arith.constant 0 : i32
      %dma_wait3A_277 = tpu.memref_slice %arg2[%add3A_261, %dma_wait3A_276] : memref<320000x128xf32, #tpu.memory_space<hbm>> -> memref<64x128xf32, #tpu.memory_space<hbm>>
      tpu.wait_dma2 semaphore(%dma_wait3A_271 : memref<!tpu.dma_semaphore, #tpu.memory_space<semaphore_mem>>) src(%dma_wait3A_277 : memref<64x128xf32, #tpu.memory_space<hbm>>) dst(%dma_wait3A_275 : memref<64x128xf32, #tpu.memory_space<vmem>>)
      %scan3A_278 = arith.constant 0 : i32
      %scan3A_279 = arith.constant 0 : i32
      %scan3A_280 = arith.constant 4 : i32
      %scan3A_281 = arith.addi %scan3A_279, %scan3A_280 : i32
      %scan3A_282 = arith.constant 1 : i32
      %scan3A_283 = scf.for %scan3A_313 = %scan3A_279 to %scan3A_281 step %scan3A_282 iter_args(%scan3A_314 = %scan3A_278) -> (i32)  : i32 {
        %mul3A_315 = arith.constant 64 : i32
        %mul3A_316 = arith.muli %add3A_258, %mul3A_315 : i32
        %mul3A_317 = arith.constant 16 : i32
        %mul3A_318 = arith.muli %scan3A_313, %mul3A_317 : i32
        %add3A_319 = arith.addi %mul3A_316, %mul3A_318 : i32
        %get3A_320 = arith.index_cast %add3A_319 : i32 to index
        %get3A_321 = tpu.vector_load %arg8[%get3A_320] {strides = array<i32>} : memref<10000xi32, #tpu.memory_space<vmem>>, vector<16xi32>,
        %mul3A_322 = arith.constant 16 : i32
        %mul3A_323 = arith.muli %scan3A_313, %mul3A_322 : i32
        %swap3A_324 = arith.constant 2 : i32
        %swap3A_325 = arith.index_cast %swap3A_324 : i32 to index
        %swap3A_326 = arith.index_cast %mul3A_323 : i32 to index
        %swap3A_327 = tpu.vector_load %arg9[%swap3A_325, %swap3A_326] {strides = array<i32>} : memref<3x64xi32, #tpu.memory_space<vmem>>, vector<16xi32>,
        tpu.vector_store %arg9[%swap3A_325, %swap3A_326], %get3A_321 {strides = array<i32>} : memref<3x64xi32, #tpu.memory_space<vmem>>, vector<16xi32>,
        %scan3A_328 = arith.constant 0 : i32
        scf.yield %scan3A_328 : i32
      }
      %scan3A_284 = arith.constant 4 : i32
      %scan3A_285 = arith.constant 0 : i32
      %scan3A_286 = arith.constant 0 : i32
      %scan3A_287 = arith.constant 16 : i32
      %scan3A_288 = arith.addi %scan3A_286, %scan3A_287 : i32
      %scan3A_289 = arith.constant 1 : i32
      %scan3A_290 = scf.for %scan3A_313 = %scan3A_286 to %scan3A_288 step %scan3A_289 iter_args(%scan3A_314 = %scan3A_285) -> (i32)  : i32 {
        %mul3A_315 = arith.constant 4 : i32
        %mul3A_316 = arith.muli %scan3A_313, %mul3A_315 : i32
        %add3A_317 = arith.constant 0 : i32
        %add3A_318 = arith.addi %mul3A_316, %add3A_317 : i32
        %mul3A_319 = arith.constant 64 : i32
        %mul3A_320 = arith.muli %add3A_258, %mul3A_319 : i32
        %add3A_321 = arith.addi %mul3A_320, %add3A_318 : i32
        %broadcast_in_dim3A = vector.broadcast %add3A_321 : i32 to vector<16xi32>
        %gather3A = tpu.vector_load_idx %arg7[%broadcast_in_dim3A] : memref<10000xf32, #tpu.memory_space<vmem>>[vector<16xi32>], vector<16xf32>,
        %get3A_322 = arith.constant 2 : i32
        %get3A_323 = arith.index_cast %get3A_322 : i32 to index
        %get3A_324 = arith.index_cast %add3A_318 : i32 to index
        %get3A_325 = arith.constant 0 : index
        %get3A_326 = tpu.vector_load %arg11[%get3A_323, %get3A_324, %get3A_325] {strides = array<i32>} : memref<3x64x128xf32, #tpu.memory_space<vmem>>, vector<16xf32>,
        %mul3A_327 = arith.mulf %get3A_326, %gather3A : vector<16xf32>
        %swap3A_328 = arith.constant 2 : i32
        %swap3A_329 = arith.index_cast %swap3A_328 : i32 to index
        %swap3A_330 = arith.index_cast %add3A_318 : i32 to index
        %swap3A_331 = arith.constant 0 : index
        %swap3A_332 = tpu.vector_load %arg11[%swap3A_329, %swap3A_330, %swap3A_331] {strides = array<i32>} : memref<3x64x128xf32, #tpu.memory_space<vmem>>, vector<16xf32>,
        tpu.vector_store %arg11[%swap3A_329, %swap3A_330, %swap3A_331], %mul3A_327 {strides = array<i32>} : memref<3x64x128xf32, #tpu.memory_space<vmem>>, vector<16xf32>,
        %get3A_333 = arith.constant 2 : i32
        %get3A_334 = arith.index_cast %get3A_333 : i32 to index
        %get3A_335 = arith.index_cast %add3A_318 : i32 to index
        %get3A_336 = arith.constant 16 : index
        %get3A_337 = tpu.vector_load %arg11[%get3A_334, %get3A_335, %get3A_336] {strides = array<i32>} : memref<3x64x128xf32, #tpu.memory_space<vmem>>, vector<16xf32>,
        %mul3A_338 = arith.mulf %get3A_337, %gather3A : vector<16xf32>
        %swap3A_339 = arith.constant 2 : i32
        %swap3A_340 = arith.index_cast %swap3A_339 : i32 to index
        %swap3A_341 = arith.index_cast %add3A_318 : i32 to index
        %swap3A_342 = arith.constant 16 : index
        %swap3A_343 = tpu.vector_load %arg11[%swap3A_340, %swap3A_341, %swap3A_342] {strides = array<i32>} : memref<3x64x128xf32, #tpu.memory_space<vmem>>, vector<16xf32>,
        tpu.vector_store %arg11[%swap3A_340, %swap3A_341, %swap3A_342], %mul3A_338 {strides = array<i32>} : memref<3x64x128xf32, #tpu.memory_space<vmem>>, vector<16xf32>,
        %get3A_344 = arith.constant 2 : i32
        %get3A_345 = arith.index_cast %get3A_344 : i32 to index
        %get3A_346 = arith.index_cast %add3A_318 : i32 to index
        %get3A_347 = arith.constant 32 : index
        %get3A_348 = tpu.vector_load %arg11[%get3A_345, %get3A_346, %get3A_347] {strides = array<i32>} : memref<3x64x128xf32, #tpu.memory_space<vmem>>, vector<16xf32>,
        %mul3A_349 = arith.mulf %get3A_348, %gather3A : vector<16xf32>
        %swap3A_350 = arith.constant 2 : i32
        %swap3A_351 = arith.index_cast %swap3A_350 : i32 to index
        %swap3A_352 = arith.index_cast %add3A_318 : i32 to index
        %swap3A_353 = arith.constant 32 : index
        %swap3A_354 = tpu.vector_load %arg11[%swap3A_351, %swap3A_352, %swap3A_353] {strides = array<i32>} : memref<3x64x128xf32, #tpu.memory_space<vmem>>, vector<16xf32>,
        tpu.vector_store %arg11[%swap3A_351, %swap3A_352, %swap3A_353], %mul3A_349 {strides = array<i32>} : memref<3x64x128xf32, #tpu.memory_space<vmem>>, vector<16xf32>,
        %get3A_355 = arith.constant 2 : i32
        %get3A_356 = arith.index_cast %get3A_355 : i32 to index
        %get3A_357 = arith.index_cast %add3A_318 : i32 to index
        %get3A_358 = arith.constant 48 : index
        %get3A_359 = tpu.vector_load %arg11[%get3A_356, %get3A_357, %get3A_358] {strides = array<i32>} : memref<3x64x128xf32, #tpu.memory_space<vmem>>, vector<16xf32>,
        %mul3A_360 = arith.mulf %get3A_359, %gather3A : vector<16xf32>
        %swap3A_361 = arith.constant 2 : i32
        %swap3A_362 = arith.index_cast %swap3A_361 : i32 to index
        %swap3A_363 = arith.index_cast %add3A_318 : i32 to index
        %swap3A_364 = arith.constant 48 : index
        %swap3A_365 = tpu.vector_load %arg11[%swap3A_362, %swap3A_363, %swap3A_364] {strides = array<i32>} : memref<3x64x128xf32, #tpu.memory_space<vmem>>, vector<16xf32>,
        tpu.vector_store %arg11[%swap3A_362, %swap3A_363, %swap3A_364], %mul3A_360 {strides = array<i32>} : memref<3x64x128xf32, #tpu.memory_space<vmem>>, vector<16xf32>,
        %get3A_366 = arith.constant 2 : i32
        %get3A_367 = arith.index_cast %get3A_366 : i32 to index
        %get3A_368 = arith.index_cast %add3A_318 : i32 to index
        %get3A_369 = arith.constant 64 : index
        %get3A_370 = tpu.vector_load %arg11[%get3A_367, %get3A_368, %get3A_369] {strides = array<i32>} : memref<3x64x128xf32, #tpu.memory_space<vmem>>, vector<16xf32>,
        %mul3A_371 = arith.mulf %get3A_370, %gather3A : vector<16xf32>
        %swap3A_372 = arith.constant 2 : i32
        %swap3A_373 = arith.index_cast %swap3A_372 : i32 to index
        %swap3A_374 = arith.index_cast %add3A_318 : i32 to index
        %swap3A_375 = arith.constant 64 : index
        %swap3A_376 = tpu.vector_load %arg11[%swap3A_373, %swap3A_374, %swap3A_375] {strides = array<i32>} : memref<3x64x128xf32, #tpu.memory_space<vmem>>, vector<16xf32>,
        tpu.vector_store %arg11[%swap3A_373, %swap3A_374, %swap3A_375], %mul3A_371 {strides = array<i32>} : memref<3x64x128xf32, #tpu.memory_space<vmem>>, vector<16xf32>,
        %get3A_377 = arith.constant 2 : i32
        %get3A_378 = arith.index_cast %get3A_377 : i32 to index
        %get3A_379 = arith.index_cast %add3A_318 : i32 to index
        %get3A_380 = arith.constant 80 : index
        %get3A_381 = tpu.vector_load %arg11[%get3A_378, %get3A_379, %get3A_380] {strides = array<i32>} : memref<3x64x128xf32, #tpu.memory_space<vmem>>, vector<16xf32>,
        %mul3A_382 = arith.mulf %get3A_381, %gather3A : vector<16xf32>
        %swap3A_383 = arith.constant 2 : i32
        %swap3A_384 = arith.index_cast %swap3A_383 : i32 to index
        %swap3A_385 = arith.index_cast %add3A_318 : i32 to index
        %swap3A_386 = arith.constant 80 : index
        %swap3A_387 = tpu.vector_load %arg11[%swap3A_384, %swap3A_385, %swap3A_386] {strides = array<i32>} : memref<3x64x128xf32, #tpu.memory_space<vmem>>, vector<16xf32>,
        tpu.vector_store %arg11[%swap3A_384, %swap3A_385, %swap3A_386], %mul3A_382 {strides = array<i32>} : memref<3x64x128xf32, #tpu.memory_space<vmem>>, vector<16xf32>,
        %get3A_388 = arith.constant 2 : i32
        %get3A_389 = arith.index_cast %get3A_388 : i32 to index
        %get3A_390 = arith.index_cast %add3A_318 : i32 to index
        %get3A_391 = arith.constant 96 : index
        %get3A_392 = tpu.vector_load %arg11[%get3A_389, %get3A_390, %get3A_391] {strides = array<i32>} : memref<3x64x128xf32, #tpu.memory_space<vmem>>, vector<16xf32>,
        %mul3A_393 = arith.mulf %get3A_392, %gather3A : vector<16xf32>
        %swap3A_394 = arith.constant 2 : i32
        %swap3A_395 = arith.index_cast %swap3A_394 : i32 to index
        %swap3A_396 = arith.index_cast %add3A_318 : i32 to index
        %swap3A_397 = arith.constant 96 : index
        %swap3A_398 = tpu.vector_load %arg11[%swap3A_395, %swap3A_396, %swap3A_397] {strides = array<i32>} : memref<3x64x128xf32, #tpu.memory_space<vmem>>, vector<16xf32>,
        tpu.vector_store %arg11[%swap3A_395, %swap3A_396, %swap3A_397], %mul3A_393 {strides = array<i32>} : memref<3x64x128xf32, #tpu.memory_space<vmem>>, vector<16xf32>,
        %get3A_399 = arith.constant 2 : i32
        %get3A_400 = arith.index_cast %get3A_399 : i32 to index
        %get3A_401 = arith.index_cast %add3A_318 : i32 to index
        %get3A_402 = arith.constant 112 : index
        %get3A_403 = tpu.vector_load %arg11[%get3A_400, %get3A_401, %get3A_402] {strides = array<i32>} : memref<3x64x128xf32, #tpu.memory_space<vmem>>, vector<16xf32>,
        %mul3A_404 = arith.mulf %get3A_403, %gather3A : vector<16xf32>
        %swap3A_405 = arith.constant 2 : i32
        %swap3A_406 = arith.index_cast %swap3A_405 : i32 to index
        %swap3A_407 = arith.index_cast %add3A_318 : i32 to index
        %swap3A_408 = arith.constant 112 : index
        %swap3A_409 = tpu.vector_load %arg11[%swap3A_406, %swap3A_407, %swap3A_408] {strides = array<i32>} : memref<3x64x128xf32, #tpu.memory_space<vmem>>, vector<16xf32>,
        tpu.vector_store %arg11[%swap3A_406, %swap3A_407, %swap3A_408], %mul3A_404 {strides = array<i32>} : memref<3x64x128xf32, #tpu.memory_space<vmem>>, vector<16xf32>,
        %mul3A_410 = arith.constant 4 : i32
        %mul3A_411 = arith.muli %scan3A_313, %mul3A_410 : i32
        %add3A_412 = arith.constant 1 : i32
        %add3A_413 = arith.addi %mul3A_411, %add3A_412 : i32
        %mul3A_414 = arith.constant 64 : i32
        %mul3A_415 = arith.muli %add3A_258, %mul3A_414 : i32
        %add3A_416 = arith.addi %mul3A_415, %add3A_413 : i32
        %broadcast_in_dim3A_417 = vector.broadcast %add3A_416 : i32 to vector<16xi32>
        %gather3A_418 = tpu.vector_load_idx %arg7[%broadcast_in_dim3A_417] : memref<10000xf32, #tpu.memory_space<vmem>>[vector<16xi32>], vector<16xf32>,
        %get3A_419 = arith.constant 2 : i32
        %get3A_420 = arith.index_cast %get3A_419 : i32 to index
        %get3A_421 = arith.index_cast %add3A_413 : i32 to index
        %get3A_422 = arith.constant 0 : index
        %get3A_423 = tpu.vector_load %arg11[%get3A_420, %get3A_421, %get3A_422] {strides = array<i32>} : memref<3x64x128xf32, #tpu.memory_space<vmem>>, vector<16xf32>,
        %mul3A_424 = arith.mulf %get3A_423, %gather3A_418 : vector<16xf32>
        %swap3A_425 = arith.constant 2 : i32
        %swap3A_426 = arith.index_cast %swap3A_425 : i32 to index
        %swap3A_427 = arith.index_cast %add3A_413 : i32 to index
        %swap3A_428 = arith.constant 0 : index
        %swap3A_429 = tpu.vector_load %arg11[%swap3A_426, %swap3A_427, %swap3A_428] {strides = array<i32>} : memref<3x64x128xf32, #tpu.memory_space<vmem>>, vector<16xf32>,
        tpu.vector_store %arg11[%swap3A_426, %swap3A_427, %swap3A_428], %mul3A_424 {strides = array<i32>} : memref<3x64x128xf32, #tpu.memory_space<vmem>>, vector<16xf32>,
        %get3A_430 = arith.constant 2 : i32
        %get3A_431 = arith.index_cast %get3A_430 : i32 to index
        %get3A_432 = arith.index_cast %add3A_413 : i32 to index
        %get3A_433 = arith.constant 16 : index
        %get3A_434 = tpu.vector_load %arg11[%get3A_431, %get3A_432, %get3A_433] {strides = array<i32>} : memref<3x64x128xf32, #tpu.memory_space<vmem>>, vector<16xf32>,
        %mul3A_435 = arith.mulf %get3A_434, %gather3A_418 : vector<16xf32>
        %swap3A_436 = arith.constant 2 : i32
        %swap3A_437 = arith.index_cast %swap3A_436 : i32 to index
        %swap3A_438 = arith.index_cast %add3A_413 : i32 to index
        %swap3A_439 = arith.constant 16 : index
        %swap3A_440 = tpu.vector_load %arg11[%swap3A_437, %swap3A_438, %swap3A_439] {strides = array<i32>} : memref<3x64x128xf32, #tpu.memory_space<vmem>>, vector<16xf32>,
        tpu.vector_store %arg11[%swap3A_437, %swap3A_438, %swap3A_439], %mul3A_435 {strides = array<i32>} : memref<3x64x128xf32, #tpu.memory_space<vmem>>, vector<16xf32>,
        %get3A_441 = arith.constant 2 : i32
        %get3A_442 = arith.index_cast %get3A_441 : i32 to index
        %get3A_443 = arith.index_cast %add3A_413 : i32 to index
        %get3A_444 = arith.constant 32 : index
        %get3A_445 = tpu.vector_load %arg11[%get3A_442, %get3A_443, %get3A_444] {strides = array<i32>} : memref<3x64x128xf32, #tpu.memory_space<vmem>>, vector<16xf32>,
        %mul3A_446 = arith.mulf %get3A_445, %gather3A_418 : vector<16xf32>
        %swap3A_447 = arith.constant 2 : i32
        %swap3A_448 = arith.index_cast %swap3A_447 : i32 to index
        %swap3A_449 = arith.index_cast %add3A_413 : i32 to index
        %swap3A_450 = arith.constant 32 : index
        %swap3A_451 = tpu.vector_load %arg11[%swap3A_448, %swap3A_449, %swap3A_450] {strides = array<i32>} : memref<3x64x128xf32, #tpu.memory_space<vmem>>, vector<16xf32>,
        tpu.vector_store %arg11[%swap3A_448, %swap3A_449, %swap3A_450], %mul3A_446 {strides = array<i32>} : memref<3x64x128xf32, #tpu.memory_space<vmem>>, vector<16xf32>,
        %get3A_452 = arith.constant 2 : i32
        %get3A_453 = arith.index_cast %get3A_452 : i32 to index
        %get3A_454 = arith.index_cast %add3A_413 : i32 to index
        %get3A_455 = arith.constant 48 : index
        %get3A_456 = tpu.vector_load %arg11[%get3A_453, %get3A_454, %get3A_455] {strides = array<i32>} : memref<3x64x128xf32, #tpu.memory_space<vmem>>, vector<16xf32>,
        %mul3A_457 = arith.mulf %get3A_456, %gather3A_418 : vector<16xf32>
        %swap3A_458 = arith.constant 2 : i32
        %swap3A_459 = arith.index_cast %swap3A_458 : i32 to index
        %swap3A_460 = arith.index_cast %add3A_413 : i32 to index
        %swap3A_461 = arith.constant 48 : index
        %swap3A_462 = tpu.vector_load %arg11[%swap3A_459, %swap3A_460, %swap3A_461] {strides = array<i32>} : memref<3x64x128xf32, #tpu.memory_space<vmem>>, vector<16xf32>,
        tpu.vector_store %arg11[%swap3A_459, %swap3A_460, %swap3A_461], %mul3A_457 {strides = array<i32>} : memref<3x64x128xf32, #tpu.memory_space<vmem>>, vector<16xf32>,
        %get3A_463 = arith.constant 2 : i32
        %get3A_464 = arith.index_cast %get3A_463 : i32 to index
        %get3A_465 = arith.index_cast %add3A_413 : i32 to index
        %get3A_466 = arith.constant 64 : index
        %get3A_467 = tpu.vector_load %arg11[%get3A_464, %get3A_465, %get3A_466] {strides = array<i32>} : memref<3x64x128xf32, #tpu.memory_space<vmem>>, vector<16xf32>,
        %mul3A_468 = arith.mulf %get3A_467, %gather3A_418 : vector<16xf32>
        %swap3A_469 = arith.constant 2 : i32
        %swap3A_470 = arith.index_cast %swap3A_469 : i32 to index
        %swap3A_471 = arith.index_cast %add3A_413 : i32 to index
        %swap3A_472 = arith.constant 64 : index
        %swap3A_473 = tpu.vector_load %arg11[%swap3A_470, %swap3A_471, %swap3A_472] {strides = array<i32>} : memref<3x64x128xf32, #tpu.memory_space<vmem>>, vector<16xf32>,
        tpu.vector_store %arg11[%swap3A_470, %swap3A_471, %swap3A_472], %mul3A_468 {strides = array<i32>} : memref<3x64x128xf32, #tpu.memory_space<vmem>>, vector<16xf32>,
        %get3A_474 = arith.constant 2 : i32
        %get3A_475 = arith.index_cast %get3A_474 : i32 to index
        %get3A_476 = arith.index_cast %add3A_413 : i32 to index
        %get3A_477 = arith.constant 80 : index
        %get3A_478 = tpu.vector_load %arg11[%get3A_475, %get3A_476, %get3A_477] {strides = array<i32>} : memref<3x64x128xf32, #tpu.memory_space<vmem>>, vector<16xf32>,
        %mul3A_479 = arith.mulf %get3A_478, %gather3A_418 : vector<16xf32>
        %swap3A_480 = arith.constant 2 : i32
        %swap3A_481 = arith.index_cast %swap3A_480 : i32 to index
        %swap3A_482 = arith.index_cast %add3A_413 : i32 to index
        %swap3A_483 = arith.constant 80 : index
        %swap3A_484 = tpu.vector_load %arg11[%swap3A_481, %swap3A_482, %swap3A_483] {strides = array<i32>} : memref<3x64x128xf32, #tpu.memory_space<vmem>>, vector<16xf32>,
        tpu.vector_store %arg11[%swap3A_481, %swap3A_482, %swap3A_483], %mul3A_479 {strides = array<i32>} : memref<3x64x128xf32, #tpu.memory_space<vmem>>, vector<16xf32>,
        %get3A_485 = arith.constant 2 : i32
        %get3A_486 = arith.index_cast %get3A_485 : i32 to index
        %get3A_487 = arith.index_cast %add3A_413 : i32 to index
        %get3A_488 = arith.constant 96 : index
        %get3A_489 = tpu.vector_load %arg11[%get3A_486, %get3A_487, %get3A_488] {strides = array<i32>} : memref<3x64x128xf32, #tpu.memory_space<vmem>>, vector<16xf32>,
        %mul3A_490 = arith.mulf %get3A_489, %gather3A_418 : vector<16xf32>
        %swap3A_491 = arith.constant 2 : i32
        %swap3A_492 = arith.index_cast %swap3A_491 : i32 to index
        %swap3A_493 = arith.index_cast %add3A_413 : i32 to index
        %swap3A_494 = arith.constant 96 : index
        %swap3A_495 = tpu.vector_load %arg11[%swap3A_492, %swap3A_493, %swap3A_494] {strides = array<i32>} : memref<3x64x128xf32, #tpu.memory_space<vmem>>, vector<16xf32>,
        tpu.vector_store %arg11[%swap3A_492, %swap3A_493, %swap3A_494], %mul3A_490 {strides = array<i32>} : memref<3x64x128xf32, #tpu.memory_space<vmem>>, vector<16xf32>,
        %get3A_496 = arith.constant 2 : i32
        %get3A_497 = arith.index_cast %get3A_496 : i32 to index
        %get3A_498 = arith.index_cast %add3A_413 : i32 to index
        %get3A_499 = arith.constant 112 : index
        %get3A_500 = tpu.vector_load %arg11[%get3A_497, %get3A_498, %get3A_499] {strides = array<i32>} : memref<3x64x128xf32, #tpu.memory_space<vmem>>, vector<16xf32>,
        %mul3A_501 = arith.mulf %get3A_500, %gather3A_418 : vector<16xf32>
        %swap3A_502 = arith.constant 2 : i32
        %swap3A_503 = arith.index_cast %swap3A_502 : i32 to index
        %swap3A_504 = arith.index_cast %add3A_413 : i32 to index
        %swap3A_505 = arith.constant 112 : index
        %swap3A_506 = tpu.vector_load %arg11[%swap3A_503, %swap3A_504, %swap3A_505] {strides = array<i32>} : memref<3x64x128xf32, #tpu.memory_space<vmem>>, vector<16xf32>,
        tpu.vector_store %arg11[%swap3A_503, %swap3A_504, %swap3A_505], %mul3A_501 {strides = array<i32>} : memref<3x64x128xf32, #tpu.memory_space<vmem>>, vector<16xf32>,
        %mul3A_507 = arith.constant 4 : i32
        %mul3A_508 = arith.muli %scan3A_313, %mul3A_507 : i32
        %add3A_509 = arith.constant 2 : i32
        %add3A_510 = arith.addi %mul3A_508, %add3A_509 : i32
        %mul3A_511 = arith.constant 64 : i32
        %mul3A_512 = arith.muli %add3A_258, %mul3A_511 : i32
        %add3A_513 = arith.addi %mul3A_512, %add3A_510 : i32
        %broadcast_in_dim3A_514 = vector.broadcast %add3A_513 : i32 to vector<16xi32>
        %gather3A_515 = tpu.vector_load_idx %arg7[%broadcast_in_dim3A_514] : memref<10000xf32, #tpu.memory_space<vmem>>[vector<16xi32>], vector<16xf32>,
        %get3A_516 = arith.constant 2 : i32
        %get3A_517 = arith.index_cast %get3A_516 : i32 to index
        %get3A_518 = arith.index_cast %add3A_510 : i32 to index
        %get3A_519 = arith.constant 0 : index
        %get3A_520 = tpu.vector_load %arg11[%get3A_517, %get3A_518, %get3A_519] {strides = array<i32>} : memref<3x64x128xf32, #tpu.memory_space<vmem>>, vector<16xf32>,
        %mul3A_521 = arith.mulf %get3A_520, %gather3A_515 : vector<16xf32>
        %swap3A_522 = arith.constant 2 : i32
        %swap3A_523 = arith.index_cast %swap3A_522 : i32 to index
        %swap3A_524 = arith.index_cast %add3A_510 : i32 to index
        %swap3A_525 = arith.constant 0 : index
        %swap3A_526 = tpu.vector_load %arg11[%swap3A_523, %swap3A_524, %swap3A_525] {strides = array<i32>} : memref<3x64x128xf32, #tpu.memory_space<vmem>>, vector<16xf32>,
        tpu.vector_store %arg11[%swap3A_523, %swap3A_524, %swap3A_525], %mul3A_521 {strides = array<i32>} : memref<3x64x128xf32, #tpu.memory_space<vmem>>, vector<16xf32>,
        %get3A_527 = arith.constant 2 : i32
        %get3A_528 = arith.index_cast %get3A_527 : i32 to index
        %get3A_529 = arith.index_cast %add3A_510 : i32 to index
        %get3A_530 = arith.constant 16 : index
        %get3A_531 = tpu.vector_load %arg11[%get3A_528, %get3A_529, %get3A_530] {strides = array<i32>} : memref<3x64x128xf32, #tpu.memory_space<vmem>>, vector<16xf32>,
        %mul3A_532 = arith.mulf %get3A_531, %gather3A_515 : vector<16xf32>
        %swap3A_533 = arith.constant 2 : i32
        %swap3A_534 = arith.index_cast %swap3A_533 : i32 to index
        %swap3A_535 = arith.index_cast %add3A_510 : i32 to index
        %swap3A_536 = arith.constant 16 : index
        %swap3A_537 = tpu.vector_load %arg11[%swap3A_534, %swap3A_535, %swap3A_536] {strides = array<i32>} : memref<3x64x128xf32, #tpu.memory_space<vmem>>, vector<16xf32>,
        tpu.vector_store %arg11[%swap3A_534, %swap3A_535, %swap3A_536], %mul3A_532 {strides = array<i32>} : memref<3x64x128xf32, #tpu.memory_space<vmem>>, vector<16xf32>,
        %get3A_538 = arith.constant 2 : i32
        %get3A_539 = arith.index_cast %get3A_538 : i32 to index
        %get3A_540 = arith.index_cast %add3A_510 : i32 to index
        %get3A_541 = arith.constant 32 : index
        %get3A_542 = tpu.vector_load %arg11[%get3A_539, %get3A_540, %get3A_541] {strides = array<i32>} : memref<3x64x128xf32, #tpu.memory_space<vmem>>, vector<16xf32>,
        %mul3A_543 = arith.mulf %get3A_542, %gather3A_515 : vector<16xf32>
        %swap3A_544 = arith.constant 2 : i32
        %swap3A_545 = arith.index_cast %swap3A_544 : i32 to index
        %swap3A_546 = arith.index_cast %add3A_510 : i32 to index
        %swap3A_547 = arith.constant 32 : index
        %swap3A_548 = tpu.vector_load %arg11[%swap3A_545, %swap3A_546, %swap3A_547] {strides = array<i32>} : memref<3x64x128xf32, #tpu.memory_space<vmem>>, vector<16xf32>,
        tpu.vector_store %arg11[%swap3A_545, %swap3A_546, %swap3A_547], %mul3A_543 {strides = array<i32>} : memref<3x64x128xf32, #tpu.memory_space<vmem>>, vector<16xf32>,
        %get3A_549 = arith.constant 2 : i32
        %get3A_550 = arith.index_cast %get3A_549 : i32 to index
        %get3A_551 = arith.index_cast %add3A_510 : i32 to index
        %get3A_552 = arith.constant 48 : index
        %get3A_553 = tpu.vector_load %arg11[%get3A_550, %get3A_551, %get3A_552] {strides = array<i32>} : memref<3x64x128xf32, #tpu.memory_space<vmem>>, vector<16xf32>,
        %mul3A_554 = arith.mulf %get3A_553, %gather3A_515 : vector<16xf32>
        %swap3A_555 = arith.constant 2 : i32
        %swap3A_556 = arith.index_cast %swap3A_555 : i32 to index
        %swap3A_557 = arith.index_cast %add3A_510 : i32 to index
        %swap3A_558 = arith.constant 48 : index
        %swap3A_559 = tpu.vector_load %arg11[%swap3A_556, %swap3A_557, %swap3A_558] {strides = array<i32>} : memref<3x64x128xf32, #tpu.memory_space<vmem>>, vector<16xf32>,
        tpu.vector_store %arg11[%swap3A_556, %swap3A_557, %swap3A_558], %mul3A_554 {strides = array<i32>} : memref<3x64x128xf32, #tpu.memory_space<vmem>>, vector<16xf32>,
        %get3A_560 = arith.constant 2 : i32
        %get3A_561 = arith.index_cast %get3A_560 : i32 to index
        %get3A_562 = arith.index_cast %add3A_510 : i32 to index
        %get3A_563 = arith.constant 64 : index
        %get3A_564 = tpu.vector_load %arg11[%get3A_561, %get3A_562, %get3A_563] {strides = array<i32>} : memref<3x64x128xf32, #tpu.memory_space<vmem>>, vector<16xf32>,
        %mul3A_565 = arith.mulf %get3A_564, %gather3A_515 : vector<16xf32>
        %swap3A_566 = arith.constant 2 : i32
        %swap3A_567 = arith.index_cast %swap3A_566 : i32 to index
        %swap3A_568 = arith.index_cast %add3A_510 : i32 to index
        %swap3A_569 = arith.constant 64 : index
        %swap3A_570 = tpu.vector_load %arg11[%swap3A_567, %swap3A_568, %swap3A_569] {strides = array<i32>} : memref<3x64x128xf32, #tpu.memory_space<vmem>>, vector<16xf32>,
        tpu.vector_store %arg11[%swap3A_567, %swap3A_568, %swap3A_569], %mul3A_565 {strides = array<i32>} : memref<3x64x128xf32, #tpu.memory_space<vmem>>, vector<16xf32>,
        %get3A_571 = arith.constant 2 : i32
        %get3A_572 = arith.index_cast %get3A_571 : i32 to index
        %get3A_573 = arith.index_cast %add3A_510 : i32 to index
        %get3A_574 = arith.constant 80 : index
        %get3A_575 = tpu.vector_load %arg11[%get3A_572, %get3A_573, %get3A_574] {strides = array<i32>} : memref<3x64x128xf32, #tpu.memory_space<vmem>>, vector<16xf32>,
        %mul3A_576 = arith.mulf %get3A_575, %gather3A_515 : vector<16xf32>
        %swap3A_577 = arith.constant 2 : i32
        %swap3A_578 = arith.index_cast %swap3A_577 : i32 to index
        %swap3A_579 = arith.index_cast %add3A_510 : i32 to index
        %swap3A_580 = arith.constant 80 : index
        %swap3A_581 = tpu.vector_load %arg11[%swap3A_578, %swap3A_579, %swap3A_580] {strides = array<i32>} : memref<3x64x128xf32, #tpu.memory_space<vmem>>, vector<16xf32>,
        tpu.vector_store %arg11[%swap3A_578, %swap3A_579, %swap3A_580], %mul3A_576 {strides = array<i32>} : memref<3x64x128xf32, #tpu.memory_space<vmem>>, vector<16xf32>,
        %get3A_582 = arith.constant 2 : i32
        %get3A_583 = arith.index_cast %get3A_582 : i32 to index
        %get3A_584 = arith.index_cast %add3A_510 : i32 to index
        %get3A_585 = arith.constant 96 : index
        %get3A_586 = tpu.vector_load %arg11[%get3A_583, %get3A_584, %get3A_585] {strides = array<i32>} : memref<3x64x128xf32, #tpu.memory_space<vmem>>, vector<16xf32>,
        %mul3A_587 = arith.mulf %get3A_586, %gather3A_515 : vector<16xf32>
        %swap3A_588 = arith.constant 2 : i32
        %swap3A_589 = arith.index_cast %swap3A_588 : i32 to index
        %swap3A_590 = arith.index_cast %add3A_510 : i32 to index
        %swap3A_591 = arith.constant 96 : index
        %swap3A_592 = tpu.vector_load %arg11[%swap3A_589, %swap3A_590, %swap3A_591] {strides = array<i32>} : memref<3x64x128xf32, #tpu.memory_space<vmem>>, vector<16xf32>,
        tpu.vector_store %arg11[%swap3A_589, %swap3A_590, %swap3A_591], %mul3A_587 {strides = array<i32>} : memref<3x64x128xf32, #tpu.memory_space<vmem>>, vector<16xf32>,
        %get3A_593 = arith.constant 2 : i32
        %get3A_594 = arith.index_cast %get3A_593 : i32 to index
        %get3A_595 = arith.index_cast %add3A_510 : i32 to index
        %get3A_596 = arith.constant 112 : index
        %get3A_597 = tpu.vector_load %arg11[%get3A_594, %get3A_595, %get3A_596] {strides = array<i32>} : memref<3x64x128xf32, #tpu.memory_space<vmem>>, vector<16xf32>,
        %mul3A_598 = arith.mulf %get3A_597, %gather3A_515 : vector<16xf32>
        %swap3A_599 = arith.constant 2 : i32
        %swap3A_600 = arith.index_cast %swap3A_599 : i32 to index
        %swap3A_601 = arith.index_cast %add3A_510 : i32 to index
        %swap3A_602 = arith.constant 112 : index
        %swap3A_603 = tpu.vector_load %arg11[%swap3A_600, %swap3A_601, %swap3A_602] {strides = array<i32>} : memref<3x64x128xf32, #tpu.memory_space<vmem>>, vector<16xf32>,
        tpu.vector_store %arg11[%swap3A_600, %swap3A_601, %swap3A_602], %mul3A_598 {strides = array<i32>} : memref<3x64x128xf32, #tpu.memory_space<vmem>>, vector<16xf32>,
        %mul3A_604 = arith.constant 4 : i32
        %mul3A_605 = arith.muli %scan3A_313, %mul3A_604 : i32
        %add3A_606 = arith.constant 3 : i32
        %add3A_607 = arith.addi %mul3A_605, %add3A_606 : i32
        %mul3A_608 = arith.constant 64 : i32
        %mul3A_609 = arith.muli %add3A_258, %mul3A_608 : i32
        %add3A_610 = arith.addi %mul3A_609, %add3A_607 : i32
        %broadcast_in_dim3A_611 = vector.broadcast %add3A_610 : i32 to vector<16xi32>
        %gather3A_612 = tpu.vector_load_idx %arg7[%broadcast_in_dim3A_611] : memref<10000xf32, #tpu.memory_space<vmem>>[vector<16xi32>], vector<16xf32>,
        %get3A_613 = arith.constant 2 : i32
        %get3A_614 = arith.index_cast %get3A_613 : i32 to index
        %get3A_615 = arith.index_cast %add3A_607 : i32 to index
        %get3A_616 = arith.constant 0 : index
        %get3A_617 = tpu.vector_load %arg11[%get3A_614, %get3A_615, %get3A_616] {strides = array<i32>} : memref<3x64x128xf32, #tpu.memory_space<vmem>>, vector<16xf32>,
        %mul3A_618 = arith.mulf %get3A_617, %gather3A_612 : vector<16xf32>
        %swap3A_619 = arith.constant 2 : i32
        %swap3A_620 = arith.index_cast %swap3A_619 : i32 to index
        %swap3A_621 = arith.index_cast %add3A_607 : i32 to index
        %swap3A_622 = arith.constant 0 : index
        %swap3A_623 = tpu.vector_load %arg11[%swap3A_620, %swap3A_621, %swap3A_622] {strides = array<i32>} : memref<3x64x128xf32, #tpu.memory_space<vmem>>, vector<16xf32>,
        tpu.vector_store %arg11[%swap3A_620, %swap3A_621, %swap3A_622], %mul3A_618 {strides = array<i32>} : memref<3x64x128xf32, #tpu.memory_space<vmem>>, vector<16xf32>,
        %get3A_624 = arith.constant 2 : i32
        %get3A_625 = arith.index_cast %get3A_624 : i32 to index
        %get3A_626 = arith.index_cast %add3A_607 : i32 to index
        %get3A_627 = arith.constant 16 : index
        %get3A_628 = tpu.vector_load %arg11[%get3A_625, %get3A_626, %get3A_627] {strides = array<i32>} : memref<3x64x128xf32, #tpu.memory_space<vmem>>, vector<16xf32>,
        %mul3A_629 = arith.mulf %get3A_628, %gather3A_612 : vector<16xf32>
        %swap3A_630 = arith.constant 2 : i32
        %swap3A_631 = arith.index_cast %swap3A_630 : i32 to index
        %swap3A_632 = arith.index_cast %add3A_607 : i32 to index
        %swap3A_633 = arith.constant 16 : index
        %swap3A_634 = tpu.vector_load %arg11[%swap3A_631, %swap3A_632, %swap3A_633] {strides = array<i32>} : memref<3x64x128xf32, #tpu.memory_space<vmem>>, vector<16xf32>,
        tpu.vector_store %arg11[%swap3A_631, %swap3A_632, %swap3A_633], %mul3A_629 {strides = array<i32>} : memref<3x64x128xf32, #tpu.memory_space<vmem>>, vector<16xf32>,
        %get3A_635 = arith.constant 2 : i32
        %get3A_636 = arith.index_cast %get3A_635 : i32 to index
        %get3A_637 = arith.index_cast %add3A_607 : i32 to index
        %get3A_638 = arith.constant 32 : index
        %get3A_639 = tpu.vector_load %arg11[%get3A_636, %get3A_637, %get3A_638] {strides = array<i32>} : memref<3x64x128xf32, #tpu.memory_space<vmem>>, vector<16xf32>,
        %mul3A_640 = arith.mulf %get3A_639, %gather3A_612 : vector<16xf32>
        %swap3A_641 = arith.constant 2 : i32
        %swap3A_642 = arith.index_cast %swap3A_641 : i32 to index
        %swap3A_643 = arith.index_cast %add3A_607 : i32 to index
        %swap3A_644 = arith.constant 32 : index
        %swap3A_645 = tpu.vector_load %arg11[%swap3A_642, %swap3A_643, %swap3A_644] {strides = array<i32>} : memref<3x64x128xf32, #tpu.memory_space<vmem>>, vector<16xf32>,
        tpu.vector_store %arg11[%swap3A_642, %swap3A_643, %swap3A_644], %mul3A_640 {strides = array<i32>} : memref<3x64x128xf32, #tpu.memory_space<vmem>>, vector<16xf32>,
        %get3A_646 = arith.constant 2 : i32
        %get3A_647 = arith.index_cast %get3A_646 : i32 to index
        %get3A_648 = arith.index_cast %add3A_607 : i32 to index
        %get3A_649 = arith.constant 48 : index
        %get3A_650 = tpu.vector_load %arg11[%get3A_647, %get3A_648, %get3A_649] {strides = array<i32>} : memref<3x64x128xf32, #tpu.memory_space<vmem>>, vector<16xf32>,
        %mul3A_651 = arith.mulf %get3A_650, %gather3A_612 : vector<16xf32>
        %swap3A_652 = arith.constant 2 : i32
        %swap3A_653 = arith.index_cast %swap3A_652 : i32 to index
        %swap3A_654 = arith.index_cast %add3A_607 : i32 to index
        %swap3A_655 = arith.constant 48 : index
        %swap3A_656 = tpu.vector_load %arg11[%swap3A_653, %swap3A_654, %swap3A_655] {strides = array<i32>} : memref<3x64x128xf32, #tpu.memory_space<vmem>>, vector<16xf32>,
        tpu.vector_store %arg11[%swap3A_653, %swap3A_654, %swap3A_655], %mul3A_651 {strides = array<i32>} : memref<3x64x128xf32, #tpu.memory_space<vmem>>, vector<16xf32>,
        %get3A_657 = arith.constant 2 : i32
        %get3A_658 = arith.index_cast %get3A_657 : i32 to index
        %get3A_659 = arith.index_cast %add3A_607 : i32 to index
        %get3A_660 = arith.constant 64 : index
        %get3A_661 = tpu.vector_load %arg11[%get3A_658, %get3A_659, %get3A_660] {strides = array<i32>} : memref<3x64x128xf32, #tpu.memory_space<vmem>>, vector<16xf32>,
        %mul3A_662 = arith.mulf %get3A_661, %gather3A_612 : vector<16xf32>
        %swap3A_663 = arith.constant 2 : i32
        %swap3A_664 = arith.index_cast %swap3A_663 : i32 to index
        %swap3A_665 = arith.index_cast %add3A_607 : i32 to index
        %swap3A_666 = arith.constant 64 : index
        %swap3A_667 = tpu.vector_load %arg11[%swap3A_664, %swap3A_665, %swap3A_666] {strides = array<i32>} : memref<3x64x128xf32, #tpu.memory_space<vmem>>, vector<16xf32>,
        tpu.vector_store %arg11[%swap3A_664, %swap3A_665, %swap3A_666], %mul3A_662 {strides = array<i32>} : memref<3x64x128xf32, #tpu.memory_space<vmem>>, vector<16xf32>,
        %get3A_668 = arith.constant 2 : i32
        %get3A_669 = arith.index_cast %get3A_668 : i32 to index
        %get3A_670 = arith.index_cast %add3A_607 : i32 to index
        %get3A_671 = arith.constant 80 : index
        %get3A_672 = tpu.vector_load %arg11[%get3A_669, %get3A_670, %get3A_671] {strides = array<i32>} : memref<3x64x128xf32, #tpu.memory_space<vmem>>, vector<16xf32>,
        %mul3A_673 = arith.mulf %get3A_672, %gather3A_612 : vector<16xf32>
        %swap3A_674 = arith.constant 2 : i32
        %swap3A_675 = arith.index_cast %swap3A_674 : i32 to index
        %swap3A_676 = arith.index_cast %add3A_607 : i32 to index
        %swap3A_677 = arith.constant 80 : index
        %swap3A_678 = tpu.vector_load %arg11[%swap3A_675, %swap3A_676, %swap3A_677] {strides = array<i32>} : memref<3x64x128xf32, #tpu.memory_space<vmem>>, vector<16xf32>,
        tpu.vector_store %arg11[%swap3A_675, %swap3A_676, %swap3A_677], %mul3A_673 {strides = array<i32>} : memref<3x64x128xf32, #tpu.memory_space<vmem>>, vector<16xf32>,
        %get3A_679 = arith.constant 2 : i32
        %get3A_680 = arith.index_cast %get3A_679 : i32 to index
        %get3A_681 = arith.index_cast %add3A_607 : i32 to index
        %get3A_682 = arith.constant 96 : index
        %get3A_683 = tpu.vector_load %arg11[%get3A_680, %get3A_681, %get3A_682] {strides = array<i32>} : memref<3x64x128xf32, #tpu.memory_space<vmem>>, vector<16xf32>,
        %mul3A_684 = arith.mulf %get3A_683, %gather3A_612 : vector<16xf32>
        %swap3A_685 = arith.constant 2 : i32
        %swap3A_686 = arith.index_cast %swap3A_685 : i32 to index
        %swap3A_687 = arith.index_cast %add3A_607 : i32 to index
        %swap3A_688 = arith.constant 96 : index
        %swap3A_689 = tpu.vector_load %arg11[%swap3A_686, %swap3A_687, %swap3A_688] {strides = array<i32>} : memref<3x64x128xf32, #tpu.memory_space<vmem>>, vector<16xf32>,
        tpu.vector_store %arg11[%swap3A_686, %swap3A_687, %swap3A_688], %mul3A_684 {strides = array<i32>} : memref<3x64x128xf32, #tpu.memory_space<vmem>>, vector<16xf32>,
        %get3A_690 = arith.constant 2 : i32
        %get3A_691 = arith.index_cast %get3A_690 : i32 to index
        %get3A_692 = arith.index_cast %add3A_607 : i32 to index
        %get3A_693 = arith.constant 112 : index
        %get3A_694 = tpu.vector_load %arg11[%get3A_691, %get3A_692, %get3A_693] {strides = array<i32>} : memref<3x64x128xf32, #tpu.memory_space<vmem>>, vector<16xf32>,
        %mul3A_695 = arith.mulf %get3A_694, %gather3A_612 : vector<16xf32>
        %swap3A_696 = arith.constant 2 : i32
        %swap3A_697 = arith.index_cast %swap3A_696 : i32 to index
        %swap3A_698 = arith.index_cast %add3A_607 : i32 to index
        %swap3A_699 = arith.constant 112 : index
        %swap3A_700 = tpu.vector_load %arg11[%swap3A_697, %swap3A_698, %swap3A_699] {strides = array<i32>} : memref<3x64x128xf32, #tpu.memory_space<vmem>>, vector<16xf32>,
        tpu.vector_store %arg11[%swap3A_697, %swap3A_698, %swap3A_699], %mul3A_695 {strides = array<i32>} : memref<3x64x128xf32, #tpu.memory_space<vmem>>, vector<16xf32>,
        %scan3A_701 = arith.constant 0 : i32
        scf.yield %scan3A_701 : i32
      }
      %scan3A_291 = arith.constant 16 : i32
      %dma_start3A_292 = arith.constant 2 : i32
      %dma_start3A_293 = arith.constant 2 : i32
      %dma_start3A_294 = arith.constant 2 : i32
      %dma_start3A_295 = arith.constant 0 : i32
      %dma_start3A_296 = arith.constant 0 : i32
      %dma_start3A_297 = tpu.memref_slice %arg11[%dma_start3A_292, %dma_start3A_295, %dma_start3A_296] : memref<3x64x128xf32, #tpu.memory_space<vmem>> -> memref<1x64x128xf32, #tpu.memory_space<vmem>>
      %dma_start3A_298 = tpu.memref_squeeze %dma_start3A_297 : memref<1x64x128xf32, #tpu.memory_space<vmem>> -> memref<64x128xf32, #tpu.memory_space<vmem>>
      %dma_start3A_299 = arith.constant 0 : i32
      %dma_start3A_300 = tpu.memref_slice %arg9[%dma_start3A_293, %dma_start3A_299] : memref<3x64xi32, #tpu.memory_space<vmem>> -> memref<1x64xi32, #tpu.memory_space<vmem>>
      %dma_start3A_301 = tpu.memref_squeeze %dma_start3A_300 : memref<1x64xi32, #tpu.memory_space<vmem>> -> memref<64xi32, #tpu.memory_space<vmem>>
      %dma_start3A_302 = arith.constant 0 : i32
      %dma_start3A_303 = arith.constant 0 : i32
      %dma_start3A_304 = tpu.memref_slice %arg12[%dma_start3A_302, %dma_start3A_303] : memref<10000x128xf32, #tpu.memory_space<vmem_shared>> -> memref<10000x128xf32, #tpu.memory_space<vmem_shared>>
      %dma_start3A_305 = tpu.memref_slice %arg14[%dma_start3A_294] : memref<3x!tpu.dma_semaphore, #tpu.memory_space<semaphore_mem>> -> memref<1x!tpu.dma_semaphore, #tpu.memory_space<semaphore_mem>>
      %dma_start3A_306 = tpu.memref_squeeze %dma_start3A_305 : memref<1x!tpu.dma_semaphore, #tpu.memory_space<semaphore_mem>> -> memref<!tpu.dma_semaphore, #tpu.memory_space<semaphore_mem>>
      tpu.enqueue_indirect_dma source(%dma_start3A_298 : memref<64x128xf32, #tpu.memory_space<vmem>>) target(%dma_start3A_304 : memref<10000x128xf32, #tpu.memory_space<vmem_shared>>) offsets(%dma_start3A_301 : memref<64xi32, #tpu.memory_space<vmem>>) semaphore(%dma_start3A_306 : memref<!tpu.dma_semaphore, #tpu.memory_space<semaphore_mem>>) {add = true}
      %ge3A_307 = arith.constant 1 : i32
      %ge3A_308 = arith.cmpi sge, %add3A_258, %ge3A_307 : i32
      %convert_element_type3A_309 = arith.extui %ge3A_308 : i1 to i32
      %cond3A_310 = arith.constant 0 : i32
      %cond3A_311 = arith.cmpi ne, %convert_element_type3A_309, %cond3A_310 : i32
      scf.if %cond3A_311 {
        %dma_wait3A_313 = arith.constant 1 : i32
        %dma_wait3A_314 = arith.constant 1 : i32
        %dma_wait3A_315 = arith.constant 1 : i32
        %dma_wait3A_316 = arith.constant 0 : i32
        %dma_wait3A_317 = arith.constant 0 : i32
        %dma_wait3A_318 = tpu.memref_slice %arg11[%dma_wait3A_313, %dma_wait3A_316, %dma_wait3A_317] : memref<3x64x128xf32, #tpu.memory_space<vmem>> -> memref<1x64x128xf32, #tpu.memory_space<vmem>>
        %dma_wait3A_319 = tpu.memref_squeeze %dma_wait3A_318 : memref<1x64x128xf32, #tpu.memory_space<vmem>> -> memref<64x128xf32, #tpu.memory_space<vmem>>
        %dma_wait3A_320 = arith.constant 0 : i32
        %dma_wait3A_321 = tpu.memref_slice %arg9[%dma_wait3A_314, %dma_wait3A_320] : memref<3x64xi32, #tpu.memory_space<vmem>> -> memref<1x64xi32, #tpu.memory_space<vmem>>
        %dma_wait3A_322 = tpu.memref_squeeze %dma_wait3A_321 : memref<1x64xi32, #tpu.memory_space<vmem>> -> memref<64xi32, #tpu.memory_space<vmem>>
        %dma_wait3A_323 = arith.constant 0 : i32
        %dma_wait3A_324 = arith.constant 0 : i32
        %dma_wait3A_325 = tpu.memref_slice %arg12[%dma_wait3A_323, %dma_wait3A_324] : memref<10000x128xf32, #tpu.memory_space<vmem_shared>> -> memref<10000x128xf32, #tpu.memory_space<vmem_shared>>
        %dma_wait3A_326 = tpu.memref_slice %arg14[%dma_wait3A_315] : memref<3x!tpu.dma_semaphore, #tpu.memory_space<semaphore_mem>> -> memref<1x!tpu.dma_semaphore, #tpu.memory_space<semaphore_mem>>
        %dma_wait3A_327 = tpu.memref_squeeze %dma_wait3A_326 : memref<1x!tpu.dma_semaphore, #tpu.memory_space<semaphore_mem>> -> memref<!tpu.dma_semaphore, #tpu.memory_space<semaphore_mem>>
        tpu.wait_indirect_dma semaphore(%dma_wait3A_327 : memref<!tpu.dma_semaphore, #tpu.memory_space<semaphore_mem>>) src(%dma_wait3A_319 : memref<64x128xf32, #tpu.memory_space<vmem>>) dst(%dma_wait3A_325 : memref<10000x128xf32, #tpu.memory_space<vmem_shared>>)
        %add3A_328 = arith.constant 2 : i32
        %add3A_329 = arith.addi %add3A_258, %add3A_328 : i32
        %lt3A_330 = arith.constant 156 : i32
        %lt3A_331 = arith.cmpi slt, %add3A_329, %lt3A_330 : i32
        %convert_element_type3A_332 = arith.extui %lt3A_331 : i1 to i32
        %cond3A_333 = arith.constant 0 : i32
        %cond3A_334 = arith.cmpi ne, %convert_element_type3A_332, %cond3A_333 : i32
        scf.if %cond3A_334 {
          %add3A_335 = arith.constant 2 : i32
          %add3A_336 = arith.addi %add3A_258, %add3A_335 : i32
          %mul3A_337 = arith.constant 64 : i32
          %mul3A_338 = arith.muli %add3A_336, %mul3A_337 : i32
          %add3A_339 = arith.addi %mul3A_2, %mul3A_338 : i32
          %dma_start3A_340 = arith.constant 1 : i32
          %dma_start3A_341 = arith.constant 1 : i32
          %dma_start3A_342 = arith.constant 0 : i32
          %dma_start3A_343 = arith.constant 0 : i32
          %dma_start3A_344 = tpu.memref_slice %arg11[%dma_start3A_340, %dma_start3A_342, %dma_start3A_343] : memref<3x64x128xf32, #tpu.memory_space<vmem>> -> memref<1x64x128xf32, #tpu.memory_space<vmem>>
          %dma_start3A_345 = tpu.memref_squeeze %dma_start3A_344 : memref<1x64x128xf32, #tpu.memory_space<vmem>> -> memref<64x128xf32, #tpu.memory_space<vmem>>
          %dma_start3A_346 = arith.constant 0 : i32
          %dma_start3A_347 = tpu.memref_slice %arg2[%add3A_339, %dma_start3A_346] : memref<320000x128xf32, #tpu.memory_space<hbm>> -> memref<64x128xf32, #tpu.memory_space<hbm>>
          %dma_start3A_348 = tpu.memref_slice %arg13[%dma_start3A_341] : memref<3x!tpu.dma_semaphore, #tpu.memory_space<semaphore_mem>> -> memref<1x!tpu.dma_semaphore, #tpu.memory_space<semaphore_mem>>
          %dma_start3A_349 = tpu.memref_squeeze %dma_start3A_348 : memref<1x!tpu.dma_semaphore, #tpu.memory_space<semaphore_mem>> -> memref<!tpu.dma_semaphore, #tpu.memory_space<semaphore_mem>>
          %dma_start3A_350 = arith.constant 0 : i32
          %dma_start3A_351 = arith.constant 0 : i32
          %dma_start3A_352 = tpu.memref_slice %arg11[%dma_start3A_340, %dma_start3A_350, %dma_start3A_351] : memref<3x64x128xf32, #tpu.memory_space<vmem>> -> memref<1x64x128xf32, #tpu.memory_space<vmem>>
          %dma_start3A_353 = tpu.memref_squeeze %dma_start3A_352 : memref<1x64x128xf32, #tpu.memory_space<vmem>> -> memref<64x128xf32, #tpu.memory_space<vmem>>
          %dma_start3A_354 = arith.constant 0 : i32
          %dma_start3A_355 = tpu.memref_slice %arg2[%add3A_339, %dma_start3A_354] : memref<320000x128xf32, #tpu.memory_space<hbm>> -> memref<64x128xf32, #tpu.memory_space<hbm>>
          tpu.enqueue_dma source(%dma_start3A_355 : memref<64x128xf32, #tpu.memory_space<hbm>>) target(%dma_start3A_353 : memref<64x128xf32, #tpu.memory_space<vmem>>) target_semaphore(%dma_start3A_349 : memref<!tpu.dma_semaphore, #tpu.memory_space<semaphore_mem>>)
        } else {
        }
      } else {
      }
      %scan3A_312 = arith.constant 0 : i32
      scf.yield %scan3A_312 : i32
    }
    %scan3A_103 = arith.constant 52 : i32
    %add3A_104 = arith.constant 9984 : i32
    %add3A_105 = arith.addi %mul3A_2, %add3A_104 : i32
    %run_scoped3A_106 = arith.constant 0 : i32
    "tpu.region"() ({
      %run_scoped3A_140 = tpu.sem_alloc : memref<!tpu.dma_semaphore, #tpu.memory_space<semaphore_mem>>
      %dma_start3A_141 = arith.constant 0 : i32
      %dma_start3A_142 = arith.constant 0 : i32
      %dma_start3A_143 = tpu.memref_slice %arg11[%run_scoped3A_106, %dma_start3A_141, %dma_start3A_142] : memref<3x64x128xf32, #tpu.memory_space<vmem>> -> memref<1x16x128xf32, #tpu.memory_space<vmem>>
      %dma_start3A_144 = tpu.memref_squeeze %dma_start3A_143 : memref<1x16x128xf32, #tpu.memory_space<vmem>> -> memref<16x128xf32, #tpu.memory_space<vmem>>
      %dma_start3A_145 = arith.constant 0 : i32
      %dma_start3A_146 = tpu.memref_slice %arg2[%add3A_105, %dma_start3A_145] : memref<320000x128xf32, #tpu.memory_space<hbm>> -> memref<16x128xf32, #tpu.memory_space<hbm>>
      %dma_start3A_147 = arith.constant 0 : i32
      %dma_start3A_148 = arith.constant 0 : i32
      %dma_start3A_149 = tpu.memref_slice %arg11[%run_scoped3A_106, %dma_start3A_147, %dma_start3A_148] : memref<3x64x128xf32, #tpu.memory_space<vmem>> -> memref<1x16x128xf32, #tpu.memory_space<vmem>>
      %dma_start3A_150 = tpu.memref_squeeze %dma_start3A_149 : memref<1x16x128xf32, #tpu.memory_space<vmem>> -> memref<16x128xf32, #tpu.memory_space<vmem>>
      %dma_start3A_151 = arith.constant 0 : i32
      %dma_start3A_152 = tpu.memref_slice %arg2[%add3A_105, %dma_start3A_151] : memref<320000x128xf32, #tpu.memory_space<hbm>> -> memref<16x128xf32, #tpu.memory_space<hbm>>
      tpu.enqueue_dma source(%dma_start3A_152 : memref<16x128xf32, #tpu.memory_space<hbm>>) target(%dma_start3A_150 : memref<16x128xf32, #tpu.memory_space<vmem>>) target_semaphore(%run_scoped3A_140 : memref<!tpu.dma_semaphore, #tpu.memory_space<semaphore_mem>>)
      %dma_wait3A_153 = arith.constant 0 : i32
      %dma_wait3A_154 = arith.constant 0 : i32
      %dma_wait3A_155 = tpu.memref_slice %arg11[%run_scoped3A_106, %dma_wait3A_153, %dma_wait3A_154] : memref<3x64x128xf32, #tpu.memory_space<vmem>> -> memref<1x16x128xf32, #tpu.memory_space<vmem>>
      %dma_wait3A_156 = tpu.memref_squeeze %dma_wait3A_155 : memref<1x16x128xf32, #tpu.memory_space<vmem>> -> memref<16x128xf32, #tpu.memory_space<vmem>>
      %dma_wait3A_157 = arith.constant 0 : i32
      %dma_wait3A_158 = tpu.memref_slice %arg2[%add3A_105, %dma_wait3A_157] : memref<320000x128xf32, #tpu.memory_space<hbm>> -> memref<16x128xf32, #tpu.memory_space<hbm>>
      %dma_wait3A_159 = arith.constant 0 : i32
      %dma_wait3A_160 = arith.constant 0 : i32
      %dma_wait3A_161 = tpu.memref_slice %arg11[%run_scoped3A_106, %dma_wait3A_159, %dma_wait3A_160] : memref<3x64x128xf32, #tpu.memory_space<vmem>> -> memref<1x16x128xf32, #tpu.memory_space<vmem>>
      %dma_wait3A_162 = tpu.memref_squeeze %dma_wait3A_161 : memref<1x16x128xf32, #tpu.memory_space<vmem>> -> memref<16x128xf32, #tpu.memory_space<vmem>>
      %dma_wait3A_163 = arith.constant 0 : i32
      %dma_wait3A_164 = tpu.memref_slice %arg2[%add3A_105, %dma_wait3A_163] : memref<320000x128xf32, #tpu.memory_space<hbm>> -> memref<16x128xf32, #tpu.memory_space<hbm>>
      tpu.wait_dma2 semaphore(%run_scoped3A_140 : memref<!tpu.dma_semaphore, #tpu.memory_space<semaphore_mem>>) src(%dma_wait3A_164 : memref<16x128xf32, #tpu.memory_space<hbm>>) dst(%dma_wait3A_162 : memref<16x128xf32, #tpu.memory_space<vmem>>)
      tpu.yield
    }) : () -> ()
    %scan3A_107 = arith.constant 0 : i32
    %scan3A_108 = arith.constant 0 : i32
    %scan3A_109 = arith.constant 16 : i32
    %scan3A_110 = arith.addi %scan3A_108, %scan3A_109 : i32
    %scan3A_111 = arith.constant 1 : i32
    %scan3A_112 = scf.for %scan3A_140 = %scan3A_108 to %scan3A_110 step %scan3A_111 iter_args(%scan3A_141 = %scan3A_107) -> (i32)  : i32 {
      %add3A_142 = arith.constant 9984 : i32
      %add3A_143 = arith.addi %add3A_142, %scan3A_140 : i32
      %broadcast_in_dim3A = vector.broadcast %add3A_143 : i32 to vector<16xi32>
      %gather3A = tpu.vector_load_idx %arg7[%broadcast_in_dim3A] : memref<10000xf32, #tpu.memory_space<vmem>>[vector<16xi32>], vector<16xf32>,
      %get3A_144 = arith.constant 0 : i32
      %get3A_145 = arith.index_cast %get3A_144 : i32 to index
      %get3A_146 = arith.index_cast %scan3A_140 : i32 to index
      %get3A_147 = arith.constant 0 : index
      %get3A_148 = tpu.vector_load %arg11[%get3A_145, %get3A_146, %get3A_147] {strides = array<i32>} : memref<3x64x128xf32, #tpu.memory_space<vmem>>, vector<16xf32>,
      %mul3A_149 = arith.mulf %get3A_148, %gather3A : vector<16xf32>
      %swap3A_150 = arith.constant 0 : i32
      %swap3A_151 = arith.index_cast %swap3A_150 : i32 to index
      %swap3A_152 = arith.index_cast %scan3A_140 : i32 to index
      %swap3A_153 = arith.constant 0 : index
      %swap3A_154 = tpu.vector_load %arg11[%swap3A_151, %swap3A_152, %swap3A_153] {strides = array<i32>} : memref<3x64x128xf32, #tpu.memory_space<vmem>>, vector<16xf32>,
      tpu.vector_store %arg11[%swap3A_151, %swap3A_152, %swap3A_153], %mul3A_149 {strides = array<i32>} : memref<3x64x128xf32, #tpu.memory_space<vmem>>, vector<16xf32>,
      %get3A_155 = arith.constant 0 : i32
      %get3A_156 = arith.index_cast %get3A_155 : i32 to index
      %get3A_157 = arith.index_cast %scan3A_140 : i32 to index
      %get3A_158 = arith.constant 16 : index
      %get3A_159 = tpu.vector_load %arg11[%get3A_156, %get3A_157, %get3A_158] {strides = array<i32>} : memref<3x64x128xf32, #tpu.memory_space<vmem>>, vector<16xf32>,
      %mul3A_160 = arith.mulf %get3A_159, %gather3A : vector<16xf32>
      %swap3A_161 = arith.constant 0 : i32
      %swap3A_162 = arith.index_cast %swap3A_161 : i32 to index
      %swap3A_163 = arith.index_cast %scan3A_140 : i32 to index
      %swap3A_164 = arith.constant 16 : index
      %swap3A_165 = tpu.vector_load %arg11[%swap3A_162, %swap3A_163, %swap3A_164] {strides = array<i32>} : memref<3x64x128xf32, #tpu.memory_space<vmem>>, vector<16xf32>,
      tpu.vector_store %arg11[%swap3A_162, %swap3A_163, %swap3A_164], %mul3A_160 {strides = array<i32>} : memref<3x64x128xf32, #tpu.memory_space<vmem>>, vector<16xf32>,
      %get3A_166 = arith.constant 0 : i32
      %get3A_167 = arith.index_cast %get3A_166 : i32 to index
      %get3A_168 = arith.index_cast %scan3A_140 : i32 to index
      %get3A_169 = arith.constant 32 : index
      %get3A_170 = tpu.vector_load %arg11[%get3A_167, %get3A_168, %get3A_169] {strides = array<i32>} : memref<3x64x128xf32, #tpu.memory_space<vmem>>, vector<16xf32>,
      %mul3A_171 = arith.mulf %get3A_170, %gather3A : vector<16xf32>
      %swap3A_172 = arith.constant 0 : i32
      %swap3A_173 = arith.index_cast %swap3A_172 : i32 to index
      %swap3A_174 = arith.index_cast %scan3A_140 : i32 to index
      %swap3A_175 = arith.constant 32 : index
      %swap3A_176 = tpu.vector_load %arg11[%swap3A_173, %swap3A_174, %swap3A_175] {strides = array<i32>} : memref<3x64x128xf32, #tpu.memory_space<vmem>>, vector<16xf32>,
      tpu.vector_store %arg11[%swap3A_173, %swap3A_174, %swap3A_175], %mul3A_171 {strides = array<i32>} : memref<3x64x128xf32, #tpu.memory_space<vmem>>, vector<16xf32>,
      %get3A_177 = arith.constant 0 : i32
      %get3A_178 = arith.index_cast %get3A_177 : i32 to index
      %get3A_179 = arith.index_cast %scan3A_140 : i32 to index
      %get3A_180 = arith.constant 48 : index
      %get3A_181 = tpu.vector_load %arg11[%get3A_178, %get3A_179, %get3A_180] {strides = array<i32>} : memref<3x64x128xf32, #tpu.memory_space<vmem>>, vector<16xf32>,
      %mul3A_182 = arith.mulf %get3A_181, %gather3A : vector<16xf32>
      %swap3A_183 = arith.constant 0 : i32
      %swap3A_184 = arith.index_cast %swap3A_183 : i32 to index
      %swap3A_185 = arith.index_cast %scan3A_140 : i32 to index
      %swap3A_186 = arith.constant 48 : index
      %swap3A_187 = tpu.vector_load %arg11[%swap3A_184, %swap3A_185, %swap3A_186] {strides = array<i32>} : memref<3x64x128xf32, #tpu.memory_space<vmem>>, vector<16xf32>,
      tpu.vector_store %arg11[%swap3A_184, %swap3A_185, %swap3A_186], %mul3A_182 {strides = array<i32>} : memref<3x64x128xf32, #tpu.memory_space<vmem>>, vector<16xf32>,
      %get3A_188 = arith.constant 0 : i32
      %get3A_189 = arith.index_cast %get3A_188 : i32 to index
      %get3A_190 = arith.index_cast %scan3A_140 : i32 to index
      %get3A_191 = arith.constant 64 : index
      %get3A_192 = tpu.vector_load %arg11[%get3A_189, %get3A_190, %get3A_191] {strides = array<i32>} : memref<3x64x128xf32, #tpu.memory_space<vmem>>, vector<16xf32>,
      %mul3A_193 = arith.mulf %get3A_192, %gather3A : vector<16xf32>
      %swap3A_194 = arith.constant 0 : i32
      %swap3A_195 = arith.index_cast %swap3A_194 : i32 to index
      %swap3A_196 = arith.index_cast %scan3A_140 : i32 to index
      %swap3A_197 = arith.constant 64 : index
      %swap3A_198 = tpu.vector_load %arg11[%swap3A_195, %swap3A_196, %swap3A_197] {strides = array<i32>} : memref<3x64x128xf32, #tpu.memory_space<vmem>>, vector<16xf32>,
      tpu.vector_store %arg11[%swap3A_195, %swap3A_196, %swap3A_197], %mul3A_193 {strides = array<i32>} : memref<3x64x128xf32, #tpu.memory_space<vmem>>, vector<16xf32>,
      %get3A_199 = arith.constant 0 : i32
      %get3A_200 = arith.index_cast %get3A_199 : i32 to index
      %get3A_201 = arith.index_cast %scan3A_140 : i32 to index
      %get3A_202 = arith.constant 80 : index
      %get3A_203 = tpu.vector_load %arg11[%get3A_200, %get3A_201, %get3A_202] {strides = array<i32>} : memref<3x64x128xf32, #tpu.memory_space<vmem>>, vector<16xf32>,
      %mul3A_204 = arith.mulf %get3A_203, %gather3A : vector<16xf32>
      %swap3A_205 = arith.constant 0 : i32
      %swap3A_206 = arith.index_cast %swap3A_205 : i32 to index
      %swap3A_207 = arith.index_cast %scan3A_140 : i32 to index
      %swap3A_208 = arith.constant 80 : index
      %swap3A_209 = tpu.vector_load %arg11[%swap3A_206, %swap3A_207, %swap3A_208] {strides = array<i32>} : memref<3x64x128xf32, #tpu.memory_space<vmem>>, vector<16xf32>,
      tpu.vector_store %arg11[%swap3A_206, %swap3A_207, %swap3A_208], %mul3A_204 {strides = array<i32>} : memref<3x64x128xf32, #tpu.memory_space<vmem>>, vector<16xf32>,
      %get3A_210 = arith.constant 0 : i32
      %get3A_211 = arith.index_cast %get3A_210 : i32 to index
      %get3A_212 = arith.index_cast %scan3A_140 : i32 to index
      %get3A_213 = arith.constant 96 : index
      %get3A_214 = tpu.vector_load %arg11[%get3A_211, %get3A_212, %get3A_213] {strides = array<i32>} : memref<3x64x128xf32, #tpu.memory_space<vmem>>, vector<16xf32>,
      %mul3A_215 = arith.mulf %get3A_214, %gather3A : vector<16xf32>
      %swap3A_216 = arith.constant 0 : i32
      %swap3A_217 = arith.index_cast %swap3A_216 : i32 to index
      %swap3A_218 = arith.index_cast %scan3A_140 : i32 to index
      %swap3A_219 = arith.constant 96 : index
      %swap3A_220 = tpu.vector_load %arg11[%swap3A_217, %swap3A_218, %swap3A_219] {strides = array<i32>} : memref<3x64x128xf32, #tpu.memory_space<vmem>>, vector<16xf32>,
      tpu.vector_store %arg11[%swap3A_217, %swap3A_218, %swap3A_219], %mul3A_215 {strides = array<i32>} : memref<3x64x128xf32, #tpu.memory_space<vmem>>, vector<16xf32>,
      %get3A_221 = arith.constant 0 : i32
      %get3A_222 = arith.index_cast %get3A_221 : i32 to index
      %get3A_223 = arith.index_cast %scan3A_140 : i32 to index
      %get3A_224 = arith.constant 112 : index
      %get3A_225 = tpu.vector_load %arg11[%get3A_222, %get3A_223, %get3A_224] {strides = array<i32>} : memref<3x64x128xf32, #tpu.memory_space<vmem>>, vector<16xf32>,
      %mul3A_226 = arith.mulf %get3A_225, %gather3A : vector<16xf32>
      %swap3A_227 = arith.constant 0 : i32
      %swap3A_228 = arith.index_cast %swap3A_227 : i32 to index
      %swap3A_229 = arith.index_cast %scan3A_140 : i32 to index
      %swap3A_230 = arith.constant 112 : index
      %swap3A_231 = tpu.vector_load %arg11[%swap3A_228, %swap3A_229, %swap3A_230] {strides = array<i32>} : memref<3x64x128xf32, #tpu.memory_space<vmem>>, vector<16xf32>,
      tpu.vector_store %arg11[%swap3A_228, %swap3A_229, %swap3A_230], %mul3A_226 {strides = array<i32>} : memref<3x64x128xf32, #tpu.memory_space<vmem>>, vector<16xf32>,
      %scan3A_232 = arith.constant 0 : i32
      scf.yield %scan3A_232 : i32
    }
    %scan3A_113 = arith.constant 16 : i32
    %get3A = arith.constant 9984 : index
    %get3A_114 = tpu.vector_load %arg8[%get3A] {strides = array<i32>} : memref<10000xi32, #tpu.memory_space<vmem>>, vector<16xi32>,
    %swap3A = arith.constant 0 : index
    %swap3A_115 = tpu.vector_load %arg10[%swap3A] {strides = array<i32>} : memref<16xi32, #tpu.memory_space<vmem>>, vector<16xi32>,
    tpu.vector_store %arg10[%swap3A], %get3A_114 {strides = array<i32>} : memref<16xi32, #tpu.memory_space<vmem>>, vector<16xi32>,
    %run_scoped3A_116 = arith.constant 0 : i32
    "tpu.region"() ({
      %run_scoped3A_140 = tpu.sem_alloc : memref<!tpu.dma_semaphore, #tpu.memory_space<semaphore_mem>>
      %dma_start3A_141 = arith.constant 0 : i32
      %dma_start3A_142 = arith.constant 0 : i32
      %dma_start3A_143 = tpu.memref_slice %arg11[%run_scoped3A_116, %dma_start3A_141, %dma_start3A_142] : memref<3x64x128xf32, #tpu.memory_space<vmem>> -> memref<1x16x128xf32, #tpu.memory_space<vmem>>
      %dma_start3A_144 = tpu.memref_squeeze %dma_start3A_143 : memref<1x16x128xf32, #tpu.memory_space<vmem>> -> memref<16x128xf32, #tpu.memory_space<vmem>>
      %dma_start3A_145 = arith.constant 0 : i32
      %dma_start3A_146 = arith.constant 0 : i32
      %dma_start3A_147 = tpu.memref_slice %arg12[%dma_start3A_145, %dma_start3A_146] : memref<10000x128xf32, #tpu.memory_space<vmem_shared>> -> memref<10000x128xf32, #tpu.memory_space<vmem_shared>>
      tpu.enqueue_indirect_dma source(%dma_start3A_144 : memref<16x128xf32, #tpu.memory_space<vmem>>) target(%dma_start3A_147 : memref<10000x128xf32, #tpu.memory_space<vmem_shared>>) offsets(%arg10 : memref<16xi32, #tpu.memory_space<vmem>>) semaphore(%run_scoped3A_140 : memref<!tpu.dma_semaphore, #tpu.memory_space<semaphore_mem>>) {add = true}
      %dma_wait3A_148 = arith.constant 0 : i32
      %dma_wait3A_149 = arith.constant 0 : i32
      %dma_wait3A_150 = tpu.memref_slice %arg11[%run_scoped3A_116, %dma_wait3A_148, %dma_wait3A_149] : memref<3x64x128xf32, #tpu.memory_space<vmem>> -> memref<1x16x128xf32, #tpu.memory_space<vmem>>
      %dma_wait3A_151 = tpu.memref_squeeze %dma_wait3A_150 : memref<1x16x128xf32, #tpu.memory_space<vmem>> -> memref<16x128xf32, #tpu.memory_space<vmem>>
      %dma_wait3A_152 = arith.constant 0 : i32
      %dma_wait3A_153 = arith.constant 0 : i32
      %dma_wait3A_154 = tpu.memref_slice %arg12[%dma_wait3A_152, %dma_wait3A_153] : memref<10000x128xf32, #tpu.memory_space<vmem_shared>> -> memref<10000x128xf32, #tpu.memory_space<vmem_shared>>
      tpu.wait_indirect_dma semaphore(%run_scoped3A_140 : memref<!tpu.dma_semaphore, #tpu.memory_space<semaphore_mem>>) src(%dma_wait3A_151 : memref<16x128xf32, #tpu.memory_space<vmem>>) dst(%dma_wait3A_154 : memref<10000x128xf32, #tpu.memory_space<vmem_shared>>)
      tpu.yield
    }) : () -> ()
    %dma_wait3A = arith.constant 2 : i32
    %dma_wait3A_117 = arith.constant 2 : i32
    %dma_wait3A_118 = arith.constant 2 : i32
    %dma_wait3A_119 = arith.constant 0 : i32
    %dma_wait3A_120 = arith.constant 0 : i32
    %dma_wait3A_121 = tpu.memref_slice %arg11[%dma_wait3A, %dma_wait3A_119, %dma_wait3A_120] : memref<3x64x128xf32, #tpu.memory_space<vmem>> -> memref<1x64x128xf32, #tpu.memory_space<vmem>>
    %dma_wait3A_122 = tpu.memref_squeeze %dma_wait3A_121 : memref<1x64x128xf32, #tpu.memory_space<vmem>> -> memref<64x128xf32, #tpu.memory_space<vmem>>
    %dma_wait3A_123 = arith.constant 0 : i32
    %dma_wait3A_124 = tpu.memref_slice %arg9[%dma_wait3A_117, %dma_wait3A_123] : memref<3x64xi32, #tpu.memory_space<vmem>> -> memref<1x64xi32, #tpu.memory_space<vmem>>
    %dma_wait3A_125 = tpu.memref_squeeze %dma_wait3A_124 : memref<1x64xi32, #tpu.memory_space<vmem>> -> memref<64xi32, #tpu.memory_space<vmem>>
    %dma_wait3A_126 = arith.constant 0 : i32
    %dma_wait3A_127 = arith.constant 0 : i32
    %dma_wait3A_128 = tpu.memref_slice %arg12[%dma_wait3A_126, %dma_wait3A_127] : memref<10000x128xf32, #tpu.memory_space<vmem_shared>> -> memref<10000x128xf32, #tpu.memory_space<vmem_shared>>
    %dma_wait3A_129 = tpu.memref_slice %arg14[%dma_wait3A_118] : memref<3x!tpu.dma_semaphore, #tpu.memory_space<semaphore_mem>> -> memref<1x!tpu.dma_semaphore, #tpu.memory_space<semaphore_mem>>
    %dma_wait3A_130 = tpu.memref_squeeze %dma_wait3A_129 : memref<1x!tpu.dma_semaphore, #tpu.memory_space<semaphore_mem>> -> memref<!tpu.dma_semaphore, #tpu.memory_space<semaphore_mem>>
    tpu.wait_indirect_dma semaphore(%dma_wait3A_130 : memref<!tpu.dma_semaphore, #tpu.memory_space<semaphore_mem>>) src(%dma_wait3A_122 : memref<64x128xf32, #tpu.memory_space<vmem>>) dst(%dma_wait3A_128 : memref<10000x128xf32, #tpu.memory_space<vmem_shared>>)
    %barrier3A_131 = arith.constant 0 : index
    tpu.barrier barrier_id(%barrier3A_131)
    %mul3A_132 = arith.constant 10000 : i32
    %mul3A_133 = arith.muli %arg0, %mul3A_132 : i32
    %add3A_134 = arith.addi %mul3A_133, %mul3A_20 : i32
    "tpu.region"() ({
      %run_scoped3A_140 = tpu.sem_alloc : memref<!tpu.dma_semaphore, #tpu.memory_space<semaphore_mem>>
      %dma_start3A_141 = arith.constant 0 : i32
      %dma_start3A_142 = tpu.memref_slice %arg6[%add3A_134, %dma_start3A_141] : memref<20000x128xf32, #tpu.memory_space<hbm>> -> memref<400x128xf32, #tpu.memory_space<hbm>>
      %dma_start3A_143 = arith.constant 0 : i32
      %dma_start3A_144 = tpu.memref_slice %arg12[%mul3A_20, %dma_start3A_143] : memref<10000x128xf32, #tpu.memory_space<vmem_shared>> -> memref<400x128xf32, #tpu.memory_space<vmem_shared>>
      tpu.enqueue_dma source(%dma_start3A_144 : memref<400x128xf32, #tpu.memory_space<vmem_shared>>) target(%dma_start3A_142 : memref<400x128xf32, #tpu.memory_space<hbm>>) target_semaphore(%run_scoped3A_140 : memref<!tpu.dma_semaphore, #tpu.memory_space<semaphore_mem>>)
      %dma_wait3A_145 = arith.constant 0 : i32
      %dma_wait3A_146 = tpu.memref_slice %arg6[%add3A_134, %dma_wait3A_145] : memref<20000x128xf32, #tpu.memory_space<hbm>> -> memref<400x128xf32, #tpu.memory_space<hbm>>
      %dma_wait3A_147 = arith.constant 0 : i32
      %dma_wait3A_148 = tpu.memref_slice %arg12[%mul3A_20, %dma_wait3A_147] : memref<10000x128xf32, #tpu.memory_space<vmem_shared>> -> memref<400x128xf32, #tpu.memory_space<vmem_shared>>
      tpu.wait_dma2 semaphore(%run_scoped3A_140 : memref<!tpu.dma_semaphore, #tpu.memory_space<semaphore_mem>>) src(%dma_wait3A_148 : memref<400x128xf32, #tpu.memory_space<vmem_shared>>) dst(%dma_wait3A_146 : memref<400x128xf32, #tpu.memory_space<hbm>>)
      tpu.yield
    }) : () -> ()
    %lt3A_135 = arith.constant 15 : i32
    %lt3A_136 = arith.cmpi slt, %arg1, %lt3A_135 : i32
    %convert_element_type3A_137 = arith.extui %lt3A_136 : i1 to i32
    %cond3A_138 = arith.constant 0 : i32
    %cond3A_139 = arith.cmpi ne, %convert_element_type3A_137, %cond3A_138 : i32
    scf.if %cond3A_139 {
      %add3A_140 = arith.constant 400 : i32
      %add3A_141 = arith.addi %mul3A_20, %add3A_140 : i32
      %mul3A_142 = arith.constant 10000 : i32
      %mul3A_143 = arith.muli %arg0, %mul3A_142 : i32
      %add3A_144 = arith.addi %mul3A_143, %mul3A_20 : i32
      %add3A_145 = arith.constant 400 : i32
      %add3A_146 = arith.addi %add3A_144, %add3A_145 : i32
      "tpu.region"() ({
        %run_scoped3A_147 = tpu.sem_alloc : memref<!tpu.dma_semaphore, #tpu.memory_space<semaphore_mem>>
        %dma_start3A_148 = arith.constant 0 : i32
        %dma_start3A_149 = tpu.memref_slice %arg6[%add3A_146, %dma_start3A_148] : memref<20000x128xf32, #tpu.memory_space<hbm>> -> memref<240x128xf32, #tpu.memory_space<hbm>>
        %dma_start3A_150 = arith.constant 0 : i32
        %dma_start3A_151 = tpu.memref_slice %arg12[%add3A_141, %dma_start3A_150] : memref<10000x128xf32, #tpu.memory_space<vmem_shared>> -> memref<240x128xf32, #tpu.memory_space<vmem_shared>>
        tpu.enqueue_dma source(%dma_start3A_151 : memref<240x128xf32, #tpu.memory_space<vmem_shared>>) target(%dma_start3A_149 : memref<240x128xf32, #tpu.memory_space<hbm>>) target_semaphore(%run_scoped3A_147 : memref<!tpu.dma_semaphore, #tpu.memory_space<semaphore_mem>>)
        %dma_wait3A_152 = arith.constant 0 : i32
        %dma_wait3A_153 = tpu.memref_slice %arg6[%add3A_146, %dma_wait3A_152] : memref<20000x128xf32, #tpu.memory_space<hbm>> -> memref<240x128xf32, #tpu.memory_space<hbm>>
        %dma_wait3A_154 = arith.constant 0 : i32
        %dma_wait3A_155 = tpu.memref_slice %arg12[%add3A_141, %dma_wait3A_154] : memref<10000x128xf32, #tpu.memory_space<vmem_shared>> -> memref<240x128xf32, #tpu.memory_space<vmem_shared>>
        tpu.wait_dma2 semaphore(%run_scoped3A_147 : memref<!tpu.dma_semaphore, #tpu.memory_space<semaphore_mem>>) src(%dma_wait3A_155 : memref<240x128xf32, #tpu.memory_space<vmem_shared>>) dst(%dma_wait3A_153 : memref<240x128xf32, #tpu.memory_space<hbm>>)
        tpu.yield
      }) : () -> ()
    } else {
    }
    return
  }
}

#map = affine_map<(d0, d1) -> (0)>
module attributes {stable_mosaic.version = 14 : i64} {
  func.func @_k2a_body(%arg0: i32, %arg1: i32, %arg2: memref<320000xf32, #tpu.memory_space<hbm>>, %arg3: memref<320000xi32, #tpu.memory_space<hbm>>, %arg4: memref<20480xf32, #tpu.memory_space<hbm>>, %arg5: memref<10000xf32, #tpu.memory_space<vmem>>, %arg6: memref<10000xi32, #tpu.memory_space<vmem>>, %arg7: memref<10240xf32, #tpu.memory_space<vmem>>, %arg8: memref<16x640xf32, #tpu.memory_space<vmem>>, %arg9: memref<640xf32, #tpu.memory_space<vmem>>, %arg10: memref<16x10240xf32, #tpu.memory_space<vmem_shared>>) attributes {dimension_semantics = [#tpu.dimension_semantics<core_parallel>, #tpu.dimension_semantics<subcore_parallel>], iteration_bounds = array<i64: 2, 16>, scalar_prefetch = 0 : i64, scratch_operands = 6 : i64, tpu.core_type = #tpu.core_type<sc_vector_subcore>, window_params = [{transform_indices = #map}, {transform_indices = #map}, {transform_indices = #map}]} {
    %mul3A = arith.constant 16 : i32
    %mul3A_0 = arith.muli %arg0, %mul3A : i32
    %add3A = arith.addi %mul3A_0, %arg1 : i32
    %mul3A_1 = arith.constant 10000 : i32
    %mul3A_2 = arith.muli %add3A, %mul3A_1 : i32
    "tpu.region"() ({
      %run_scoped3A = tpu.sem_alloc : memref<!tpu.dma_semaphore, #tpu.memory_space<semaphore_mem>>
      %dma_start3A = tpu.memref_slice %arg2[%mul3A_2] : memref<320000xf32, #tpu.memory_space<hbm>> -> memref<10000xf32, #tpu.memory_space<hbm>>
      %dma_start3A_30 = tpu.memref_slice %arg2[%mul3A_2] : memref<320000xf32, #tpu.memory_space<hbm>> -> memref<10000xf32, #tpu.memory_space<hbm>>
      tpu.enqueue_dma source(%dma_start3A_30 : memref<10000xf32, #tpu.memory_space<hbm>>) target(%arg5 : memref<10000xf32, #tpu.memory_space<vmem>>) target_semaphore(%run_scoped3A : memref<!tpu.dma_semaphore, #tpu.memory_space<semaphore_mem>>)
      %dma_wait3A = tpu.memref_slice %arg2[%mul3A_2] : memref<320000xf32, #tpu.memory_space<hbm>> -> memref<10000xf32, #tpu.memory_space<hbm>>
      %dma_wait3A_31 = tpu.memref_slice %arg2[%mul3A_2] : memref<320000xf32, #tpu.memory_space<hbm>> -> memref<10000xf32, #tpu.memory_space<hbm>>
      tpu.wait_dma2 semaphore(%run_scoped3A : memref<!tpu.dma_semaphore, #tpu.memory_space<semaphore_mem>>) src(%dma_wait3A_31 : memref<10000xf32, #tpu.memory_space<hbm>>) dst(%arg5 : memref<10000xf32, #tpu.memory_space<vmem>>)
      tpu.yield
    }) : () -> ()
    "tpu.region"() ({
      %run_scoped3A = tpu.sem_alloc : memref<!tpu.dma_semaphore, #tpu.memory_space<semaphore_mem>>
      %dma_start3A = tpu.memref_slice %arg3[%mul3A_2] : memref<320000xi32, #tpu.memory_space<hbm>> -> memref<10000xi32, #tpu.memory_space<hbm>>
      %dma_start3A_30 = tpu.memref_slice %arg3[%mul3A_2] : memref<320000xi32, #tpu.memory_space<hbm>> -> memref<10000xi32, #tpu.memory_space<hbm>>
      tpu.enqueue_dma source(%dma_start3A_30 : memref<10000xi32, #tpu.memory_space<hbm>>) target(%arg6 : memref<10000xi32, #tpu.memory_space<vmem>>) target_semaphore(%run_scoped3A : memref<!tpu.dma_semaphore, #tpu.memory_space<semaphore_mem>>)
      %dma_wait3A = tpu.memref_slice %arg3[%mul3A_2] : memref<320000xi32, #tpu.memory_space<hbm>> -> memref<10000xi32, #tpu.memory_space<hbm>>
      %dma_wait3A_31 = tpu.memref_slice %arg3[%mul3A_2] : memref<320000xi32, #tpu.memory_space<hbm>> -> memref<10000xi32, #tpu.memory_space<hbm>>
      tpu.wait_dma2 semaphore(%run_scoped3A : memref<!tpu.dma_semaphore, #tpu.memory_space<semaphore_mem>>) src(%dma_wait3A_31 : memref<10000xi32, #tpu.memory_space<hbm>>) dst(%arg6 : memref<10000xi32, #tpu.memory_space<vmem>>)
      tpu.yield
    }) : () -> ()
    %scan3A = arith.constant 0 : i32
    %scan3A_3 = arith.constant 0 : i32
    %scan3A_4 = arith.constant 640 : i32
    %scan3A_5 = arith.addi %scan3A_3, %scan3A_4 : i32
    %scan3A_6 = arith.constant 1 : i32
    %scan3A_7 = scf.for %scan3A_30 = %scan3A_3 to %scan3A_5 step %scan3A_6 iter_args(%scan3A_31 = %scan3A) -> (i32)  : i32 {
      %broadcast_in_dim3A = arith.constant -3.000000e+38 : f32
      %broadcast_in_dim3A_32 = vector.broadcast %broadcast_in_dim3A : f32 to vector<16xf32>
      %mul3A_33 = arith.constant 16 : i32
      %mul3A_34 = arith.muli %scan3A_30, %mul3A_33 : i32
      %swap3A = arith.index_cast %mul3A_34 : i32 to index
      %swap3A_35 = tpu.vector_load %arg7[%swap3A] {strides = array<i32>} : memref<10240xf32, #tpu.memory_space<vmem>>, vector<16xf32>,
      tpu.vector_store %arg7[%swap3A], %broadcast_in_dim3A_32 {strides = array<i32>} : memref<10240xf32, #tpu.memory_space<vmem>>, vector<16xf32>,
      %scan3A_36 = arith.constant 0 : i32
      scf.yield %scan3A_36 : i32
    }
    %scan3A_8 = arith.constant 640 : i32
    %scan3A_9 = arith.constant 0 : i32
    %scan3A_10 = arith.constant 0 : i32
    %scan3A_11 = arith.constant 625 : i32
    %scan3A_12 = arith.addi %scan3A_10, %scan3A_11 : i32
    %scan3A_13 = arith.constant 1 : i32
    %scan3A_14 = scf.for %scan3A_30 = %scan3A_10 to %scan3A_12 step %scan3A_13 iter_args(%scan3A_31 = %scan3A_9) -> (i32)  : i32 {
      %mul3A_32 = arith.constant 16 : i32
      %mul3A_33 = arith.muli %scan3A_30, %mul3A_32 : i32
      %get3A = arith.index_cast %mul3A_33 : i32 to index
      %get3A_34 = tpu.vector_load %arg5[%get3A] {strides = array<i32>} : memref<10000xf32, #tpu.memory_space<vmem>>, vector<16xf32>,
      %mul3A_35 = arith.constant 16 : i32
      %mul3A_36 = arith.muli %scan3A_30, %mul3A_35 : i32
      %get3A_37 = arith.index_cast %mul3A_36 : i32 to index
      %get3A_38 = tpu.vector_load %arg6[%get3A_37] {strides = array<i32>} : memref<10000xi32, #tpu.memory_space<vmem>>, vector<16xi32>,
      %iota3A = tpu.iota {dimensions = array<i32: 0>} : vector<16xi32>
      %sub3A = arith.constant 1 : i32
      %sub3A_39 = vector.broadcast %sub3A : i32 to vector<16xi32>
      %sub3A_40 = arith.subi %iota3A, %sub3A_39 : vector<16xi32>
      %max3A = arith.constant 0 : i32
      %max3A_41 = vector.broadcast %max3A : i32 to vector<16xi32>
      %max3A_42 = arith.maxsi %sub3A_40, %max3A_41 : vector<16xi32>
      %lt3A = arith.constant 0 : i32
      %lt3A_43 = vector.broadcast %lt3A : i32 to vector<16xi32>
      %lt3A_44 = arith.cmpi slt, %max3A_42, %lt3A_43 : vector<16xi32>
      %add3A_45 = arith.constant 16 : i32
      %add3A_46 = vector.broadcast %add3A_45 : i32 to vector<16xi32>
      %add3A_47 = arith.addi %max3A_42, %add3A_46 : vector<16xi32>
      %select_n3A = arith.select %lt3A_44, %add3A_47, %max3A_42 : vector<16xi1>, vector<16xi32>
      %broadcast_in_dim3A = vector.shape_cast %select_n3A : vector<16xi32> to vector<16x1xi32>
      %gather3A = vector.shape_cast %broadcast_in_dim3A : vector<16x1xi32> to vector<16xi32>
      %gather3A_48 = tpu.dynamic_gather %get3A_34[%gather3A] in [0] : vector<16xf32>, vector<16xi32> -> vector<16xf32>
      %lt3A_49 = arith.constant 0 : i32
      %lt3A_50 = vector.broadcast %lt3A_49 : i32 to vector<16xi32>
      %lt3A_51 = arith.cmpi slt, %max3A_42, %lt3A_50 : vector<16xi32>
      %add3A_52 = arith.constant 16 : i32
      %add3A_53 = vector.broadcast %add3A_52 : i32 to vector<16xi32>
      %add3A_54 = arith.addi %max3A_42, %add3A_53 : vector<16xi32>
      %select_n3A_55 = arith.select %lt3A_51, %add3A_54, %max3A_42 : vector<16xi1>, vector<16xi32>
      %broadcast_in_dim3A_56 = vector.shape_cast %select_n3A_55 : vector<16xi32> to vector<16x1xi32>
      %gather3A_57 = vector.shape_cast %broadcast_in_dim3A_56 : vector<16x1xi32> to vector<16xi32>
      %gather3A_58 = tpu.dynamic_gather %get3A_38[%gather3A_57] in [0] : vector<16xi32>, vector<16xi32> -> vector<16xi32>
      %ge3A = arith.constant 1 : i32
      %ge3A_59 = vector.broadcast %ge3A : i32 to vector<16xi32>
      %ge3A_60 = arith.cmpi sge, %iota3A, %ge3A_59 : vector<16xi32>
      %eq3A = arith.cmpi eq, %gather3A_58, %get3A_38 : vector<16xi32>
      %and3A = arith.andi %ge3A_60, %eq3A : vector<16xi1>
      %max3A_61 = arith.maximumf %get3A_34, %gather3A_48 : vector<16xf32>
      %select_n3A_62 = arith.select %and3A, %max3A_61, %get3A_34 : vector<16xi1>, vector<16xf32>
      %sub3A_63 = arith.constant 2 : i32
      %sub3A_64 = vector.broadcast %sub3A_63 : i32 to vector<16xi32>
      %sub3A_65 = arith.subi %iota3A, %sub3A_64 : vector<16xi32>
      %max3A_66 = arith.constant 0 : i32
      %max3A_67 = vector.broadcast %max3A_66 : i32 to vector<16xi32>
      %max3A_68 = arith.maxsi %sub3A_65, %max3A_67 : vector<16xi32>
      %lt3A_69 = arith.constant 0 : i32
      %lt3A_70 = vector.broadcast %lt3A_69 : i32 to vector<16xi32>
      %lt3A_71 = arith.cmpi slt, %max3A_68, %lt3A_70 : vector<16xi32>
      %add3A_72 = arith.constant 16 : i32
      %add3A_73 = vector.broadcast %add3A_72 : i32 to vector<16xi32>
      %add3A_74 = arith.addi %max3A_68, %add3A_73 : vector<16xi32>
      %select_n3A_75 = arith.select %lt3A_71, %add3A_74, %max3A_68 : vector<16xi1>, vector<16xi32>
      %broadcast_in_dim3A_76 = vector.shape_cast %select_n3A_75 : vector<16xi32> to vector<16x1xi32>
      %gather3A_77 = vector.shape_cast %broadcast_in_dim3A_76 : vector<16x1xi32> to vector<16xi32>
      %gather3A_78 = tpu.dynamic_gather %select_n3A_62[%gather3A_77] in [0] : vector<16xf32>, vector<16xi32> -> vector<16xf32>
      %lt3A_79 = arith.constant 0 : i32
      %lt3A_80 = vector.broadcast %lt3A_79 : i32 to vector<16xi32>
      %lt3A_81 = arith.cmpi slt, %max3A_68, %lt3A_80 : vector<16xi32>
      %add3A_82 = arith.constant 16 : i32
      %add3A_83 = vector.broadcast %add3A_82 : i32 to vector<16xi32>
      %add3A_84 = arith.addi %max3A_68, %add3A_83 : vector<16xi32>
      %select_n3A_85 = arith.select %lt3A_81, %add3A_84, %max3A_68 : vector<16xi1>, vector<16xi32>
      %broadcast_in_dim3A_86 = vector.shape_cast %select_n3A_85 : vector<16xi32> to vector<16x1xi32>
      %gather3A_87 = vector.shape_cast %broadcast_in_dim3A_86 : vector<16x1xi32> to vector<16xi32>
      %gather3A_88 = tpu.dynamic_gather %get3A_38[%gather3A_87] in [0] : vector<16xi32>, vector<16xi32> -> vector<16xi32>
      %ge3A_89 = arith.constant 2 : i32
      %ge3A_90 = vector.broadcast %ge3A_89 : i32 to vector<16xi32>
      %ge3A_91 = arith.cmpi sge, %iota3A, %ge3A_90 : vector<16xi32>
      %eq3A_92 = arith.cmpi eq, %gather3A_88, %get3A_38 : vector<16xi32>
      %and3A_93 = arith.andi %ge3A_91, %eq3A_92 : vector<16xi1>
      %max3A_94 = arith.maximumf %select_n3A_62, %gather3A_78 : vector<16xf32>
      %select_n3A_95 = arith.select %and3A_93, %max3A_94, %select_n3A_62 : vector<16xi1>, vector<16xf32>
      %sub3A_96 = arith.constant 4 : i32
      %sub3A_97 = vector.broadcast %sub3A_96 : i32 to vector<16xi32>
      %sub3A_98 = arith.subi %iota3A, %sub3A_97 : vector<16xi32>
      %max3A_99 = arith.constant 0 : i32
      %max3A_100 = vector.broadcast %max3A_99 : i32 to vector<16xi32>
      %max3A_101 = arith.maxsi %sub3A_98, %max3A_100 : vector<16xi32>
      %lt3A_102 = arith.constant 0 : i32
      %lt3A_103 = vector.broadcast %lt3A_102 : i32 to vector<16xi32>
      %lt3A_104 = arith.cmpi slt, %max3A_101, %lt3A_103 : vector<16xi32>
      %add3A_105 = arith.constant 16 : i32
      %add3A_106 = vector.broadcast %add3A_105 : i32 to vector<16xi32>
      %add3A_107 = arith.addi %max3A_101, %add3A_106 : vector<16xi32>
      %select_n3A_108 = arith.select %lt3A_104, %add3A_107, %max3A_101 : vector<16xi1>, vector<16xi32>
      %broadcast_in_dim3A_109 = vector.shape_cast %select_n3A_108 : vector<16xi32> to vector<16x1xi32>
      %gather3A_110 = vector.shape_cast %broadcast_in_dim3A_109 : vector<16x1xi32> to vector<16xi32>
      %gather3A_111 = tpu.dynamic_gather %select_n3A_95[%gather3A_110] in [0] : vector<16xf32>, vector<16xi32> -> vector<16xf32>
      %lt3A_112 = arith.constant 0 : i32
      %lt3A_113 = vector.broadcast %lt3A_112 : i32 to vector<16xi32>
      %lt3A_114 = arith.cmpi slt, %max3A_101, %lt3A_113 : vector<16xi32>
      %add3A_115 = arith.constant 16 : i32
      %add3A_116 = vector.broadcast %add3A_115 : i32 to vector<16xi32>
      %add3A_117 = arith.addi %max3A_101, %add3A_116 : vector<16xi32>
      %select_n3A_118 = arith.select %lt3A_114, %add3A_117, %max3A_101 : vector<16xi1>, vector<16xi32>
      %broadcast_in_dim3A_119 = vector.shape_cast %select_n3A_118 : vector<16xi32> to vector<16x1xi32>
      %gather3A_120 = vector.shape_cast %broadcast_in_dim3A_119 : vector<16x1xi32> to vector<16xi32>
      %gather3A_121 = tpu.dynamic_gather %get3A_38[%gather3A_120] in [0] : vector<16xi32>, vector<16xi32> -> vector<16xi32>
      %ge3A_122 = arith.constant 4 : i32
      %ge3A_123 = vector.broadcast %ge3A_122 : i32 to vector<16xi32>
      %ge3A_124 = arith.cmpi sge, %iota3A, %ge3A_123 : vector<16xi32>
      %eq3A_125 = arith.cmpi eq, %gather3A_121, %get3A_38 : vector<16xi32>
      %and3A_126 = arith.andi %ge3A_124, %eq3A_125 : vector<16xi1>
      %max3A_127 = arith.maximumf %select_n3A_95, %gather3A_111 : vector<16xf32>
      %select_n3A_128 = arith.select %and3A_126, %max3A_127, %select_n3A_95 : vector<16xi1>, vector<16xf32>
      %sub3A_129 = arith.constant 8 : i32
      %sub3A_130 = vector.broadcast %sub3A_129 : i32 to vector<16xi32>
      %sub3A_131 = arith.subi %iota3A, %sub3A_130 : vector<16xi32>
      %max3A_132 = arith.constant 0 : i32
      %max3A_133 = vector.broadcast %max3A_132 : i32 to vector<16xi32>
      %max3A_134 = arith.maxsi %sub3A_131, %max3A_133 : vector<16xi32>
      %lt3A_135 = arith.constant 0 : i32
      %lt3A_136 = vector.broadcast %lt3A_135 : i32 to vector<16xi32>
      %lt3A_137 = arith.cmpi slt, %max3A_134, %lt3A_136 : vector<16xi32>
      %add3A_138 = arith.constant 16 : i32
      %add3A_139 = vector.broadcast %add3A_138 : i32 to vector<16xi32>
      %add3A_140 = arith.addi %max3A_134, %add3A_139 : vector<16xi32>
      %select_n3A_141 = arith.select %lt3A_137, %add3A_140, %max3A_134 : vector<16xi1>, vector<16xi32>
      %broadcast_in_dim3A_142 = vector.shape_cast %select_n3A_141 : vector<16xi32> to vector<16x1xi32>
      %gather3A_143 = vector.shape_cast %broadcast_in_dim3A_142 : vector<16x1xi32> to vector<16xi32>
      %gather3A_144 = tpu.dynamic_gather %select_n3A_128[%gather3A_143] in [0] : vector<16xf32>, vector<16xi32> -> vector<16xf32>
      %lt3A_145 = arith.constant 0 : i32
      %lt3A_146 = vector.broadcast %lt3A_145 : i32 to vector<16xi32>
      %lt3A_147 = arith.cmpi slt, %max3A_134, %lt3A_146 : vector<16xi32>
      %add3A_148 = arith.constant 16 : i32
      %add3A_149 = vector.broadcast %add3A_148 : i32 to vector<16xi32>
      %add3A_150 = arith.addi %max3A_134, %add3A_149 : vector<16xi32>
      %select_n3A_151 = arith.select %lt3A_147, %add3A_150, %max3A_134 : vector<16xi1>, vector<16xi32>
      %broadcast_in_dim3A_152 = vector.shape_cast %select_n3A_151 : vector<16xi32> to vector<16x1xi32>
      %gather3A_153 = vector.shape_cast %broadcast_in_dim3A_152 : vector<16x1xi32> to vector<16xi32>
      %gather3A_154 = tpu.dynamic_gather %get3A_38[%gather3A_153] in [0] : vector<16xi32>, vector<16xi32> -> vector<16xi32>
      %ge3A_155 = arith.constant 8 : i32
      %ge3A_156 = vector.broadcast %ge3A_155 : i32 to vector<16xi32>
      %ge3A_157 = arith.cmpi sge, %iota3A, %ge3A_156 : vector<16xi32>
      %eq3A_158 = arith.cmpi eq, %gather3A_154, %get3A_38 : vector<16xi32>
      %and3A_159 = arith.andi %ge3A_157, %eq3A_158 : vector<16xi1>
      %max3A_160 = arith.maximumf %select_n3A_128, %gather3A_144 : vector<16xf32>
      %select_n3A_161 = arith.select %and3A_159, %max3A_160, %select_n3A_128 : vector<16xi1>, vector<16xf32>
      %iota3A_162 = tpu.iota {dimensions = array<i32: 0>} : vector<16xi32>
      %add3A_163 = arith.constant 1 : i32
      %add3A_164 = vector.broadcast %add3A_163 : i32 to vector<16xi32>
      %add3A_165 = arith.addi %iota3A_162, %add3A_164 : vector<16xi32>
      %min3A = arith.constant 15 : i32
      %min3A_166 = vector.broadcast %min3A : i32 to vector<16xi32>
      %min3A_167 = arith.minsi %add3A_165, %min3A_166 : vector<16xi32>
      %lt3A_168 = arith.constant 0 : i32
      %lt3A_169 = vector.broadcast %lt3A_168 : i32 to vector<16xi32>
      %lt3A_170 = arith.cmpi slt, %min3A_167, %lt3A_169 : vector<16xi32>
      %add3A_171 = arith.constant 16 : i32
      %add3A_172 = vector.broadcast %add3A_171 : i32 to vector<16xi32>
      %add3A_173 = arith.addi %min3A_167, %add3A_172 : vector<16xi32>
      %select_n3A_174 = arith.select %lt3A_170, %add3A_173, %min3A_167 : vector<16xi1>, vector<16xi32>
      %broadcast_in_dim3A_175 = vector.shape_cast %select_n3A_174 : vector<16xi32> to vector<16x1xi32>
      %gather3A_176 = vector.shape_cast %broadcast_in_dim3A_175 : vector<16x1xi32> to vector<16xi32>
      %gather3A_177 = tpu.dynamic_gather %get3A_38[%gather3A_176] in [0] : vector<16xi32>, vector<16xi32> -> vector<16xi32>
      %eq3A_178 = arith.constant 15 : i32
      %eq3A_179 = vector.broadcast %eq3A_178 : i32 to vector<16xi32>
      %eq3A_180 = arith.cmpi eq, %iota3A_162, %eq3A_179 : vector<16xi32>
      %ne3A = arith.cmpi ne, %get3A_38, %gather3A_177 : vector<16xi32>
      %or3A = arith.ori %eq3A_180, %ne3A : vector<16xi1>
      %gather3A_181 = tpu.vector_load_idx %arg7[%get3A_38] masked %or3A : memref<10240xf32, #tpu.memory_space<vmem>>[vector<16xi32>], vector<16xf32>, vector<16xi1>
      %max3A_182 = arith.maximumf %gather3A_181, %select_n3A_161 : vector<16xf32>
      tpu.vector_store_idx %arg7[%get3A_38], %max3A_182 masked %or3A : memref<10240xf32, #tpu.memory_space<vmem>>[vector<16xi32>], vector<16xf32>, vector<16xi1>
      %scan3A_183 = arith.constant 0 : i32
      scf.yield %scan3A_183 : i32
    }
    %scan3A_15 = arith.constant 625 : i32
    "tpu.region"() ({
      %run_scoped3A = tpu.sem_alloc : memref<!tpu.dma_semaphore, #tpu.memory_space<semaphore_mem>>
      %dma_start3A = arith.constant 0 : i32
      %dma_start3A_30 = tpu.memref_slice %arg10[%arg1, %dma_start3A] : memref<16x10240xf32, #tpu.memory_space<vmem_shared>> -> memref<1x10240xf32, #tpu.memory_space<vmem_shared>>
      %dma_start3A_31 = tpu.memref_squeeze %dma_start3A_30 : memref<1x10240xf32, #tpu.memory_space<vmem_shared>> -> memref<10240xf32, #tpu.memory_space<vmem_shared>>
      %dma_start3A_32 = arith.constant 0 : i32
      %dma_start3A_33 = tpu.memref_slice %arg10[%arg1, %dma_start3A_32] : memref<16x10240xf32, #tpu.memory_space<vmem_shared>> -> memref<1x10240xf32, #tpu.memory_space<vmem_shared>>
      %dma_start3A_34 = tpu.memref_squeeze %dma_start3A_33 : memref<1x10240xf32, #tpu.memory_space<vmem_shared>> -> memref<10240xf32, #tpu.memory_space<vmem_shared>>
      tpu.enqueue_dma source(%arg7 : memref<10240xf32, #tpu.memory_space<vmem>>) target(%dma_start3A_34 : memref<10240xf32, #tpu.memory_space<vmem_shared>>) target_semaphore(%run_scoped3A : memref<!tpu.dma_semaphore, #tpu.memory_space<semaphore_mem>>)
      %dma_wait3A = arith.constant 0 : i32
      %dma_wait3A_35 = tpu.memref_slice %arg10[%arg1, %dma_wait3A] : memref<16x10240xf32, #tpu.memory_space<vmem_shared>> -> memref<1x10240xf32, #tpu.memory_space<vmem_shared>>
      %dma_wait3A_36 = tpu.memref_squeeze %dma_wait3A_35 : memref<1x10240xf32, #tpu.memory_space<vmem_shared>> -> memref<10240xf32, #tpu.memory_space<vmem_shared>>
      %dma_wait3A_37 = arith.constant 0 : i32
      %dma_wait3A_38 = tpu.memref_slice %arg10[%arg1, %dma_wait3A_37] : memref<16x10240xf32, #tpu.memory_space<vmem_shared>> -> memref<1x10240xf32, #tpu.memory_space<vmem_shared>>
      %dma_wait3A_39 = tpu.memref_squeeze %dma_wait3A_38 : memref<1x10240xf32, #tpu.memory_space<vmem_shared>> -> memref<10240xf32, #tpu.memory_space<vmem_shared>>
      tpu.wait_dma2 semaphore(%run_scoped3A : memref<!tpu.dma_semaphore, #tpu.memory_space<semaphore_mem>>) src(%arg7 : memref<10240xf32, #tpu.memory_space<vmem>>) dst(%dma_wait3A_39 : memref<10240xf32, #tpu.memory_space<vmem_shared>>)
      tpu.yield
    }) : () -> ()
    %barrier3A = arith.constant 0 : index
    tpu.barrier barrier_id(%barrier3A)
    %mul3A_16 = arith.constant 640 : i32
    %mul3A_17 = arith.muli %arg1, %mul3A_16 : i32
    "tpu.region"() ({
      %run_scoped3A = tpu.sem_alloc : memref<!tpu.dma_semaphore, #tpu.memory_space<semaphore_mem>>
      %dma_start3A = arith.constant 0 : i32
      %dma_start3A_30 = tpu.memref_slice %arg10[%dma_start3A, %mul3A_17] : memref<16x10240xf32, #tpu.memory_space<vmem_shared>> -> memref<16x640xf32, #tpu.memory_space<vmem_shared>>
      %dma_start3A_31 = arith.constant 0 : i32
      %dma_start3A_32 = tpu.memref_slice %arg10[%dma_start3A_31, %mul3A_17] : memref<16x10240xf32, #tpu.memory_space<vmem_shared>> -> memref<16x640xf32, #tpu.memory_space<vmem_shared>>
      tpu.enqueue_dma source(%dma_start3A_32 : memref<16x640xf32, #tpu.memory_space<vmem_shared>>) target(%arg8 : memref<16x640xf32, #tpu.memory_space<vmem>>) target_semaphore(%run_scoped3A : memref<!tpu.dma_semaphore, #tpu.memory_space<semaphore_mem>>)
      %dma_wait3A = arith.constant 0 : i32
      %dma_wait3A_33 = tpu.memref_slice %arg10[%dma_wait3A, %mul3A_17] : memref<16x10240xf32, #tpu.memory_space<vmem_shared>> -> memref<16x640xf32, #tpu.memory_space<vmem_shared>>
      %dma_wait3A_34 = arith.constant 0 : i32
      %dma_wait3A_35 = tpu.memref_slice %arg10[%dma_wait3A_34, %mul3A_17] : memref<16x10240xf32, #tpu.memory_space<vmem_shared>> -> memref<16x640xf32, #tpu.memory_space<vmem_shared>>
      tpu.wait_dma2 semaphore(%run_scoped3A : memref<!tpu.dma_semaphore, #tpu.memory_space<semaphore_mem>>) src(%dma_wait3A_35 : memref<16x640xf32, #tpu.memory_space<vmem_shared>>) dst(%arg8 : memref<16x640xf32, #tpu.memory_space<vmem>>)
      tpu.yield
    }) : () -> ()
    %scan3A_18 = arith.constant 0 : i32
    %scan3A_19 = arith.constant 0 : i32
    %scan3A_20 = arith.constant 40 : i32
    %scan3A_21 = arith.addi %scan3A_19, %scan3A_20 : i32
    %scan3A_22 = arith.constant 1 : i32
    %scan3A_23 = scf.for %scan3A_30 = %scan3A_19 to %scan3A_21 step %scan3A_22 iter_args(%scan3A_31 = %scan3A_18) -> (i32)  : i32 {
      %mul3A_32 = arith.constant 16 : i32
      %mul3A_33 = arith.muli %scan3A_30, %mul3A_32 : i32
      %get3A = arith.constant 0 : i32
      %get3A_34 = arith.index_cast %get3A : i32 to index
      %get3A_35 = arith.index_cast %mul3A_33 : i32 to index
      %get3A_36 = tpu.vector_load %arg8[%get3A_34, %get3A_35] {strides = array<i32>} : memref<16x640xf32, #tpu.memory_space<vmem>>, vector<16xf32>,
      %mul3A_37 = arith.constant 16 : i32
      %mul3A_38 = arith.muli %scan3A_30, %mul3A_37 : i32
      %get3A_39 = arith.constant 1 : i32
      %get3A_40 = arith.index_cast %get3A_39 : i32 to index
      %get3A_41 = arith.index_cast %mul3A_38 : i32 to index
      %get3A_42 = tpu.vector_load %arg8[%get3A_40, %get3A_41] {strides = array<i32>} : memref<16x640xf32, #tpu.memory_space<vmem>>, vector<16xf32>,
      %max3A = arith.maximumf %get3A_36, %get3A_42 : vector<16xf32>
      %mul3A_43 = arith.constant 16 : i32
      %mul3A_44 = arith.muli %scan3A_30, %mul3A_43 : i32
      %get3A_45 = arith.constant 2 : i32
      %get3A_46 = arith.index_cast %get3A_45 : i32 to index
      %get3A_47 = arith.index_cast %mul3A_44 : i32 to index
      %get3A_48 = tpu.vector_load %arg8[%get3A_46, %get3A_47] {strides = array<i32>} : memref<16x640xf32, #tpu.memory_space<vmem>>, vector<16xf32>,
      %max3A_49 = arith.maximumf %max3A, %get3A_48 : vector<16xf32>
      %mul3A_50 = arith.constant 16 : i32
      %mul3A_51 = arith.muli %scan3A_30, %mul3A_50 : i32
      %get3A_52 = arith.constant 3 : i32
      %get3A_53 = arith.index_cast %get3A_52 : i32 to index
      %get3A_54 = arith.index_cast %mul3A_51 : i32 to index
      %get3A_55 = tpu.vector_load %arg8[%get3A_53, %get3A_54] {strides = array<i32>} : memref<16x640xf32, #tpu.memory_space<vmem>>, vector<16xf32>,
      %max3A_56 = arith.maximumf %max3A_49, %get3A_55 : vector<16xf32>
      %mul3A_57 = arith.constant 16 : i32
      %mul3A_58 = arith.muli %scan3A_30, %mul3A_57 : i32
      %get3A_59 = arith.constant 4 : i32
      %get3A_60 = arith.index_cast %get3A_59 : i32 to index
      %get3A_61 = arith.index_cast %mul3A_58 : i32 to index
      %get3A_62 = tpu.vector_load %arg8[%get3A_60, %get3A_61] {strides = array<i32>} : memref<16x640xf32, #tpu.memory_space<vmem>>, vector<16xf32>,
      %max3A_63 = arith.maximumf %max3A_56, %get3A_62 : vector<16xf32>
      %mul3A_64 = arith.constant 16 : i32
      %mul3A_65 = arith.muli %scan3A_30, %mul3A_64 : i32
      %get3A_66 = arith.constant 5 : i32
      %get3A_67 = arith.index_cast %get3A_66 : i32 to index
      %get3A_68 = arith.index_cast %mul3A_65 : i32 to index
      %get3A_69 = tpu.vector_load %arg8[%get3A_67, %get3A_68] {strides = array<i32>} : memref<16x640xf32, #tpu.memory_space<vmem>>, vector<16xf32>,
      %max3A_70 = arith.maximumf %max3A_63, %get3A_69 : vector<16xf32>
      %mul3A_71 = arith.constant 16 : i32
      %mul3A_72 = arith.muli %scan3A_30, %mul3A_71 : i32
      %get3A_73 = arith.constant 6 : i32
      %get3A_74 = arith.index_cast %get3A_73 : i32 to index
      %get3A_75 = arith.index_cast %mul3A_72 : i32 to index
      %get3A_76 = tpu.vector_load %arg8[%get3A_74, %get3A_75] {strides = array<i32>} : memref<16x640xf32, #tpu.memory_space<vmem>>, vector<16xf32>,
      %max3A_77 = arith.maximumf %max3A_70, %get3A_76 : vector<16xf32>
      %mul3A_78 = arith.constant 16 : i32
      %mul3A_79 = arith.muli %scan3A_30, %mul3A_78 : i32
      %get3A_80 = arith.constant 7 : i32
      %get3A_81 = arith.index_cast %get3A_80 : i32 to index
      %get3A_82 = arith.index_cast %mul3A_79 : i32 to index
      %get3A_83 = tpu.vector_load %arg8[%get3A_81, %get3A_82] {strides = array<i32>} : memref<16x640xf32, #tpu.memory_space<vmem>>, vector<16xf32>,
      %max3A_84 = arith.maximumf %max3A_77, %get3A_83 : vector<16xf32>
      %mul3A_85 = arith.constant 16 : i32
      %mul3A_86 = arith.muli %scan3A_30, %mul3A_85 : i32
      %get3A_87 = arith.constant 8 : i32
      %get3A_88 = arith.index_cast %get3A_87 : i32 to index
      %get3A_89 = arith.index_cast %mul3A_86 : i32 to index
      %get3A_90 = tpu.vector_load %arg8[%get3A_88, %get3A_89] {strides = array<i32>} : memref<16x640xf32, #tpu.memory_space<vmem>>, vector<16xf32>,
      %max3A_91 = arith.maximumf %max3A_84, %get3A_90 : vector<16xf32>
      %mul3A_92 = arith.constant 16 : i32
      %mul3A_93 = arith.muli %scan3A_30, %mul3A_92 : i32
      %get3A_94 = arith.constant 9 : i32
      %get3A_95 = arith.index_cast %get3A_94 : i32 to index
      %get3A_96 = arith.index_cast %mul3A_93 : i32 to index
      %get3A_97 = tpu.vector_load %arg8[%get3A_95, %get3A_96] {strides = array<i32>} : memref<16x640xf32, #tpu.memory_space<vmem>>, vector<16xf32>,
      %max3A_98 = arith.maximumf %max3A_91, %get3A_97 : vector<16xf32>
      %mul3A_99 = arith.constant 16 : i32
      %mul3A_100 = arith.muli %scan3A_30, %mul3A_99 : i32
      %get3A_101 = arith.constant 10 : i32
      %get3A_102 = arith.index_cast %get3A_101 : i32 to index
      %get3A_103 = arith.index_cast %mul3A_100 : i32 to index
      %get3A_104 = tpu.vector_load %arg8[%get3A_102, %get3A_103] {strides = array<i32>} : memref<16x640xf32, #tpu.memory_space<vmem>>, vector<16xf32>,
      %max3A_105 = arith.maximumf %max3A_98, %get3A_104 : vector<16xf32>
      %mul3A_106 = arith.constant 16 : i32
      %mul3A_107 = arith.muli %scan3A_30, %mul3A_106 : i32
      %get3A_108 = arith.constant 11 : i32
      %get3A_109 = arith.index_cast %get3A_108 : i32 to index
      %get3A_110 = arith.index_cast %mul3A_107 : i32 to index
      %get3A_111 = tpu.vector_load %arg8[%get3A_109, %get3A_110] {strides = array<i32>} : memref<16x640xf32, #tpu.memory_space<vmem>>, vector<16xf32>,
      %max3A_112 = arith.maximumf %max3A_105, %get3A_111 : vector<16xf32>
      %mul3A_113 = arith.constant 16 : i32
      %mul3A_114 = arith.muli %scan3A_30, %mul3A_113 : i32
      %get3A_115 = arith.constant 12 : i32
      %get3A_116 = arith.index_cast %get3A_115 : i32 to index
      %get3A_117 = arith.index_cast %mul3A_114 : i32 to index
      %get3A_118 = tpu.vector_load %arg8[%get3A_116, %get3A_117] {strides = array<i32>} : memref<16x640xf32, #tpu.memory_space<vmem>>, vector<16xf32>,
      %max3A_119 = arith.maximumf %max3A_112, %get3A_118 : vector<16xf32>
      %mul3A_120 = arith.constant 16 : i32
      %mul3A_121 = arith.muli %scan3A_30, %mul3A_120 : i32
      %get3A_122 = arith.constant 13 : i32
      %get3A_123 = arith.index_cast %get3A_122 : i32 to index
      %get3A_124 = arith.index_cast %mul3A_121 : i32 to index
      %get3A_125 = tpu.vector_load %arg8[%get3A_123, %get3A_124] {strides = array<i32>} : memref<16x640xf32, #tpu.memory_space<vmem>>, vector<16xf32>,
      %max3A_126 = arith.maximumf %max3A_119, %get3A_125 : vector<16xf32>
      %mul3A_127 = arith.constant 16 : i32
      %mul3A_128 = arith.muli %scan3A_30, %mul3A_127 : i32
      %get3A_129 = arith.constant 14 : i32
      %get3A_130 = arith.index_cast %get3A_129 : i32 to index
      %get3A_131 = arith.index_cast %mul3A_128 : i32 to index
      %get3A_132 = tpu.vector_load %arg8[%get3A_130, %get3A_131] {strides = array<i32>} : memref<16x640xf32, #tpu.memory_space<vmem>>, vector<16xf32>,
      %max3A_133 = arith.maximumf %max3A_126, %get3A_132 : vector<16xf32>
      %mul3A_134 = arith.constant 16 : i32
      %mul3A_135 = arith.muli %scan3A_30, %mul3A_134 : i32
      %get3A_136 = arith.constant 15 : i32
      %get3A_137 = arith.index_cast %get3A_136 : i32 to index
      %get3A_138 = arith.index_cast %mul3A_135 : i32 to index
      %get3A_139 = tpu.vector_load %arg8[%get3A_137, %get3A_138] {strides = array<i32>} : memref<16x640xf32, #tpu.memory_space<vmem>>, vector<16xf32>,
      %max3A_140 = arith.maximumf %max3A_133, %get3A_139 : vector<16xf32>
      %mul3A_141 = arith.constant 16 : i32
      %mul3A_142 = arith.muli %scan3A_30, %mul3A_141 : i32
      %swap3A = arith.index_cast %mul3A_142 : i32 to index
      %swap3A_143 = tpu.vector_load %arg9[%swap3A] {strides = array<i32>} : memref<640xf32, #tpu.memory_space<vmem>>, vector<16xf32>,
      tpu.vector_store %arg9[%swap3A], %max3A_140 {strides = array<i32>} : memref<640xf32, #tpu.memory_space<vmem>>, vector<16xf32>,
      %scan3A_144 = arith.constant 0 : i32
      scf.yield %scan3A_144 : i32
    }
    %scan3A_24 = arith.constant 40 : i32
    %mul3A_25 = arith.constant 10240 : i32
    %mul3A_26 = arith.muli %arg0, %mul3A_25 : i32
    %mul3A_27 = arith.constant 640 : i32
    %mul3A_28 = arith.muli %arg1, %mul3A_27 : i32
    %add3A_29 = arith.addi %mul3A_26, %mul3A_28 : i32
    "tpu.region"() ({
      %run_scoped3A = tpu.sem_alloc : memref<!tpu.dma_semaphore, #tpu.memory_space<semaphore_mem>>
      %dma_start3A = tpu.memref_slice %arg4[%add3A_29] : memref<20480xf32, #tpu.memory_space<hbm>> -> memref<640xf32, #tpu.memory_space<hbm>>
      %dma_start3A_30 = tpu.memref_slice %arg4[%add3A_29] : memref<20480xf32, #tpu.memory_space<hbm>> -> memref<640xf32, #tpu.memory_space<hbm>>
      tpu.enqueue_dma source(%arg9 : memref<640xf32, #tpu.memory_space<vmem>>) target(%dma_start3A_30 : memref<640xf32, #tpu.memory_space<hbm>>) target_semaphore(%run_scoped3A : memref<!tpu.dma_semaphore, #tpu.memory_space<semaphore_mem>>)
      %dma_wait3A = tpu.memref_slice %arg4[%add3A_29] : memref<20480xf32, #tpu.memory_space<hbm>> -> memref<640xf32, #tpu.memory_space<hbm>>
      %dma_wait3A_31 = tpu.memref_slice %arg4[%add3A_29] : memref<20480xf32, #tpu.memory_space<hbm>> -> memref<640xf32, #tpu.memory_space<hbm>>
      tpu.wait_dma2 semaphore(%run_scoped3A : memref<!tpu.dma_semaphore, #tpu.memory_space<semaphore_mem>>) src(%arg9 : memref<640xf32, #tpu.memory_space<vmem>>) dst(%dma_wait3A_31 : memref<640xf32, #tpu.memory_space<hbm>>)
      tpu.yield
    }) : () -> ()
    return
  }
}

#map = affine_map<(d0, d1) -> (0)>
module attributes {stable_mosaic.version = 14 : i64} {
  func.func @_k2c_body(%arg0: i32, %arg1: i32, %arg2: memref<320000xf32, #tpu.memory_space<hbm>>, %arg3: memref<320000xi32, #tpu.memory_space<hbm>>, %arg4: memref<320000xf32, #tpu.memory_space<hbm>>, %arg5: memref<20480xf32, #tpu.memory_space<hbm>>, %arg6: memref<320000xf32, #tpu.memory_space<hbm>>, %arg7: memref<20480xf32, #tpu.memory_space<hbm>>, %arg8: memref<10000xf32, #tpu.memory_space<vmem>>, %arg9: memref<10000xi32, #tpu.memory_space<vmem>>, %arg10: memref<10000xf32, #tpu.memory_space<vmem>>, %arg11: memref<10000xf32, #tpu.memory_space<vmem>>, %arg12: memref<10240xf32, #tpu.memory_space<vmem>>, %arg13: memref<10240xf32, #tpu.memory_space<vmem>>, %arg14: memref<16x640xf32, #tpu.memory_space<vmem>>, %arg15: memref<640xf32, #tpu.memory_space<vmem>>, %arg16: memref<16x10240xf32, #tpu.memory_space<vmem_shared>>) attributes {dimension_semantics = [#tpu.dimension_semantics<core_parallel>, #tpu.dimension_semantics<subcore_parallel>], iteration_bounds = array<i64: 2, 16>, scalar_prefetch = 0 : i64, scratch_operands = 9 : i64, tpu.core_type = #tpu.core_type<sc_vector_subcore>, window_params = [{transform_indices = #map}, {transform_indices = #map}, {transform_indices = #map}, {transform_indices = #map}, {transform_indices = #map}, {transform_indices = #map}]} {
    %mul3A = arith.constant 16 : i32
    %mul3A_0 = arith.muli %arg0, %mul3A : i32
    %add3A = arith.addi %mul3A_0, %arg1 : i32
    %mul3A_1 = arith.constant 10000 : i32
    %mul3A_2 = arith.muli %add3A, %mul3A_1 : i32
    "tpu.region"() ({
      %run_scoped3A = tpu.sem_alloc : memref<!tpu.dma_semaphore, #tpu.memory_space<semaphore_mem>>
      %dma_start3A = tpu.memref_slice %arg2[%mul3A_2] : memref<320000xf32, #tpu.memory_space<hbm>> -> memref<10000xf32, #tpu.memory_space<hbm>>
      %dma_start3A_30 = tpu.memref_slice %arg2[%mul3A_2] : memref<320000xf32, #tpu.memory_space<hbm>> -> memref<10000xf32, #tpu.memory_space<hbm>>
      tpu.enqueue_dma source(%dma_start3A_30 : memref<10000xf32, #tpu.memory_space<hbm>>) target(%arg8 : memref<10000xf32, #tpu.memory_space<vmem>>) target_semaphore(%run_scoped3A : memref<!tpu.dma_semaphore, #tpu.memory_space<semaphore_mem>>)
      %dma_wait3A = tpu.memref_slice %arg2[%mul3A_2] : memref<320000xf32, #tpu.memory_space<hbm>> -> memref<10000xf32, #tpu.memory_space<hbm>>
      %dma_wait3A_31 = tpu.memref_slice %arg2[%mul3A_2] : memref<320000xf32, #tpu.memory_space<hbm>> -> memref<10000xf32, #tpu.memory_space<hbm>>
      tpu.wait_dma2 semaphore(%run_scoped3A : memref<!tpu.dma_semaphore, #tpu.memory_space<semaphore_mem>>) src(%dma_wait3A_31 : memref<10000xf32, #tpu.memory_space<hbm>>) dst(%arg8 : memref<10000xf32, #tpu.memory_space<vmem>>)
      tpu.yield
    }) : () -> ()
    "tpu.region"() ({
      %run_scoped3A = tpu.sem_alloc : memref<!tpu.dma_semaphore, #tpu.memory_space<semaphore_mem>>
      %dma_start3A = tpu.memref_slice %arg3[%mul3A_2] : memref<320000xi32, #tpu.memory_space<hbm>> -> memref<10000xi32, #tpu.memory_space<hbm>>
      %dma_start3A_30 = tpu.memref_slice %arg3[%mul3A_2] : memref<320000xi32, #tpu.memory_space<hbm>> -> memref<10000xi32, #tpu.memory_space<hbm>>
      tpu.enqueue_dma source(%dma_start3A_30 : memref<10000xi32, #tpu.memory_space<hbm>>) target(%arg9 : memref<10000xi32, #tpu.memory_space<vmem>>) target_semaphore(%run_scoped3A : memref<!tpu.dma_semaphore, #tpu.memory_space<semaphore_mem>>)
      %dma_wait3A = tpu.memref_slice %arg3[%mul3A_2] : memref<320000xi32, #tpu.memory_space<hbm>> -> memref<10000xi32, #tpu.memory_space<hbm>>
      %dma_wait3A_31 = tpu.memref_slice %arg3[%mul3A_2] : memref<320000xi32, #tpu.memory_space<hbm>> -> memref<10000xi32, #tpu.memory_space<hbm>>
      tpu.wait_dma2 semaphore(%run_scoped3A : memref<!tpu.dma_semaphore, #tpu.memory_space<semaphore_mem>>) src(%dma_wait3A_31 : memref<10000xi32, #tpu.memory_space<hbm>>) dst(%arg9 : memref<10000xi32, #tpu.memory_space<vmem>>)
      tpu.yield
    }) : () -> ()
    "tpu.region"() ({
      %run_scoped3A = tpu.sem_alloc : memref<!tpu.dma_semaphore, #tpu.memory_space<semaphore_mem>>
      %dma_start3A = tpu.memref_slice %arg4[%mul3A_2] : memref<320000xf32, #tpu.memory_space<hbm>> -> memref<10000xf32, #tpu.memory_space<hbm>>
      %dma_start3A_30 = tpu.memref_slice %arg4[%mul3A_2] : memref<320000xf32, #tpu.memory_space<hbm>> -> memref<10000xf32, #tpu.memory_space<hbm>>
      tpu.enqueue_dma source(%dma_start3A_30 : memref<10000xf32, #tpu.memory_space<hbm>>) target(%arg10 : memref<10000xf32, #tpu.memory_space<vmem>>) target_semaphore(%run_scoped3A : memref<!tpu.dma_semaphore, #tpu.memory_space<semaphore_mem>>)
      %dma_wait3A = tpu.memref_slice %arg4[%mul3A_2] : memref<320000xf32, #tpu.memory_space<hbm>> -> memref<10000xf32, #tpu.memory_space<hbm>>
      %dma_wait3A_31 = tpu.memref_slice %arg4[%mul3A_2] : memref<320000xf32, #tpu.memory_space<hbm>> -> memref<10000xf32, #tpu.memory_space<hbm>>
      tpu.wait_dma2 semaphore(%run_scoped3A : memref<!tpu.dma_semaphore, #tpu.memory_space<semaphore_mem>>) src(%dma_wait3A_31 : memref<10000xf32, #tpu.memory_space<hbm>>) dst(%arg10 : memref<10000xf32, #tpu.memory_space<vmem>>)
      tpu.yield
    }) : () -> ()
    "tpu.region"() ({
      %run_scoped3A = tpu.sem_alloc : memref<!tpu.dma_semaphore, #tpu.memory_space<semaphore_mem>>
      %dma_start3A = arith.constant 0 : i32
      %dma_start3A_30 = tpu.memref_slice %arg5[%dma_start3A] : memref<20480xf32, #tpu.memory_space<hbm>> -> memref<10240xf32, #tpu.memory_space<hbm>>
      %dma_start3A_31 = arith.constant 0 : i32
      %dma_start3A_32 = tpu.memref_slice %arg5[%dma_start3A_31] : memref<20480xf32, #tpu.memory_space<hbm>> -> memref<10240xf32, #tpu.memory_space<hbm>>
      tpu.enqueue_dma source(%dma_start3A_32 : memref<10240xf32, #tpu.memory_space<hbm>>) target(%arg12 : memref<10240xf32, #tpu.memory_space<vmem>>) target_semaphore(%run_scoped3A : memref<!tpu.dma_semaphore, #tpu.memory_space<semaphore_mem>>)
      %dma_wait3A = arith.constant 0 : i32
      %dma_wait3A_33 = tpu.memref_slice %arg5[%dma_wait3A] : memref<20480xf32, #tpu.memory_space<hbm>> -> memref<10240xf32, #tpu.memory_space<hbm>>
      %dma_wait3A_34 = arith.constant 0 : i32
      %dma_wait3A_35 = tpu.memref_slice %arg5[%dma_wait3A_34] : memref<20480xf32, #tpu.memory_space<hbm>> -> memref<10240xf32, #tpu.memory_space<hbm>>
      tpu.wait_dma2 semaphore(%run_scoped3A : memref<!tpu.dma_semaphore, #tpu.memory_space<semaphore_mem>>) src(%dma_wait3A_35 : memref<10240xf32, #tpu.memory_space<hbm>>) dst(%arg12 : memref<10240xf32, #tpu.memory_space<vmem>>)
      tpu.yield
    }) : () -> ()
    "tpu.region"() ({
      %run_scoped3A = tpu.sem_alloc : memref<!tpu.dma_semaphore, #tpu.memory_space<semaphore_mem>>
      %dma_start3A = arith.constant 10240 : i32
      %dma_start3A_30 = tpu.memref_slice %arg5[%dma_start3A] : memref<20480xf32, #tpu.memory_space<hbm>> -> memref<10240xf32, #tpu.memory_space<hbm>>
      %dma_start3A_31 = arith.constant 10240 : i32
      %dma_start3A_32 = tpu.memref_slice %arg5[%dma_start3A_31] : memref<20480xf32, #tpu.memory_space<hbm>> -> memref<10240xf32, #tpu.memory_space<hbm>>
      tpu.enqueue_dma source(%dma_start3A_32 : memref<10240xf32, #tpu.memory_space<hbm>>) target(%arg13 : memref<10240xf32, #tpu.memory_space<vmem>>) target_semaphore(%run_scoped3A : memref<!tpu.dma_semaphore, #tpu.memory_space<semaphore_mem>>)
      %dma_wait3A = arith.constant 10240 : i32
      %dma_wait3A_33 = tpu.memref_slice %arg5[%dma_wait3A] : memref<20480xf32, #tpu.memory_space<hbm>> -> memref<10240xf32, #tpu.memory_space<hbm>>
      %dma_wait3A_34 = arith.constant 10240 : i32
      %dma_wait3A_35 = tpu.memref_slice %arg5[%dma_wait3A_34] : memref<20480xf32, #tpu.memory_space<hbm>> -> memref<10240xf32, #tpu.memory_space<hbm>>
      tpu.wait_dma2 semaphore(%run_scoped3A : memref<!tpu.dma_semaphore, #tpu.memory_space<semaphore_mem>>) src(%dma_wait3A_35 : memref<10240xf32, #tpu.memory_space<hbm>>) dst(%arg13 : memref<10240xf32, #tpu.memory_space<vmem>>)
      tpu.yield
    }) : () -> ()
    %scan3A = arith.constant 0 : i32
    %scan3A_3 = arith.constant 0 : i32
    %scan3A_4 = arith.constant 640 : i32
    %scan3A_5 = arith.addi %scan3A_3, %scan3A_4 : i32
    %scan3A_6 = arith.constant 1 : i32
    %scan3A_7 = scf.for %scan3A_30 = %scan3A_3 to %scan3A_5 step %scan3A_6 iter_args(%scan3A_31 = %scan3A) -> (i32)  : i32 {
      %mul3A_32 = arith.constant 16 : i32
      %mul3A_33 = arith.muli %scan3A_30, %mul3A_32 : i32
      %get3A = arith.index_cast %mul3A_33 : i32 to index
      %get3A_34 = tpu.vector_load %arg12[%get3A] {strides = array<i32>} : memref<10240xf32, #tpu.memory_space<vmem>>, vector<16xf32>,
      %get3A_35 = arith.index_cast %mul3A_33 : i32 to index
      %get3A_36 = tpu.vector_load %arg13[%get3A_35] {strides = array<i32>} : memref<10240xf32, #tpu.memory_space<vmem>>, vector<16xf32>,
      %max3A = arith.maximumf %get3A_34, %get3A_36 : vector<16xf32>
      %swap3A = arith.index_cast %mul3A_33 : i32 to index
      %swap3A_37 = tpu.vector_load %arg12[%swap3A] {strides = array<i32>} : memref<10240xf32, #tpu.memory_space<vmem>>, vector<16xf32>,
      tpu.vector_store %arg12[%swap3A], %max3A {strides = array<i32>} : memref<10240xf32, #tpu.memory_space<vmem>>, vector<16xf32>,
      %broadcast_in_dim3A = arith.constant 0.000000e+00 : f32
      %broadcast_in_dim3A_38 = vector.broadcast %broadcast_in_dim3A : f32 to vector<16xf32>
      %swap3A_39 = arith.index_cast %mul3A_33 : i32 to index
      %swap3A_40 = tpu.vector_load %arg13[%swap3A_39] {strides = array<i32>} : memref<10240xf32, #tpu.memory_space<vmem>>, vector<16xf32>,
      tpu.vector_store %arg13[%swap3A_39], %broadcast_in_dim3A_38 {strides = array<i32>} : memref<10240xf32, #tpu.memory_space<vmem>>, vector<16xf32>,
      %scan3A_41 = arith.constant 0 : i32
      scf.yield %scan3A_41 : i32
    }
    %scan3A_8 = arith.constant 640 : i32
    %scan3A_9 = arith.constant 0 : i32
    %scan3A_10 = arith.constant 0 : i32
    %scan3A_11 = arith.constant 625 : i32
    %scan3A_12 = arith.addi %scan3A_10, %scan3A_11 : i32
    %scan3A_13 = arith.constant 1 : i32
    %scan3A_14 = scf.for %scan3A_30 = %scan3A_10 to %scan3A_12 step %scan3A_13 iter_args(%scan3A_31 = %scan3A_9) -> (i32)  : i32 {
      %mul3A_32 = arith.constant 16 : i32
      %mul3A_33 = arith.muli %scan3A_30, %mul3A_32 : i32
      %get3A = arith.index_cast %mul3A_33 : i32 to index
      %get3A_34 = tpu.vector_load %arg8[%get3A] {strides = array<i32>} : memref<10000xf32, #tpu.memory_space<vmem>>, vector<16xf32>,
      %get3A_35 = arith.index_cast %mul3A_33 : i32 to index
      %get3A_36 = tpu.vector_load %arg9[%get3A_35] {strides = array<i32>} : memref<10000xi32, #tpu.memory_space<vmem>>, vector<16xi32>,
      %get3A_37 = arith.index_cast %mul3A_33 : i32 to index
      %get3A_38 = tpu.vector_load %arg10[%get3A_37] {strides = array<i32>} : memref<10000xf32, #tpu.memory_space<vmem>>, vector<16xf32>,
      %gather3A = tpu.vector_load_idx %arg12[%get3A_36] : memref<10240xf32, #tpu.memory_space<vmem>>[vector<16xi32>], vector<16xf32>,
      %sub3A = arith.subf %get3A_34, %gather3A : vector<16xf32>
      %exp3A = math.exp %sub3A : vector<16xf32>
      %mul3A_39 = arith.mulf %get3A_38, %exp3A : vector<16xf32>
      %swap3A = arith.index_cast %mul3A_33 : i32 to index
      %swap3A_40 = tpu.vector_load %arg11[%swap3A] {strides = array<i32>} : memref<10000xf32, #tpu.memory_space<vmem>>, vector<16xf32>,
      tpu.vector_store %arg11[%swap3A], %mul3A_39 {strides = array<i32>} : memref<10000xf32, #tpu.memory_space<vmem>>, vector<16xf32>,
      %iota3A = tpu.iota {dimensions = array<i32: 0>} : vector<16xi32>
      %sub3A_41 = arith.constant 1 : i32
      %sub3A_42 = vector.broadcast %sub3A_41 : i32 to vector<16xi32>
      %sub3A_43 = arith.subi %iota3A, %sub3A_42 : vector<16xi32>
      %max3A = arith.constant 0 : i32
      %max3A_44 = vector.broadcast %max3A : i32 to vector<16xi32>
      %max3A_45 = arith.maxsi %sub3A_43, %max3A_44 : vector<16xi32>
      %lt3A = arith.constant 0 : i32
      %lt3A_46 = vector.broadcast %lt3A : i32 to vector<16xi32>
      %lt3A_47 = arith.cmpi slt, %max3A_45, %lt3A_46 : vector<16xi32>
      %add3A_48 = arith.constant 16 : i32
      %add3A_49 = vector.broadcast %add3A_48 : i32 to vector<16xi32>
      %add3A_50 = arith.addi %max3A_45, %add3A_49 : vector<16xi32>
      %select_n3A = arith.select %lt3A_47, %add3A_50, %max3A_45 : vector<16xi1>, vector<16xi32>
      %broadcast_in_dim3A = vector.shape_cast %select_n3A : vector<16xi32> to vector<16x1xi32>
      %gather3A_51 = vector.shape_cast %broadcast_in_dim3A : vector<16x1xi32> to vector<16xi32>
      %gather3A_52 = tpu.dynamic_gather %mul3A_39[%gather3A_51] in [0] : vector<16xf32>, vector<16xi32> -> vector<16xf32>
      %lt3A_53 = arith.constant 0 : i32
      %lt3A_54 = vector.broadcast %lt3A_53 : i32 to vector<16xi32>
      %lt3A_55 = arith.cmpi slt, %max3A_45, %lt3A_54 : vector<16xi32>
      %add3A_56 = arith.constant 16 : i32
      %add3A_57 = vector.broadcast %add3A_56 : i32 to vector<16xi32>
      %add3A_58 = arith.addi %max3A_45, %add3A_57 : vector<16xi32>
      %select_n3A_59 = arith.select %lt3A_55, %add3A_58, %max3A_45 : vector<16xi1>, vector<16xi32>
      %broadcast_in_dim3A_60 = vector.shape_cast %select_n3A_59 : vector<16xi32> to vector<16x1xi32>
      %gather3A_61 = vector.shape_cast %broadcast_in_dim3A_60 : vector<16x1xi32> to vector<16xi32>
      %gather3A_62 = tpu.dynamic_gather %get3A_36[%gather3A_61] in [0] : vector<16xi32>, vector<16xi32> -> vector<16xi32>
      %ge3A = arith.constant 1 : i32
      %ge3A_63 = vector.broadcast %ge3A : i32 to vector<16xi32>
      %ge3A_64 = arith.cmpi sge, %iota3A, %ge3A_63 : vector<16xi32>
      %eq3A = arith.cmpi eq, %gather3A_62, %get3A_36 : vector<16xi32>
      %and3A = arith.andi %ge3A_64, %eq3A : vector<16xi1>
      %add3A_65 = arith.addf %mul3A_39, %gather3A_52 : vector<16xf32>
      %select_n3A_66 = arith.select %and3A, %add3A_65, %mul3A_39 : vector<16xi1>, vector<16xf32>
      %sub3A_67 = arith.constant 2 : i32
      %sub3A_68 = vector.broadcast %sub3A_67 : i32 to vector<16xi32>
      %sub3A_69 = arith.subi %iota3A, %sub3A_68 : vector<16xi32>
      %max3A_70 = arith.constant 0 : i32
      %max3A_71 = vector.broadcast %max3A_70 : i32 to vector<16xi32>
      %max3A_72 = arith.maxsi %sub3A_69, %max3A_71 : vector<16xi32>
      %lt3A_73 = arith.constant 0 : i32
      %lt3A_74 = vector.broadcast %lt3A_73 : i32 to vector<16xi32>
      %lt3A_75 = arith.cmpi slt, %max3A_72, %lt3A_74 : vector<16xi32>
      %add3A_76 = arith.constant 16 : i32
      %add3A_77 = vector.broadcast %add3A_76 : i32 to vector<16xi32>
      %add3A_78 = arith.addi %max3A_72, %add3A_77 : vector<16xi32>
      %select_n3A_79 = arith.select %lt3A_75, %add3A_78, %max3A_72 : vector<16xi1>, vector<16xi32>
      %broadcast_in_dim3A_80 = vector.shape_cast %select_n3A_79 : vector<16xi32> to vector<16x1xi32>
      %gather3A_81 = vector.shape_cast %broadcast_in_dim3A_80 : vector<16x1xi32> to vector<16xi32>
      %gather3A_82 = tpu.dynamic_gather %select_n3A_66[%gather3A_81] in [0] : vector<16xf32>, vector<16xi32> -> vector<16xf32>
      %lt3A_83 = arith.constant 0 : i32
      %lt3A_84 = vector.broadcast %lt3A_83 : i32 to vector<16xi32>
      %lt3A_85 = arith.cmpi slt, %max3A_72, %lt3A_84 : vector<16xi32>
      %add3A_86 = arith.constant 16 : i32
      %add3A_87 = vector.broadcast %add3A_86 : i32 to vector<16xi32>
      %add3A_88 = arith.addi %max3A_72, %add3A_87 : vector<16xi32>
      %select_n3A_89 = arith.select %lt3A_85, %add3A_88, %max3A_72 : vector<16xi1>, vector<16xi32>
      %broadcast_in_dim3A_90 = vector.shape_cast %select_n3A_89 : vector<16xi32> to vector<16x1xi32>
      %gather3A_91 = vector.shape_cast %broadcast_in_dim3A_90 : vector<16x1xi32> to vector<16xi32>
      %gather3A_92 = tpu.dynamic_gather %get3A_36[%gather3A_91] in [0] : vector<16xi32>, vector<16xi32> -> vector<16xi32>
      %ge3A_93 = arith.constant 2 : i32
      %ge3A_94 = vector.broadcast %ge3A_93 : i32 to vector<16xi32>
      %ge3A_95 = arith.cmpi sge, %iota3A, %ge3A_94 : vector<16xi32>
      %eq3A_96 = arith.cmpi eq, %gather3A_92, %get3A_36 : vector<16xi32>
      %and3A_97 = arith.andi %ge3A_95, %eq3A_96 : vector<16xi1>
      %add3A_98 = arith.addf %select_n3A_66, %gather3A_82 : vector<16xf32>
      %select_n3A_99 = arith.select %and3A_97, %add3A_98, %select_n3A_66 : vector<16xi1>, vector<16xf32>
      %sub3A_100 = arith.constant 4 : i32
      %sub3A_101 = vector.broadcast %sub3A_100 : i32 to vector<16xi32>
      %sub3A_102 = arith.subi %iota3A, %sub3A_101 : vector<16xi32>
      %max3A_103 = arith.constant 0 : i32
      %max3A_104 = vector.broadcast %max3A_103 : i32 to vector<16xi32>
      %max3A_105 = arith.maxsi %sub3A_102, %max3A_104 : vector<16xi32>
      %lt3A_106 = arith.constant 0 : i32
      %lt3A_107 = vector.broadcast %lt3A_106 : i32 to vector<16xi32>
      %lt3A_108 = arith.cmpi slt, %max3A_105, %lt3A_107 : vector<16xi32>
      %add3A_109 = arith.constant 16 : i32
      %add3A_110 = vector.broadcast %add3A_109 : i32 to vector<16xi32>
      %add3A_111 = arith.addi %max3A_105, %add3A_110 : vector<16xi32>
      %select_n3A_112 = arith.select %lt3A_108, %add3A_111, %max3A_105 : vector<16xi1>, vector<16xi32>
      %broadcast_in_dim3A_113 = vector.shape_cast %select_n3A_112 : vector<16xi32> to vector<16x1xi32>
      %gather3A_114 = vector.shape_cast %broadcast_in_dim3A_113 : vector<16x1xi32> to vector<16xi32>
      %gather3A_115 = tpu.dynamic_gather %select_n3A_99[%gather3A_114] in [0] : vector<16xf32>, vector<16xi32> -> vector<16xf32>
      %lt3A_116 = arith.constant 0 : i32
      %lt3A_117 = vector.broadcast %lt3A_116 : i32 to vector<16xi32>
      %lt3A_118 = arith.cmpi slt, %max3A_105, %lt3A_117 : vector<16xi32>
      %add3A_119 = arith.constant 16 : i32
      %add3A_120 = vector.broadcast %add3A_119 : i32 to vector<16xi32>
      %add3A_121 = arith.addi %max3A_105, %add3A_120 : vector<16xi32>
      %select_n3A_122 = arith.select %lt3A_118, %add3A_121, %max3A_105 : vector<16xi1>, vector<16xi32>
      %broadcast_in_dim3A_123 = vector.shape_cast %select_n3A_122 : vector<16xi32> to vector<16x1xi32>
      %gather3A_124 = vector.shape_cast %broadcast_in_dim3A_123 : vector<16x1xi32> to vector<16xi32>
      %gather3A_125 = tpu.dynamic_gather %get3A_36[%gather3A_124] in [0] : vector<16xi32>, vector<16xi32> -> vector<16xi32>
      %ge3A_126 = arith.constant 4 : i32
      %ge3A_127 = vector.broadcast %ge3A_126 : i32 to vector<16xi32>
      %ge3A_128 = arith.cmpi sge, %iota3A, %ge3A_127 : vector<16xi32>
      %eq3A_129 = arith.cmpi eq, %gather3A_125, %get3A_36 : vector<16xi32>
      %and3A_130 = arith.andi %ge3A_128, %eq3A_129 : vector<16xi1>
      %add3A_131 = arith.addf %select_n3A_99, %gather3A_115 : vector<16xf32>
      %select_n3A_132 = arith.select %and3A_130, %add3A_131, %select_n3A_99 : vector<16xi1>, vector<16xf32>
      %sub3A_133 = arith.constant 8 : i32
      %sub3A_134 = vector.broadcast %sub3A_133 : i32 to vector<16xi32>
      %sub3A_135 = arith.subi %iota3A, %sub3A_134 : vector<16xi32>
      %max3A_136 = arith.constant 0 : i32
      %max3A_137 = vector.broadcast %max3A_136 : i32 to vector<16xi32>
      %max3A_138 = arith.maxsi %sub3A_135, %max3A_137 : vector<16xi32>
      %lt3A_139 = arith.constant 0 : i32
      %lt3A_140 = vector.broadcast %lt3A_139 : i32 to vector<16xi32>
      %lt3A_141 = arith.cmpi slt, %max3A_138, %lt3A_140 : vector<16xi32>
      %add3A_142 = arith.constant 16 : i32
      %add3A_143 = vector.broadcast %add3A_142 : i32 to vector<16xi32>
      %add3A_144 = arith.addi %max3A_138, %add3A_143 : vector<16xi32>
      %select_n3A_145 = arith.select %lt3A_141, %add3A_144, %max3A_138 : vector<16xi1>, vector<16xi32>
      %broadcast_in_dim3A_146 = vector.shape_cast %select_n3A_145 : vector<16xi32> to vector<16x1xi32>
      %gather3A_147 = vector.shape_cast %broadcast_in_dim3A_146 : vector<16x1xi32> to vector<16xi32>
      %gather3A_148 = tpu.dynamic_gather %select_n3A_132[%gather3A_147] in [0] : vector<16xf32>, vector<16xi32> -> vector<16xf32>
      %lt3A_149 = arith.constant 0 : i32
      %lt3A_150 = vector.broadcast %lt3A_149 : i32 to vector<16xi32>
      %lt3A_151 = arith.cmpi slt, %max3A_138, %lt3A_150 : vector<16xi32>
      %add3A_152 = arith.constant 16 : i32
      %add3A_153 = vector.broadcast %add3A_152 : i32 to vector<16xi32>
      %add3A_154 = arith.addi %max3A_138, %add3A_153 : vector<16xi32>
      %select_n3A_155 = arith.select %lt3A_151, %add3A_154, %max3A_138 : vector<16xi1>, vector<16xi32>
      %broadcast_in_dim3A_156 = vector.shape_cast %select_n3A_155 : vector<16xi32> to vector<16x1xi32>
      %gather3A_157 = vector.shape_cast %broadcast_in_dim3A_156 : vector<16x1xi32> to vector<16xi32>
      %gather3A_158 = tpu.dynamic_gather %get3A_36[%gather3A_157] in [0] : vector<16xi32>, vector<16xi32> -> vector<16xi32>
      %ge3A_159 = arith.constant 8 : i32
      %ge3A_160 = vector.broadcast %ge3A_159 : i32 to vector<16xi32>
      %ge3A_161 = arith.cmpi sge, %iota3A, %ge3A_160 : vector<16xi32>
      %eq3A_162 = arith.cmpi eq, %gather3A_158, %get3A_36 : vector<16xi32>
      %and3A_163 = arith.andi %ge3A_161, %eq3A_162 : vector<16xi1>
      %add3A_164 = arith.addf %select_n3A_132, %gather3A_148 : vector<16xf32>
      %select_n3A_165 = arith.select %and3A_163, %add3A_164, %select_n3A_132 : vector<16xi1>, vector<16xf32>
      %iota3A_166 = tpu.iota {dimensions = array<i32: 0>} : vector<16xi32>
      %add3A_167 = arith.constant 1 : i32
      %add3A_168 = vector.broadcast %add3A_167 : i32 to vector<16xi32>
      %add3A_169 = arith.addi %iota3A_166, %add3A_168 : vector<16xi32>
      %min3A = arith.constant 15 : i32
      %min3A_170 = vector.broadcast %min3A : i32 to vector<16xi32>
      %min3A_171 = arith.minsi %add3A_169, %min3A_170 : vector<16xi32>
      %lt3A_172 = arith.constant 0 : i32
      %lt3A_173 = vector.broadcast %lt3A_172 : i32 to vector<16xi32>
      %lt3A_174 = arith.cmpi slt, %min3A_171, %lt3A_173 : vector<16xi32>
      %add3A_175 = arith.constant 16 : i32
      %add3A_176 = vector.broadcast %add3A_175 : i32 to vector<16xi32>
      %add3A_177 = arith.addi %min3A_171, %add3A_176 : vector<16xi32>
      %select_n3A_178 = arith.select %lt3A_174, %add3A_177, %min3A_171 : vector<16xi1>, vector<16xi32>
      %broadcast_in_dim3A_179 = vector.shape_cast %select_n3A_178 : vector<16xi32> to vector<16x1xi32>
      %gather3A_180 = vector.shape_cast %broadcast_in_dim3A_179 : vector<16x1xi32> to vector<16xi32>
      %gather3A_181 = tpu.dynamic_gather %get3A_36[%gather3A_180] in [0] : vector<16xi32>, vector<16xi32> -> vector<16xi32>
      %eq3A_182 = arith.constant 15 : i32
      %eq3A_183 = vector.broadcast %eq3A_182 : i32 to vector<16xi32>
      %eq3A_184 = arith.cmpi eq, %iota3A_166, %eq3A_183 : vector<16xi32>
      %ne3A = arith.cmpi ne, %get3A_36, %gather3A_181 : vector<16xi32>
      %or3A = arith.ori %eq3A_184, %ne3A : vector<16xi1>
      %gather3A_185 = tpu.vector_load_idx %arg13[%get3A_36] masked %or3A : memref<10240xf32, #tpu.memory_space<vmem>>[vector<16xi32>], vector<16xf32>, vector<16xi1>
      %add3A_186 = arith.addf %gather3A_185, %select_n3A_165 : vector<16xf32>
      tpu.vector_store_idx %arg13[%get3A_36], %add3A_186 masked %or3A : memref<10240xf32, #tpu.memory_space<vmem>>[vector<16xi32>], vector<16xf32>, vector<16xi1>
      %scan3A_187 = arith.constant 0 : i32
      scf.yield %scan3A_187 : i32
    }
    %scan3A_15 = arith.constant 625 : i32
    "tpu.region"() ({
      %run_scoped3A = tpu.sem_alloc : memref<!tpu.dma_semaphore, #tpu.memory_space<semaphore_mem>>
      %dma_start3A = tpu.memref_slice %arg6[%mul3A_2] : memref<320000xf32, #tpu.memory_space<hbm>> -> memref<10000xf32, #tpu.memory_space<hbm>>
      %dma_start3A_30 = tpu.memref_slice %arg6[%mul3A_2] : memref<320000xf32, #tpu.memory_space<hbm>> -> memref<10000xf32, #tpu.memory_space<hbm>>
      tpu.enqueue_dma source(%arg11 : memref<10000xf32, #tpu.memory_space<vmem>>) target(%dma_start3A_30 : memref<10000xf32, #tpu.memory_space<hbm>>) target_semaphore(%run_scoped3A : memref<!tpu.dma_semaphore, #tpu.memory_space<semaphore_mem>>)
      %dma_wait3A = tpu.memref_slice %arg6[%mul3A_2] : memref<320000xf32, #tpu.memory_space<hbm>> -> memref<10000xf32, #tpu.memory_space<hbm>>
      %dma_wait3A_31 = tpu.memref_slice %arg6[%mul3A_2] : memref<320000xf32, #tpu.memory_space<hbm>> -> memref<10000xf32, #tpu.memory_space<hbm>>
      tpu.wait_dma2 semaphore(%run_scoped3A : memref<!tpu.dma_semaphore, #tpu.memory_space<semaphore_mem>>) src(%arg11 : memref<10000xf32, #tpu.memory_space<vmem>>) dst(%dma_wait3A_31 : memref<10000xf32, #tpu.memory_space<hbm>>)
      tpu.yield
    }) : () -> ()
    "tpu.region"() ({
      %run_scoped3A = tpu.sem_alloc : memref<!tpu.dma_semaphore, #tpu.memory_space<semaphore_mem>>
      %dma_start3A = arith.constant 0 : i32
      %dma_start3A_30 = tpu.memref_slice %arg16[%arg1, %dma_start3A] : memref<16x10240xf32, #tpu.memory_space<vmem_shared>> -> memref<1x10240xf32, #tpu.memory_space<vmem_shared>>
      %dma_start3A_31 = tpu.memref_squeeze %dma_start3A_30 : memref<1x10240xf32, #tpu.memory_space<vmem_shared>> -> memref<10240xf32, #tpu.memory_space<vmem_shared>>
      %dma_start3A_32 = arith.constant 0 : i32
      %dma_start3A_33 = tpu.memref_slice %arg16[%arg1, %dma_start3A_32] : memref<16x10240xf32, #tpu.memory_space<vmem_shared>> -> memref<1x10240xf32, #tpu.memory_space<vmem_shared>>
      %dma_start3A_34 = tpu.memref_squeeze %dma_start3A_33 : memref<1x10240xf32, #tpu.memory_space<vmem_shared>> -> memref<10240xf32, #tpu.memory_space<vmem_shared>>
      tpu.enqueue_dma source(%arg13 : memref<10240xf32, #tpu.memory_space<vmem>>) target(%dma_start3A_34 : memref<10240xf32, #tpu.memory_space<vmem_shared>>) target_semaphore(%run_scoped3A : memref<!tpu.dma_semaphore, #tpu.memory_space<semaphore_mem>>)
      %dma_wait3A = arith.constant 0 : i32
      %dma_wait3A_35 = tpu.memref_slice %arg16[%arg1, %dma_wait3A] : memref<16x10240xf32, #tpu.memory_space<vmem_shared>> -> memref<1x10240xf32, #tpu.memory_space<vmem_shared>>
      %dma_wait3A_36 = tpu.memref_squeeze %dma_wait3A_35 : memref<1x10240xf32, #tpu.memory_space<vmem_shared>> -> memref<10240xf32, #tpu.memory_space<vmem_shared>>
      %dma_wait3A_37 = arith.constant 0 : i32
      %dma_wait3A_38 = tpu.memref_slice %arg16[%arg1, %dma_wait3A_37] : memref<16x10240xf32, #tpu.memory_space<vmem_shared>> -> memref<1x10240xf32, #tpu.memory_space<vmem_shared>>
      %dma_wait3A_39 = tpu.memref_squeeze %dma_wait3A_38 : memref<1x10240xf32, #tpu.memory_space<vmem_shared>> -> memref<10240xf32, #tpu.memory_space<vmem_shared>>
      tpu.wait_dma2 semaphore(%run_scoped3A : memref<!tpu.dma_semaphore, #tpu.memory_space<semaphore_mem>>) src(%arg13 : memref<10240xf32, #tpu.memory_space<vmem>>) dst(%dma_wait3A_39 : memref<10240xf32, #tpu.memory_space<vmem_shared>>)
      tpu.yield
    }) : () -> ()
    %barrier3A = arith.constant 0 : index
    tpu.barrier barrier_id(%barrier3A)
    %mul3A_16 = arith.constant 640 : i32
    %mul3A_17 = arith.muli %arg1, %mul3A_16 : i32
    "tpu.region"() ({
      %run_scoped3A = tpu.sem_alloc : memref<!tpu.dma_semaphore, #tpu.memory_space<semaphore_mem>>
      %dma_start3A = arith.constant 0 : i32
      %dma_start3A_30 = tpu.memref_slice %arg16[%dma_start3A, %mul3A_17] : memref<16x10240xf32, #tpu.memory_space<vmem_shared>> -> memref<16x640xf32, #tpu.memory_space<vmem_shared>>
      %dma_start3A_31 = arith.constant 0 : i32
      %dma_start3A_32 = tpu.memref_slice %arg16[%dma_start3A_31, %mul3A_17] : memref<16x10240xf32, #tpu.memory_space<vmem_shared>> -> memref<16x640xf32, #tpu.memory_space<vmem_shared>>
      tpu.enqueue_dma source(%dma_start3A_32 : memref<16x640xf32, #tpu.memory_space<vmem_shared>>) target(%arg14 : memref<16x640xf32, #tpu.memory_space<vmem>>) target_semaphore(%run_scoped3A : memref<!tpu.dma_semaphore, #tpu.memory_space<semaphore_mem>>)
      %dma_wait3A = arith.constant 0 : i32
      %dma_wait3A_33 = tpu.memref_slice %arg16[%dma_wait3A, %mul3A_17] : memref<16x10240xf32, #tpu.memory_space<vmem_shared>> -> memref<16x640xf32, #tpu.memory_space<vmem_shared>>
      %dma_wait3A_34 = arith.constant 0 : i32
      %dma_wait3A_35 = tpu.memref_slice %arg16[%dma_wait3A_34, %mul3A_17] : memref<16x10240xf32, #tpu.memory_space<vmem_shared>> -> memref<16x640xf32, #tpu.memory_space<vmem_shared>>
      tpu.wait_dma2 semaphore(%run_scoped3A : memref<!tpu.dma_semaphore, #tpu.memory_space<semaphore_mem>>) src(%dma_wait3A_35 : memref<16x640xf32, #tpu.memory_space<vmem_shared>>) dst(%arg14 : memref<16x640xf32, #tpu.memory_space<vmem>>)
      tpu.yield
    }) : () -> ()
    %scan3A_18 = arith.constant 0 : i32
    %scan3A_19 = arith.constant 0 : i32
    %scan3A_20 = arith.constant 40 : i32
    %scan3A_21 = arith.addi %scan3A_19, %scan3A_20 : i32
    %scan3A_22 = arith.constant 1 : i32
    %scan3A_23 = scf.for %scan3A_30 = %scan3A_19 to %scan3A_21 step %scan3A_22 iter_args(%scan3A_31 = %scan3A_18) -> (i32)  : i32 {
      %mul3A_32 = arith.constant 16 : i32
      %mul3A_33 = arith.muli %scan3A_30, %mul3A_32 : i32
      %get3A = arith.constant 0 : i32
      %get3A_34 = arith.index_cast %get3A : i32 to index
      %get3A_35 = arith.index_cast %mul3A_33 : i32 to index
      %get3A_36 = tpu.vector_load %arg14[%get3A_34, %get3A_35] {strides = array<i32>} : memref<16x640xf32, #tpu.memory_space<vmem>>, vector<16xf32>,
      %mul3A_37 = arith.constant 16 : i32
      %mul3A_38 = arith.muli %scan3A_30, %mul3A_37 : i32
      %get3A_39 = arith.constant 1 : i32
      %get3A_40 = arith.index_cast %get3A_39 : i32 to index
      %get3A_41 = arith.index_cast %mul3A_38 : i32 to index
      %get3A_42 = tpu.vector_load %arg14[%get3A_40, %get3A_41] {strides = array<i32>} : memref<16x640xf32, #tpu.memory_space<vmem>>, vector<16xf32>,
      %add3A_43 = arith.addf %get3A_36, %get3A_42 : vector<16xf32>
      %mul3A_44 = arith.constant 16 : i32
      %mul3A_45 = arith.muli %scan3A_30, %mul3A_44 : i32
      %get3A_46 = arith.constant 2 : i32
      %get3A_47 = arith.index_cast %get3A_46 : i32 to index
      %get3A_48 = arith.index_cast %mul3A_45 : i32 to index
      %get3A_49 = tpu.vector_load %arg14[%get3A_47, %get3A_48] {strides = array<i32>} : memref<16x640xf32, #tpu.memory_space<vmem>>, vector<16xf32>,
      %add3A_50 = arith.addf %add3A_43, %get3A_49 : vector<16xf32>
      %mul3A_51 = arith.constant 16 : i32
      %mul3A_52 = arith.muli %scan3A_30, %mul3A_51 : i32
      %get3A_53 = arith.constant 3 : i32
      %get3A_54 = arith.index_cast %get3A_53 : i32 to index
      %get3A_55 = arith.index_cast %mul3A_52 : i32 to index
      %get3A_56 = tpu.vector_load %arg14[%get3A_54, %get3A_55] {strides = array<i32>} : memref<16x640xf32, #tpu.memory_space<vmem>>, vector<16xf32>,
      %add3A_57 = arith.addf %add3A_50, %get3A_56 : vector<16xf32>
      %mul3A_58 = arith.constant 16 : i32
      %mul3A_59 = arith.muli %scan3A_30, %mul3A_58 : i32
      %get3A_60 = arith.constant 4 : i32
      %get3A_61 = arith.index_cast %get3A_60 : i32 to index
      %get3A_62 = arith.index_cast %mul3A_59 : i32 to index
      %get3A_63 = tpu.vector_load %arg14[%get3A_61, %get3A_62] {strides = array<i32>} : memref<16x640xf32, #tpu.memory_space<vmem>>, vector<16xf32>,
      %add3A_64 = arith.addf %add3A_57, %get3A_63 : vector<16xf32>
      %mul3A_65 = arith.constant 16 : i32
      %mul3A_66 = arith.muli %scan3A_30, %mul3A_65 : i32
      %get3A_67 = arith.constant 5 : i32
      %get3A_68 = arith.index_cast %get3A_67 : i32 to index
      %get3A_69 = arith.index_cast %mul3A_66 : i32 to index
      %get3A_70 = tpu.vector_load %arg14[%get3A_68, %get3A_69] {strides = array<i32>} : memref<16x640xf32, #tpu.memory_space<vmem>>, vector<16xf32>,
      %add3A_71 = arith.addf %add3A_64, %get3A_70 : vector<16xf32>
      %mul3A_72 = arith.constant 16 : i32
      %mul3A_73 = arith.muli %scan3A_30, %mul3A_72 : i32
      %get3A_74 = arith.constant 6 : i32
      %get3A_75 = arith.index_cast %get3A_74 : i32 to index
      %get3A_76 = arith.index_cast %mul3A_73 : i32 to index
      %get3A_77 = tpu.vector_load %arg14[%get3A_75, %get3A_76] {strides = array<i32>} : memref<16x640xf32, #tpu.memory_space<vmem>>, vector<16xf32>,
      %add3A_78 = arith.addf %add3A_71, %get3A_77 : vector<16xf32>
      %mul3A_79 = arith.constant 16 : i32
      %mul3A_80 = arith.muli %scan3A_30, %mul3A_79 : i32
      %get3A_81 = arith.constant 7 : i32
      %get3A_82 = arith.index_cast %get3A_81 : i32 to index
      %get3A_83 = arith.index_cast %mul3A_80 : i32 to index
      %get3A_84 = tpu.vector_load %arg14[%get3A_82, %get3A_83] {strides = array<i32>} : memref<16x640xf32, #tpu.memory_space<vmem>>, vector<16xf32>,
      %add3A_85 = arith.addf %add3A_78, %get3A_84 : vector<16xf32>
      %mul3A_86 = arith.constant 16 : i32
      %mul3A_87 = arith.muli %scan3A_30, %mul3A_86 : i32
      %get3A_88 = arith.constant 8 : i32
      %get3A_89 = arith.index_cast %get3A_88 : i32 to index
      %get3A_90 = arith.index_cast %mul3A_87 : i32 to index
      %get3A_91 = tpu.vector_load %arg14[%get3A_89, %get3A_90] {strides = array<i32>} : memref<16x640xf32, #tpu.memory_space<vmem>>, vector<16xf32>,
      %add3A_92 = arith.addf %add3A_85, %get3A_91 : vector<16xf32>
      %mul3A_93 = arith.constant 16 : i32
      %mul3A_94 = arith.muli %scan3A_30, %mul3A_93 : i32
      %get3A_95 = arith.constant 9 : i32
      %get3A_96 = arith.index_cast %get3A_95 : i32 to index
      %get3A_97 = arith.index_cast %mul3A_94 : i32 to index
      %get3A_98 = tpu.vector_load %arg14[%get3A_96, %get3A_97] {strides = array<i32>} : memref<16x640xf32, #tpu.memory_space<vmem>>, vector<16xf32>,
      %add3A_99 = arith.addf %add3A_92, %get3A_98 : vector<16xf32>
      %mul3A_100 = arith.constant 16 : i32
      %mul3A_101 = arith.muli %scan3A_30, %mul3A_100 : i32
      %get3A_102 = arith.constant 10 : i32
      %get3A_103 = arith.index_cast %get3A_102 : i32 to index
      %get3A_104 = arith.index_cast %mul3A_101 : i32 to index
      %get3A_105 = tpu.vector_load %arg14[%get3A_103, %get3A_104] {strides = array<i32>} : memref<16x640xf32, #tpu.memory_space<vmem>>, vector<16xf32>,
      %add3A_106 = arith.addf %add3A_99, %get3A_105 : vector<16xf32>
      %mul3A_107 = arith.constant 16 : i32
      %mul3A_108 = arith.muli %scan3A_30, %mul3A_107 : i32
      %get3A_109 = arith.constant 11 : i32
      %get3A_110 = arith.index_cast %get3A_109 : i32 to index
      %get3A_111 = arith.index_cast %mul3A_108 : i32 to index
      %get3A_112 = tpu.vector_load %arg14[%get3A_110, %get3A_111] {strides = array<i32>} : memref<16x640xf32, #tpu.memory_space<vmem>>, vector<16xf32>,
      %add3A_113 = arith.addf %add3A_106, %get3A_112 : vector<16xf32>
      %mul3A_114 = arith.constant 16 : i32
      %mul3A_115 = arith.muli %scan3A_30, %mul3A_114 : i32
      %get3A_116 = arith.constant 12 : i32
      %get3A_117 = arith.index_cast %get3A_116 : i32 to index
      %get3A_118 = arith.index_cast %mul3A_115 : i32 to index
      %get3A_119 = tpu.vector_load %arg14[%get3A_117, %get3A_118] {strides = array<i32>} : memref<16x640xf32, #tpu.memory_space<vmem>>, vector<16xf32>,
      %add3A_120 = arith.addf %add3A_113, %get3A_119 : vector<16xf32>
      %mul3A_121 = arith.constant 16 : i32
      %mul3A_122 = arith.muli %scan3A_30, %mul3A_121 : i32
      %get3A_123 = arith.constant 13 : i32
      %get3A_124 = arith.index_cast %get3A_123 : i32 to index
      %get3A_125 = arith.index_cast %mul3A_122 : i32 to index
      %get3A_126 = tpu.vector_load %arg14[%get3A_124, %get3A_125] {strides = array<i32>} : memref<16x640xf32, #tpu.memory_space<vmem>>, vector<16xf32>,
      %add3A_127 = arith.addf %add3A_120, %get3A_126 : vector<16xf32>
      %mul3A_128 = arith.constant 16 : i32
      %mul3A_129 = arith.muli %scan3A_30, %mul3A_128 : i32
      %get3A_130 = arith.constant 14 : i32
      %get3A_131 = arith.index_cast %get3A_130 : i32 to index
      %get3A_132 = arith.index_cast %mul3A_129 : i32 to index
      %get3A_133 = tpu.vector_load %arg14[%get3A_131, %get3A_132] {strides = array<i32>} : memref<16x640xf32, #tpu.memory_space<vmem>>, vector<16xf32>,
      %add3A_134 = arith.addf %add3A_127, %get3A_133 : vector<16xf32>
      %mul3A_135 = arith.constant 16 : i32
      %mul3A_136 = arith.muli %scan3A_30, %mul3A_135 : i32
      %get3A_137 = arith.constant 15 : i32
      %get3A_138 = arith.index_cast %get3A_137 : i32 to index
      %get3A_139 = arith.index_cast %mul3A_136 : i32 to index
      %get3A_140 = tpu.vector_load %arg14[%get3A_138, %get3A_139] {strides = array<i32>} : memref<16x640xf32, #tpu.memory_space<vmem>>, vector<16xf32>,
      %add3A_141 = arith.addf %add3A_134, %get3A_140 : vector<16xf32>
      %mul3A_142 = arith.constant 16 : i32
      %mul3A_143 = arith.muli %scan3A_30, %mul3A_142 : i32
      %swap3A = arith.index_cast %mul3A_143 : i32 to index
      %swap3A_144 = tpu.vector_load %arg15[%swap3A] {strides = array<i32>} : memref<640xf32, #tpu.memory_space<vmem>>, vector<16xf32>,
      tpu.vector_store %arg15[%swap3A], %add3A_141 {strides = array<i32>} : memref<640xf32, #tpu.memory_space<vmem>>, vector<16xf32>,
      %scan3A_145 = arith.constant 0 : i32
      scf.yield %scan3A_145 : i32
    }
    %scan3A_24 = arith.constant 40 : i32
    %mul3A_25 = arith.constant 10240 : i32
    %mul3A_26 = arith.muli %arg0, %mul3A_25 : i32
    %mul3A_27 = arith.constant 640 : i32
    %mul3A_28 = arith.muli %arg1, %mul3A_27 : i32
    %add3A_29 = arith.addi %mul3A_26, %mul3A_28 : i32
    "tpu.region"() ({
      %run_scoped3A = tpu.sem_alloc : memref<!tpu.dma_semaphore, #tpu.memory_space<semaphore_mem>>
      %dma_start3A = tpu.memref_slice %arg7[%add3A_29] : memref<20480xf32, #tpu.memory_space<hbm>> -> memref<640xf32, #tpu.memory_space<hbm>>
      %dma_start3A_30 = tpu.memref_slice %arg7[%add3A_29] : memref<20480xf32, #tpu.memory_space<hbm>> -> memref<640xf32, #tpu.memory_space<hbm>>
      tpu.enqueue_dma source(%arg15 : memref<640xf32, #tpu.memory_space<vmem>>) target(%dma_start3A_30 : memref<640xf32, #tpu.memory_space<hbm>>) target_semaphore(%run_scoped3A : memref<!tpu.dma_semaphore, #tpu.memory_space<semaphore_mem>>)
      %dma_wait3A = tpu.memref_slice %arg7[%add3A_29] : memref<20480xf32, #tpu.memory_space<hbm>> -> memref<640xf32, #tpu.memory_space<hbm>>
      %dma_wait3A_31 = tpu.memref_slice %arg7[%add3A_29] : memref<20480xf32, #tpu.memory_space<hbm>> -> memref<640xf32, #tpu.memory_space<hbm>>
      tpu.wait_dma2 semaphore(%run_scoped3A : memref<!tpu.dma_semaphore, #tpu.memory_space<semaphore_mem>>) src(%arg15 : memref<640xf32, #tpu.memory_space<vmem>>) dst(%dma_wait3A_31 : memref<640xf32, #tpu.memory_space<hbm>>)
      tpu.yield
    }) : () -> ()
    return
  }
}

module attributes {stable_mosaic.version = 14 : i64} {
  func.func @_k1_body(%arg0: i32, %arg1: memref<4000x128xf32, #tpu.memory_space<vmem>>, %arg2: memref<1x128xf32, #tpu.memory_space<vmem>>, %arg3: memref<1x1xf32, #tpu.memory_space<vmem>>, %arg4: memref<128x128xf32, #tpu.memory_space<vmem>>, %arg5: memref<1x128xf32, #tpu.memory_space<vmem>>, %arg6: memref<1x1x4000xf32, #tpu.memory_space<vmem>>, %arg7: memref<4000x128xf32, #tpu.memory_space<vmem>>) attributes {dimension_semantics = [#tpu.dimension_semantics<arbitrary>], iteration_bounds = array<i64: 80>, scalar_prefetch = 0 : i64, scratch_operands = 0 : i64, tpu.core_type = #tpu.core_type<tc>, window_params = [{transform_indices = @transform_0, window_bounds = array<i64: 4000, 128>}, {pipeline_mode = #tpu.pipeline_mode<synchronous>, transform_indices = @transform_1, window_bounds = array<i64: 1, 128>}, {pipeline_mode = #tpu.pipeline_mode<synchronous>, transform_indices = @transform_2, window_bounds = array<i64: 1, 1>}, {pipeline_mode = #tpu.pipeline_mode<synchronous>, transform_indices = @transform_3, window_bounds = array<i64: 128, 128>}, {pipeline_mode = #tpu.pipeline_mode<synchronous>, transform_indices = @transform_4, window_bounds = array<i64: 1, 128>}, {transform_indices = @transform_5, window_bounds = array<i64: 1, 1, 4000>}, {transform_indices = @transform_6, window_bounds = array<i64: 4000, 128>}]} {
    %get3A = arith.constant 0 : index
    %get3A_0 = arith.constant 0 : index
    %get3A_1 = vector.load %arg1[%get3A, %get3A_0] : memref<4000x128xf32, #tpu.memory_space<vmem>>, vector<4000x128xf32>
    %get3A_2 = arith.constant 0 : index
    %get3A_3 = arith.constant 0 : index
    %get3A_4 = vector.load %arg2[%get3A_2, %get3A_3] : memref<1x128xf32, #tpu.memory_space<vmem>>, vector<1x128xf32>
    %dot_general3A = arith.constant dense<0.000000e+00> : vector<1x4000xf32>
    %dot_general3A_5 = tpu.matmul %get3A_4, %get3A_1, %dot_general3A {dimension_numbers = #tpu.dot_dimension_numbers<[1], [1], [0], [0], [0, 0, 1, 0], [], []>, transpose_lhs_hint = false} : vector<1x128xf32>, vector<4000x128xf32>, vector<1x4000xf32> -> vector<1x4000xf32>
    %get3A_6 = arith.constant 0 : index
    %get3A_7 = arith.constant 0 : index
    %get3A_8 = vector.load %arg3[%get3A_6, %get3A_7] : memref<1x1xf32, #tpu.memory_space<vmem>>, vector<1x1xf32>
    %get3A_9 = vector.extract %get3A_8[0, 0] : f32 from vector<1x1xf32>
    %add3A = vector.broadcast %get3A_9 : f32 to vector<1x4000xf32>
    %add3A_10 = arith.addf %dot_general3A_5, %add3A : vector<1x4000xf32>
    %swap3A = arith.constant 0 : index
    %swap3A_11 = arith.constant 0 : index
    %swap3A_12 = arith.constant 0 : index
    %swap3A_13 = vector.load %arg6[%swap3A, %swap3A_11, %swap3A_12] : memref<1x1x4000xf32, #tpu.memory_space<vmem>>, vector<1x1x4000xf32>
    %swap3A_14 = vector.shape_cast %swap3A_13 : vector<1x1x4000xf32> to vector<1x4000xf32>
    %swap3A_15 = vector.shape_cast %add3A_10 : vector<1x4000xf32> to vector<1x1x4000xf32>
    tpu.vector_store %arg6[%swap3A, %swap3A_11, %swap3A_12], %swap3A_15 {strides = array<i32>} : memref<1x1x4000xf32, #tpu.memory_space<vmem>>, vector<1x1x4000xf32>,
    %get3A_16 = arith.constant 0 : index
    %get3A_17 = arith.constant 0 : index
    %get3A_18 = vector.load %arg4[%get3A_16, %get3A_17] : memref<128x128xf32, #tpu.memory_space<vmem>>, vector<128x128xf32>
    %dot_general3A_19 = arith.constant dense<0.000000e+00> : vector<4000x128xf32>
    %dot_general3A_20 = tpu.matmul %get3A_1, %get3A_18, %dot_general3A_19 {dimension_numbers = #tpu.dot_dimension_numbers<[1], [0], [0], [1], [0, 0, 1, 1], [], []>, transpose_lhs_hint = false} : vector<4000x128xf32>, vector<128x128xf32>, vector<4000x128xf32> -> vector<4000x128xf32>
    %get3A_21 = arith.constant 0 : index
    %get3A_22 = arith.constant 0 : index
    %get3A_23 = vector.load %arg5[%get3A_21, %get3A_22] : memref<1x128xf32, #tpu.memory_space<vmem>>, vector<1x128xf32>
    %add3A_24 = vector.broadcast %get3A_23 : vector<1x128xf32> to vector<4000x128xf32>
    %add3A_25 = arith.addf %dot_general3A_20, %add3A_24 : vector<4000x128xf32>
    %swap3A_26 = arith.constant 0 : index
    %swap3A_27 = arith.constant 0 : index
    %swap3A_28 = vector.load %arg7[%swap3A_26, %swap3A_27] : memref<4000x128xf32, #tpu.memory_space<vmem>>, vector<4000x128xf32>
    tpu.vector_store %arg7[%swap3A_26, %swap3A_27], %add3A_25 {strides = array<i32>} : memref<4000x128xf32, #tpu.memory_space<vmem>>, vector<4000x128xf32>,
    return
  }
  func.func @transform_0(%arg0: i32) -> (i32, i32) {
    %c0_i32 = arith.constant 0 : i32
    %c0_i32_0 = arith.constant 0 : i32
    return %arg0, %c0_i32 : i32, i32
  }
  func.func @transform_1(%arg0: i32) -> (i32, i32) {
    %c0_i32 = arith.constant 0 : i32
    %c0_i32_0 = arith.constant 0 : i32
    %c0_i32_1 = arith.constant 0 : i32
    return %c0_i32, %c0_i32_0 : i32, i32
  }
  func.func @transform_2(%arg0: i32) -> (i32, i32) {
    %c0_i32 = arith.constant 0 : i32
    %c0_i32_0 = arith.constant 0 : i32
    %c0_i32_1 = arith.constant 0 : i32
    return %c0_i32, %c0_i32_0 : i32, i32
  }
  func.func @transform_3(%arg0: i32) -> (i32, i32) {
    %c0_i32 = arith.constant 0 : i32
    %c0_i32_0 = arith.constant 0 : i32
    %c0_i32_1 = arith.constant 0 : i32
    return %c0_i32, %c0_i32_0 : i32, i32
  }
  func.func @transform_4(%arg0: i32) -> (i32, i32) {
    %c0_i32 = arith.constant 0 : i32
    %c0_i32_0 = arith.constant 0 : i32
    %c0_i32_1 = arith.constant 0 : i32
    return %c0_i32, %c0_i32_0 : i32, i32
  }
  func.func @transform_5(%arg0: i32) -> (i32, i32, i32) {
    %c0_i32 = arith.constant 0 : i32
    %c0_i32_0 = arith.constant 0 : i32
    %c0_i32_1 = arith.constant 0 : i32
    return %arg0, %c0_i32, %c0_i32_0 : i32, i32, i32
  }
  func.func @transform_6(%arg0: i32) -> (i32, i32) {
    %c0_i32 = arith.constant 0 : i32
    %c0_i32_0 = arith.constant 0 : i32
    return %arg0, %c0_i32 : i32, i32
  }
}

module attributes {stable_mosaic.version = 14 : i64} {
  func.func @_k4_body(%arg0: i32, %arg1: memref<2000x128xf32, #tpu.memory_space<vmem>>, %arg2: memref<2000x128xf32, #tpu.memory_space<vmem>>, %arg3: memref<2000x128xf32, #tpu.memory_space<vmem>>) attributes {dimension_semantics = [#tpu.dimension_semantics<arbitrary>], iteration_bounds = array<i64: 5>, scalar_prefetch = 0 : i64, scratch_operands = 0 : i64, tpu.core_type = #tpu.core_type<tc>, window_params = [{transform_indices = @transform_0, window_bounds = array<i64: 2000, 128>}, {transform_indices = @transform_1, window_bounds = array<i64: 2000, 128>}, {transform_indices = @transform_2, window_bounds = array<i64: 2000, 128>}]} {
    %get3A = arith.constant 0 : index
    %get3A_0 = arith.constant 0 : index
    %get3A_1 = vector.load %arg1[%get3A, %get3A_0] : memref<2000x128xf32, #tpu.memory_space<vmem>>, vector<2000x128xf32>
    %get3A_2 = arith.constant 0 : index
    %get3A_3 = arith.constant 0 : index
    %get3A_4 = vector.load %arg2[%get3A_2, %get3A_3] : memref<2000x128xf32, #tpu.memory_space<vmem>>, vector<2000x128xf32>
    %add3A = arith.addf %get3A_1, %get3A_4 : vector<2000x128xf32>
    %swap3A = arith.constant 0 : index
    %swap3A_5 = arith.constant 0 : index
    %swap3A_6 = vector.load %arg3[%swap3A, %swap3A_5] : memref<2000x128xf32, #tpu.memory_space<vmem>>, vector<2000x128xf32>
    tpu.vector_store %arg3[%swap3A, %swap3A_5], %add3A {strides = array<i32>} : memref<2000x128xf32, #tpu.memory_space<vmem>>, vector<2000x128xf32>,
    return
  }
  func.func @transform_0(%arg0: i32) -> (i32, i32) {
    %c0_i32 = arith.constant 0 : i32
    %c0_i32_0 = arith.constant 0 : i32
    return %arg0, %c0_i32 : i32, i32
  }
  func.func @transform_1(%arg0: i32) -> (i32, i32) {
    %add3A = arith.constant 5 : i32
    %add3A_0 = arith.addi %arg0, %add3A : i32
    %c0_i32 = arith.constant 0 : i32
    %c0_i32_1 = arith.constant 0 : i32
    return %add3A_0, %c0_i32 : i32, i32
  }
  func.func @transform_2(%arg0: i32) -> (i32, i32) {
    %c0_i32 = arith.constant 0 : i32
    %c0_i32_0 = arith.constant 0 : i32
    return %arg0, %c0_i32 : i32, i32
  }
}

</mosaic_0001>

<sc_bundles>
// kernel: kernel.10.cloned.1.call-start
scs
__scs_entry_jumppad:
0x0: {  	(pc) =	sbr.rel $0x88, $3  }
0x1: {  	(tag) =	ssettag $0x0;
	lr =	simm.s32 $0x1  }
0x2: {  	[smem:$0x3F9A] =	sst lr;
	_ =	strace $0xD0000000  }
0x3: {  	_ = 	snop  }
0x4: {  	_ = 	snop  }
0x5: {  	_ = 	snop  }
0x6: {  	_ = 	snop  }
0x7: {  	_ = 	snop  }
__scs_overlays_trampoline_lowered:
0x8: {  	[smem:$0x3FA9] =	sst s0  }
0x9: {  	[smem:$0x3FAA] =	sst s1  }
0xa: {  	[smem:$0x3FAB] =	sst s2  }
0xb: {  	[smem:$0x3FAC] =	sst s3  }
0xc: {  	[smem:$0x3FAD] =	sst s4  }
0xd: {  	[smem:$0x3FAE] =	sst s5  }
0xe: {  	[smem:$0x3FAF] =	sst s6  }
0xf: {  	[smem:$0x3FB0] =	sst s7  }
0x10: {  	[smem:$0x3FB1] =	sst s8  }
0x11: {  	[smem:$0x3FB2] =	sst s9;
	s0 =	simm.s32 @!p0 $0x0  }
0x12: {  	s1 =	sld [smem:$0x3F98];
	s0 =	simm.s32 @p0 $0x1  }
0x13: {  	[smem:$0x3FB3] =	sst s0;
	s0 =	simm.s32 @!p1 $0x0  }
0x14: {  	s2 =	sld [smem:$0x3F97];
	s0 =	simm.s32 @p1 $0x1  }
0x15: {  	[smem:$0x3FB4] =	sst s0;
	s0 =	simm.s32 @!p2 $0x0  }
0x16: {  	s3 =	sld [smem:$0x3FDB];
	s0 =	simm.s32 @p2 $0x1  }
0x17: {  	s4 =	simm.s32 $0x1BF5;
	[smem:$0x3FB6] =	sst s0  }
0x18: {  	s0 =	sld [smem:$0x3F99];
	_ =	swait.ge [sflag:s4], $0x0  }
0x19: {  	s7 =	sld [smem:$0x3F9A]  }
0x1a: {  	s8 =	sadd.s32 $0xFFFFE003, lr  }
0x1b: {  	s9 =	sadd.s32 $0xFFFFFEF7, lr;
	s5 =	simm.s32 $0xFFFFFFFF;
	p2 =	slt.u32 s8, $0xFFFFF086  }
0x1c: {  	p1 =	slt.u32 s9, $0xF7A;
	s5 =	simm.s32 @!p2 $0x0  }
0x1d: {  	s5 =	simm.s32 @p1 $0x1;
	p0 =	seq.s32 s7, s2  }
0x1e: {  	s7 =	smul.u32 @!p0 $0xF7A, s2;
	p2 =	seq.s32 @!p0 s5, $0x0  }
0x1f: {  	s9 =	smul.u32 $0xF7A, s1;
	s8 =	simm.s32 @!p0 $0x1BF5;
	p2 =	por !p2, p0  }
0x20: {  	[sflag:s8] =	ssyncset.s32 @!p0 $0xFFFFF086;
	s6 =	sadd.s32 @!p0 s3, s7;
	s7 =	simm.s32 @!p0 $0x108  }
0x21: {  	s3 =	sadd.s32 s3, s9;
	s6 =	sadd.s32 @!p0 $0x88, s6;
	s7 =	simm.s32 @p2 $0x1082  }
0x22: {  	[simem:s7], [sflag:s8] =	dma.local @!p0 [hbm:s6], $0xF7A  }
0x23: {  	s9 =	sor.u32 $0xD0000000, s2;
	s6 =	simm.s32 $0x108;
	_ =	swait.ge @!p0 [sflag:s8], $0x0  }
0x24: {  	s3 =	sadd.s32 $0x88, s3;
	s6 =	simm.s32 @!p1 $0x1082;
	[sflag:s4] =	ssyncset.s32 $0xFFFFF086  }
0x25: {  	[simem:s6], [sflag:s4] =	dma.local [hbm:s3], $0xF7A  }
0x26: {  	[smem:$0x3F9A] =	sst s1;
	(tag) =	ssettag s2;
	_ =	strace s9  }
0x27: {  	s1 =	sld [smem:$0x3FAA]  }
0x28: {  	s2 =	sld [smem:$0x3FAB]  }
0x29: {  	s4 =	sld [smem:$0x3FAD]  }
0x2a: {  	p0 =	seq.s32 s5, $0x0;
	s5 =	sld [smem:$0x3FAE]  }
0x2b: {  	s6 =	sld [smem:$0x3FAF]  }
0x2c: {  	s7 =	sld [smem:$0x3FB0]  }
0x2d: {  	s3 =	simm.s32 $0x108;
	s8 =	sld [smem:$0x3FB1]  }
0x2e: {  	s3 =	simm.s32 @!p0 $0x1082;
	s9 =	sld [smem:$0x3FB2]  }
0x2f: {  	lr =	sadd.s32 s0, s3;
	s0 =	sld [smem:$0x3FA9]  }
0x30: {  	s3 =	sld [smem:$0x3FAC]  }
0x31: {  	[smem:$0x3FB5] =	sst s10  }
0x32: {  	s10 =	sld [smem:$0x3FB3];
	_ =	sdelay $0x3  }
0x33: {  	p0 =	seq.s32 s10, $0x1;
	s10 =	sld [smem:$0x3FB5];
	_ =	sdelay $0x3  }
0x34: {  	[smem:$0x3FB5] =	sst s10  }
0x35: {  	s10 =	sld [smem:$0x3FB4];
	_ =	sdelay $0x3  }
0x36: {  	p1 =	seq.s32 s10, $0x1;
	s10 =	sld [smem:$0x3FB5];
	_ =	sdelay $0x3  }
0x37: {  	[smem:$0x3FB5] =	sst s10  }
0x38: {  	s10 =	sld [smem:$0x3FB6]  }
0x39: {  	_ = 	snop;
	(pc) =	sbr.ind lr, $3  }
0x3a: {  	_ = 	snop  }
0x3b: {  	_ = 	snop  }
0x3c: {  	p2 =	seq.s32 s10, $0x1;
	s10 =	sld [smem:$0x3FB5]  }
0x3d: {  	_ =	shalt  }
0x3e: {  	_ =	shalt  }
0x3f: {  	_ =	shalt  }
0x40: {  	_ =	shalt  }
0x41: {  	_ =	shalt  }
0x42: {  	_ =	shalt  }
0x43: {  	_ =	shalt  }
0x44: {  	_ =	shalt  }
0x45: {  	_ =	shalt  }
0x46: {  	_ =	shalt  }
0x47: {  	_ =	shalt  }
0x48: {  	_ =	shalt  }
0x49: {  	_ =	shalt  }
0x4a: {  	_ =	shalt  }
0x4b: {  	_ =	shalt  }
0x4c: {  	_ =	shalt  }
0x4d: {  	_ =	shalt  }
0x4e: {  	_ =	shalt  }
0x4f: {  	_ =	shalt  }
0x50: {  	_ =	shalt  }
0x51: {  	_ =	shalt  }
0x52: {  	_ =	shalt  }
0x53: {  	_ =	shalt  }
0x54: {  	_ =	shalt  }
0x55: {  	_ =	shalt  }
0x56: {  	_ =	shalt  }
0x57: {  	_ =	shalt  }
0x58: {  	_ =	shalt  }
0x59: {  	_ =	shalt  }
0x5a: {  	_ =	shalt  }
0x5b: {  	_ =	shalt  }
0x5c: {  	_ =	shalt  }
0x5d: {  	_ =	shalt  }
0x5e: {  	_ =	shalt  }
0x5f: {  	_ =	shalt  }
0x60: {  	_ =	shalt  }
0x61: {  	_ =	shalt  }
0x62: {  	_ =	shalt  }
0x63: {  	_ =	shalt  }
0x64: {  	_ =	shalt  }
0x65: {  	_ =	shalt  }
0x66: {  	_ =	shalt  }
0x67: {  	_ =	shalt  }
0x68: {  	_ =	shalt  }
0x69: {  	_ =	shalt  }
0x6a: {  	_ =	shalt  }
0x6b: {  	_ =	shalt  }
0x6c: {  	_ =	shalt  }
0x6d: {  	_ =	shalt  }
0x6e: {  	_ =	shalt  }
0x6f: {  	_ =	shalt  }
0x70: {  	_ =	shalt  }
0x71: {  	_ =	shalt  }
0x72: {  	_ =	shalt  }
0x73: {  	_ =	shalt  }
0x74: {  	_ =	shalt  }
0x75: {  	_ =	shalt  }
0x76: {  	_ =	shalt  }
0x77: {  	_ =	shalt  }
0x78: {  	_ =	shalt  }
0x79: {  	_ =	shalt  }
0x7a: {  	_ =	shalt  }
0x7b: {  	_ =	shalt  }
0x7c: {  	_ =	shalt  }
0x7d: {  	_ =	shalt  }
0x7e: {  	_ =	shalt  }
0x7f: {  	_ =	shalt  }
0x80: {  	_ =	shalt  }
0x81: {  	_ =	shalt  }
0x82: {  	_ =	shalt  }
0x83: {  	_ =	shalt  }
0x84: {  	_ =	shalt  }
0x85: {  	_ =	shalt  }
0x86: {  	_ =	shalt  }
0x87: {  	_ =	shalt  }
.Lfunc_end0:
.L_simem_size_0:
called_computation.1_lowered:
.L_overlay_start_0:
0x88: {  	s2 =	sld [smem:$0x3FD9]  }
0x89: {  	s3 =	sld [smem:$0x3FFE];
	_ =	sdelay $0x1  }
0x8a: {  	s1 =	srdreg.scid  }
0x8b: {  	s0 =	sand.u32 $0x1, s1  }
0x8c: {  	s17 =	sshll.u32 s0, $0xA;
	s2 =	sadd.s32 s3, s2  }
0x8d: {  	s2 =	sadd.s32 s2, s17  }
0x8e: {  	[smem:$0x3FC1] =	sst s2  }
0x8f: {  	_ = 	snop  }
0x90: {  	s2 =	sld [smem:$0x3FC8]  }
0x91: {  	s18 =	sld [smem:$0x3FD0];
	(tm) =	ssettm $0x1  }
0x92: {  	s4 =	sld [smem:$0x3FFB];
	_ =	sdelay $0x3  }
0x93: {  	_ =	strace s4  }
0x94: {  	s4 =	sld [smem:$0x3FFC];
	_ =	sdelay $0x3  }
0x95: {  	_ =	strace s4  }
0x96: {  	s4 =	sld [smem:$0x3FFD];
	_ =	sdelay $0x3  }
0x97: {  	_ =	strace s4  }
0x98: {  	_ =	strace $0x8FFFFFFF  }
0x99: {  	s19 =	sld [smem:$0x3FDB];
	_ =	sdelay $0x1  }
0x9a: {  	s5 =	simm.s32 $_scs_section_size  }
0x9b: {  	s6 =	simm.s32 $_size__tile_overlayer_lowered;
	s7 =	simm.s32 $_tile_overlayer_lowered  }
0x9c: {  	s22 =	simm.s32 $0x1BFF;
	s21 =	sshll.u32 s7, $0x1;
	s4 =	sadd.s32 s5, s19  }
0x9d: {  	s8 =	simm.s32 $0x0;
	s20 =	sshll.u32 s6, $0x1;
	s6 =	sadd.s32 s21, s4  }
0x9e: {  	[timem:s8], [sflag:s22] =	dma.local [hbm:s6], s20  }
0x9f: {  	_ =	swait.ge [sflag:s22], s20  }
0xa0: {  	s5 =	ssub.s32 $0x0, s20;
	[sflag:s22] =	ssyncset.done $0x0  }
0xa1: {  	[sflag:s22] =	ssyncadd.s32 s5;
	_ =	sdelay $0x1  }
0xa2: {  	s23 =	simm.s32 $0x1B8B  }
0xa3: {  	_ =	swait.ge [sflag:s23], $0x1  }
0xa4: {  	[sflag:s23] =	ssyncset.done $0x0  }
0xa5: {  	s25 =	simm.s32 $0x1B8E;
	s24 =	sld [smem:$0x3FFE];
	[sflag:s23] =	ssyncadd.s32 $0xFFFFFFFF  }
0xa6: {  	s26 =	simm.s32 $execute0_lowered;
	[smem:$0x3FD2] =	sst s25  }
0xa7: {  	s6 =	sshll.u32 s26, $0x1;
	_ =	strace $0x80000049;
	[dreg:$0x1] =	wrdreg $0xFFFFFFFF  }
0xa8: {  	s28 =	simm.s32 $_size_execute0_lowered;
	s4 =	sadd.s32 s4, s6;
	[dreg:$0x0] =	wrdreg $0x0  }
0xa9: {  	s6 =	sshll.u32 s28, $0x1;
	[dreg:$0x2] =	wrdreg s4  }
0xaa: {  	[dreg:$0x3] =	wrdreg s6  }
0xab: {  	[dreg:$0x4] =	wrdreg $0xC0  }
0xac: {  	_ =	task [dreg:s8], $0x5FFFF  }
0xad: {  	[dreg:$0x1] =	wrdreg $0xFFFFFFFF  }
0xae: {  	[dreg:$0x0] =	wrdreg $0x60  }
0xaf: {  	[dreg:$0x2] =	wrdreg s18  }
0xb0: {  	[dreg:$0x3] =	wrdreg s2  }
0xb1: {  	[dreg:$0x4] =	wrdreg s24  }
0xb2: {  	[dreg:$0x5] =	wrdreg $0x118800  }
0xb3: {  	[dreg:$0x6] =	wrdreg $0x9  }
0xb4: {  	_ =	task.clear_ibuf [dreg:s8], $0x7FFFF;
	_ =	strace $0x90000049  }
0xb5: {  	s29 =	simm.s32 $0x9;
	_ =	strace $0x8000004B  }
0xb6: {  	_ =	swait.ge [sflag:s29], $0x1  }
0xb7: {  	[sflag:s29] =	ssyncadd.s32 $0xFFFFFFFF  }
0xb8: {  	_ =	strace $0x9000004B  }
0xb9: {  	_ =	sfence  }
0xba: {  	s30 =	sld [smem:$0x0];
	_ =	sdelay $0x2  }
0xbb: {  	s31 =	sshll.u32 s1, $0xD;
	s1 =	sshrl.u32 s1, $0x2  }
0xbc: {  	s3 =	sand.u32 $0x4000, s31;
	s1 =	sadd.s32 s1, s30  }
0xbd: {  	s0 =	sor.u32 s3, s0;
	s1 =	sshll.u32 s1, $0x11  }
0xbe: {  	s0 =	sor.u32 s1, s0  }
0xbf: {  	s0 =	sadd.s32 $0x8F2B, s0  }
0xc0: {  	[sflag:s0] =	ssyncadd.remote.s32 $0x1  }
0xc1: {  	_ =	sfence.sel $0xFFFF  }
0xc2: {  	[dreg:$0x0] =	wrdreg $0xFFFFFFFF;
	(pc) =	sbr.abs _section_cstart, $3  }
0xc3: {  	[dreg:$0x1] =	wrdreg $0xFFFFFFFF  }
0xc4: {  	_ =	task.clear_ibuf [dreg:s8], $0x2FFFF;
	_ =	strace $0x9FFFFFFF  }
0xc5: {  	(tm) =	ssettm $0x7FFFFFFF  }
tec
execute0_lowered:
.L_overlay_start_1:
0x0: {  	(tag) =	ssettag $0x1  }
0x1: {  	s4 =	rddreg [dreg:$0x0]  }
0x2: {  	s5 =	rddreg [dreg:$0x1]  }
0x3: {  	s7 =	rddreg [dreg:$0x2]  }
0x4: {  	s10 =	rddreg [dreg:$0x3]  }
0x5: {  	s2 =	srdreg.scid;
	s0 =	rddreg [dreg:$0x4]  }
0x6: {  	v0 =	vimm.s32 $0xEDCBA987;
	s1 =	stileid.u32;
	v1 =	vimm.s32 $0x65432100;
	s16 =	simm.s32 $0x9E00;
	s17 =	simm.s32 $0xC600  }
0x7: {  	v2 =	vimm.s32 $0x54321000;
	v3 =	vimm.s32 $0xDCBA9876;
	s18 =	simm.s32 $0x7680;
	s19 =	simm.s32 $0x80;
	s20 =	simm.s32 $0x400  }
0x8: {  	v4 =	vimm.s32 $0xE40000;
	v5 =	vimm.s32 $0xBA987654;
	s21 =	simm.s32 $0x1400;
	s22 =	simm.s32 $0x14000;
	s23 =	simm.s32 $0xEE00;
	v0 =	vunpack.c.l.s4.s8 v0  }
0x9: {  	v6 =	vimm.s32 $0x7060504;
	v7 =	vimm.s32 $0xFFEDCBA9;
	s24 =	simm.s32 $0x11600;
	s25 =	simm.s32 $0x0;
	s6 =	sand.u32 $0x1, s2;
	v1 =	vunpack.c.l.s4.s8 v1  }
0xa: {  	v8 =	vimm.s32 $0x87654321;
	vm0 =	vcmask $0x3F30;
	s2 =	simm.s32 $0x0;
	s8 =	smul.u32 $0x280, s1;
	s13 =	sshrl.u32 s1, $0x3;
	v0 =	vunpack.c.0.s8.s32 v0  }
0xb: {  	vm1 =	vcmask $0x3F08;
	v4 =	vunpack.c.l.s2.s4 v4;
	s30 =	smul.u32 $0x5000, s1;
	s31 =	sshll.u32 s1, $0x7;
	s3 =	sshll.u32 s6, $0x4;
	v1 =	vunpack.c.0.s8.s32 v1  }
0xc: {  	v3 =	vunpack.c.l.s4.s8 v3;
	v6 =	vunpack.c.0.s8.s32 v6;
	[smem:$0x7FF] =	sst s2;
	s9 =	smul.u32 $0x2800, s6;
	s6 =	ssub.s32 $0x2, s6;
	v0 =	vand.u32 $0xF, v0  }
0xd: {  	v7 =	vunpack.c.l.s4.s8 v7;
	s29 =	smul.u32 $0x50000, s13;
	s13 =	sand.u32 $0x380, s31;
	s3 =	sor.u32 s1, s3;
	v4 =	vunpack.c.l.s4.s8 v4;
	v0 =	vcombine.low v1, v0  }
0xe: {  	_ =	strace $0x8000004A;
	s11 =	smul.u32 $0x4E2, s3;
	s8 =	sadd.s32 s8, s9;
	v1 =	vunpack.c.l.s4.s8 v2;
	v2 =	vunpack.c.l.s4.s8 v5;
	v5 =	vimm.s32 $0x32100000  }
0xf: {  	s28 =	sshrl.u32 s6, $0x1;
	v3 =	vunpack.c.0.s8.s32 v3;
	s3 =	sadd.s32 $0x4E3200, s7;
	s8 =	sshrl.u32 s8, $0x3;
	v4 =	vunpack.c.0.s8.s32 v4;
	v5 =	vunpack.c.l.s4.s8 v5  }
0x10: {  	v8 =	vunpack.c.l.s4.s8 v8;
	s14 =	ssub.s32 s6, s28;
	s26 =	sadd.s32 s11, s7;
	s12 =	sadd.s32 s8, s7;
	v1 =	vunpack.c.0.s8.s32 v1;
	v2 =	vunpack.c.0.s8.s32 v2  }
0x11: {  	v3 =	vand.u32 $0xF, v3;
	s4 =	sadd.s32 s4, s11;
	s5 =	sadd.s32 s5, s11;
	s7 =	sadd.s32 $0x4E3700, s7;
	v4 =	vand.u32 $0x3, v4;
	v5 =	vunpack.c.0.s8.s32 v5  }
0x12: {  	s8 =	sshrl.u32 s29, $0x2;
	s11 =	sshrl.u32 s30, $0x2;
	s6 =	sadd.s32 $0x4E3C00, s26;
	v2 =	vand.u32 $0xF, v2;
	v1 =	vcombine.low v1, v3;
	v3 =	vsel vm0, v6, v4  }
0x13: {  	s15 =	sadd.s32 s8, s10;
	s8 =	sadd.s32 $0x4EDA00, s26;
	s10 =	sadd.s32 s11, s10;
	v6 =	vunpack.c.0.s8.s32 v8;
	v2 =	vcombine.low v5, v2;
	v5 =	vunpack.c.0.s8.s32 v7  }
0x14: {  	vm2 =	vcmask $0x3F10;
	vm3 =	vcmask $0x3F20;
	vm4 =	vcmask $0x3F3C;
	s11 =	sadd.s32 $0x4F7800, s12;
	s12 =	smax.u32 s14, $0x1;
	s14 =	simm.s32 $0x2780  }
0x15: {  	s9 =	sadd.s32 s13, s15;
	s13 =	simm.s32 $0x1;
	s15 =	simm.s32 $0x4F00;
	v4 =	vimm.f32 $0.0e+00;
	vm0 =	vcmask $0x3F04;
	v5 =	vcombine.low v6, v5  }
.LBB2_1:
0x16: {  	[tilespmem:s2], [sflag:$0x1] =	stream.linear.gather [hbm4b:s4+s2], $0x2710, $0x38;
	[tilespmem:$0x14080] =	vst v63  }
0x17: {  	_ =	swait.ge [sflag:s13], $0x2710  }
0x18: {  	[sflag:s13] =	ssyncset.done $0x0  }
0x19: {  	[sflag:s13] =	ssyncadd.s32 $0xFFFFD8F0  }
0x1a: {  	[tilespmem:s14], [sflag:$0x1] =	stream.linear.gather [hbm4b:s5+s2], $0x2710, $0x38;
	[tilespmem:$0x14080] =	vst v63  }
0x1b: {  	_ =	swait.ge [sflag:s13], $0x2710  }
0x1c: {  	[sflag:s13] =	ssyncset.done $0x0  }
0x1d: {  	[sflag:s13] =	ssyncadd.s32 $0xFFFFD8F0  }
0x1e: {  	[tilespmem:s15], [sflag:$0x1] =	stream.linear.gather [hbm4b:s6+s2], $0x2710, $0x38;
	[tilespmem:$0x14080] =	vst v63  }
0x1f: {  	_ =	swait.ge [sflag:s13], $0x2710  }
0x20: {  	[sflag:s13] =	ssyncset.done $0x0  }
0x21: {  	[sflag:s13] =	ssyncadd.s32 $0xFFFFD8F0  }
0x22: {  	[tilespmem:s16], [sflag:$0x1] =	stream.linear.gather [hbm4b:s3+s2], $0x2800, $0x38;
	[tilespmem:$0x14080] =	vst v63  }
0x23: {  	_ =	swait.ge [sflag:s13], $0x2800  }
0x24: {  	[sflag:s13] =	ssyncset.done $0x0  }
0x25: {  	[sflag:s13] =	ssyncadd.s32 $0xFFFFD800  }
0x26: {  	[tilespmem:s17], [sflag:$0x1] =	stream.linear.gather [hbm4b:s7+s2], $0x2800, $0x38;
	[tilespmem:$0x14080] =	vst v63  }
0x27: {  	_ =	swait.ge [sflag:s13], $0x2800  }
0x28: {  	[sflag:s13] =	ssyncset.done $0x0  }
0x29: {  	s26 =	simm.s32 $0x0;
	[sflag:s13] =	ssyncadd.s32 $0xFFFFD800  }
0x2a: {  	s28 =	simm.s32 $0x40;
	v6 =	vld [tilespmem:s26+$0xC600]  }
.LBB2_2:
0x2b: {  	p0 =	sne.s32 s28, $0x9FC0;
	v7 =	vld [tilespmem:s26+$0x9E00];
	[tilespmem:s26+$0xC600] =	vst v4;
	_ =	sdelay $0x1  }
.Ltmp0:
0x2c: {  	(pc) =	sbr.rel @p0 .LBB2_2-.Ltmp0, $3  }
0x2d: {  	_ =	sdelay $0x1  }
0x2e: {  	s29 =	sshra.s32 s28, $0x2;
	v7 =	vmax.f32 v7, v6  }
0x2f: {  	s28 =	sadd.s32 $0x40, s28;
	v6 =	vld [tilespmem:s29+$0xC600];
	[tilespmem:s26+$0x9E00] =	vst v7;
	s26 =	smov.u32 s29  }
0x30: {  	v7 =	vld [tilespmem:s26+$0x9E00];
	_ =	sdelay $0x4  }
0x31: {  	[tilespmem:s26+$0xC600] =	vst v4;
	v6 =	vmax.f32 v7, v6  }
0x32: {  	s28 =	simm.s32 $0x0;
	[tilespmem:s26+$0x9E00] =	vst v6;
	s26 =	simm.s32 $0x40  }
.LBB2_4:
0x33: {  	p0 =	sne.s32 s26, $0x9C00;
	v6 =	vld [tilespmem:s28+$0x2780];
	_ =	sdelay $0x7  }
0x34: {  	v7 =	vld.idx.msk [tilespmem:v6+s16+$0x0], $0xffff  }
0x35: {  	v8 =	vld [tilespmem:s28+$0x0];
	_ =	sdelay $0x4  }
0x36: {  	v7 =	vsub.f32 v8, v7;
	_ =	sdelay $0x1  }
0x37: {  	v7 =	vmul.f32 $1.442695020e+00, v7;
	_ =	sdelay $0x1  }
0x38: {  	(erf) = vpow2.f32 v7;
	_ =	sdelay $0x4  }
0x39: {  	v7 =	vld [tilespmem:s28+$0x4F00];
	_ =	sdelay $0x3  }
0x3a: {  	v8 =	vpop (erf)  }
0x3b: {  	v7 =	vmul.f32 v8, v7;
	_ =	sdelay $0x1  }
0x3c: {  	v9 =	vperm.xlane v6, v0;
	[tilespmem:s28+$0x7680] =	vst v7;
	v8 =	vperm.xlane v7, v0;
	_ =	sdelay $0x1  }
0x3d: {  	vm5 =	veq.s32 v9, v6;
	v8 =	vadd.f32 v7, v8  }
0x3e: {  	vm5 =	vmand vm5, vm0  }
0x3f: {  	v7 =	vsel vm5, v8, v7;
	v8 =	vperm.xlane v6, v1  }
0x40: {  	v10 =	vperm.xlane v6, v5;
	v9 =	vperm.xlane v7, v1;
	_ =	sdelay $0x1  }
0x41: {  	vm6 =	vne.s32 v6, v10;
	vm5 =	veq.s32 v8, v6;
	v8 =	vadd.f32 v7, v9  }
0x42: {  	vm6 =	vmor vm6, vm4;
	vm5 =	vmand vm5, vm1  }
0x43: {  	v7 =	vsel vm5, v8, v7  }
0x44: {  	v9 =	vperm.xlane v6, v2;
	v8 =	vperm.xlane v7, v2;
	_ =	sdelay $0x1  }
0x45: {  	vm5 =	veq.s32 v9, v6;
	v8 =	vadd.f32 v7, v8  }
0x46: {  	vm5 =	vmand vm5, vm2  }
0x47: {  	v7 =	vsel vm5, v8, v7;
	v8 =	vld.idx.msk [tilespmem:v6+s17+$0x0], vm6  }
0x48: {  	v10 =	vperm.xlane v6, v3;
	v9 =	vperm.xlane v7, v3;
	_ =	sdelay $0x1  }
0x49: {  	vm5 =	veq.s32 v10, v6;
	v9 =	vadd.f32 v7, v9  }
.Ltmp1:
0x4a: {  	vm5 =	vmand vm5, vm3;
	(pc) =	sbr.rel @p0 .LBB2_4-.Ltmp1, $3  }
0x4b: {  	v7 =	vsel vm5, v9, v7  }
0x4c: {  	v7 =	vadd.f32 v7, v8;
	_ =	sdelay $0x1  }
0x4d: {  	s28 =	sshra.s32 s26, $0x2;
	s26 =	sadd.s32 $0x40, s26;
	[tilespmem:v6+s17+$0x0] =	vst.idx.msk vm6, v7  }
0x4e: {  	v6 =	vld [tilespmem:s28+$0x2780];
	_ =	sdelay $0x6  }
0x4f: {  	v8 =	vld [tilespmem:s28+$0x0]  }
0x50: {  	v7 =	vld.idx.msk [tilespmem:v6+s16+$0x0], $0xffff;
	_ =	sdelay $0x4  }
0x51: {  	v7 =	vsub.f32 v8, v7;
	_ =	sdelay $0x1  }
0x52: {  	v7 =	vmul.f32 $1.442695020e+00, v7;
	_ =	sdelay $0x1  }
0x53: {  	(erf) = vpow2.f32 v7;
	_ =	sdelay $0x4  }
0x54: {  	v7 =	vld [tilespmem:s28+$0x4F00];
	_ =	sdelay $0x3  }
0x55: {  	v48 =	vpop (erf)  }
0x56: {  	v7 =	vmul.f32 v48, v7;
	_ =	sdelay $0x1  }
0x57: {  	v9 =	vperm.xlane v6, v0;
	v8 =	vperm.xlane v7, v0;
	_ =	sdelay $0x1  }
0x58: {  	vm5 =	veq.s32 v9, v6;
	v8 =	vadd.f32 v7, v8  }
0x59: {  	vm5 =	vmand vm5, vm0  }
0x5a: {  	v8 =	vsel vm5, v8, v7  }
0x5b: {  	v49 =	vperm.xlane v6, v1;
	v10 =	vperm.xlane v8, v1  }
0x5c: {  	v11 =	vperm.xlane v6, v5  }
0x5d: {  	vm5 =	veq.s32 v49, v6;
	v50 =	vadd.f32 v8, v10  }
0x5e: {  	vm6 =	vne.s32 v6, v11;
	vm5 =	vmand vm5, vm1  }
0x5f: {  	vm6 =	vmor vm6, vm4;
	v8 =	vsel vm5, v50, v8  }
0x60: {  	v51 =	vperm.xlane v6, v2;
	v9 =	vperm.xlane v8, v2;
	_ =	sdelay $0x1  }
0x61: {  	vm5 =	veq.s32 v51, v6;
	v9 =	vadd.f32 v8, v9  }
0x62: {  	vm5 =	vmand vm5, vm2  }
0x63: {  	[tilespmem:s28+$0x7680] =	vst v7;
	v7 =	vsel vm5, v9, v8  }
0x64: {  	v53 =	vperm.xlane v6, v3;
	v52 =	vld.idx.msk [tilespmem:v6+s17+$0x0], vm6;
	v9 =	vperm.xlane v7, v3;
	_ =	sdelay $0x1  }
0x65: {  	vm5 =	veq.s32 v53, v6;
	v9 =	vadd.f32 v7, v9  }
0x66: {  	vm5 =	vmand vm5, vm3  }
0x67: {  	v7 =	vsel vm5, v9, v7  }
0x68: {  	v7 =	vadd.f32 v7, v52;
	_ =	sdelay $0x1  }
0x69: {  	s26 =	simm.s32 $0x0;
	[tilespmem:v6+s17+$0x0] =	vst.idx.msk vm6, v7  }
0x6a: {  	[hbm4b:s8+s26] =	stream.linear.scatter [tilespmem:s18], [sflag:$0x1], $0x2710, $0x38;
	[tilespmem:$0x14080] =	vst v63  }
0x6b: {  	_ =	swait.ge [sflag:s13], $0x2710  }
0x6c: {  	[sflag:s13] =	ssyncset.done $0x0  }
0x6d: {  	[sflag:s13] =	ssyncadd.s32 $0xFFFFD8F0  }
0x6e: {  	[spmem:s9] =	stream.strided.scatter [tilespmem:s17], [sflag:$0x1], $0x2800, s20, s19, $0x38;
	[tilespmem:$0x14080] =	vst v63  }
0x6f: {  	_ =	swait.ge [sflag:s13], $0x2800  }
0x70: {  	[sflag:s13] =	ssyncset.done $0x0  }
0x71: {  	[sflag:s13] =	ssyncadd.s32 $0xFFFFD800  }
0x72: {  	[bflag:$0x0] =	sbarrier.arrive $0xFFFF  }
0x73: {  	[tilespmem:s23], [sflag:$0x1] =	stream.strided.gather [spmem:s10], $0x2800, s22, s21, $0x38;
	[tilespmem:$0x14080] =	vst v63  }
0x74: {  	_ =	swait.ge [sflag:s13], $0x2800  }
0x75: {  	s28 =	sand.u32 $0x70, s26;
	s26 =	sand.u32 $0x1C00, s26;
	[sflag:s13] =	ssyncset.done $0x0  }
0x76: {  	s26 =	sor.u32 s28, s26;
	[sflag:s13] =	ssyncadd.s32 $0xFFFFD800  }
0x77: {  	v6 =	vld [tilespmem:s26+$0xEE80]  }
0x78: {  	v7 =	vld [tilespmem:s26+$0xEE00];
	_ =	sdelay $0x1  }
0x79: {  	v54 =	vld [tilespmem:s26+$0xEF00];
	_ =	sdelay $0x1  }
0x7a: {  	v55 =	vld [tilespmem:s26+$0xEF80]  }
0x7b: {  	v6 =	vadd.f32 v6, v7  }
0x7c: {  	v7 =	vld [tilespmem:s26+$0xF000]  }
0x7d: {  	v6 =	vadd.f32 v54, v6  }
0x7e: {  	v56 =	vld [tilespmem:s26+$0xF080]  }
0x7f: {  	v6 =	vadd.f32 v55, v6  }
0x80: {  	v57 =	vld [tilespmem:s26+$0xF100]  }
0x81: {  	v6 =	vadd.f32 v7, v6  }
0x82: {  	v7 =	vld [tilespmem:s26+$0xF180]  }
0x83: {  	v6 =	vadd.f32 v56, v6  }
0x84: {  	v58 =	vld [tilespmem:s26+$0x10200]  }
0x85: {  	v6 =	vadd.f32 v57, v6  }
0x86: {  	v59 =	vld [tilespmem:s26+$0x10280]  }
0x87: {  	v6 =	vadd.f32 v7, v6  }
0x88: {  	v7 =	vld [tilespmem:s26+$0x10300]  }
0x89: {  	v6 =	vadd.f32 v58, v6  }
0x8a: {  	v60 =	vld [tilespmem:s26+$0x10380]  }
0x8b: {  	v6 =	vadd.f32 v59, v6  }
0x8c: {  	v61 =	vld [tilespmem:s26+$0x10400]  }
0x8d: {  	v6 =	vadd.f32 v7, v6  }
0x8e: {  	v7 =	vld [tilespmem:s26+$0x10480]  }
0x8f: {  	v6 =	vadd.f32 v60, v6  }
0x90: {  	v62 =	vld [tilespmem:s26+$0x10500]  }
0x91: {  	v6 =	vadd.f32 v61, v6  }
0x92: {  	v63 =	vld [tilespmem:s26+$0x10580]  }
0x93: {  	v6 =	vadd.f32 v7, v6;
	_ =	sdelay $0x1  }
0x94: {  	v6 =	vadd.f32 v62, v6;
	_ =	sdelay $0x1  }
0x95: {  	s29 =	simm.s32 $0x80;
	s28 =	simm.s32 $0x10;
	v6 =	vadd.f32 v63, v6  }
0x96: {  	s30 =	sand.u32 $0x1C00, s29;
	s28 =	sand.u32 $0x70, s28;
	s26 =	simm.s32 $0x11600  }
0x97: {  	s28 =	sor.u32 s28, s30;
	s30 =	simm.s32 $0x20;
	[tilespmem:s26+$0x0] =	vst v6  }
.LBB2_6:
0x98: {  	p0 =	sne.s32 s30, $0x270;
	v6 =	vld [tilespmem:s28+$0xEE80]  }
0x99: {  	v7 =	vld [tilespmem:s28+$0xEE00];
	_ =	sdelay $0x1  }
0x9a: {  	v8 =	vld [tilespmem:s28+$0xEF00];
	_ =	sdelay $0x1  }
0x9b: {  	v9 =	vld [tilespmem:s28+$0xEF80]  }
0x9c: {  	v6 =	vadd.f32 v6, v7  }
0x9d: {  	v7 =	vld [tilespmem:s28+$0xF000]  }
0x9e: {  	v6 =	vadd.f32 v8, v6  }
0x9f: {  	v8 =	vld [tilespmem:s28+$0xF080]  }
0xa0: {  	v6 =	vadd.f32 v9, v6  }
0xa1: {  	v9 =	vld [tilespmem:s28+$0xF100]  }
0xa2: {  	v6 =	vadd.f32 v7, v6  }
0xa3: {  	v7 =	vld [tilespmem:s28+$0xF180]  }
0xa4: {  	v6 =	vadd.f32 v8, v6  }
0xa5: {  	v8 =	vld [tilespmem:s28+$0x10200]  }
0xa6: {  	v6 =	vadd.f32 v9, v6  }
0xa7: {  	v9 =	vld [tilespmem:s28+$0x10280]  }
0xa8: {  	v6 =	vadd.f32 v7, v6  }
0xa9: {  	v7 =	vld [tilespmem:s28+$0x10300]  }
0xaa: {  	v6 =	vadd.f32 v8, v6  }
0xab: {  	v8 =	vld [tilespmem:s28+$0x10380]  }
0xac: {  	v6 =	vadd.f32 v9, v6  }
0xad: {  	v9 =	vld [tilespmem:s28+$0x10400]  }
0xae: {  	v6 =	vadd.f32 v7, v6  }
0xaf: {  	v7 =	vld [tilespmem:s28+$0x10480]  }
0xb0: {  	v6 =	vadd.f32 v8, v6  }
0xb1: {  	v8 =	vld [tilespmem:s28+$0x10500]  }
0xb2: {  	v6 =	vadd.f32 v9, v6  }
0xb3: {  	v9 =	vld [tilespmem:s28+$0x10580]  }
0xb4: {  	v6 =	vadd.f32 v7, v6;
	_ =	sdelay $0x1  }
.Ltmp2:
0xb5: {  	v6 =	vadd.f32 v8, v6;
	(pc) =	sbr.rel @p0 .LBB2_6-.Ltmp2, $4  }
0xb6: {  	_ = 	snop  }
0xb7: {  	s29 =	sadd.s32 $0x80, s29;
	v6 =	vadd.f32 v9, v6  }
0xb8: {  	s26 =	sadd.s32 $0x10, s26;
	s31 =	sand.u32 $0x1C00, s29;
	s28 =	sand.u32 $0x70, s30  }
0xb9: {  	s30 =	sadd.s32 $0x10, s30;
	s28 =	sor.u32 s28, s31;
	[tilespmem:s26+$0x0] =	vst v6  }
0xba: {  	v6 =	vld [tilespmem:s28+$0xEE80]  }
0xbb: {  	v7 =	vld [tilespmem:s28+$0xEE00];
	_ =	sdelay $0x1  }
0xbc: {  	v8 =	vld [tilespmem:s28+$0xEF00];
	_ =	sdelay $0x1  }
0xbd: {  	v9 =	vld [tilespmem:s28+$0xEF80]  }
0xbe: {  	v6 =	vadd.f32 v6, v7  }
0xbf: {  	v7 =	vld [tilespmem:s28+$0xF000]  }
0xc0: {  	v6 =	vadd.f32 v8, v6  }
0xc1: {  	v56 =	vld [tilespmem:s28+$0xF080]  }
0xc2: {  	v6 =	vadd.f32 v9, v6  }
0xc3: {  	v57 =	vld [tilespmem:s28+$0xF100]  }
0xc4: {  	v6 =	vadd.f32 v7, v6  }
0xc5: {  	v7 =	vld [tilespmem:s28+$0xF180]  }
0xc6: {  	v6 =	vadd.f32 v56, v6  }
0xc7: {  	v58 =	vld [tilespmem:s28+$0x10200]  }
0xc8: {  	v6 =	vadd.f32 v57, v6  }
0xc9: {  	v59 =	vld [tilespmem:s28+$0x10280]  }
0xca: {  	v6 =	vadd.f32 v7, v6  }
0xcb: {  	v7 =	vld [tilespmem:s28+$0x10300]  }
0xcc: {  	v6 =	vadd.f32 v58, v6  }
0xcd: {  	v60 =	vld [tilespmem:s28+$0x10380]  }
0xce: {  	v6 =	vadd.f32 v59, v6  }
0xcf: {  	v61 =	vld [tilespmem:s28+$0x10400]  }
0xd0: {  	v6 =	vadd.f32 v7, v6  }
0xd1: {  	v7 =	vld [tilespmem:s28+$0x10480]  }
0xd2: {  	v6 =	vadd.f32 v60, v6  }
0xd3: {  	v62 =	vld [tilespmem:s28+$0x10500]  }
0xd4: {  	v6 =	vadd.f32 v61, v6  }
0xd5: {  	v63 =	vld [tilespmem:s28+$0x10580]  }
0xd6: {  	v6 =	vadd.f32 v7, v6;
	_ =	sdelay $0x1  }
0xd7: {  	v6 =	vadd.f32 v62, v6;
	_ =	sdelay $0x1  }
0xd8: {  	s25 =	sadd.s32 $0x1, s25;
	v6 =	vadd.f32 v63, v6  }
0xd9: {  	s26 =	sadd.s32 $0x10, s26;
	p0 =	sne.s32 s25, s12  }
.Ltmp3:
0xda: {  	[tilespmem:s26+$0x0] =	vst v6;
	(pc) =	sbr.rel @p0 .LBB2_1-.Ltmp3, $4  }
0xdb: {  	[hbm4b:s11+s2] =	stream.linear.scatter [tilespmem:s24], [sflag:$0x1], $0x280, $0x38;
	[tilespmem:$0x14080] =	vst v63  }
0xdc: {  	_ =	swait.ge [sflag:s13], $0x280  }
0xdd: {  	[sflag:s13] =	ssyncset.done $0x0  }
0xde: {  	[sflag:s13] =	ssyncadd.s32 $0xFFFFFD80  }
0xdf: {  	_ =	sfence.sel $0x180000  }
0xe0: {  	[bflag:$0x0] =	sbarrier.arrive $0xFFFF  }
0xe1: {  	p0 =	sne.s32 s1, $0x0;
	_ =	strace $0x9000004A  }
0xe2: {  	s0 =	sadd.s32 @!p0 $0x100000, s0;
	[bflag:$0x2] =	sbarrier.arrive $0xFFFF  }
0xe3: {  	[sflag:s0] =	ssyncadd.tile.s32 @!p0 $0x1;
	_ =	shalt  }
.Lfunc_end2:
_tile_overlayer_lowered:
.L_overlay_start_2:
0xe4: {  	(tag) =	ssettag $0x2  }
0xe5: {  	s0 =	rddreg [dreg:$0x0];
	s2 =	stileid.u32  }
0xe6: {  	s1 =	rddreg [dreg:$0x1];
	p0 =	sne.s32 s2, $0x0  }
0xe7: {  	s3 =	rddreg [dreg:$0x2];
	[bflag:$0x3] =	sbarrier.arrive $0xFFFF;
	s2 =	simm.s32 @!p0 $0x1C01  }
0xe8: {  	[timem:s3], [sflag:s2] =	dma.local @!p0 [hbm:s0], s1  }
0xe9: {  	s0 =	simm.s32 @!p0 $0x1  }
0xea: {  	_ =	swait.ge @!p0 [sflag:s0], s1  }
0xeb: {  	s1 =	ssub.s32 @!p0 $0x0, s1;
	[sflag:s0] =	ssyncset.done @!p0 $0x0  }
0xec: {  	[sflag:s0] =	ssyncadd.s32 @!p0 s1  }
0xed: {  	[bflag:$0x3] =	sbarrier.arrive $0xFFFF  }
0xee: {  	_ =	shalt  }

// kernel: kernel.13.cloned.1.call-start
scs
__scs_entry_jumppad:
0x0: {  	(pc) =	sbr.rel $0x88, $3  }
0x1: {  	(tag) =	ssettag $0x0;
	lr =	simm.s32 $0x1  }
0x2: {  	[smem:$0x3F9A] =	sst lr;
	_ =	strace $0xD0000000  }
0x3: {  	_ = 	snop  }
0x4: {  	_ = 	snop  }
0x5: {  	_ = 	snop  }
0x6: {  	_ = 	snop  }
0x7: {  	_ = 	snop  }
__scs_overlays_trampoline_lowered:
0x8: {  	[smem:$0x3FA9] =	sst s0  }
0x9: {  	[smem:$0x3FAA] =	sst s1  }
0xa: {  	[smem:$0x3FAB] =	sst s2  }
0xb: {  	[smem:$0x3FAC] =	sst s3  }
0xc: {  	[smem:$0x3FAD] =	sst s4  }
0xd: {  	[smem:$0x3FAE] =	sst s5  }
0xe: {  	[smem:$0x3FAF] =	sst s6  }
0xf: {  	[smem:$0x3FB0] =	sst s7  }
0x10: {  	[smem:$0x3FB1] =	sst s8  }
0x11: {  	[smem:$0x3FB2] =	sst s9;
	s0 =	simm.s32 @!p0 $0x0  }
0x12: {  	s1 =	sld [smem:$0x3F98];
	s0 =	simm.s32 @p0 $0x1  }
0x13: {  	[smem:$0x3FB3] =	sst s0;
	s0 =	simm.s32 @!p1 $0x0  }
0x14: {  	s2 =	sld [smem:$0x3F97];
	s0 =	simm.s32 @p1 $0x1  }
0x15: {  	[smem:$0x3FB4] =	sst s0;
	s0 =	simm.s32 @!p2 $0x0  }
0x16: {  	s3 =	sld [smem:$0x3FDB];
	s0 =	simm.s32 @p2 $0x1  }
0x17: {  	s4 =	simm.s32 $0x1BF5;
	[smem:$0x3FB6] =	sst s0  }
0x18: {  	s0 =	sld [smem:$0x3F99];
	_ =	swait.ge [sflag:s4], $0x0  }
0x19: {  	s7 =	sld [smem:$0x3F9A]  }
0x1a: {  	s8 =	sadd.s32 $0xFFFFE003, lr  }
0x1b: {  	s9 =	sadd.s32 $0xFFFFFEF7, lr;
	s5 =	simm.s32 $0xFFFFFFFF;
	p2 =	slt.u32 s8, $0xFFFFF086  }
0x1c: {  	p1 =	slt.u32 s9, $0xF7A;
	s5 =	simm.s32 @!p2 $0x0  }
0x1d: {  	s5 =	simm.s32 @p1 $0x1;
	p0 =	seq.s32 s7, s2  }
0x1e: {  	s7 =	smul.u32 @!p0 $0xF7A, s2;
	p2 =	seq.s32 @!p0 s5, $0x0  }
0x1f: {  	s9 =	smul.u32 $0xF7A, s1;
	s8 =	simm.s32 @!p0 $0x1BF5;
	p2 =	por !p2, p0  }
0x20: {  	[sflag:s8] =	ssyncset.s32 @!p0 $0xFFFFF086;
	s6 =	sadd.s32 @!p0 s3, s7;
	s7 =	simm.s32 @!p0 $0x108  }
0x21: {  	s3 =	sadd.s32 s3, s9;
	s6 =	sadd.s32 @!p0 $0x88, s6;
	s7 =	simm.s32 @p2 $0x1082  }
0x22: {  	[simem:s7], [sflag:s8] =	dma.local @!p0 [hbm:s6], $0xF7A  }
0x23: {  	s9 =	sor.u32 $0xD0000000, s2;
	s6 =	simm.s32 $0x108;
	_ =	swait.ge @!p0 [sflag:s8], $0x0  }
0x24: {  	s3 =	sadd.s32 $0x88, s3;
	s6 =	simm.s32 @!p1 $0x1082;
	[sflag:s4] =	ssyncset.s32 $0xFFFFF086  }
0x25: {  	[simem:s6], [sflag:s4] =	dma.local [hbm:s3], $0xF7A  }
0x26: {  	[smem:$0x3F9A] =	sst s1;
	(tag) =	ssettag s2;
	_ =	strace s9  }
0x27: {  	s1 =	sld [smem:$0x3FAA]  }
0x28: {  	s2 =	sld [smem:$0x3FAB]  }
0x29: {  	s4 =	sld [smem:$0x3FAD]  }
0x2a: {  	p0 =	seq.s32 s5, $0x0;
	s5 =	sld [smem:$0x3FAE]  }
0x2b: {  	s6 =	sld [smem:$0x3FAF]  }
0x2c: {  	s7 =	sld [smem:$0x3FB0]  }
0x2d: {  	s3 =	simm.s32 $0x108;
	s8 =	sld [smem:$0x3FB1]  }
0x2e: {  	s3 =	simm.s32 @!p0 $0x1082;
	s9 =	sld [smem:$0x3FB2]  }
0x2f: {  	lr =	sadd.s32 s0, s3;
	s0 =	sld [smem:$0x3FA9]  }
0x30: {  	s3 =	sld [smem:$0x3FAC]  }
0x31: {  	[smem:$0x3FB5] =	sst s10  }
0x32: {  	s10 =	sld [smem:$0x3FB3];
	_ =	sdelay $0x3  }
0x33: {  	p0 =	seq.s32 s10, $0x1;
	s10 =	sld [smem:$0x3FB5];
	_ =	sdelay $0x3  }
0x34: {  	[smem:$0x3FB5] =	sst s10  }
0x35: {  	s10 =	sld [smem:$0x3FB4];
	_ =	sdelay $0x3  }
0x36: {  	p1 =	seq.s32 s10, $0x1;
	s10 =	sld [smem:$0x3FB5];
	_ =	sdelay $0x3  }
0x37: {  	[smem:$0x3FB5] =	sst s10  }
0x38: {  	s10 =	sld [smem:$0x3FB6]  }
0x39: {  	_ = 	snop;
	(pc) =	sbr.ind lr, $3  }
0x3a: {  	_ = 	snop  }
0x3b: {  	_ = 	snop  }
0x3c: {  	p2 =	seq.s32 s10, $0x1;
	s10 =	sld [smem:$0x3FB5]  }
0x3d: {  	_ =	shalt  }
0x3e: {  	_ =	shalt  }
0x3f: {  	_ =	shalt  }
0x40: {  	_ =	shalt  }
0x41: {  	_ =	shalt  }
0x42: {  	_ =	shalt  }
0x43: {  	_ =	shalt  }
0x44: {  	_ =	shalt  }
0x45: {  	_ =	shalt  }
0x46: {  	_ =	shalt  }
0x47: {  	_ =	shalt  }
0x48: {  	_ =	shalt  }
0x49: {  	_ =	shalt  }
0x4a: {  	_ =	shalt  }
0x4b: {  	_ =	shalt  }
0x4c: {  	_ =	shalt  }
0x4d: {  	_ =	shalt  }
0x4e: {  	_ =	shalt  }
0x4f: {  	_ =	shalt  }
0x50: {  	_ =	shalt  }
0x51: {  	_ =	shalt  }
0x52: {  	_ =	shalt  }
0x53: {  	_ =	shalt  }
0x54: {  	_ =	shalt  }
0x55: {  	_ =	shalt  }
0x56: {  	_ =	shalt  }
0x57: {  	_ =	shalt  }
0x58: {  	_ =	shalt  }
0x59: {  	_ =	shalt  }
0x5a: {  	_ =	shalt  }
0x5b: {  	_ =	shalt  }
0x5c: {  	_ =	shalt  }
0x5d: {  	_ =	shalt  }
0x5e: {  	_ =	shalt  }
0x5f: {  	_ =	shalt  }
0x60: {  	_ =	shalt  }
0x61: {  	_ =	shalt  }
0x62: {  	_ =	shalt  }
0x63: {  	_ =	shalt  }
0x64: {  	_ =	shalt  }
0x65: {  	_ =	shalt  }
0x66: {  	_ =	shalt  }
0x67: {  	_ =	shalt  }
0x68: {  	_ =	shalt  }
0x69: {  	_ =	shalt  }
0x6a: {  	_ =	shalt  }
0x6b: {  	_ =	shalt  }
0x6c: {  	_ =	shalt  }
0x6d: {  	_ =	shalt  }
0x6e: {  	_ =	shalt  }
0x6f: {  	_ =	shalt  }
0x70: {  	_ =	shalt  }
0x71: {  	_ =	shalt  }
0x72: {  	_ =	shalt  }
0x73: {  	_ =	shalt  }
0x74: {  	_ =	shalt  }
0x75: {  	_ =	shalt  }
0x76: {  	_ =	shalt  }
0x77: {  	_ =	shalt  }
0x78: {  	_ =	shalt  }
0x79: {  	_ =	shalt  }
0x7a: {  	_ =	shalt  }
0x7b: {  	_ =	shalt  }
0x7c: {  	_ =	shalt  }
0x7d: {  	_ =	shalt  }
0x7e: {  	_ =	shalt  }
0x7f: {  	_ =	shalt  }
0x80: {  	_ =	shalt  }
0x81: {  	_ =	shalt  }
0x82: {  	_ =	shalt  }
0x83: {  	_ =	shalt  }
0x84: {  	_ =	shalt  }
0x85: {  	_ =	shalt  }
0x86: {  	_ =	shalt  }
0x87: {  	_ =	shalt  }
.Lfunc_end0:
.L_simem_size_0:
called_computation.2_lowered:
.L_overlay_start_0:
0x88: {  	s2 =	sld [smem:$0x3FD9]  }
0x89: {  	s3 =	sld [smem:$0x3FFE];
	_ =	sdelay $0x1  }
0x8a: {  	s1 =	srdreg.scid  }
0x8b: {  	s0 =	sand.u32 $0x1, s1  }
0x8c: {  	s17 =	sshll.u32 s0, $0xA;
	s2 =	sadd.s32 s3, s2  }
0x8d: {  	s2 =	sadd.s32 s2, s17  }
0x8e: {  	[smem:$0x3FC1] =	sst s2  }
0x8f: {  	_ = 	snop  }
0x90: {  	s2 =	sld [smem:$0x3FC8];
	(tm) =	ssettm $0x1  }
0x91: {  	s18 =	sld [smem:$0x3FFB];
	_ =	sdelay $0x3  }
0x92: {  	_ =	strace s18  }
0x93: {  	s3 =	sld [smem:$0x3FFC];
	_ =	sdelay $0x3  }
0x94: {  	_ =	strace s3  }
0x95: {  	s3 =	sld [smem:$0x3FFD];
	_ =	sdelay $0x3  }
0x96: {  	_ =	strace s3  }
0x97: {  	_ =	strace $0x8FFFFFFF  }
0x98: {  	s19 =	sld [smem:$0x3FDB];
	_ =	sdelay $0x1  }
0x99: {  	s4 =	simm.s32 $_scs_section_size  }
0x9a: {  	s5 =	simm.s32 $_size__tile_overlayer_lowered;
	s6 =	simm.s32 $_tile_overlayer_lowered  }
0x9b: {  	s22 =	simm.s32 $0x1BFF;
	s21 =	sshll.u32 s6, $0x1;
	s3 =	sadd.s32 s4, s19  }
0x9c: {  	s7 =	simm.s32 $0x0;
	s20 =	sshll.u32 s5, $0x1;
	s5 =	sadd.s32 s21, s3  }
0x9d: {  	[timem:s7], [sflag:s22] =	dma.local [hbm:s5], s20  }
0x9e: {  	_ =	swait.ge [sflag:s22], s20  }
0x9f: {  	s4 =	ssub.s32 $0x0, s20;
	[sflag:s22] =	ssyncset.done $0x0  }
0xa0: {  	[sflag:s22] =	ssyncadd.s32 s4;
	_ =	sdelay $0x1  }
0xa1: {  	s23 =	simm.s32 $0x1B8B  }
0xa2: {  	_ =	swait.ge [sflag:s23], $0x1  }
0xa3: {  	[sflag:s23] =	ssyncset.done $0x0  }
0xa4: {  	s25 =	simm.s32 $0x1B8E;
	s24 =	sld [smem:$0x3FFE];
	[sflag:s23] =	ssyncadd.s32 $0xFFFFFFFF  }
0xa5: {  	s26 =	simm.s32 $execute0_lowered;
	[smem:$0x3FD2] =	sst s25  }
0xa6: {  	s5 =	sshll.u32 s26, $0x1;
	_ =	strace $0x8000004C;
	[dreg:$0x1] =	wrdreg $0xFFFFFFFF  }
0xa7: {  	s28 =	simm.s32 $_size_execute0_lowered;
	s3 =	sadd.s32 s3, s5;
	[dreg:$0x0] =	wrdreg $0x0  }
0xa8: {  	s5 =	sshll.u32 s28, $0x1;
	[dreg:$0x2] =	wrdreg s3  }
0xa9: {  	[dreg:$0x3] =	wrdreg s5  }
0xaa: {  	[dreg:$0x4] =	wrdreg $0xC0  }
0xab: {  	_ =	task [dreg:s7], $0x5FFFF  }
0xac: {  	[dreg:$0x1] =	wrdreg $0xFFFFFFFF  }
0xad: {  	[dreg:$0x0] =	wrdreg $0x60  }
0xae: {  	[dreg:$0x2] =	wrdreg s24  }
0xaf: {  	[dreg:$0x3] =	wrdreg s2  }
0xb0: {  	[dreg:$0x4] =	wrdreg $0xB1800  }
0xb1: {  	[dreg:$0x5] =	wrdreg $0x9  }
0xb2: {  	_ =	task.clear_ibuf [dreg:s7], $0x6FFFF;
	_ =	strace $0x9000004C  }
0xb3: {  	s29 =	simm.s32 $0x9;
	_ =	strace $0x8000004E  }
0xb4: {  	_ =	swait.ge [sflag:s29], $0x1  }
0xb5: {  	[sflag:s29] =	ssyncadd.s32 $0xFFFFFFFF  }
0xb6: {  	_ =	strace $0x9000004E  }
0xb7: {  	_ =	sfence  }
0xb8: {  	s30 =	sld [smem:$0x0];
	_ =	sdelay $0x2  }
0xb9: {  	s31 =	sshll.u32 s1, $0xD;
	s1 =	sshrl.u32 s1, $0x2  }
0xba: {  	s3 =	sand.u32 $0x4000, s31;
	s1 =	sadd.s32 s1, s30  }
0xbb: {  	s0 =	sor.u32 s3, s0;
	s1 =	sshll.u32 s1, $0x11  }
0xbc: {  	s0 =	sor.u32 s1, s0  }
0xbd: {  	s0 =	sadd.s32 $0x8F2B, s0  }
0xbe: {  	[sflag:s0] =	ssyncadd.remote.s32 $0x1  }
0xbf: {  	_ =	sfence.sel $0xFFFF  }
0xc0: {  	[dreg:$0x0] =	wrdreg $0xFFFFFFFF;
	(pc) =	sbr.abs _section_cstart, $3  }
0xc1: {  	[dreg:$0x1] =	wrdreg $0xFFFFFFFF  }
0xc2: {  	_ =	task.clear_ibuf [dreg:s7], $0x2FFFF;
	_ =	strace $0x9FFFFFFF  }
0xc3: {  	(tm) =	ssettm $0x7FFFFFFF  }
tec
execute0_lowered:
.L_overlay_start_1:
0x0: {  	(tag) =	ssettag $0x1  }
0x1: {  	s0 =	srdreg.scid;
	s1 =	rddreg [dreg:$0x0]  }
0x2: {  	s12 =	stileid.u32;
	s5 =	rddreg [dreg:$0x1];
	s3 =	simm.s32 $0x0  }
0x3: {  	s0 =	sand.u32 $0x1, s0;
	s8 =	smul.u32 $0x280, s12;
	[smem:$0x7FF] =	sst s3  }
0x4: {  	s4 =	sadd.s32 $0x1200, s1;
	s11 =	sadd.s32 $0x4F7800, s1;
	s30 =	smul.u32 $0x50000, s12  }
0x5: {  	p0 =	seq.s32 s12, $0xF;
	s2 =	sshll.u32 s0, $0x4;
	s9 =	smul.u32 $0x2710, s0  }
0x6: {  	s0 =	ssub.s32 $0x2, s0;
	s6 =	sor.u32 s12, s2;
	s2 =	rddreg [dreg:$0x2]  }
0x7: {  	_ =	strace $0x8000004D;
	[dreg:$0x4] =	wrdreg s11;
	s29 =	sshrl.u32 s0, $0x1  }
0x8: {  	s11 =	sadd.s32 $0x4F7D00, s1;
	s12 =	simm.s32 $0x2;
	s7 =	smul.u32 $0x4E2, s6  }
0x9: {  	s8 =	sadd.s32 s8, s9;
	s0 =	ssub.s32 s0, s29;
	s13 =	smul.u32 $0x138800, s6  }
0xa: {  	s9 =	sadd.s32 $0x4F7C00, s1;
	[dreg:$0x8] =	wrdreg s11;
	s17 =	smul.u32 $0x27100, s6  }
0xb: {  	s8 =	sshll.u32 s8, $0x4;
	[dreg:$0x7] =	wrdreg s9;
	s0 =	smax.u32 s0, $0x1  }
0xc: {  	s10 =	sadd.s32 s7, s1;
	s5 =	sadd.s32 s5, s7;
	[dreg:$0x15] =	wrdreg s0  }
0xd: {  	s8 =	sadd.s32 s8, s1;
	s1 =	sadd.s32 $0x4F8100, s1;
	[dreg:$0x6] =	wrdreg s5  }
0xe: {  	s11 =	simm.s32 $0x4F00;
	s31 =	sadd.s32 $0x4EDA00, s10;
	[dreg:$0xa] =	wrdreg s1  }
0xf: {  	s9 =	simm.s32 $0x40;
	s1 =	sadd.s32 s4, s17;
	[dreg:$0x5] =	wrdreg s31  }
0x10: {  	s18 =	sshrl.u32 s13, $0x3;
	s24 =	sadd.s32 $0x4F8200, s8;
	[dreg:$0xf] =	wrdreg s1  }
0x11: {  	s6 =	sadd.s32 s4, s18;
	s25 =	sadd.s32 $0x4F9B00, s8;
	[dreg:$0x13] =	wrdreg s24  }
0x12: {  	s0 =	simm.s32 $0x7;
	s20 =	sadd.s32 $0x400, s6;
	[dreg:$0x14] =	wrdreg s25  }
0x13: {  	s10 =	sshrl.u32 s30, $0x2;
	s23 =	sadd.s32 $0x27000, s6;
	[dreg:$0x10] =	wrdreg s20  }
0x14: {  	s7 =	simm.s32 $0x7180;
	s21 =	sadd.s32 s10, s2;
	[dreg:$0x11] =	wrdreg s23  }
0x15: {  	s5 =	simm.s32 $0x5180;
	s14 =	sadd.s32 $0x2000, s21;
	[dreg:$0x9] =	wrdreg s21  }
0x16: {  	s8 =	simm.s32 $0x1;
	s15 =	sadd.s32 $0x4000, s21;
	[dreg:$0xb] =	wrdreg s14  }
0x17: {  	s17 =	simm.s32 $0x5000;
	s16 =	sadd.s32 $0x6000, s21;
	[dreg:$0xc] =	wrdreg s15  }
0x18: {  	s18 =	simm.s32 $0x5;
	s19 =	sadd.s32 $0x8000, s21;
	[dreg:$0xd] =	wrdreg s16  }
0x19: {  	s6 =	simm.s32 $0x9180;
	s26 =	sadd.s32 $0xA000, s21;
	[dreg:$0xe] =	wrdreg s19  }
0x1a: {  	s20 =	sadd.s32 $0x8000, s13;
	s28 =	sadd.s32 $0xC000, s21;
	[dreg:$0x16] =	wrdreg s26  }
0x1b: {  	s25 =	sadd.s32 $0xC800, s21;
	s29 =	sadd.s32 $0xE800, s21;
	[dreg:$0x17] =	wrdreg s28  }
0x1c: {  	s30 =	sadd.s32 $0x10800, s21;
	s31 =	sadd.s32 $0x12800, s21;
	[dreg:$0x19] =	wrdreg s29  }
0x1d: {  	s16 =	sadd.s32 $0x4000, s13;
	s19 =	sadd.s32 $0x6000, s13;
	[dreg:$0x1a] =	wrdreg s30  }
0x1e: {  	[dreg:$0x1b] =	wrdreg s31;
	s13 =	simm.s32 $0x4F80;
	s22 =	sshrl.u32 s16, $0x3  }
0x1f: {  	s14 =	simm.s32 $0x4;
	[dreg:$0x18] =	wrdreg s25;
	s1 =	sadd.s32 s4, s22  }
0x20: {  	v0 =	vimm.s32 $0x2800;
	v1 =	vimm.f32 $0.0e+00;
	s15 =	simm.s32 $0x3;
	s22 =	simm.s32 $0x0;
	[dreg:$0x12] =	wrdreg s1  }
.LBB2_1:
0x21: {  	s1 =	rddreg [dreg:$0x5]  }
0x22: {  	[tilespmem:s3], [sflag:$0x7] =	stream.linear.gather [hbm4b:s1+s3], $0x2710, $0x38;
	[tilespmem:$0x1EA00] =	vst v63  }
0x23: {  	_ =	swait.ge [sflag:s0], $0x2710  }
0x24: {  	[sflag:s0] =	ssyncset.done $0x0  }
0x25: {  	s10 =	simm.s32 $0x2780;
	s24 =	rddreg [dreg:$0x6];
	[sflag:s0] =	ssyncadd.s32 $0xFFFFD8F0  }
0x26: {  	[tilespmem:s10], [sflag:$0x7] =	stream.linear.gather [hbm4b:s24+s3], $0x2710, $0x38;
	[tilespmem:$0x1EA00] =	vst v63  }
0x27: {  	_ =	swait.ge [sflag:s0], $0x2710  }
0x28: {  	[sflag:s0] =	ssyncset.done $0x0  }
0x29: {  	s26 =	rddreg [dreg:$0x4];
	[sflag:s0] =	ssyncadd.s32 $0xFFFFD8F0  }
0x2a: {  	[tilespmem:s5], [sflag:$0x7] =	stream.linear.gather [hbm4b:s26+s3], $0x2000, $0x38;
	[tilespmem:$0x1EA00] =	vst v63  }
0x2b: {  	_ =	swait.ge [sflag:s0], $0x2000  }
0x2c: {  	[sflag:s0] =	ssyncset.done $0x0  }
0x2d: {  	s28 =	rddreg [dreg:$0x7];
	[sflag:s0] =	ssyncadd.s32 $0xFFFFE000  }
0x2e: {  	[tilespmem:s6], [sflag:$0x7] =	stream.linear.gather [hbm4b:s28+s3], $0x800, $0x38;
	[tilespmem:$0x1EA00] =	vst v63  }
0x2f: {  	_ =	swait.ge [sflag:s0], $0x800  }
0x30: {  	[sflag:s0] =	ssyncset.done $0x0  }
0x31: {  	s29 =	rddreg [dreg:$0x8];
	[sflag:s0] =	ssyncadd.s32 $0xFFFFF800  }
0x32: {  	[tilespmem:s7], [sflag:$0x7] =	stream.linear.gather [hbm4b:s29+s3], $0x2000, $0x38;
	[tilespmem:$0x1EA00] =	vst v63  }
0x33: {  	_ =	swait.ge [sflag:s0], $0x2000  }
0x34: {  	[sflag:s0] =	ssyncset.done $0x0  }
0x35: {  	s31 =	simm.s32 $0x9980;
	s30 =	rddreg [dreg:$0xa];
	[sflag:s0] =	ssyncadd.s32 $0xFFFFE000  }
0x36: {  	[tilespmem:s31], [sflag:$0x7] =	stream.linear.gather [hbm4b:s30+s3], $0x800, $0x38;
	[tilespmem:$0x1EA00] =	vst v63  }
0x37: {  	_ =	swait.ge [sflag:s0], $0x800  }
0x38: {  	[sflag:s0] =	ssyncset.done $0x0  }
0x39: {  	s1 =	simm.s32 $0x0;
	[sflag:s0] =	ssyncadd.s32 $0xFFFFF800  }
0x3a: {  	v2 =	vld [tilespmem:s1+$0x2780];
	_ =	sdelay $0x4  }
0x3b: {  	vm0 =	vlt.s32 v2, $0x2000  }
0x3c: {  	v3 =	vand.u32 $0xFFFFFF80, v2;
	v4 =	vsel vm0, $0x2000, v0  }
0x3d: {  	v2 =	vand.u32 $0x7F, v2;
	v5 =	vadd.s32 $0x2000, v3;
	v4 =	vadd.s32 v3, v4  }
0x3e: {  	v3 =	vsel vm0, v3, v5;
	v4 =	vor.u32 v2, v4  }
0x3f: {  	v2 =	vor.u32 v2, v3;
	_ =	sdelay $0x3  }
0x40: {  	v3 =	vld.idx.msk [tilespmem:v4+s5+$0x0], $0xffff  }
0x41: {  	v2 =	vld.idx.msk [tilespmem:v2+s5+$0x0], $0xffff;
	_ =	sdelay $0x4  }
0x42: {  	v2 =	vadd.f32 v3, v2;
	_ =	sdelay $0x1  }
0x43: {  	v3 =	vadd.f32 $9.999999820e-14, v2  }
0x44: {  	s23 =	simm.s32 $0x10  }
0x45: {  	s24 =	simm.s32 $0x80;
	v2 =	vld [tilespmem:s23+$0x2780];
	(erf) = vrcp.f32 v3  }
.LBB2_2:
0x46: {  	p1 =	sne.s32 s24, $0x9C00;
	_ =	sdelay $0x3  }
0x47: {  	vm0 =	vlt.s32 v2, $0x2000;
	v3 =	vld [tilespmem:s1+$0x0]  }
0x48: {  	v4 =	vand.u32 $0xFFFFFF80, v2;
	v5 =	vsel vm0, $0x2000, v0  }
0x49: {  	v2 =	vand.u32 $0x7F, v2;
	v6 =	vadd.s32 $0x2000, v4;
	v5 =	vadd.s32 v4, v5  }
0x4a: {  	v6 =	vsel vm0, v4, v6;
	v5 =	vor.u32 v2, v5  }
0x4b: {  	v2 =	vor.u32 v2, v6;
	v4 =	vpop (erf)  }
0x4c: {  	v3 =	vmul.f32 v4, v3;
	_ =	sdelay $0x1  }
0x4d: {  	[tilespmem:s1+$0x0] =	vst v3;
	s1 =	smov.u32 s23  }
0x4e: {  	v3 =	vld.idx.msk [tilespmem:v5+s5+$0x0], $0xffff  }
0x4f: {  	v2 =	vld.idx.msk [tilespmem:v2+s5+$0x0], $0xffff;
	_ =	sdelay $0x5  }
.Ltmp0:
0x50: {  	v2 =	vadd.f32 v3, v2;
	(pc) =	sbr.rel @p1 .LBB2_2-.Ltmp0, $4  }
0x51: {  	_ = 	snop  }
0x52: {  	v3 =	vadd.f32 $9.999999820e-14, v2  }
0x53: {  	s23 =	sshra.s32 s24, $0x2  }
0x54: {  	s24 =	sadd.s32 $0x40, s24;
	v2 =	vld [tilespmem:s23+$0x2780];
	(erf) = vrcp.f32 v3  }
0x55: {  	_ =	sdelay $0x3  }
0x56: {  	v3 =	vld [tilespmem:s1+$0x0];
	vm0 =	vlt.s32 v2, $0x2000  }
0x57: {  	v4 =	vand.u32 $0xFFFFFF80, v2;
	v5 =	vsel vm0, $0x2000, v0  }
0x58: {  	v2 =	vand.u32 $0x7F, v2;
	v6 =	vadd.s32 $0x2000, v4;
	v5 =	vadd.s32 v4, v5  }
0x59: {  	v4 =	vsel vm0, v4, v6;
	v5 =	vor.u32 v2, v5  }
0x5a: {  	v2 =	vor.u32 v2, v4;
	v63 =	vpop (erf)  }
0x5b: {  	v3 =	vmul.f32 v63, v3;
	_ =	sdelay $0x1  }
0x5c: {  	[tilespmem:s1+$0x0] =	vst v3  }
0x5d: {  	v3 =	vld.idx.msk [tilespmem:v5+s5+$0x0], $0xffff  }
0x5e: {  	v2 =	vld.idx.msk [tilespmem:v2+s5+$0x0], $0xffff;
	_ =	sdelay $0x4  }
0x5f: {  	v2 =	vadd.f32 v3, v2;
	_ =	sdelay $0x1  }
0x60: {  	v2 =	vadd.f32 $9.999999820e-14, v2;
	_ =	sdelay $0x1  }
0x61: {  	(erf) = vrcp.f32 v2;
	_ =	sdelay $0x4  }
0x62: {  	v2 =	vld [tilespmem:s23+$0x0];
	_ =	sdelay $0x3  }
0x63: {  	v3 =	vpop (erf)  }
0x64: {  	v2 =	vmul.f32 v3, v2;
	_ =	sdelay $0x1  }
0x65: {  	s1 =	simm.s32 $0x0;
	[tilespmem:s23+$0x0] =	vst v2;
	s23 =	simm.s32 $0x200  }
.LBB2_4:
0x66: {  	p1 =	sne.s32 s23, $0x7E00;
	[tilespmem:s1+$0x51F0] =	vst v1  }
0x67: {  	[tilespmem:s1+$0x5180] =	vst v1  }
0x68: {  	[tilespmem:s1+$0x5190] =	vst v1  }
.Ltmp1:
0x69: {  	[tilespmem:s1+$0x51A0] =	vst v1;
	(pc) =	sbr.rel @p1 .LBB2_4-.Ltmp1, $4  }
0x6a: {  	[tilespmem:s1+$0x51B0] =	vst v1  }
0x6b: {  	[tilespmem:s1+$0x51C0] =	vst v1  }
0x6c: {  	[tilespmem:s1+$0x51D0] =	vst v1  }
0x6d: {  	[tilespmem:s1+$0x51E0] =	vst v1;
	s1 =	sshra.s32 s23, $0x2;
	s23 =	sadd.s32 $0x200, s23  }
0x6e: {  	[tilespmem:s1+$0x51F0] =	vst v1  }
0x6f: {  	[tilespmem:s1+$0x5180] =	vst v1  }
0x70: {  	[tilespmem:s1+$0x5190] =	vst v1  }
0x71: {  	[tilespmem:s1+$0x51A0] =	vst v1  }
0x72: {  	[tilespmem:s1+$0x51B0] =	vst v1  }
0x73: {  	[tilespmem:s1+$0x51C0] =	vst v1  }
0x74: {  	[tilespmem:s1+$0x51D0] =	vst v1  }
0x75: {  	[tilespmem:s1+$0x51E0] =	vst v1  }
0x76: {  	[spmem:s21] =	stream.linear.scatter [tilespmem:s5], [sflag:$0x7], $0x2000, $0x38;
	[tilespmem:$0x1EA00] =	vst v63  }
0x77: {  	_ =	swait.ge [sflag:s0], $0x2000  }
0x78: {  	[sflag:s0] =	ssyncset.done $0x0  }
0x79: {  	s30 =	rddreg [dreg:$0xb];
	[sflag:s0] =	ssyncadd.s32 $0xFFFFE000  }
0x7a: {  	[spmem:s30] =	stream.linear.scatter [tilespmem:s5], [sflag:$0x7], $0x2000, $0x38;
	[tilespmem:$0x1EA00] =	vst v63  }
0x7b: {  	_ =	swait.ge [sflag:s0], $0x2000  }
0x7c: {  	[sflag:s0] =	ssyncset.done $0x0  }
0x7d: {  	s10 =	rddreg [dreg:$0xc];
	[sflag:s0] =	ssyncadd.s32 $0xFFFFE000  }
0x7e: {  	[spmem:s10] =	stream.linear.scatter [tilespmem:s5], [sflag:$0x7], $0x2000, $0x38;
	[tilespmem:$0x1EA00] =	vst v63  }
0x7f: {  	_ =	swait.ge [sflag:s0], $0x2000  }
0x80: {  	[sflag:s0] =	ssyncset.done $0x0  }
0x81: {  	s21 =	rddreg [dreg:$0xd];
	[sflag:s0] =	ssyncadd.s32 $0xFFFFE000  }
0x82: {  	[spmem:s21] =	stream.linear.scatter [tilespmem:s5], [sflag:$0x7], $0x2000, $0x38;
	[tilespmem:$0x1EA00] =	vst v63  }
0x83: {  	_ =	swait.ge [sflag:s0], $0x2000  }
0x84: {  	[sflag:s0] =	ssyncset.done $0x0  }
0x85: {  	s23 =	rddreg [dreg:$0xe];
	[sflag:s0] =	ssyncadd.s32 $0xFFFFE000  }
0x86: {  	[spmem:s23] =	stream.linear.scatter [tilespmem:s5], [sflag:$0x7], $0x2000, $0x38;
	[tilespmem:$0x1EA00] =	vst v63  }
0x87: {  	_ =	swait.ge [sflag:s0], $0x2000  }
0x88: {  	[sflag:s0] =	ssyncset.done $0x0  }
0x89: {  	s24 =	rddreg [dreg:$0x16];
	[sflag:s0] =	ssyncadd.s32 $0xFFFFE000  }
0x8a: {  	[spmem:s24] =	stream.linear.scatter [tilespmem:s5], [sflag:$0x7], $0x2000, $0x38;
	[tilespmem:$0x1EA00] =	vst v63  }
0x8b: {  	_ =	swait.ge [sflag:s0], $0x2000  }
0x8c: {  	[sflag:s0] =	ssyncset.done $0x0  }
0x8d: {  	s26 =	rddreg [dreg:$0x17];
	[sflag:s0] =	ssyncadd.s32 $0xFFFFE000  }
0x8e: {  	[spmem:s26] =	stream.linear.scatter [tilespmem:s5], [sflag:$0x7], $0x800, $0x38;
	[tilespmem:$0x1EA00] =	vst v63  }
0x8f: {  	_ =	swait.ge [sflag:s0], $0x800  }
0x90: {  	[sflag:s0] =	ssyncset.done $0x0  }
0x91: {  	s1 =	simm.s32 @!p0 $0x5180;
	s23 =	simm.s32 @!p0 $0x7;
	[sflag:s0] =	ssyncadd.s32 $0xFFFFF800  }
0x92: {  	[spmem:s25] =	stream.linear.scatter @!p0 [tilespmem:s1], [sflag:$0x7], $0x2000, $0x38;
	[tilespmem:$0x1EA00] =	vst v63  }
0x93: {  	_ =	swait.ge @!p0 [sflag:s23], $0x2000  }
0x94: {  	[sflag:s23] =	ssyncset.done @!p0 $0x0  }
0x95: {  	s10 =	rddreg [dreg:$0x19];
	[sflag:s23] =	ssyncadd.s32 @!p0 $0xFFFFE000  }
0x96: {  	[spmem:s10] =	stream.linear.scatter @!p0 [tilespmem:s1], [sflag:$0x7], $0x2000, $0x38;
	[tilespmem:$0x1EA00] =	vst v63  }
0x97: {  	_ =	swait.ge @!p0 [sflag:s23], $0x2000  }
0x98: {  	[sflag:s23] =	ssyncset.done @!p0 $0x0  }
0x99: {  	s10 =	rddreg [dreg:$0x1a];
	[sflag:s23] =	ssyncadd.s32 @!p0 $0xFFFFE000  }
0x9a: {  	[spmem:s10] =	stream.linear.scatter @!p0 [tilespmem:s1], [sflag:$0x7], $0x2000, $0x38;
	[tilespmem:$0x1EA00] =	vst v63  }
0x9b: {  	_ =	swait.ge @!p0 [sflag:s23], $0x2000  }
0x9c: {  	[sflag:s23] =	ssyncset.done @!p0 $0x0  }
0x9d: {  	s10 =	rddreg [dreg:$0x1b];
	[sflag:s23] =	ssyncadd.s32 @!p0 $0xFFFFE000  }
0x9e: {  	[spmem:s10] =	stream.linear.scatter @!p0 [tilespmem:s1], [sflag:$0x7], $0x1800, $0x38;
	[tilespmem:$0x1EA00] =	vst v63  }
0x9f: {  	_ =	swait.ge @!p0 [sflag:s23], $0x1800  }
0xa0: {  	[sflag:s23] =	ssyncset.done @!p0 $0x0  }
0xa1: {  	[sflag:s23] =	ssyncadd.s32 @!p0 $0xFFFFE800  }
0xa2: {  	[bflag:$0x0] =	sbarrier.arrive $0xFFFF  }
0xa3: {  	s23 =	simm.s32 $0x0;
	s28 =	rddreg [dreg:$0xf]  }
0xa4: {  	[tilespmem:s5], [sflag:$0x1] =	stream.linear.gather [hbm4b:s28+s23], $0x2000, $0x38;
	[tilespmem:$0x1EA00] =	vst v63  }
0xa5: {  	s29 =	rddreg [dreg:$0x10]  }
0xa6: {  	[tilespmem:s7], [sflag:$0x2] =	stream.linear.gather [hbm4b:s29+s23], $0x2000, $0x38;
	[tilespmem:$0x1EA00] =	vst v63  }
0xa7: {  	s31 =	simm.s32 $0x80;
	s25 =	simm.s32 $0x0;
	s30 =	rddreg [dreg:$0x12]  }
0xa8: {  	[tilespmem:s6], [sflag:$0x3] =	stream.linear.gather [hbm4b:s30+s23], $0x2000, $0x38;
	[tilespmem:$0x1EA00] =	vst v63  }
.LBB2_6:
0xa9: {  	_ =	swait.ge [sflag:s8], $0x2000  }
0xaa: {  	s26 =	smul.u32 $0xC0, s25;
	[sflag:s8] =	ssyncset.done $0x0  }
0xab: {  	[sflag:s8] =	ssyncadd.s32 $0xFFFFE000  }
0xac: {  	v2 =	vld [tilespmem:s26+$0x2780];
	_ =	sdelay $0x4  }
0xad: {  	[tilespmem:$0x4F00] =	vst v2  }
0xae: {  	v2 =	vld [tilespmem:s26+$0x2790];
	_ =	sdelay $0x4  }
0xaf: {  	[tilespmem:$0x4F10] =	vst v2  }
0xb0: {  	v2 =	vld [tilespmem:s26+$0x27A0];
	_ =	sdelay $0x3  }
0xb1: {  	s1 =	sadd.s32 $0x0, s23  }
0xb2: {  	[tilespmem:$0x4F20] =	vst v2;
	v2 =	vmov s1  }
0xb3: {  	v3 =	vld [tilespmem:s26+$0x27B0];
	v2 =	vand.u32 $0xFFFFFFFC, v2  }
0xb4: {  	v2 =	vbroadcast v2, $0x0;
	_ =	sdelay $0x3  }
0xb5: {  	s28 =	simm.s32 $0x5280;
	[tilespmem:$0x4F30] =	vst v3  }
0xb6: {  	v3 =	vld [tilespmem:s28+$0xFFFFFF70]  }
0xb7: {  	v2 =	vld.idx.msk [tilespmem:v2+s3+$0x0], $0xffff  }
0xb8: {  	v4 =	vld [tilespmem:s28+$0xFFFFFF00]  }
0xb9: {  	v5 =	vld [tilespmem:s28+$0xFFFFFF20]  }
0xba: {  	v6 =	vld [tilespmem:s28+$0xFFFFFF50]  }
0xbb: {  	v7 =	vld [tilespmem:s28+$0xFFFFFF40]  }
0xbc: {  	v8 =	vld [tilespmem:s28+$0xFFFFFF60];
	v3 =	vmul.f32 v3, v2  }
0xbd: {  	s24 =	sadd.s32 $0x1, s1;
	v9 =	vld [tilespmem:s28+$0xFFFFFF30];
	v4 =	vmul.f32 v4, v2  }
0xbe: {  	v10 =	vmov s24;
	v11 =	vld [tilespmem:s28+$0xFFFFFF10];
	v5 =	vmul.f32 v5, v2;
	[tilespmem:s28+$0xFFFFFF70] =	vst v3  }
0xbf: {  	v6 =	vmul.f32 v6, v2;
	v3 =	vand.u32 $0xFFFFFFFD, v10;
	[tilespmem:s28+$0xFFFFFF00] =	vst v4  }
0xc0: {  	v4 =	vmul.f32 v7, v2;
	[tilespmem:s28+$0xFFFFFF20] =	vst v5;
	v3 =	vbroadcast v3, $0x0  }
0xc1: {  	v5 =	vmul.f32 v8, v2;
	[tilespmem:s28+$0xFFFFFF50] =	vst v6  }
0xc2: {  	v6 =	vmul.f32 v9, v2;
	[tilespmem:s28+$0xFFFFFF40] =	vst v4  }
0xc3: {  	v2 =	vmul.f32 v11, v2;
	[tilespmem:s28+$0xFFFFFF60] =	vst v5  }
0xc4: {  	[tilespmem:s28+$0xFFFFFF30] =	vst v6  }
0xc5: {  	[tilespmem:s28+$0xFFFFFF10] =	vst v2;
	v2 =	vld [tilespmem:s28+$0xFFFFFF90]  }
0xc6: {  	v4 =	vld.idx.msk [tilespmem:v3+s3+$0x0], $0xffff  }
0xc7: {  	v3 =	vld [tilespmem:s28+$0xFFFFFFA0]  }
0xc8: {  	v5 =	vld [tilespmem:s28+$0xFFFFFF80]  }
0xc9: {  	v6 =	vld [tilespmem:s28+$0xFFFFFFB0]  }
0xca: {  	v7 =	vld [tilespmem:s28+$0xFFFFFFC0]  }
0xcb: {  	v8 =	vld [tilespmem:s28+$0xFFFFFFD0];
	v2 =	vmul.f32 v2, v4  }
0xcc: {  	s29 =	sadd.s32 $0x2, s1;
	v9 =	vld [tilespmem:s28+$0xFFFFFFF0];
	v3 =	vmul.f32 v3, v4  }
0xcd: {  	v10 =	vmov s29;
	v11 =	vld [tilespmem:s28+$0xFFFFFFE0];
	v5 =	vmul.f32 v5, v4;
	[tilespmem:s28+$0xFFFFFF90] =	vst v2  }
0xce: {  	v6 =	vmul.f32 v6, v4;
	v2 =	vand.u32 $0xFFFFFFFE, v10;
	[tilespmem:s28+$0xFFFFFFA0] =	vst v3  }
0xcf: {  	v3 =	vmul.f32 v7, v4;
	[tilespmem:s28+$0xFFFFFF80] =	vst v5;
	v7 =	vld [tilespmem:s28+$0x60];
	v10 =	vbroadcast v2, $0x0  }
0xd0: {  	v5 =	vmul.f32 v8, v4;
	[tilespmem:s28+$0xFFFFFFB0] =	vst v6;
	v8 =	vld [tilespmem:s28+$0x0]  }
0xd1: {  	v6 =	vmul.f32 v9, v4;
	v2 =	vld [tilespmem:s28+$0x20];
	[tilespmem:s28+$0xFFFFFFC0] =	vst v3  }
0xd2: {  	v4 =	vmul.f32 v11, v4;
	v3 =	vld [tilespmem:s28+$0x30];
	[tilespmem:s28+$0xFFFFFFD0] =	vst v5  }
0xd3: {  	[tilespmem:s28+$0xFFFFFFF0] =	vst v6;
	v5 =	vld [tilespmem:s28+$0x40]  }
0xd4: {  	[tilespmem:s28+$0xFFFFFFE0] =	vst v4;
	v6 =	vld [tilespmem:s28+$0x10]  }
0xd5: {  	s30 =	simm.s32 $0x4;
	s24 =	simm.s32 $0x5280;
	s1 =	sadd.s32 $0x3, s1;
	v4 =	vld.idx.msk [tilespmem:v10+s3+$0x0], $0xffff  }
.LBB2_7:
0xd6: {  	p1 =	sne.s32 s30, $0x3C  }
0xd7: {  	v9 =	vld [tilespmem:s28+$0x50];
	s24 =	sadd.s32 $0x200, s24;
	s21 =	smov.u32 s30;
	s30 =	sadd.s32 $0x4, s30  }
0xd8: {  	v10 =	vld [tilespmem:s28+$0x70];
	_ =	sdelay $0x1  }
0xd9: {  	v7 =	vmul.f32 v7, v4;
	v8 =	vmul.f32 v8, v4  }
0xda: {  	v5 =	vmul.f32 v5, v4;
	v6 =	vmul.f32 v6, v4  }
0xdb: {  	v2 =	vmul.f32 v2, v4;
	v3 =	vmul.f32 v3, v4;
	[tilespmem:s28+$0x60] =	vst v7  }
0xdc: {  	[tilespmem:s28+$0x40] =	vst v5;
	v5 =	vmul.f32 v9, v4;
	v4 =	vmul.f32 v10, v4  }
0xdd: {  	[tilespmem:s28+$0x20] =	vst v2;
	v7 =	vld [tilespmem:s28+$0x80]  }
0xde: {  	v2 =	vld [tilespmem:s24+$0x20];
	[tilespmem:s28+$0x0] =	vst v8;
	v8 =	vmov s1  }
0xdf: {  	[tilespmem:s28+$0x50] =	vst v5;
	v5 =	vld [tilespmem:s28+$0xE0]  }
0xe0: {  	[tilespmem:s28+$0x30] =	vst v3;
	v9 =	vld [tilespmem:s28+$0xC0]  }
0xe1: {  	v3 =	vld [tilespmem:s24+$0x30];
	[tilespmem:s28+$0x10] =	vst v6  }
0xe2: {  	[tilespmem:s28+$0x70] =	vst v4;
	v4 =	vld [tilespmem:s28+$0xA0]  }
0xe3: {  	v6 =	vld.idx.msk [tilespmem:v8+s3+$0x0], $0xffff  }
0xe4: {  	v8 =	vld [tilespmem:s28+$0x90]  }
0xe5: {  	v10 =	vld [tilespmem:s28+$0xB0]  }
0xe6: {  	v11 =	vld [tilespmem:s28+$0xD0]  }
0xe7: {  	v12 =	vld [tilespmem:s28+$0xF0];
	_ =	sdelay $0x1  }
0xe8: {  	v7 =	vmul.f32 v7, v6;
	v8 =	vmul.f32 v8, v6  }
0xe9: {  	s1 =	sadd.s32 s21, s23;
	v4 =	vmul.f32 v4, v6;
	v10 =	vmul.f32 v10, v6  }
0xea: {  	v13 =	vmov s1;
	s21 =	sadd.s32 $0x1, s1;
	s29 =	sadd.s32 $0x2, s1;
	s1 =	sadd.s32 $0x3, s1;
	[tilespmem:s28+$0x80] =	vst v7;
	v7 =	vmul.f32 v9, v6;
	v9 =	vmul.f32 v11, v6  }
0xeb: {  	v11 =	vand.u32 $0xFFFFFFFC, v13;
	[tilespmem:s28+$0xA0] =	vst v4;
	v4 =	vmul.f32 v5, v6;
	v5 =	vmul.f32 v12, v6  }
0xec: {  	v6 =	vbroadcast v11, $0x0;
	v11 =	vmov s21;
	v12 =	vmov s29;
	[tilespmem:s28+$0xC0] =	vst v7  }
0xed: {  	v7 =	vand.u32 $0xFFFFFFFD, v11;
	v11 =	vand.u32 $0xFFFFFFFE, v12;
	[tilespmem:s28+$0xF0] =	vst v5  }
0xee: {  	v5 =	vld [tilespmem:s24+$0xFFFFFF40];
	[tilespmem:s28+$0xE0] =	vst v4  }
0xef: {  	v4 =	vld [tilespmem:s24+$0xFFFFFF50];
	[tilespmem:s28+$0x90] =	vst v8  }
0xf0: {  	v8 =	vld [tilespmem:s24+$0xFFFFFF60];
	[tilespmem:s28+$0xB0] =	vst v10  }
0xf1: {  	v10 =	vld [tilespmem:s24+$0xFFFFFF70];
	[tilespmem:s28+$0xD0] =	vst v9;
	s28 =	smov.u32 s24  }
0xf2: {  	v6 =	vld.idx.msk [tilespmem:v6+s3+$0x0], $0xffff  }
0xf3: {  	v9 =	vld [tilespmem:s24+$0xFFFFFF00]  }
0xf4: {  	v12 =	vld [tilespmem:s24+$0xFFFFFF20]  }
0xf5: {  	v13 =	vld [tilespmem:s24+$0xFFFFFF10]  }
0xf6: {  	v14 =	vld [tilespmem:s24+$0xFFFFFF30];
	_ =	sdelay $0x1  }
0xf7: {  	v10 =	vmul.f32 v10, v6;
	v9 =	vmul.f32 v9, v6  }
0xf8: {  	v8 =	vmul.f32 v8, v6;
	v12 =	vmul.f32 v12, v6  }
0xf9: {  	v4 =	vmul.f32 v4, v6;
	v13 =	vmul.f32 v13, v6;
	[tilespmem:s24+$0xFFFFFF70] =	vst v10  }
0xfa: {  	v5 =	vmul.f32 v5, v6;
	[tilespmem:s24+$0xFFFFFF00] =	vst v9;
	v9 =	vmul.f32 v14, v6  }
0xfb: {  	v6 =	vbroadcast v7, $0x0;
	[tilespmem:s24+$0xFFFFFF20] =	vst v12  }
0xfc: {  	[tilespmem:s24+$0xFFFFFF50] =	vst v4  }
0xfd: {  	[tilespmem:s24+$0xFFFFFF40] =	vst v5;
	v4 =	vld [tilespmem:s24+$0xFFFFFFF0]  }
0xfe: {  	[tilespmem:s24+$0xFFFFFF60] =	vst v8;
	v5 =	vld [tilespmem:s24+$0xFFFFFFC0]  }
0xff: {  	[tilespmem:s24+$0xFFFFFF30] =	vst v9;
	v7 =	vld [tilespmem:s24+$0xFFFFFFD0]  }
0x100: {  	[tilespmem:s24+$0xFFFFFF10] =	vst v13;
	v8 =	vld [tilespmem:s24+$0xFFFFFF90]  }
0x101: {  	v6 =	vld.idx.msk [tilespmem:v6+s3+$0x0], $0xffff  }
0x102: {  	v9 =	vld [tilespmem:s24+$0xFFFFFF80]  }
0x103: {  	v10 =	vld [tilespmem:s24+$0xFFFFFFA0]  }
0x104: {  	v12 =	vld [tilespmem:s24+$0xFFFFFFB0]  }
0x105: {  	v13 =	vld [tilespmem:s24+$0xFFFFFFE0];
	_ =	sdelay $0x1  }
0x106: {  	v8 =	vmul.f32 v8, v6;
	v9 =	vmul.f32 v9, v6  }
0x107: {  	v7 =	vmul.f32 v7, v6;
	v10 =	vmul.f32 v10, v6  }
0x108: {  	v5 =	vmul.f32 v5, v6;
	[tilespmem:s24+$0xFFFFFF90] =	vst v8;
	v8 =	vmul.f32 v12, v6  }
0x109: {  	v4 =	vmul.f32 v4, v6;
	[tilespmem:s24+$0xFFFFFFA0] =	vst v10;
	v10 =	vmul.f32 v13, v6  }
0x10a: {  	v6 =	vbroadcast v11, $0x0;
	[tilespmem:s24+$0xFFFFFF80] =	vst v9  }
0x10b: {  	[tilespmem:s24+$0xFFFFFFB0] =	vst v8  }
0x10c: {  	[tilespmem:s24+$0xFFFFFFC0] =	vst v5  }
0x10d: {  	[tilespmem:s24+$0xFFFFFFD0] =	vst v7  }
.Ltmp2:
0x10e: {  	[tilespmem:s24+$0xFFFFFFF0] =	vst v4;
	v5 =	vld [tilespmem:s24+$0x40];
	(pc) =	sbr.rel @p1 .LBB2_7-.Ltmp2, $4  }
0x10f: {  	[tilespmem:s24+$0xFFFFFFE0] =	vst v10;
	v7 =	vld [tilespmem:s24+$0x60]  }
0x110: {  	v4 =	vld.idx.msk [tilespmem:v6+s3+$0x0], $0xffff  }
0x111: {  	v8 =	vld [tilespmem:s24+$0x0]  }
0x112: {  	v6 =	vld [tilespmem:s24+$0x10]  }
0x113: {  	_ =	sdelay $0x1  }
0x114: {  	v7 =	vmul.f32 v7, v4  }
0x115: {  	v9 =	vld [tilespmem:s28+$0x50];
	v5 =	vmul.f32 v5, v4  }
0x116: {  	v10 =	vld [tilespmem:s28+$0x70];
	v2 =	vmul.f32 v2, v4;
	[tilespmem:s28+$0x60] =	vst v7  }
0x117: {  	v7 =	vmul.f32 v8, v4;
	[tilespmem:s28+$0x40] =	vst v5  }
0x118: {  	[tilespmem:s28+$0x20] =	vst v2;
	v2 =	vmul.f32 v3, v4  }
0x119: {  	v6 =	vmul.f32 v6, v4;
	[tilespmem:s28+$0x0] =	vst v7;
	v7 =	vmov s1  }
0x11a: {  	v5 =	vmul.f32 v9, v4;
	[tilespmem:s28+$0x30] =	vst v2  }
0x11b: {  	v4 =	vmul.f32 v10, v4;
	[tilespmem:s28+$0x10] =	vst v6  }
0x11c: {  	[tilespmem:s28+$0x50] =	vst v5  }
0x11d: {  	v3 =	vld [tilespmem:s28+$0x80];
	[tilespmem:s28+$0x70] =	vst v4  }
0x11e: {  	v2 =	vld.idx.msk [tilespmem:v7+s3+$0x0], $0xffff  }
0x11f: {  	v4 =	vld [tilespmem:s28+$0xA0]  }
0x120: {  	v5 =	vld [tilespmem:s28+$0xC0]  }
0x121: {  	v6 =	vld [tilespmem:s28+$0xF0]  }
0x122: {  	v7 =	vld [tilespmem:s28+$0xE0]  }
0x123: {  	v8 =	vld [tilespmem:s28+$0x90];
	v3 =	vmul.f32 v3, v2  }
0x124: {  	v9 =	vld [tilespmem:s28+$0xB0];
	v4 =	vmul.f32 v4, v2  }
0x125: {  	v10 =	vld [tilespmem:s28+$0xD0];
	[tilespmem:s28+$0x80] =	vst v3;
	v3 =	vmul.f32 v5, v2  }
0x126: {  	[tilespmem:s28+$0xA0] =	vst v4;
	v4 =	vmul.f32 v6, v2  }
0x127: {  	v5 =	vmul.f32 v7, v2;
	[tilespmem:s28+$0xC0] =	vst v3  }
0x128: {  	v3 =	vmul.f32 v8, v2;
	[tilespmem:s28+$0xF0] =	vst v4  }
0x129: {  	v4 =	vmul.f32 v9, v2;
	[tilespmem:s28+$0xE0] =	vst v5  }
0x12a: {  	v2 =	vmul.f32 v10, v2;
	[tilespmem:s28+$0x90] =	vst v3  }
0x12b: {  	p1 =	seq.s32 s25, $0x0;
	[tilespmem:s28+$0xB0] =	vst v4  }
0x12c: {  	s21 =	smul.u32 @!p1 $0x6000, s25;
	s1 =	simm.s32 @!p1 $0x6;
	[tilespmem:s28+$0xD0] =	vst v2  }
0x12d: {  	[spmem:s2] =	stream.indirect.scatter.add.f32 [tilespmem:s5], [sflag:$0x4], $0x80, s11, s9, $0xb8;
	[tilespmem:$0x1EA00] =	vst v63  }
0x12e: {  	_ =	swait.ge @!p1 [sflag:s1], $0x2000  }
0x12f: {  	s21 =	sadd.s32 @!p1 s21, s16;
	[sflag:s1] =	ssyncset.done @!p1 $0x0  }
0x130: {  	[sflag:s1] =	ssyncadd.s32 @!p1 $0xFFFFE000;
	s1 =	sshrl.u32 @!p1 s21, $0x3  }
0x131: {  	s24 =	simm.s32 @!p1 $0x9180;
	s21 =	simm.s32 @!p1 $0x0;
	s1 =	sadd.s32 @!p1 s4, s1  }
0x132: {  	[tilespmem:s24], [sflag:$0x3] =	stream.linear.gather @!p1 [hbm4b:s1+s21], $0x2000, $0x38;
	[tilespmem:$0x1EA00] =	vst v63  }
0x133: {  	_ =	swait.ge [sflag:s12], $0x2000  }
0x134: {  	[sflag:s12] =	ssyncset.done $0x0  }
0x135: {  	[sflag:s12] =	ssyncadd.s32 $0xFFFFE000  }
0x136: {  	v2 =	vld [tilespmem:s26+$0x27C0];
	_ =	sdelay $0x4  }
0x137: {  	[tilespmem:$0x4F80] =	vst v2  }
0x138: {  	v2 =	vld [tilespmem:s26+$0x27D0];
	_ =	sdelay $0x4  }
0x139: {  	[tilespmem:$0x4F90] =	vst v2  }
0x13a: {  	v2 =	vld [tilespmem:s26+$0x27E0];
	_ =	sdelay $0x2  }
0x13b: {  	s1 =	sadd.s32 $0xFFFFFFC0, s23  }
0x13c: {  	s10 =	sadd.s32 $0x80, s1  }
0x13d: {  	[tilespmem:$0x4FA0] =	vst v2;
	v2 =	vmov s10  }
0x13e: {  	v3 =	vld [tilespmem:s26+$0x27F0];
	v2 =	vand.u32 $0xFFFFFFFC, v2  }
0x13f: {  	v2 =	vbroadcast v2, $0x0;
	_ =	sdelay $0x3  }
0x140: {  	s28 =	simm.s32 $0x7370;
	[tilespmem:$0x4FB0] =	vst v3  }
0x141: {  	v3 =	vld [tilespmem:s28+$0xFFFFFE80]  }
0x142: {  	v2 =	vld.idx.msk [tilespmem:v2+s3+$0x0], $0xffff  }
0x143: {  	v4 =	vld [tilespmem:s28+$0xFFFFFE10]  }
0x144: {  	v5 =	vld [tilespmem:s28+$0xFFFFFE30]  }
0x145: {  	v6 =	vld [tilespmem:s28+$0xFFFFFE60]  }
0x146: {  	v7 =	vld [tilespmem:s28+$0xFFFFFE50]  }
0x147: {  	v8 =	vld [tilespmem:s28+$0xFFFFFE70];
	v3 =	vmul.f32 v3, v2  }
0x148: {  	s24 =	sadd.s32 $0x81, s1;
	v9 =	vld [tilespmem:s28+$0xFFFFFE40];
	v4 =	vmul.f32 v4, v2  }
0x149: {  	v10 =	vmov s24;
	v11 =	vld [tilespmem:s28+$0xFFFFFE20];
	v5 =	vmul.f32 v5, v2;
	[tilespmem:s28+$0xFFFFFE80] =	vst v3  }
0x14a: {  	v6 =	vmul.f32 v6, v2;
	v3 =	vand.u32 $0xFFFFFFFD, v10;
	[tilespmem:s28+$0xFFFFFE10] =	vst v4  }
0x14b: {  	v4 =	vmul.f32 v7, v2;
	[tilespmem:s28+$0xFFFFFE30] =	vst v5;
	v3 =	vbroadcast v3, $0x0  }
0x14c: {  	v5 =	vmul.f32 v8, v2;
	[tilespmem:s28+$0xFFFFFE60] =	vst v6  }
0x14d: {  	v6 =	vmul.f32 v9, v2;
	[tilespmem:s28+$0xFFFFFE50] =	vst v4  }
0x14e: {  	v2 =	vmul.f32 v11, v2;
	[tilespmem:s28+$0xFFFFFE70] =	vst v5  }
0x14f: {  	[tilespmem:s28+$0xFFFFFE40] =	vst v6  }
0x150: {  	[tilespmem:s28+$0xFFFFFE20] =	vst v2;
	v2 =	vld [tilespmem:s28+$0xFFFFFEA0]  }
0x151: {  	v4 =	vld.idx.msk [tilespmem:v3+s3+$0x0], $0xffff  }
0x152: {  	v3 =	vld [tilespmem:s28+$0xFFFFFEB0]  }
0x153: {  	v5 =	vld [tilespmem:s28+$0xFFFFFE90]  }
0x154: {  	v6 =	vld [tilespmem:s28+$0xFFFFFEC0]  }
0x155: {  	v7 =	vld [tilespmem:s28+$0xFFFFFED0]  }
0x156: {  	v8 =	vld [tilespmem:s28+$0xFFFFFEE0];
	v2 =	vmul.f32 v2, v4  }
0x157: {  	s29 =	sadd.s32 $0x82, s1;
	v9 =	vld [tilespmem:s28+$0xFFFFFF00];
	v3 =	vmul.f32 v3, v4  }
0x158: {  	v10 =	vmov s29;
	v11 =	vld [tilespmem:s28+$0xFFFFFEF0];
	v5 =	vmul.f32 v5, v4;
	[tilespmem:s28+$0xFFFFFEA0] =	vst v2  }
0x159: {  	v6 =	vmul.f32 v6, v4;
	v2 =	vand.u32 $0xFFFFFFFE, v10;
	[tilespmem:s28+$0xFFFFFEB0] =	vst v3  }
0x15a: {  	v3 =	vmul.f32 v7, v4;
	[tilespmem:s28+$0xFFFFFE90] =	vst v5;
	v7 =	vld [tilespmem:s28+$0xFFFFFF70];
	v10 =	vbroadcast v2, $0x0  }
0x15b: {  	v5 =	vmul.f32 v8, v4;
	[tilespmem:s28+$0xFFFFFEC0] =	vst v6;
	v8 =	vld [tilespmem:s28+$0xFFFFFF10]  }
0x15c: {  	v6 =	vmul.f32 v9, v4;
	v2 =	vld [tilespmem:s28+$0xFFFFFF30];
	[tilespmem:s28+$0xFFFFFED0] =	vst v3  }
0x15d: {  	v4 =	vmul.f32 v11, v4;
	v3 =	vld [tilespmem:s28+$0xFFFFFF40];
	[tilespmem:s28+$0xFFFFFEE0] =	vst v5  }
0x15e: {  	[tilespmem:s28+$0xFFFFFF00] =	vst v6;
	v5 =	vld [tilespmem:s28+$0xFFFFFF50]  }
0x15f: {  	[tilespmem:s28+$0xFFFFFEF0] =	vst v4;
	v6 =	vld [tilespmem:s28+$0xFFFFFF20]  }
0x160: {  	s30 =	simm.s32 $0xFFFFFFC4;
	s1 =	sadd.s32 $0x83, s1;
	s24 =	simm.s32 $0x7370;
	v4 =	vld.idx.msk [tilespmem:v10+s3+$0x0], $0xffff  }
.LBB2_9:
0x161: {  	p1 =	sne.s32 s30, $0xFFFFFFFC  }
0x162: {  	v9 =	vld [tilespmem:s28+$0xFFFFFF60];
	s24 =	sadd.s32 $0x200, s24;
	s21 =	smov.u32 s30;
	s30 =	sadd.s32 $0x4, s30  }
0x163: {  	v10 =	vld [tilespmem:s28+$0xFFFFFF80];
	_ =	sdelay $0x1  }
0x164: {  	v7 =	vmul.f32 v7, v4;
	v8 =	vmul.f32 v8, v4  }
0x165: {  	v5 =	vmul.f32 v5, v4;
	v6 =	vmul.f32 v6, v4  }
0x166: {  	v2 =	vmul.f32 v2, v4;
	v3 =	vmul.f32 v3, v4;
	[tilespmem:s28+$0xFFFFFF70] =	vst v7  }
0x167: {  	[tilespmem:s28+$0xFFFFFF50] =	vst v5;
	v5 =	vmul.f32 v9, v4;
	v4 =	vmul.f32 v10, v4  }
0x168: {  	[tilespmem:s28+$0xFFFFFF30] =	vst v2;
	v7 =	vld [tilespmem:s28+$0xFFFFFFF0]  }
0x169: {  	v2 =	vld [tilespmem:s24+$0xFFFFFF30];
	[tilespmem:s28+$0xFFFFFF10] =	vst v8;
	v8 =	vmov s1  }
0x16a: {  	[tilespmem:s28+$0xFFFFFF60] =	vst v5;
	v5 =	vld [tilespmem:s28+$0xFFFFFF90]  }
0x16b: {  	[tilespmem:s28+$0xFFFFFF40] =	vst v3;
	v9 =	vld [tilespmem:s28+$0xFFFFFFD0]  }
0x16c: {  	v3 =	vld [tilespmem:s24+$0xFFFFFF40];
	[tilespmem:s28+$0xFFFFFF20] =	vst v6  }
0x16d: {  	[tilespmem:s28+$0xFFFFFF80] =	vst v4;
	v4 =	vld [tilespmem:s28+$0xFFFFFFB0]  }
0x16e: {  	v6 =	vld.idx.msk [tilespmem:v8+s3+$0x0], $0xffff  }
0x16f: {  	v8 =	vld [tilespmem:s28+$0xFFFFFFA0]  }
0x170: {  	v10 =	vld [tilespmem:s28+$0xFFFFFFC0]  }
0x171: {  	v11 =	vld [tilespmem:s28+$0xFFFFFFE0]  }
0x172: {  	v12 =	vld [tilespmem:s28+$0x0];
	_ =	sdelay $0x1  }
0x173: {  	s1 =	sadd.s32 s21, s23;
	v5 =	vmul.f32 v5, v6;
	v8 =	vmul.f32 v8, v6  }
0x174: {  	s21 =	sadd.s32 $0x80, s1;
	s29 =	sadd.s32 $0x81, s1;
	s10 =	sadd.s32 $0x82, s1;
	v4 =	vmul.f32 v4, v6;
	v10 =	vmul.f32 v10, v6  }
0x175: {  	s1 =	sadd.s32 $0x83, s1;
	v13 =	vmov s21;
	[tilespmem:s28+$0xFFFFFF90] =	vst v5;
	v5 =	vmul.f32 v9, v6;
	v9 =	vmul.f32 v11, v6  }
0x176: {  	v11 =	vand.u32 $0xFFFFFFFC, v13;
	[tilespmem:s28+$0xFFFFFFB0] =	vst v4;
	v4 =	vmul.f32 v7, v6;
	v6 =	vmul.f32 v12, v6  }
0x177: {  	v7 =	vbroadcast v11, $0x0;
	v11 =	vmov s29;
	v12 =	vmov s10;
	[tilespmem:s28+$0xFFFFFFD0] =	vst v5  }
0x178: {  	v5 =	vand.u32 $0xFFFFFFFD, v11;
	v11 =	vand.u32 $0xFFFFFFFE, v12;
	[tilespmem:s28+$0x0] =	vst v6  }
0x179: {  	v6 =	vld [tilespmem:s24+$0xFFFFFE50];
	[tilespmem:s28+$0xFFFFFFF0] =	vst v4  }
0x17a: {  	v4 =	vld [tilespmem:s24+$0xFFFFFE60];
	[tilespmem:s28+$0xFFFFFFA0] =	vst v8  }
0x17b: {  	v8 =	vld [tilespmem:s24+$0xFFFFFE70];
	[tilespmem:s28+$0xFFFFFFC0] =	vst v10  }
0x17c: {  	v10 =	vld [tilespmem:s24+$0xFFFFFE80];
	[tilespmem:s28+$0xFFFFFFE0] =	vst v9;
	s28 =	smov.u32 s24  }
0x17d: {  	v7 =	vld.idx.msk [tilespmem:v7+s3+$0x0], $0xffff  }
0x17e: {  	v9 =	vld [tilespmem:s24+$0xFFFFFE10]  }
0x17f: {  	v12 =	vld [tilespmem:s24+$0xFFFFFE30]  }
0x180: {  	v13 =	vld [tilespmem:s24+$0xFFFFFE20]  }
0x181: {  	v14 =	vld [tilespmem:s24+$0xFFFFFE40];
	_ =	sdelay $0x1  }
0x182: {  	v10 =	vmul.f32 v10, v7;
	v9 =	vmul.f32 v9, v7  }
0x183: {  	v8 =	vmul.f32 v8, v7;
	v12 =	vmul.f32 v12, v7  }
0x184: {  	v4 =	vmul.f32 v4, v7;
	v13 =	vmul.f32 v13, v7;
	[tilespmem:s24+$0xFFFFFE80] =	vst v10  }
0x185: {  	v6 =	vmul.f32 v6, v7;
	[tilespmem:s24+$0xFFFFFE10] =	vst v9;
	v9 =	vmul.f32 v14, v7  }
0x186: {  	v5 =	vbroadcast v5, $0x0;
	[tilespmem:s24+$0xFFFFFE30] =	vst v12  }
0x187: {  	[tilespmem:s24+$0xFFFFFE60] =	vst v4  }
0x188: {  	[tilespmem:s24+$0xFFFFFE50] =	vst v6;
	v4 =	vld [tilespmem:s24+$0xFFFFFF00]  }
0x189: {  	[tilespmem:s24+$0xFFFFFE70] =	vst v8;
	v6 =	vld [tilespmem:s24+$0xFFFFFED0]  }
0x18a: {  	[tilespmem:s24+$0xFFFFFE40] =	vst v9;
	v7 =	vld [tilespmem:s24+$0xFFFFFEE0]  }
0x18b: {  	[tilespmem:s24+$0xFFFFFE20] =	vst v13;
	v8 =	vld [tilespmem:s24+$0xFFFFFEA0]  }
0x18c: {  	v5 =	vld.idx.msk [tilespmem:v5+s3+$0x0], $0xffff  }
0x18d: {  	v9 =	vld [tilespmem:s24+$0xFFFFFE90]  }
0x18e: {  	v10 =	vld [tilespmem:s24+$0xFFFFFEB0]  }
0x18f: {  	v12 =	vld [tilespmem:s24+$0xFFFFFEC0]  }
0x190: {  	v13 =	vld [tilespmem:s24+$0xFFFFFEF0];
	_ =	sdelay $0x1  }
0x191: {  	v8 =	vmul.f32 v8, v5;
	v9 =	vmul.f32 v9, v5  }
0x192: {  	v7 =	vmul.f32 v7, v5;
	v10 =	vmul.f32 v10, v5  }
0x193: {  	v6 =	vmul.f32 v6, v5;
	[tilespmem:s24+$0xFFFFFEA0] =	vst v8;
	v8 =	vmul.f32 v12, v5  }
0x194: {  	v4 =	vmul.f32 v4, v5;
	[tilespmem:s24+$0xFFFFFEB0] =	vst v10;
	v10 =	vmul.f32 v13, v5  }
0x195: {  	[tilespmem:s24+$0xFFFFFE90] =	vst v9;
	v9 =	vbroadcast v11, $0x0  }
0x196: {  	[tilespmem:s24+$0xFFFFFEC0] =	vst v8  }
0x197: {  	[tilespmem:s24+$0xFFFFFED0] =	vst v6  }
0x198: {  	[tilespmem:s24+$0xFFFFFEE0] =	vst v7  }
.Ltmp3:
0x199: {  	[tilespmem:s24+$0xFFFFFF00] =	vst v4;
	v5 =	vld [tilespmem:s24+$0xFFFFFF50];
	(pc) =	sbr.rel @p1 .LBB2_9-.Ltmp3, $4  }
0x19a: {  	[tilespmem:s24+$0xFFFFFEF0] =	vst v10;
	v7 =	vld [tilespmem:s24+$0xFFFFFF70]  }
0x19b: {  	v4 =	vld.idx.msk [tilespmem:v9+s3+$0x0], $0xffff  }
0x19c: {  	v8 =	vld [tilespmem:s24+$0xFFFFFF10]  }
0x19d: {  	v6 =	vld [tilespmem:s24+$0xFFFFFF20]  }
0x19e: {  	_ =	sdelay $0x1  }
0x19f: {  	v7 =	vmul.f32 v7, v4  }
0x1a0: {  	v9 =	vld [tilespmem:s28+$0xFFFFFF60];
	v5 =	vmul.f32 v5, v4  }
0x1a1: {  	v10 =	vld [tilespmem:s28+$0xFFFFFF80];
	v2 =	vmul.f32 v2, v4;
	[tilespmem:s28+$0xFFFFFF70] =	vst v7  }
0x1a2: {  	v7 =	vmul.f32 v8, v4;
	[tilespmem:s28+$0xFFFFFF50] =	vst v5  }
0x1a3: {  	[tilespmem:s28+$0xFFFFFF30] =	vst v2;
	v2 =	vmul.f32 v3, v4  }
0x1a4: {  	v3 =	vmov s1;
	v6 =	vmul.f32 v6, v4;
	[tilespmem:s28+$0xFFFFFF10] =	vst v7  }
0x1a5: {  	v5 =	vmul.f32 v9, v4;
	[tilespmem:s28+$0xFFFFFF40] =	vst v2  }
0x1a6: {  	v4 =	vmul.f32 v10, v4;
	[tilespmem:s28+$0xFFFFFF20] =	vst v6  }
0x1a7: {  	[tilespmem:s28+$0xFFFFFF60] =	vst v5  }
0x1a8: {  	v2 =	vld [tilespmem:s28+$0xFFFFFF90];
	[tilespmem:s28+$0xFFFFFF80] =	vst v4  }
0x1a9: {  	v3 =	vld.idx.msk [tilespmem:v3+s3+$0x0], $0xffff  }
0x1aa: {  	v4 =	vld [tilespmem:s28+$0xFFFFFFB0]  }
0x1ab: {  	v5 =	vld [tilespmem:s28+$0xFFFFFFD0]  }
0x1ac: {  	v6 =	vld [tilespmem:s28+$0x0]  }
0x1ad: {  	v7 =	vld [tilespmem:s28+$0xFFFFFFF0]  }
0x1ae: {  	v8 =	vld [tilespmem:s28+$0xFFFFFFA0];
	v2 =	vmul.f32 v2, v3  }
0x1af: {  	v55 =	vld [tilespmem:s28+$0xFFFFFFC0];
	v4 =	vmul.f32 v4, v3  }
0x1b0: {  	v56 =	vld [tilespmem:s28+$0xFFFFFFE0];
	[tilespmem:s28+$0xFFFFFF90] =	vst v2;
	v2 =	vmul.f32 v5, v3  }
0x1b1: {  	[tilespmem:s28+$0xFFFFFFB0] =	vst v4;
	v4 =	vmul.f32 v6, v3  }
0x1b2: {  	v5 =	vmul.f32 v7, v3;
	[tilespmem:s28+$0xFFFFFFD0] =	vst v2  }
0x1b3: {  	v2 =	vmul.f32 v8, v3;
	[tilespmem:s28+$0x0] =	vst v4  }
0x1b4: {  	v4 =	vmul.f32 v55, v3;
	[tilespmem:s28+$0xFFFFFFF0] =	vst v5  }
0x1b5: {  	v3 =	vmul.f32 v56, v3;
	[tilespmem:s28+$0xFFFFFFA0] =	vst v2  }
0x1b6: {  	p1 =	seq.s32 s25, $0x33;
	[tilespmem:s28+$0xFFFFFFC0] =	vst v4  }
0x1b7: {  	s1 =	smul.u32 @!p1 $0x6000, s25;
	[tilespmem:s28+$0xFFFFFFE0] =	vst v3  }
0x1b8: {  	[spmem:s2] =	stream.indirect.scatter.add.f32 [tilespmem:s7], [sflag:$0x5], $0x80, s13, s9, $0xb8;
	[tilespmem:$0x1EA00] =	vst v63  }
0x1b9: {  	s1 =	sadd.s32 @!p1 s1, s19;
	_ =	swait.ge [sflag:s14], $0x2000  }
0x1ba: {  	s10 =	simm.s32 @!p1 $0x0;
	s1 =	sshrl.u32 @!p1 s1, $0x3;
	[sflag:s14] =	ssyncset.done $0x0  }
0x1bb: {  	s21 =	simm.s32 @!p1 $0x5180;
	s1 =	sadd.s32 @!p1 s4, s1;
	[sflag:s14] =	ssyncadd.s32 $0xFFFFE000  }
0x1bc: {  	[tilespmem:s21], [sflag:$0x1] =	stream.linear.gather @!p1 [hbm4b:s1+s10], $0x2000, $0x38;
	[tilespmem:$0x1EA00] =	vst v63  }
0x1bd: {  	_ =	swait.ge [sflag:s15], $0x2000  }
0x1be: {  	[sflag:s15] =	ssyncset.done $0x0  }
0x1bf: {  	[sflag:s15] =	ssyncadd.s32 $0xFFFFE000  }
0x1c0: {  	v2 =	vld [tilespmem:s26+$0x2800];
	_ =	sdelay $0x4  }
0x1c1: {  	[tilespmem:$0x5000] =	vst v2  }
0x1c2: {  	v2 =	vld [tilespmem:s26+$0x2810];
	_ =	sdelay $0x4  }
0x1c3: {  	[tilespmem:$0x5010] =	vst v2  }
0x1c4: {  	v2 =	vld [tilespmem:s26+$0x2820];
	_ =	sdelay $0x3  }
0x1c5: {  	v3 =	vmov s31  }
0x1c6: {  	[tilespmem:$0x5020] =	vst v2;
	v2 =	vand.u32 $0xFFFFFFFC, v3  }
0x1c7: {  	v3 =	vld [tilespmem:s26+$0x2830];
	v2 =	vbroadcast v2, $0x0;
	_ =	sdelay $0x4  }
0x1c8: {  	[tilespmem:$0x5030] =	vst v3  }
0x1c9: {  	s26 =	simm.s32 $0x0;
	v4 =	vld.idx.msk [tilespmem:v2+s3+$0x0], $0xffff  }
0x1ca: {  	v7 =	vld [tilespmem:s26+$0x9180]  }
0x1cb: {  	v5 =	vld [tilespmem:s26+$0x91D0]  }
0x1cc: {  	v2 =	vld [tilespmem:s26+$0x9190]  }
0x1cd: {  	v3 =	vld [tilespmem:s26+$0x91B0]  }
0x1ce: {  	v8 =	vld [tilespmem:s26+$0x91A0]  }
0x1cf: {  	v57 =	vld [tilespmem:s26+$0x91E0];
	v7 =	vmul.f32 v7, v4  }
0x1d0: {  	s24 =	sadd.s32 $0x1, s31;
	v11 =	vld [tilespmem:s26+$0x91F0];
	v5 =	vmul.f32 v5, v4  }
0x1d1: {  	v6 =	vld [tilespmem:s26+$0x91C0];
	v58 =	vmul.f32 v2, v4;
	[tilespmem:s26+$0x9180] =	vst v7;
	v7 =	vmov s24  }
0x1d2: {  	v12 =	vmul.f32 v3, v4;
	[tilespmem:s26+$0x91D0] =	vst v5;
	v5 =	vand.u32 $0xFFFFFFFD, v7  }
0x1d3: {  	v8 =	vmul.f32 v8, v4;
	[tilespmem:s26+$0x9190] =	vst v58;
	v5 =	vbroadcast v5, $0x0  }
0x1d4: {  	v9 =	vmul.f32 v57, v4;
	[tilespmem:s26+$0x91B0] =	vst v12  }
0x1d5: {  	[tilespmem:s26+$0x91A0] =	vst v8;
	v7 =	vmul.f32 v11, v4  }
0x1d6: {  	[tilespmem:s26+$0x91E0] =	vst v9;
	v4 =	vmul.f32 v6, v4  }
0x1d7: {  	[tilespmem:s26+$0x91F0] =	vst v7  }
0x1d8: {  	[tilespmem:s26+$0x91C0] =	vst v4  }
0x1d9: {  	v4 =	vld.idx.msk [tilespmem:v5+s3+$0x0], $0xffff  }
0x1da: {  	v5 =	vld [tilespmem:s26+$0x9200]  }
0x1db: {  	v59 =	vld [tilespmem:s26+$0x9220]  }
0x1dc: {  	v8 =	vld [tilespmem:s26+$0x9270]  }
0x1dd: {  	v60 =	vld [tilespmem:s26+$0x9240]  }
0x1de: {  	v7 =	vld [tilespmem:s26+$0x9250]  }
0x1df: {  	v61 =	vld [tilespmem:s26+$0x9260];
	v5 =	vmul.f32 v5, v4  }
0x1e0: {  	s29 =	sadd.s32 $0x2, s31;
	v62 =	vld [tilespmem:s26+$0x9210];
	v9 =	vmul.f32 v59, v4  }
0x1e1: {  	v63 =	vmov s29;
	v6 =	vld [tilespmem:s26+$0x9230];
	v8 =	vmul.f32 v8, v4;
	[tilespmem:s26+$0x9200] =	vst v5  }
0x1e2: {  	v5 =	vmul.f32 v60, v4;
	[tilespmem:s26+$0x9220] =	vst v9;
	v9 =	vand.u32 $0xFFFFFFFE, v63  }
0x1e3: {  	v7 =	vmul.f32 v7, v4;
	[tilespmem:s26+$0x9270] =	vst v8;
	v9 =	vbroadcast v9, $0x0  }
0x1e4: {  	[tilespmem:s26+$0x9240] =	vst v5;
	v5 =	vmul.f32 v61, v4  }
0x1e5: {  	v2 =	vld [tilespmem:s26+$0x9280];
	v8 =	vmul.f32 v62, v4;
	[tilespmem:s26+$0x9250] =	vst v7  }
0x1e6: {  	v3 =	vld [tilespmem:s26+$0x92B0];
	[tilespmem:s26+$0x9260] =	vst v5;
	v5 =	vmul.f32 v6, v4  }
0x1e7: {  	[tilespmem:s26+$0x9210] =	vst v8;
	v4 =	vld [tilespmem:s26+$0x92D0]  }
0x1e8: {  	[tilespmem:s26+$0x9230] =	vst v5;
	v5 =	vld [tilespmem:s26+$0x92F0]  }
0x1e9: {  	s30 =	simm.s32 $0x800;
	s28 =	sadd.s32 $0x3, s31;
	s24 =	smov.u32 s31;
	v6 =	vld.idx.msk [tilespmem:v9+s3+$0x0], $0xffff  }
.LBB2_11:
0x1ea: {  	p2 =	sne.s32 s30, $0x7800  }
0x1eb: {  	v7 =	vld [tilespmem:s26+$0x92E0];
	s24 =	sadd.s32 $0x4, s24;
	s1 =	smov.u32 s30;
	s30 =	sadd.s32 $0x800, s30  }
0x1ec: {  	s10 =	sadd.s32 $0x3, s24;
	v8 =	vld [tilespmem:s26+$0x9290]  }
0x1ed: {  	v9 =	vld [tilespmem:s26+$0x92A0]  }
0x1ee: {  	v10 =	vld [tilespmem:s26+$0x92C0];
	_ =	sdelay $0x1  }
0x1ef: {  	v2 =	vmul.f32 v2, v6;
	v3 =	vmul.f32 v3, v6  }
0x1f0: {  	v7 =	vmul.f32 v7, v6;
	v8 =	vmul.f32 v8, v6  }
0x1f1: {  	v9 =	vmul.f32 v9, v6;
	[tilespmem:s26+$0x92B0] =	vst v3;
	v3 =	vmul.f32 v5, v6  }
0x1f2: {  	v4 =	vmul.f32 v4, v6;
	[tilespmem:s26+$0x9290] =	vst v8;
	v5 =	vmul.f32 v10, v6  }
0x1f3: {  	[tilespmem:s26+$0x92A0] =	vst v9  }
0x1f4: {  	v6 =	vmov s28;
	s28 =	smov.u32 s10;
	[tilespmem:s26+$0x92E0] =	vst v7  }
0x1f5: {  	[tilespmem:s26+$0x92C0] =	vst v5;
	v5 =	vld [tilespmem:s26+$0x9370]  }
0x1f6: {  	[tilespmem:s26+$0x9280] =	vst v2;
	v2 =	vld [tilespmem:s26+$0x9350]  }
0x1f7: {  	[tilespmem:s26+$0x92D0] =	vst v4;
	v4 =	vld [tilespmem:s26+$0x9330]  }
0x1f8: {  	[tilespmem:s26+$0x92F0] =	vst v3;
	v3 =	vld [tilespmem:s26+$0x9310]  }
0x1f9: {  	v6 =	vld.idx.msk [tilespmem:v6+s3+$0x0], $0xffff  }
0x1fa: {  	v7 =	vld [tilespmem:s26+$0x9300]  }
0x1fb: {  	v8 =	vld [tilespmem:s26+$0x9320]  }
0x1fc: {  	v9 =	vld [tilespmem:s26+$0x9340]  }
0x1fd: {  	v10 =	vld [tilespmem:s26+$0x9360];
	_ =	sdelay $0x1  }
0x1fe: {  	v3 =	vmul.f32 v3, v6;
	v7 =	vmul.f32 v7, v6  }
0x1ff: {  	v4 =	vmul.f32 v4, v6;
	v8 =	vmul.f32 v8, v6  }
0x200: {  	v2 =	vmul.f32 v2, v6;
	[tilespmem:s26+$0x9300] =	vst v7;
	v7 =	vmul.f32 v9, v6  }
0x201: {  	v5 =	vmul.f32 v5, v6;
	v9 =	vmov s24;
	[tilespmem:s26+$0x9310] =	vst v3;
	v3 =	vmul.f32 v10, v6  }
0x202: {  	v6 =	vand.u32 $0xFFFFFFFC, v9;
	[tilespmem:s26+$0x9340] =	vst v7  }
0x203: {  	v6 =	vbroadcast v6, $0x0;
	[tilespmem:s26+$0x9350] =	vst v2  }
0x204: {  	[tilespmem:s26+$0x9360] =	vst v3  }
0x205: {  	[tilespmem:s26+$0x9370] =	vst v5  }
0x206: {  	[tilespmem:s26+$0x9320] =	vst v8  }
0x207: {  	[tilespmem:s26+$0x9330] =	vst v4;
	_ =	sdelay $0x1  }
0x208: {  	s26 =	sshra.s32 s1, $0x2;
	v4 =	vld.idx.msk [tilespmem:v6+s3+$0x0], $0xffff  }
0x209: {  	v2 =	vld [tilespmem:s26+$0x91D0]  }
0x20a: {  	v3 =	vld [tilespmem:s26+$0x9190]  }
0x20b: {  	v5 =	vld [tilespmem:s26+$0x91B0]  }
0x20c: {  	v6 =	vld [tilespmem:s26+$0x91C0]  }
0x20d: {  	v7 =	vld [tilespmem:s26+$0x9180]  }
0x20e: {  	v8 =	vld [tilespmem:s26+$0x91A0]  }
0x20f: {  	v9 =	vld [tilespmem:s26+$0x91E0]  }
0x210: {  	v3 =	vmul.f32 v3, v4;
	v5 =	vmul.f32 v5, v4;
	v10 =	vld [tilespmem:s26+$0x91F0]  }
0x211: {  	s1 =	sadd.s32 $0x1, s24;
	v11 =	vmul.f32 v2, v4;
	v6 =	vmul.f32 v6, v4;
	v2 =	vld [tilespmem:s26+$0x9280]  }
0x212: {  	v12 =	vmov s1;
	v7 =	vmul.f32 v7, v4;
	[tilespmem:s26+$0x9190] =	vst v3;
	v3 =	vld [tilespmem:s26+$0x92B0]  }
0x213: {  	v8 =	vmul.f32 v8, v4;
	[tilespmem:s26+$0x91B0] =	vst v5;
	v5 =	vand.u32 $0xFFFFFFFD, v12  }
0x214: {  	[tilespmem:s26+$0x9180] =	vst v7;
	v7 =	vmul.f32 v9, v4;
	v5 =	vbroadcast v5, $0x0  }
0x215: {  	[tilespmem:s26+$0x91D0] =	vst v11;
	v4 =	vmul.f32 v10, v4  }
0x216: {  	[tilespmem:s26+$0x91A0] =	vst v8;
	v8 =	vld [tilespmem:s26+$0x9270]  }
0x217: {  	[tilespmem:s26+$0x91F0] =	vst v4;
	v4 =	vld [tilespmem:s26+$0x9250]  }
0x218: {  	[tilespmem:s26+$0x91E0] =	vst v7;
	v7 =	vld [tilespmem:s26+$0x9230]  }
0x219: {  	[tilespmem:s26+$0x91C0] =	vst v6;
	v6 =	vld [tilespmem:s26+$0x9210]  }
0x21a: {  	v5 =	vld.idx.msk [tilespmem:v5+s3+$0x0], $0xffff  }
0x21b: {  	v9 =	vld [tilespmem:s26+$0x9200]  }
0x21c: {  	v10 =	vld [tilespmem:s26+$0x9220]  }
0x21d: {  	v11 =	vld [tilespmem:s26+$0x9240]  }
0x21e: {  	v12 =	vld [tilespmem:s26+$0x9260];
	_ =	sdelay $0x1  }
0x21f: {  	v6 =	vmul.f32 v6, v5;
	v9 =	vmul.f32 v9, v5  }
0x220: {  	s1 =	sadd.s32 $0x2, s24;
	v7 =	vmul.f32 v7, v5;
	v10 =	vmul.f32 v10, v5  }
0x221: {  	v4 =	vmul.f32 v4, v5;
	[tilespmem:s26+$0x9200] =	vst v9;
	v9 =	vmul.f32 v11, v5;
	v11 =	vmov s1  }
0x222: {  	[tilespmem:s26+$0x9220] =	vst v10;
	v10 =	vmul.f32 v12, v5;
	v5 =	vmul.f32 v8, v5;
	v8 =	vand.u32 $0xFFFFFFFE, v11  }
0x223: {  	[tilespmem:s26+$0x9240] =	vst v9;
	v8 =	vbroadcast v8, $0x0  }
0x224: {  	[tilespmem:s26+$0x9270] =	vst v5  }
.Ltmp4:
0x225: {  	[tilespmem:s26+$0x9250] =	vst v4;
	(pc) =	sbr.rel @p2 .LBB2_11-.Ltmp4, $4  }
0x226: {  	[tilespmem:s26+$0x9260] =	vst v10  }
0x227: {  	[tilespmem:s26+$0x9210] =	vst v6;
	v4 =	vld [tilespmem:s26+$0x92D0]  }
0x228: {  	[tilespmem:s26+$0x9230] =	vst v7;
	v5 =	vld [tilespmem:s26+$0x92F0]  }
0x229: {  	v6 =	vld.idx.msk [tilespmem:v8+s3+$0x0], $0xffff  }
0x22a: {  	_ =	sdelay $0x2  }
0x22b: {  	v7 =	vld [tilespmem:s26+$0x9290]  }
0x22c: {  	v8 =	vld [tilespmem:s26+$0x92A0];
	v3 =	vmul.f32 v3, v6  }
0x22d: {  	v10 =	vld [tilespmem:s26+$0x92C0];
	v2 =	vmul.f32 v2, v6  }
0x22e: {  	v9 =	vld [tilespmem:s26+$0x92E0];
	v4 =	vmul.f32 v4, v6;
	[tilespmem:s26+$0x92B0] =	vst v3  }
0x22f: {  	v5 =	vmul.f32 v5, v6;
	[tilespmem:s26+$0x9280] =	vst v2  }
0x230: {  	v7 =	vmul.f32 v7, v6;
	[tilespmem:s26+$0x92D0] =	vst v4  }
0x231: {  	v55 =	vmov s28;
	v8 =	vmul.f32 v8, v6;
	[tilespmem:s26+$0x92F0] =	vst v5  }
0x232: {  	v54 =	vmul.f32 v10, v6;
	[tilespmem:s26+$0x9290] =	vst v7  }
0x233: {  	v3 =	vmul.f32 v9, v6;
	[tilespmem:s26+$0x92A0] =	vst v8  }
0x234: {  	[tilespmem:s26+$0x92C0] =	vst v54  }
0x235: {  	v57 =	vld [tilespmem:s26+$0x9300];
	[tilespmem:s26+$0x92E0] =	vst v3  }
0x236: {  	v5 =	vld.idx.msk [tilespmem:v55+s3+$0x0], $0xffff  }
0x237: {  	v58 =	vld [tilespmem:s26+$0x9310]  }
0x238: {  	v59 =	vld [tilespmem:s26+$0x9340]  }
0x239: {  	v2 =	vld [tilespmem:s26+$0x9350]  }
0x23a: {  	v60 =	vld [tilespmem:s26+$0x9360]  }
0x23b: {  	v3 =	vld [tilespmem:s26+$0x9370];
	v6 =	vmul.f32 v57, v5  }
0x23c: {  	v56 =	vld [tilespmem:s26+$0x9330];
	v7 =	vmul.f32 v58, v5  }
0x23d: {  	v61 =	vld [tilespmem:s26+$0x9320];
	v62 =	vmul.f32 v59, v5;
	[tilespmem:s26+$0x9300] =	vst v6  }
0x23e: {  	v2 =	vmul.f32 v2, v5;
	[tilespmem:s26+$0x9310] =	vst v7  }
0x23f: {  	v63 =	vmul.f32 v60, v5;
	[tilespmem:s26+$0x9340] =	vst v62  }
0x240: {  	v3 =	vmul.f32 v3, v5;
	[tilespmem:s26+$0x9350] =	vst v2  }
0x241: {  	v4 =	vmul.f32 v56, v5;
	[tilespmem:s26+$0x9360] =	vst v63  }
0x242: {  	v2 =	vmul.f32 v61, v5;
	[tilespmem:s26+$0x9370] =	vst v3  }
0x243: {  	[tilespmem:s26+$0x9330] =	vst v4  }
.Ltmp5:
0x244: {  	[tilespmem:s26+$0x9320] =	vst v2;
	(pc) =	sbr.rel @p1 .LBB2_14-.Ltmp5, $4  }
0x245: {  	[spmem:s2] =	stream.indirect.scatter.add.f32 [tilespmem:s6], [sflag:$0x6], $0x80, s17, s9, $0xb8;
	[tilespmem:$0x1EA00] =	vst v63  }
0x246: {  	_ =	swait.ge [sflag:s18], $0x2000  }
0x247: {  	[sflag:s18] =	ssyncset.done $0x0  }
0x248: {  	[sflag:s18] =	ssyncadd.s32 $0xFFFFE000  }
0x249: {  	s1 =	smul.u32 $0x6000, s25  }
.Ltmp6:
0x24a: {  	_ = 	snop;
	(pc) =	sbr.rel .LBB2_6-.Ltmp6, $4  }
0x24b: {  	s1 =	sadd.s32 s1, s20  }
0x24c: {  	s25 =	sadd.s32 $0x1, s25;
	s1 =	sshrl.u32 s1, $0x3  }
0x24d: {  	s23 =	sadd.s32 $0xC0, s23;
	s31 =	sadd.s32 $0xC0, s31;
	s1 =	sadd.s32 s4, s1  }
0x24e: {  	[tilespmem:s7], [sflag:$0x2] =	stream.linear.gather [hbm4b:s1+s3], $0x2000, $0x38;
	[tilespmem:$0x1EA00] =	vst v63  }
.LBB2_14:
0x24f: {  	s1 =	rddreg [dreg:$0x11]  }
0x250: {  	[tilespmem:s5], [sflag:$0x7] =	stream.linear.gather [hbm4b:s1+s3], $0x800, $0x38;
	[tilespmem:$0x1EA00] =	vst v63  }
0x251: {  	s31 =	simm.s32 $0x2700;
	_ =	swait.ge [sflag:s0], $0x800  }
0x252: {  	v2 =	vmov s31;
	[sflag:s0] =	ssyncset.done $0x0  }
0x253: {  	s1 =	simm.s32 $0x51C0;
	[sflag:s0] =	ssyncadd.s32 $0xFFFFF800  }
0x254: {  	v6 =	vld [tilespmem:s1+$0x30]  }
0x255: {  	v9 =	vld [tilespmem:s1+$0x10]  }
0x256: {  	v7 =	vld [tilespmem:s1+$0xFFFFFFC0]  }
0x257: {  	v3 =	vld.idx.msk [tilespmem:v2+s3+$0x0], $0xffff  }
0x258: {  	v11 =	vld [tilespmem:s1+$0xFFFFFFE0]  }
0x259: {  	v4 =	vld [tilespmem:s1+$0x20]  }
0x25a: {  	v5 =	vld [tilespmem:s1+$0xFFFFFFD0]  }
0x25b: {  	v2 =	vld [tilespmem:s1+$0xFFFFFFF0]  }
0x25c: {  	v10 =	vmul.f32 v6, v3;
	v6 =	vld [tilespmem:s1+$0x0]  }
0x25d: {  	v8 =	vmul.f32 v7, v3  }
0x25e: {  	s23 =	simm.s32 $0x2701;
	s24 =	simm.s32 $0x51C0;
	v7 =	vmul.f32 v11, v3;
	v9 =	vmul.f32 v9, v3  }
.LBB2_15:
0x25f: {  	p1 =	sne.s32 s23, $0x270F  }
0x260: {  	v5 =	vmul.f32 v5, v3;
	v4 =	vmul.f32 v4, v3;
	[tilespmem:s1+$0x30] =	vst v10;
	s24 =	sadd.s32 $0x80, s24;
	s10 =	smov.u32 s23;
	s23 =	sadd.s32 $0x1, s23  }
0x261: {  	[tilespmem:s1+$0xFFFFFFC0] =	vst v8;
	v8 =	vmul.f32 v2, v3;
	v3 =	vmul.f32 v6, v3  }
0x262: {  	[tilespmem:s1+$0x10] =	vst v9  }
0x263: {  	v6 =	vmov s10;
	[tilespmem:s1+$0xFFFFFFE0] =	vst v7  }
0x264: {  	v2 =	vld [tilespmem:s24+$0xFFFFFFF0];
	[tilespmem:s1+$0xFFFFFFF0] =	vst v8  }
0x265: {  	v7 =	vld [tilespmem:s24+$0x30];
	[tilespmem:s1+$0x0] =	vst v3  }
0x266: {  	v9 =	vld [tilespmem:s24+$0x10];
	[tilespmem:s1+$0x20] =	vst v4  }
0x267: {  	v8 =	vld [tilespmem:s24+$0xFFFFFFC0];
	[tilespmem:s1+$0xFFFFFFD0] =	vst v5;
	s1 =	smov.u32 s24  }
0x268: {  	v3 =	vld.idx.msk [tilespmem:v6+s3+$0x0], $0xffff  }
0x269: {  	v11 =	vld [tilespmem:s24+$0xFFFFFFE0]  }
0x26a: {  	v4 =	vld [tilespmem:s24+$0x20]  }
.Ltmp7:
0x26b: {  	v5 =	vld [tilespmem:s24+$0xFFFFFFD0];
	(pc) =	sbr.rel @p1 .LBB2_15-.Ltmp7, $3  }
0x26c: {  	v6 =	vld [tilespmem:s24+$0x0];
	_ =	sdelay $0x1  }
0x26d: {  	v8 =	vmul.f32 v8, v3;
	v10 =	vmul.f32 v7, v3  }
0x26e: {  	v9 =	vmul.f32 v9, v3;
	v7 =	vmul.f32 v11, v3  }
0x26f: {  	[tilespmem:s1+$0x30] =	vst v10  }
0x270: {  	[tilespmem:s1+$0xFFFFFFC0] =	vst v8  }
0x271: {  	v2 =	vmul.f32 v2, v3;
	[tilespmem:s1+$0x10] =	vst v9  }
0x272: {  	v4 =	vmul.f32 v4, v3;
	[tilespmem:s1+$0xFFFFFFE0] =	vst v7  }
0x273: {  	v6 =	vmul.f32 v6, v3;
	[tilespmem:s1+$0xFFFFFFF0] =	vst v2  }
0x274: {  	v2 =	vmul.f32 v5, v3;
	[tilespmem:s1+$0x20] =	vst v4  }
0x275: {  	[tilespmem:s1+$0x0] =	vst v6  }
0x276: {  	[tilespmem:s1+$0xFFFFFFD0] =	vst v2  }
0x277: {  	v2 =	vld [tilespmem:$0x4E80];
	_ =	sdelay $0x4  }
0x278: {  	s26 =	simm.s32 $0x10;
	s10 =	simm.s32 $0x5100;
	[tilespmem:$0x5100] =	vst v2  }
0x279: {  	[spmem:s2] =	stream.indirect.scatter.add.f32 [tilespmem:s5], [sflag:$0x7], $0x80, s10, s26, $0xb8;
	[tilespmem:$0x1EA00] =	vst v63  }
0x27a: {  	_ =	swait.ge [sflag:s0], $0x800  }
0x27b: {  	[sflag:s0] =	ssyncset.done $0x0  }
0x27c: {  	s28 =	simm.s32 $0x6;
	[sflag:s0] =	ssyncadd.s32 $0xFFFFF800  }
0x27d: {  	_ =	swait.ge [sflag:s28], $0x2000  }
0x27e: {  	[sflag:s28] =	ssyncset.done $0x0  }
0x27f: {  	[sflag:s28] =	ssyncadd.s32 $0xFFFFE000  }
0x280: {  	s29 =	stileid.u32;
	[bflag:$0x0] =	sbarrier.arrive $0xFFFF  }
0x281: {  	s1 =	sshll.u32 s29, $0x6;
	s21 =	rddreg [dreg:$0x9]  }
0x282: {  	s1 =	sor.u32 $0x1C07, s1;
	s23 =	rddreg [dreg:$0x13];
	s30 =	sshrl.u32 s21, $0x3  }
0x283: {  	[hbm:s23], [sflag:s1] =	dma.local [spmem:s30], $0x1900  }
0x284: {  	_ =	swait.ge [sflag:s0], $0x1900  }
0x285: {  	[sflag:s0] =	ssyncset.done $0x0;
	s25 =	rddreg [dreg:$0x18]  }
0x286: {  	s23 =	rddreg [dreg:$0x14];
	[sflag:s0] =	ssyncadd.s32 $0xFFFFE700;
	s10 =	sshrl.u32 @!p0 s25, $0x3  }
0x287: {  	[hbm:s23], [sflag:s1] =	dma.local @!p0 [spmem:s10], $0xF00  }
0x288: {  	s1 =	simm.s32 @!p0 $0x7  }
0x289: {  	_ =	swait.ge @!p0 [sflag:s1], $0xF00  }
0x28a: {  	s22 =	sadd.s32 $0x1, s22;
	s31 =	rddreg [dreg:$0x15]  }
0x28b: {  	p1 =	sne.s32 s22, s31  }
.Ltmp8:
0x28c: {  	_ = 	snop;
	(pc) =	sbr.rel @p1 .LBB2_1-.Ltmp8, $3  }
0x28d: {  	_ =	sdelay $0x1  }
0x28e: {  	[sflag:s1] =	ssyncset.done @!p0 $0x0  }
0x28f: {  	[sflag:s1] =	ssyncadd.s32 @!p0 $0xFFFFF100  }
0x290: {  	_ =	sfence.sel $0x180000  }
0x291: {  	[bflag:$0x0] =	sbarrier.arrive $0xFFFF  }
0x292: {  	_ =	strace $0x9000004D  }
0x293: {  	s0 =	stileid.u32;
	[bflag:$0x2] =	sbarrier.arrive $0xFFFF  }
0x294: {  	p0 =	sne.s32 s0, $0x0;
	s0 =	rddreg [dreg:$0x3]  }
0x295: {  	s0 =	sadd.s32 @!p0 $0x100000, s0  }
0x296: {  	[sflag:s0] =	ssyncadd.tile.s32 @!p0 $0x1;
	_ =	shalt  }
.Lfunc_end2:
_tile_overlayer_lowered:
.L_overlay_start_2:
0x297: {  	(tag) =	ssettag $0x2  }
0x298: {  	s0 =	rddreg [dreg:$0x0];
	s2 =	stileid.u32  }
0x299: {  	s1 =	rddreg [dreg:$0x1];
	p0 =	sne.s32 s2, $0x0  }
0x29a: {  	s3 =	rddreg [dreg:$0x2];
	[bflag:$0x3] =	sbarrier.arrive $0xFFFF;
	s2 =	simm.s32 @!p0 $0x1C07  }
0x29b: {  	[timem:s3], [sflag:s2] =	dma.local @!p0 [hbm:s0], s1  }
0x29c: {  	s0 =	simm.s32 @!p0 $0x7  }
0x29d: {  	_ =	swait.ge @!p0 [sflag:s0], s1  }
0x29e: {  	s1 =	ssub.s32 @!p0 $0x0, s1;
	[sflag:s0] =	ssyncset.done @!p0 $0x0  }
0x29f: {  	[sflag:s0] =	ssyncadd.s32 @!p0 s1  }
0x2a0: {  	[bflag:$0x3] =	sbarrier.arrive $0xFFFF  }
0x2a1: {  	_ =	shalt  }

// kernel: kernel.7.cloned.1.call-start
scs
__scs_entry_jumppad:
0x0: {  	(pc) =	sbr.rel $0x88, $3  }
0x1: {  	(tag) =	ssettag $0x0;
	lr =	simm.s32 $0x1  }
0x2: {  	[smem:$0x3F9A] =	sst lr;
	_ =	strace $0xD0000000  }
0x3: {  	_ = 	snop  }
0x4: {  	_ = 	snop  }
0x5: {  	_ = 	snop  }
0x6: {  	_ = 	snop  }
0x7: {  	_ = 	snop  }
__scs_overlays_trampoline_lowered:
0x8: {  	[smem:$0x3FA9] =	sst s0  }
0x9: {  	[smem:$0x3FAA] =	sst s1  }
0xa: {  	[smem:$0x3FAB] =	sst s2  }
0xb: {  	[smem:$0x3FAC] =	sst s3  }
0xc: {  	[smem:$0x3FAD] =	sst s4  }
0xd: {  	[smem:$0x3FAE] =	sst s5  }
0xe: {  	[smem:$0x3FAF] =	sst s6  }
0xf: {  	[smem:$0x3FB0] =	sst s7  }
0x10: {  	[smem:$0x3FB1] =	sst s8  }
0x11: {  	[smem:$0x3FB2] =	sst s9;
	s0 =	simm.s32 @!p0 $0x0  }
0x12: {  	s1 =	sld [smem:$0x3F98];
	s0 =	simm.s32 @p0 $0x1  }
0x13: {  	[smem:$0x3FB3] =	sst s0;
	s0 =	simm.s32 @!p1 $0x0  }
0x14: {  	s2 =	sld [smem:$0x3F97];
	s0 =	simm.s32 @p1 $0x1  }
0x15: {  	[smem:$0x3FB4] =	sst s0;
	s0 =	simm.s32 @!p2 $0x0  }
0x16: {  	s3 =	sld [smem:$0x3FDB];
	s0 =	simm.s32 @p2 $0x1  }
0x17: {  	s4 =	simm.s32 $0x1BF5;
	[smem:$0x3FB6] =	sst s0  }
0x18: {  	s0 =	sld [smem:$0x3F99];
	_ =	swait.ge [sflag:s4], $0x0  }
0x19: {  	s7 =	sld [smem:$0x3F9A]  }
0x1a: {  	s8 =	sadd.s32 $0xFFFFE003, lr  }
0x1b: {  	s9 =	sadd.s32 $0xFFFFFEF7, lr;
	s5 =	simm.s32 $0xFFFFFFFF;
	p2 =	slt.u32 s8, $0xFFFFF086  }
0x1c: {  	p1 =	slt.u32 s9, $0xF7A;
	s5 =	simm.s32 @!p2 $0x0  }
0x1d: {  	s5 =	simm.s32 @p1 $0x1;
	p0 =	seq.s32 s7, s2  }
0x1e: {  	s7 =	smul.u32 @!p0 $0xF7A, s2;
	p2 =	seq.s32 @!p0 s5, $0x0  }
0x1f: {  	s9 =	smul.u32 $0xF7A, s1;
	s8 =	simm.s32 @!p0 $0x1BF5;
	p2 =	por !p2, p0  }
0x20: {  	[sflag:s8] =	ssyncset.s32 @!p0 $0xFFFFF086;
	s6 =	sadd.s32 @!p0 s3, s7;
	s7 =	simm.s32 @!p0 $0x108  }
0x21: {  	s3 =	sadd.s32 s3, s9;
	s6 =	sadd.s32 @!p0 $0x88, s6;
	s7 =	simm.s32 @p2 $0x1082  }
0x22: {  	[simem:s7], [sflag:s8] =	dma.local @!p0 [hbm:s6], $0xF7A  }
0x23: {  	s9 =	sor.u32 $0xD0000000, s2;
	s6 =	simm.s32 $0x108;
	_ =	swait.ge @!p0 [sflag:s8], $0x0  }
0x24: {  	s3 =	sadd.s32 $0x88, s3;
	s6 =	simm.s32 @!p1 $0x1082;
	[sflag:s4] =	ssyncset.s32 $0xFFFFF086  }
0x25: {  	[simem:s6], [sflag:s4] =	dma.local [hbm:s3], $0xF7A  }
0x26: {  	[smem:$0x3F9A] =	sst s1;
	(tag) =	ssettag s2;
	_ =	strace s9  }
0x27: {  	s1 =	sld [smem:$0x3FAA]  }
0x28: {  	s2 =	sld [smem:$0x3FAB]  }
0x29: {  	s4 =	sld [smem:$0x3FAD]  }
0x2a: {  	p0 =	seq.s32 s5, $0x0;
	s5 =	sld [smem:$0x3FAE]  }
0x2b: {  	s6 =	sld [smem:$0x3FAF]  }
0x2c: {  	s7 =	sld [smem:$0x3FB0]  }
0x2d: {  	s3 =	simm.s32 $0x108;
	s8 =	sld [smem:$0x3FB1]  }
0x2e: {  	s3 =	simm.s32 @!p0 $0x1082;
	s9 =	sld [smem:$0x3FB2]  }
0x2f: {  	lr =	sadd.s32 s0, s3;
	s0 =	sld [smem:$0x3FA9]  }
0x30: {  	s3 =	sld [smem:$0x3FAC]  }
0x31: {  	[smem:$0x3FB5] =	sst s10  }
0x32: {  	s10 =	sld [smem:$0x3FB3];
	_ =	sdelay $0x3  }
0x33: {  	p0 =	seq.s32 s10, $0x1;
	s10 =	sld [smem:$0x3FB5];
	_ =	sdelay $0x3  }
0x34: {  	[smem:$0x3FB5] =	sst s10  }
0x35: {  	s10 =	sld [smem:$0x3FB4];
	_ =	sdelay $0x3  }
0x36: {  	p1 =	seq.s32 s10, $0x1;
	s10 =	sld [smem:$0x3FB5];
	_ =	sdelay $0x3  }
0x37: {  	[smem:$0x3FB5] =	sst s10  }
0x38: {  	s10 =	sld [smem:$0x3FB6]  }
0x39: {  	_ = 	snop;
	(pc) =	sbr.ind lr, $3  }
0x3a: {  	_ = 	snop  }
0x3b: {  	_ = 	snop  }
0x3c: {  	p2 =	seq.s32 s10, $0x1;
	s10 =	sld [smem:$0x3FB5]  }
0x3d: {  	_ =	shalt  }
0x3e: {  	_ =	shalt  }
0x3f: {  	_ =	shalt  }
0x40: {  	_ =	shalt  }
0x41: {  	_ =	shalt  }
0x42: {  	_ =	shalt  }
0x43: {  	_ =	shalt  }
0x44: {  	_ =	shalt  }
0x45: {  	_ =	shalt  }
0x46: {  	_ =	shalt  }
0x47: {  	_ =	shalt  }
0x48: {  	_ =	shalt  }
0x49: {  	_ =	shalt  }
0x4a: {  	_ =	shalt  }
0x4b: {  	_ =	shalt  }
0x4c: {  	_ =	shalt  }
0x4d: {  	_ =	shalt  }
0x4e: {  	_ =	shalt  }
0x4f: {  	_ =	shalt  }
0x50: {  	_ =	shalt  }
0x51: {  	_ =	shalt  }
0x52: {  	_ =	shalt  }
0x53: {  	_ =	shalt  }
0x54: {  	_ =	shalt  }
0x55: {  	_ =	shalt  }
0x56: {  	_ =	shalt  }
0x57: {  	_ =	shalt  }
0x58: {  	_ =	shalt  }
0x59: {  	_ =	shalt  }
0x5a: {  	_ =	shalt  }
0x5b: {  	_ =	shalt  }
0x5c: {  	_ =	shalt  }
0x5d: {  	_ =	shalt  }
0x5e: {  	_ =	shalt  }
0x5f: {  	_ =	shalt  }
0x60: {  	_ =	shalt  }
0x61: {  	_ =	shalt  }
0x62: {  	_ =	shalt  }
0x63: {  	_ =	shalt  }
0x64: {  	_ =	shalt  }
0x65: {  	_ =	shalt  }
0x66: {  	_ =	shalt  }
0x67: {  	_ =	shalt  }
0x68: {  	_ =	shalt  }
0x69: {  	_ =	shalt  }
0x6a: {  	_ =	shalt  }
0x6b: {  	_ =	shalt  }
0x6c: {  	_ =	shalt  }
0x6d: {  	_ =	shalt  }
0x6e: {  	_ =	shalt  }
0x6f: {  	_ =	shalt  }
0x70: {  	_ =	shalt  }
0x71: {  	_ =	shalt  }
0x72: {  	_ =	shalt  }
0x73: {  	_ =	shalt  }
0x74: {  	_ =	shalt  }
0x75: {  	_ =	shalt  }
0x76: {  	_ =	shalt  }
0x77: {  	_ =	shalt  }
0x78: {  	_ =	shalt  }
0x79: {  	_ =	shalt  }
0x7a: {  	_ =	shalt  }
0x7b: {  	_ =	shalt  }
0x7c: {  	_ =	shalt  }
0x7d: {  	_ =	shalt  }
0x7e: {  	_ =	shalt  }
0x7f: {  	_ =	shalt  }
0x80: {  	_ =	shalt  }
0x81: {  	_ =	shalt  }
0x82: {  	_ =	shalt  }
0x83: {  	_ =	shalt  }
0x84: {  	_ =	shalt  }
0x85: {  	_ =	shalt  }
0x86: {  	_ =	shalt  }
0x87: {  	_ =	shalt  }
.Lfunc_end0:
.L_simem_size_0:
called_computation_lowered:
.L_overlay_start_0:
0x88: {  	s2 =	sld [smem:$0x3FD9]  }
0x89: {  	s3 =	sld [smem:$0x3FFE];
	_ =	sdelay $0x1  }
0x8a: {  	s1 =	srdreg.scid  }
0x8b: {  	s0 =	sand.u32 $0x1, s1  }
0x8c: {  	s17 =	sshll.u32 s0, $0xA;
	s2 =	sadd.s32 s3, s2  }
0x8d: {  	s2 =	sadd.s32 s2, s17  }
0x8e: {  	[smem:$0x3FC1] =	sst s2  }
0x8f: {  	_ = 	snop  }
0x90: {  	s2 =	sld [smem:$0x3FC8]  }
0x91: {  	s18 =	sld [smem:$0x3FD0];
	(tm) =	ssettm $0x1  }
0x92: {  	s4 =	sld [smem:$0x3FFB];
	_ =	sdelay $0x3  }
0x93: {  	_ =	strace s4  }
0x94: {  	s4 =	sld [smem:$0x3FFC];
	_ =	sdelay $0x3  }
0x95: {  	_ =	strace s4  }
0x96: {  	s4 =	sld [smem:$0x3FFD];
	_ =	sdelay $0x3  }
0x97: {  	_ =	strace s4  }
0x98: {  	_ =	strace $0x8FFFFFFF  }
0x99: {  	s19 =	sld [smem:$0x3FDB];
	_ =	sdelay $0x1  }
0x9a: {  	s5 =	simm.s32 $_scs_section_size  }
0x9b: {  	s6 =	simm.s32 $_size__tile_overlayer_lowered;
	s7 =	simm.s32 $_tile_overlayer_lowered  }
0x9c: {  	s22 =	simm.s32 $0x1BFF;
	s21 =	sshll.u32 s7, $0x1;
	s4 =	sadd.s32 s5, s19  }
0x9d: {  	s8 =	simm.s32 $0x0;
	s20 =	sshll.u32 s6, $0x1;
	s6 =	sadd.s32 s21, s4  }
0x9e: {  	[timem:s8], [sflag:s22] =	dma.local [hbm:s6], s20  }
0x9f: {  	_ =	swait.ge [sflag:s22], s20  }
0xa0: {  	s5 =	ssub.s32 $0x0, s20;
	[sflag:s22] =	ssyncset.done $0x0  }
0xa1: {  	[sflag:s22] =	ssyncadd.s32 s5;
	_ =	sdelay $0x1  }
0xa2: {  	s23 =	simm.s32 $0x1B8B  }
0xa3: {  	_ =	swait.ge [sflag:s23], $0x1  }
0xa4: {  	[sflag:s23] =	ssyncset.done $0x0  }
0xa5: {  	s25 =	simm.s32 $0x1B8E;
	s24 =	sld [smem:$0x3FFE];
	[sflag:s23] =	ssyncadd.s32 $0xFFFFFFFF  }
0xa6: {  	s26 =	simm.s32 $execute0_lowered;
	[smem:$0x3FD2] =	sst s25  }
0xa7: {  	s6 =	sshll.u32 s26, $0x1;
	_ =	strace $0x80000046;
	[dreg:$0x1] =	wrdreg $0xFFFFFFFF  }
0xa8: {  	s28 =	simm.s32 $_size_execute0_lowered;
	s4 =	sadd.s32 s4, s6;
	[dreg:$0x0] =	wrdreg $0x0  }
0xa9: {  	s6 =	sshll.u32 s28, $0x1;
	[dreg:$0x2] =	wrdreg s4  }
0xaa: {  	[dreg:$0x3] =	wrdreg s6  }
0xab: {  	[dreg:$0x4] =	wrdreg $0xC0  }
0xac: {  	_ =	task [dreg:s8], $0x5FFFF  }
0xad: {  	[dreg:$0x1] =	wrdreg $0xFFFFFFFF  }
0xae: {  	[dreg:$0x0] =	wrdreg $0x60  }
0xaf: {  	[dreg:$0x2] =	wrdreg s18  }
0xb0: {  	[dreg:$0x3] =	wrdreg s2  }
0xb1: {  	[dreg:$0x4] =	wrdreg s24  }
0xb2: {  	[dreg:$0x5] =	wrdreg $0xA1800  }
0xb3: {  	[dreg:$0x6] =	wrdreg $0x9  }
0xb4: {  	_ =	task.clear_ibuf [dreg:s8], $0x7FFFF;
	_ =	strace $0x90000046  }
0xb5: {  	s29 =	simm.s32 $0x9;
	_ =	strace $0x80000048  }
0xb6: {  	_ =	swait.ge [sflag:s29], $0x1  }
0xb7: {  	[sflag:s29] =	ssyncadd.s32 $0xFFFFFFFF  }
0xb8: {  	_ =	strace $0x90000048  }
0xb9: {  	_ =	sfence  }
0xba: {  	s30 =	sld [smem:$0x0];
	_ =	sdelay $0x2  }
0xbb: {  	s31 =	sshll.u32 s1, $0xD;
	s1 =	sshrl.u32 s1, $0x2  }
0xbc: {  	s3 =	sand.u32 $0x4000, s31;
	s1 =	sadd.s32 s1, s30  }
0xbd: {  	s0 =	sor.u32 s3, s0;
	s1 =	sshll.u32 s1, $0x11  }
0xbe: {  	s0 =	sor.u32 s1, s0  }
0xbf: {  	s0 =	sadd.s32 $0x8F2B, s0  }
0xc0: {  	[sflag:s0] =	ssyncadd.remote.s32 $0x1  }
0xc1: {  	_ =	sfence.sel $0xFFFF  }
0xc2: {  	[dreg:$0x0] =	wrdreg $0xFFFFFFFF;
	(pc) =	sbr.abs _section_cstart, $3  }
0xc3: {  	[dreg:$0x1] =	wrdreg $0xFFFFFFFF  }
0xc4: {  	_ =	task.clear_ibuf [dreg:s8], $0x2FFFF;
	_ =	strace $0x9FFFFFFF  }
0xc5: {  	(tm) =	ssettm $0x7FFFFFFF  }
tec
execute0_lowered:
.L_overlay_start_1:
0x0: {  	(tag) =	ssettag $0x1  }
0x1: {  	s3 =	rddreg [dreg:$0x0]  }
0x2: {  	v0 =	vimm.s32 $0xEDCBA987;
	s4 =	rddreg [dreg:$0x1]  }
0x3: {  	v1 =	vimm.s32 $0x65432100;
	s5 =	rddreg [dreg:$0x2];
	s1 =	srdreg.scid;
	v2 =	vimm.s32 $0x54321000;
	v3 =	vimm.s32 $0xDCBA9876  }
0x4: {  	s0 =	stileid.u32;
	s6 =	rddreg [dreg:$0x3];
	s2 =	simm.s32 $0x0;
	v5 =	vimm.s32 $0xBA987654;
	v6 =	vimm.s32 $0x7060504;
	v0 =	vunpack.c.l.s4.s8 v0  }
0x5: {  	v4 =	vimm.s32 $0xE40000;
	v7 =	vimm.s32 $0xFFEDCBA9;
	s13 =	simm.s32 $0x400;
	s14 =	simm.s32 $0x1400;
	s15 =	simm.s32 $0x14000;
	v1 =	vunpack.c.l.s4.s8 v1  }
0x6: {  	v8 =	vimm.s32 $0x87654321;
	vm0 =	vcmask $0x3F30;
	s16 =	simm.s32 $0x7700;
	s17 =	simm.s32 $0x9F00;
	s18 =	simm.s32 $0x0;
	v0 =	vunpack.c.0.s8.s32 v0  }
0x7: {  	vm1 =	vcmask $0x3F08;
	s7 =	sand.u32 $0x1, s1;
	s8 =	smul.u32 $0x280, s0;
	s1 =	rddreg [dreg:$0x4];
	v4 =	vunpack.c.l.s2.s4 v4;
	v1 =	vunpack.c.0.s8.s32 v1  }
0x8: {  	[smem:$0x7FF] =	sst s2;
	v3 =	vunpack.c.l.s4.s8 v3;
	s29 =	sshrl.u32 s0, $0x3;
	s30 =	smul.u32 $0x5000, s0;
	v6 =	vunpack.c.0.s8.s32 v6;
	v0 =	vand.u32 $0xF, v0  }
0x9: {  	s31 =	sshll.u32 s0, $0x7;
	v7 =	vunpack.c.l.s4.s8 v7;
	s9 =	smul.u32 $0x2800, s7;
	s10 =	sshll.u32 s7, $0x4;
	v4 =	vunpack.c.l.s4.s8 v4;
	v0 =	vcombine.low v1, v0  }
0xa: {  	_ =	strace $0x80000047;
	s7 =	ssub.s32 $0x2, s7;
	s28 =	sor.u32 s0, s10;
	v1 =	vunpack.c.l.s4.s8 v2;
	v2 =	vunpack.c.l.s4.s8 v5;
	v5 =	vimm.s32 $0x32100000  }
0xb: {  	v3 =	vunpack.c.0.s8.s32 v3;
	s11 =	sshrl.u32 s7, $0x1;
	s10 =	smul.u32 $0x50000, s29;
	s12 =	sshrl.u32 s30, $0x2;
	v4 =	vunpack.c.0.s8.s32 v4;
	v5 =	vunpack.c.l.s4.s8 v5  }
0xc: {  	v8 =	vunpack.c.l.s4.s8 v8;
	s8 =	sadd.s32 s8, s9;
	s9 =	smul.u32 $0x4E2, s28;
	s11 =	ssub.s32 s7, s11;
	v1 =	vunpack.c.0.s8.s32 v1;
	v2 =	vunpack.c.0.s8.s32 v2  }
0xd: {  	s7 =	sand.u32 $0x380, s31;
	s8 =	sshrl.u32 s8, $0x3;
	v3 =	vand.u32 $0xF, v3;
	s10 =	sshrl.u32 s10, $0x2;
	v4 =	vand.u32 $0x3, v4;
	v5 =	vunpack.c.0.s8.s32 v5  }
0xe: {  	s8 =	sadd.s32 s8, s5;
	s3 =	sadd.s32 s3, s9;
	s10 =	sadd.s32 s10, s6;
	v2 =	vand.u32 $0xF, v2;
	v1 =	vcombine.low v1, v3;
	v3 =	vsel vm0, v6, v4  }
0xf: {  	s4 =	sadd.s32 s4, s9;
	s6 =	sadd.s32 s12, s6;
	s9 =	simm.s32 $0x1;
	v6 =	vunpack.c.0.s8.s32 v8;
	v2 =	vcombine.low v5, v2;
	v5 =	vunpack.c.0.s8.s32 v7  }
0x10: {  	vm2 =	vcmask $0x3F10;
	vm3 =	vcmask $0x3F20;
	vm4 =	vcmask $0x3F3C;
	s12 =	simm.s32 $0x80;
	s5 =	sadd.s32 s7, s10;
	s7 =	sadd.s32 $0x4E3200, s8  }
0x11: {  	s8 =	smax.u32 s11, $0x1;
	s10 =	simm.s32 $0x2780;
	s11 =	simm.s32 $0x4F00;
	v4 =	vimm.f32 $-3.000000010e+38;
	vm0 =	vcmask $0x3F04;
	v5 =	vcombine.low v6, v5  }
.LBB2_1:
0x12: {  	[tilespmem:s2], [sflag:$0x1] =	stream.linear.gather [hbm4b:s3+s2], $0x2710, $0x38;
	[tilespmem:$0xC980] =	vst v63  }
0x13: {  	_ =	swait.ge [sflag:s9], $0x2710  }
0x14: {  	[sflag:s9] =	ssyncset.done $0x0  }
0x15: {  	[sflag:s9] =	ssyncadd.s32 $0xFFFFD8F0  }
0x16: {  	[tilespmem:s10], [sflag:$0x1] =	stream.linear.gather [hbm4b:s4+s2], $0x2710, $0x38;
	[tilespmem:$0xC980] =	vst v63  }
0x17: {  	_ =	swait.ge [sflag:s9], $0x2710  }
0x18: {  	[sflag:s9] =	ssyncset.done $0x0  }
0x19: {  	s19 =	simm.s32 $0x0;
	[sflag:s9] =	ssyncadd.s32 $0xFFFFD8F0  }
.LBB2_2:
0x1a: {  	p0 =	sne.s32 s19, $0x9FC0  }
.Ltmp0:
0x1b: {  	_ = 	snop;
	(pc) =	sbr.rel @p0 .LBB2_2-.Ltmp0, $3  }
0x1c: {  	_ =	sdelay $0x1  }
0x1d: {  	s20 =	sshra.s32 s19, $0x2  }
0x1e: {  	s19 =	sadd.s32 $0x40, s19;
	[tilespmem:s20+$0x4F00] =	vst v4  }
0x1f: {  	s19 =	simm.s32 $0x0  }
0x20: {  	v6 =	vld [tilespmem:s19+$0x2780]  }
0x21: {  	v7 =	vld [tilespmem:s19+$0x0];
	_ =	sdelay $0x3  }
0x22: {  	v8 =	vperm.xlane v6, v0  }
0x23: {  	v9 =	vperm.xlane v7, v0  }
0x24: {  	vm5 =	veq.s32 v8, v6  }
0x25: {  	v8 =	vperm.xlane v6, v5;
	v9 =	vmax.f32 v7, v9;
	vm5 =	vmand vm5, vm0  }
0x26: {  	v10 =	vperm.xlane v6, v1;
	v7 =	vsel vm5, v9, v7  }
0x27: {  	vm5 =	vne.s32 v6, v8;
	v8 =	vperm.xlane v7, v1  }
0x28: {  	vm6 =	veq.s32 v10, v6;
	vm5 =	vmor vm5, vm4  }
0x29: {  	vm6 =	vmand vm6, vm1;
	v8 =	vmax.f32 v7, v8  }
0x2a: {  	v61 =	vperm.xlane v6, v2;
	v7 =	vsel vm6, v8, v7  }
0x2b: {  	v8 =	vperm.xlane v7, v2  }
0x2c: {  	vm6 =	veq.s32 v61, v6  }
0x2d: {  	vm6 =	vmand vm6, vm2;
	v8 =	vmax.f32 v7, v8  }
0x2e: {  	v62 =	vperm.xlane v6, v3;
	v63 =	vld.idx.msk [tilespmem:v6+s11+$0x0], vm5;
	v7 =	vsel vm6, v8, v7  }
0x2f: {  	v8 =	vperm.xlane v7, v3  }
0x30: {  	vm6 =	veq.s32 v62, v6  }
0x31: {  	vm6 =	vmand vm6, vm3;
	v8 =	vmax.f32 v7, v8  }
0x32: {  	v7 =	vsel vm6, v8, v7  }
0x33: {  	s20 =	simm.s32 $0x80;
	s19 =	simm.s32 $0x40;
	v7 =	vmax.f32 v63, v7  }
.LBB2_4:
0x34: {  	p0 =	sne.s32 s20, $0x9C00  }
0x35: {  	s21 =	sshra.s32 s19, $0x2;
	[tilespmem:v6+s11+$0x0] =	vst.idx.msk vm5, v7;
	s19 =	smov.u32 s20;
	s20 =	sadd.s32 $0x40, s20  }
0x36: {  	v6 =	vld [tilespmem:s21+$0x2780]  }
0x37: {  	v7 =	vld [tilespmem:s21+$0x0];
	_ =	sdelay $0x3  }
0x38: {  	v8 =	vperm.xlane v6, v0;
	v9 =	vperm.xlane v6, v5  }
0x39: {  	v11 =	vperm.xlane v6, v1;
	v10 =	vperm.xlane v7, v0  }
0x3a: {  	vm5 =	veq.s32 v8, v6;
	v8 =	vperm.xlane v6, v2;
	vm6 =	vne.s32 v6, v9  }
0x3b: {  	vm7 =	veq.s32 v11, v6;
	vm5 =	vmand vm5, vm0;
	v9 =	vmax.f32 v7, v10  }
0x3c: {  	v7 =	vsel vm5, v9, v7;
	vm8 =	veq.s32 v8, v6;
	v8 =	vperm.xlane v6, v3  }
0x3d: {  	vm5 =	vmor vm6, vm4;
	v9 =	vperm.xlane v7, v1  }
0x3e: {  	vm6 =	veq.s32 v8, v6  }
0x3f: {  	vm7 =	vmand vm7, vm1;
	v8 =	vmax.f32 v7, v9  }
0x40: {  	v7 =	vsel vm7, v8, v7  }
0x41: {  	v8 =	vperm.xlane v7, v2;
	_ =	sdelay $0x1  }
0x42: {  	vm7 =	vmand vm8, vm2;
	v8 =	vmax.f32 v7, v8;
	v9 =	vld.idx.msk [tilespmem:v6+s11+$0x0], vm5  }
0x43: {  	v7 =	vsel vm7, v8, v7  }
.Ltmp1:
0x44: {  	v8 =	vperm.xlane v7, v3;
	(pc) =	sbr.rel @p0 .LBB2_4-.Ltmp1, $4  }
0x45: {  	_ = 	snop  }
0x46: {  	vm6 =	vmand vm6, vm3;
	v8 =	vmax.f32 v7, v8  }
0x47: {  	v7 =	vsel vm6, v8, v7  }
0x48: {  	v7 =	vmax.f32 v9, v7  }
0x49: {  	_ =	sdelay $0x4  }
0x4a: {  	s19 =	sshra.s32 s19, $0x2;
	[tilespmem:v6+s11+$0x0] =	vst.idx.msk vm5, v7  }
0x4b: {  	v6 =	vld [tilespmem:s19+$0x2780]  }
0x4c: {  	v7 =	vld [tilespmem:s19+$0x0];
	_ =	sdelay $0x3  }
0x4d: {  	v8 =	vperm.xlane v6, v0  }
0x4e: {  	v9 =	vperm.xlane v7, v0  }
0x4f: {  	vm5 =	veq.s32 v8, v6  }
0x50: {  	v48 =	vperm.xlane v6, v5;
	v9 =	vmax.f32 v7, v9;
	vm5 =	vmand vm5, vm0  }
0x51: {  	v10 =	vperm.xlane v6, v1;
	v7 =	vsel vm5, v9, v7  }
0x52: {  	vm5 =	vne.s32 v6, v48;
	v49 =	vperm.xlane v7, v1  }
0x53: {  	vm6 =	veq.s32 v10, v6;
	vm5 =	vmor vm5, vm4  }
0x54: {  	vm6 =	vmand vm6, vm1;
	v8 =	vmax.f32 v7, v49  }
0x55: {  	v50 =	vperm.xlane v6, v2;
	v7 =	vsel vm6, v8, v7  }
0x56: {  	v8 =	vperm.xlane v7, v2  }
0x57: {  	vm6 =	veq.s32 v50, v6  }
0x58: {  	vm6 =	vmand vm6, vm2;
	v8 =	vmax.f32 v7, v8  }
0x59: {  	v51 =	vperm.xlane v6, v3;
	v52 =	vld.idx.msk [tilespmem:v6+s11+$0x0], vm5;
	v7 =	vsel vm6, v8, v7  }
0x5a: {  	v8 =	vperm.xlane v7, v3  }
0x5b: {  	vm6 =	veq.s32 v51, v6  }
0x5c: {  	vm6 =	vmand vm6, vm3;
	v8 =	vmax.f32 v7, v8  }
0x5d: {  	v7 =	vsel vm6, v8, v7  }
0x5e: {  	v7 =	vmax.f32 v52, v7  }
0x5f: {  	[tilespmem:v6+s11+$0x0] =	vst.idx.msk vm5, v7  }
0x60: {  	[spmem:s5] =	stream.strided.scatter [tilespmem:s11], [sflag:$0x1], $0x2800, s13, s12, $0x38;
	[tilespmem:$0xC980] =	vst v63  }
0x61: {  	_ =	swait.ge [sflag:s9], $0x2800  }
0x62: {  	[sflag:s9] =	ssyncset.done $0x0  }
0x63: {  	[sflag:s9] =	ssyncadd.s32 $0xFFFFD800  }
0x64: {  	[bflag:$0x0] =	sbarrier.arrive $0xFFFF  }
0x65: {  	[tilespmem:s16], [sflag:$0x1] =	stream.strided.gather [spmem:s6], $0x2800, s15, s14, $0x38;
	[tilespmem:$0xC980] =	vst v63  }
0x66: {  	s30 =	simm.s32 $0x0;
	_ =	swait.ge [sflag:s9], $0x2800  }
0x67: {  	s20 =	sand.u32 $0x70, s30;
	s19 =	sand.u32 $0x1C00, s30;
	[sflag:s9] =	ssyncset.done $0x0  }
0x68: {  	s19 =	sor.u32 s20, s19;
	[sflag:s9] =	ssyncadd.s32 $0xFFFFD800  }
0x69: {  	v6 =	vld [tilespmem:s19+$0x7780]  }
0x6a: {  	v7 =	vld [tilespmem:s19+$0x7700]  }
0x6b: {  	v53 =	vld [tilespmem:s19+$0x7800]  }
0x6c: {  	v54 =	vld [tilespmem:s19+$0x7880]  }
0x6d: {  	v55 =	vld [tilespmem:s19+$0x7900]  }
0x6e: {  	v11 =	vld [tilespmem:s19+$0x7980]  }
0x6f: {  	v6 =	vmax.f32 v7, v6;
	v7 =	vld [tilespmem:s19+$0x7A00]  }
0x70: {  	v56 =	vld [tilespmem:s19+$0x7A80];
	v6 =	vmax.f32 v6, v53  }
0x71: {  	v57 =	vld [tilespmem:s19+$0x8B00];
	v6 =	vmax.f32 v6, v54  }
0x72: {  	v58 =	vld [tilespmem:s19+$0x8B80];
	v6 =	vmax.f32 v6, v55  }
0x73: {  	v59 =	vld [tilespmem:s19+$0x8C00];
	v6 =	vmax.f32 v6, v11  }
0x74: {  	v6 =	vmax.f32 v6, v7;
	v7 =	vld [tilespmem:s19+$0x8C80]  }
0x75: {  	v60 =	vld [tilespmem:s19+$0x8D00];
	v6 =	vmax.f32 v6, v56  }
0x76: {  	v61 =	vld [tilespmem:s19+$0x8D80];
	v6 =	vmax.f32 v6, v57  }
0x77: {  	v62 =	vld [tilespmem:s19+$0x8E00];
	v6 =	vmax.f32 v6, v58  }
0x78: {  	v63 =	vld [tilespmem:s19+$0x8E80];
	v6 =	vmax.f32 v6, v59  }
0x79: {  	v6 =	vmax.f32 v6, v7  }
0x7a: {  	v6 =	vmax.f32 v6, v60  }
0x7b: {  	v6 =	vmax.f32 v6, v61  }
0x7c: {  	s31 =	simm.s32 $0x10;
	s21 =	simm.s32 $0x80;
	v6 =	vmax.f32 v6, v62  }
0x7d: {  	s22 =	sand.u32 $0x1C00, s21;
	s20 =	sand.u32 $0x70, s31;
	s19 =	simm.s32 $0x9F00;
	v6 =	vmax.f32 v6, v63  }
0x7e: {  	s20 =	sor.u32 s20, s22;
	s22 =	simm.s32 $0x20;
	[tilespmem:s19+$0x0] =	vst v6  }
.LBB2_6:
0x7f: {  	p0 =	sne.s32 s22, $0x270;
	v6 =	vld [tilespmem:s20+$0x7780]  }
0x80: {  	v7 =	vld [tilespmem:s20+$0x7700]  }
0x81: {  	v8 =	vld [tilespmem:s20+$0x7800]  }
0x82: {  	v9 =	vld [tilespmem:s20+$0x7880]  }
0x83: {  	v10 =	vld [tilespmem:s20+$0x7900]  }
0x84: {  	v11 =	vld [tilespmem:s20+$0x7980]  }
0x85: {  	v6 =	vmax.f32 v7, v6;
	v7 =	vld [tilespmem:s20+$0x7A00]  }
0x86: {  	v6 =	vmax.f32 v6, v8;
	v8 =	vld [tilespmem:s20+$0x7A80]  }
0x87: {  	v6 =	vmax.f32 v6, v9;
	v9 =	vld [tilespmem:s20+$0x8B00]  }
0x88: {  	v6 =	vmax.f32 v6, v10;
	v10 =	vld [tilespmem:s20+$0x8B80]  }
0x89: {  	v6 =	vmax.f32 v6, v11;
	v11 =	vld [tilespmem:s20+$0x8C00]  }
0x8a: {  	v6 =	vmax.f32 v6, v7;
	v7 =	vld [tilespmem:s20+$0x8C80]  }
0x8b: {  	v6 =	vmax.f32 v6, v8;
	v8 =	vld [tilespmem:s20+$0x8D00]  }
0x8c: {  	v6 =	vmax.f32 v6, v9;
	v9 =	vld [tilespmem:s20+$0x8D80]  }
0x8d: {  	v6 =	vmax.f32 v6, v10;
	v10 =	vld [tilespmem:s20+$0x8E00]  }
0x8e: {  	v6 =	vmax.f32 v6, v11;
	v11 =	vld [tilespmem:s20+$0x8E80]  }
0x8f: {  	v6 =	vmax.f32 v6, v7  }
.Ltmp2:
0x90: {  	v6 =	vmax.f32 v6, v8;
	(pc) =	sbr.rel @p0 .LBB2_6-.Ltmp2, $4  }
0x91: {  	v6 =	vmax.f32 v6, v9  }
0x92: {  	s21 =	sadd.s32 $0x80, s21;
	v6 =	vmax.f32 v6, v10  }
0x93: {  	s19 =	sadd.s32 $0x10, s19;
	s23 =	sand.u32 $0x1C00, s21;
	s20 =	sand.u32 $0x70, s22;
	v6 =	vmax.f32 v6, v11  }
0x94: {  	s22 =	sadd.s32 $0x10, s22;
	s20 =	sor.u32 s20, s23;
	[tilespmem:s19+$0x0] =	vst v6  }
0x95: {  	v6 =	vld [tilespmem:s20+$0x7780]  }
0x96: {  	v7 =	vld [tilespmem:s20+$0x7700]  }
0x97: {  	v8 =	vld [tilespmem:s20+$0x7800]  }
0x98: {  	v9 =	vld [tilespmem:s20+$0x7880]  }
0x99: {  	v10 =	vld [tilespmem:s20+$0x7900]  }
0x9a: {  	v11 =	vld [tilespmem:s20+$0x7980]  }
0x9b: {  	v6 =	vmax.f32 v7, v6;
	v7 =	vld [tilespmem:s20+$0x7A00]  }
0x9c: {  	v56 =	vld [tilespmem:s20+$0x7A80];
	v6 =	vmax.f32 v6, v8  }
0x9d: {  	v57 =	vld [tilespmem:s20+$0x8B00];
	v6 =	vmax.f32 v6, v9  }
0x9e: {  	v58 =	vld [tilespmem:s20+$0x8B80];
	v6 =	vmax.f32 v6, v10  }
0x9f: {  	v59 =	vld [tilespmem:s20+$0x8C00];
	v6 =	vmax.f32 v6, v11  }
0xa0: {  	v6 =	vmax.f32 v6, v7;
	v7 =	vld [tilespmem:s20+$0x8C80]  }
0xa1: {  	v60 =	vld [tilespmem:s20+$0x8D00];
	v6 =	vmax.f32 v6, v56  }
0xa2: {  	v61 =	vld [tilespmem:s20+$0x8D80];
	v6 =	vmax.f32 v6, v57  }
0xa3: {  	v62 =	vld [tilespmem:s20+$0x8E00];
	v6 =	vmax.f32 v6, v58  }
0xa4: {  	v63 =	vld [tilespmem:s20+$0x8E80];
	v6 =	vmax.f32 v6, v59  }
0xa5: {  	v6 =	vmax.f32 v6, v7  }
0xa6: {  	v6 =	vmax.f32 v6, v60  }
0xa7: {  	v6 =	vmax.f32 v6, v61  }
0xa8: {  	s18 =	sadd.s32 $0x1, s18;
	v6 =	vmax.f32 v6, v62  }
0xa9: {  	s19 =	sadd.s32 $0x10, s19;
	p0 =	sne.s32 s18, s8;
	v6 =	vmax.f32 v6, v63  }
.Ltmp3:
0xaa: {  	[tilespmem:s19+$0x0] =	vst v6;
	(pc) =	sbr.rel @p0 .LBB2_1-.Ltmp3, $4  }
0xab: {  	[hbm4b:s7+s2] =	stream.linear.scatter [tilespmem:s17], [sflag:$0x1], $0x280, $0x38;
	[tilespmem:$0xC980] =	vst v63  }
0xac: {  	_ =	swait.ge [sflag:s9], $0x280  }
0xad: {  	[sflag:s9] =	ssyncset.done $0x0  }
0xae: {  	[sflag:s9] =	ssyncadd.s32 $0xFFFFFD80  }
0xaf: {  	_ =	sfence.sel $0x180000  }
0xb0: {  	[bflag:$0x0] =	sbarrier.arrive $0xFFFF  }
0xb1: {  	p0 =	sne.s32 s0, $0x0;
	_ =	strace $0x90000047  }
0xb2: {  	s0 =	sadd.s32 @!p0 $0x100000, s1;
	[bflag:$0x2] =	sbarrier.arrive $0xFFFF  }
0xb3: {  	[sflag:s0] =	ssyncadd.tile.s32 @!p0 $0x1;
	_ =	shalt  }
.Lfunc_end2:
_tile_overlayer_lowered:
.L_overlay_start_2:
0xb4: {  	(tag) =	ssettag $0x2  }
0xb5: {  	s0 =	rddreg [dreg:$0x0];
	s2 =	stileid.u32  }
0xb6: {  	s1 =	rddreg [dreg:$0x1];
	p0 =	sne.s32 s2, $0x0  }
0xb7: {  	s3 =	rddreg [dreg:$0x2];
	[bflag:$0x3] =	sbarrier.arrive $0xFFFF;
	s2 =	simm.s32 @!p0 $0x1C01  }
0xb8: {  	[timem:s3], [sflag:s2] =	dma.local @!p0 [hbm:s0], s1  }
0xb9: {  	s0 =	simm.s32 @!p0 $0x1  }
0xba: {  	_ =	swait.ge @!p0 [sflag:s0], s1  }
0xbb: {  	s1 =	ssub.s32 @!p0 $0x0, s1;
	[sflag:s0] =	ssyncset.done @!p0 $0x0  }
0xbc: {  	[sflag:s0] =	ssyncadd.s32 @!p0 s1  }
0xbd: {  	[bflag:$0x3] =	sbarrier.arrive $0xFFFF  }
0xbe: {  	_ =	shalt  }

</sc_bundles>
